<compile_context>
chip_gen: v7x
topology: tpu7x:2x2x1
jax: 0.10.2.dev20260603
libtpu: 0.0.44.dev20260713+nightly
codegen_flags: <defaults>
</compile_context>

<pallas_src>
import functools

import jax
import jax.numpy as jnp
from jax import lax
from jax.experimental import pallas as pl
from jax.experimental.pallas import tpu as pltpu
from jax.experimental.pallas import tpu_sc as plsc

N = 10000
NPAD = 10240
E = 320000
NC, NS = 2, 16
NW = NC * NS
EPW = E // NW
K = 80
RPT = NPAD // NS

f32 = jnp.float32
_MESH = functools.partial(
    plsc.VectorSubcoreMesh, core_axis_name="c", subcore_axis_name="s")


NCHUNK = EPW // K



DNBUF = 5
DNGRP = NCHUNK // DNBUF


def _deg_body(ei_hbm, out_hbm, ones_v, zbuf_v, acc_sh, *bufs):
    idx_v = bufs[:DNBUF]
    sem_i = bufs[DNBUF:2 * DNBUF]
    sem_s = bufs[2 * DNBUF:3 * DNBUF]
    c = lax.axis_index("c")
    s = lax.axis_index("s")
    for j in range(K // 16):
        ones_v[pl.ds(j * 16, 16)] = jnp.full((16,), 1.0, f32)
    for j in range(RPT // 16):
        zbuf_v[pl.ds(j * 16, 16)] = jnp.zeros((16,), f32)
    pltpu.sync_copy(zbuf_v, acc_sh.at[pl.ds(s * RPT, RPT)])
    plsc.subcore_barrier()
    base = E + (c * NS + s) * EPW

    for b in range(DNBUF):
        pltpu.async_copy(ei_hbm.at[pl.ds(base + b * K, K)], idx_v[b],
                         sem_i[b])

    def group(g, carry):
        scs = []
        for b in range(DNBUF):
            off = base + (g * DNBUF + b) * K
            pltpu.make_async_copy(ei_hbm.at[pl.ds(off, K)], idx_v[b],
                                  sem_i[b]).wait()
            scs.append(pltpu.async_copy(ones_v, acc_sh.at[idx_v[b]],
                                        sem_s[b], add=True))
        for b in range(DNBUF):
            scs[b].wait()

            @pl.when(g < DNGRP - 1)
            def _():
                off2 = base + ((g + 1) * DNBUF + b) * K
                pltpu.async_copy(ei_hbm.at[pl.ds(off2, K)], idx_v[b],
                                 sem_i[b])
        return carry

    lax.fori_loop(0, DNGRP, group, 0)
    plsc.subcore_barrier()
    pltpu.sync_copy(acc_sh.at[pl.ds(s * RPT, RPT)],
                    out_hbm.at[c].at[pl.ds(s * RPT, RPT)])


def _deg(ei):
    return pl.kernel(
        _deg_body,
        mesh=_MESH(),
        out_type=jax.ShapeDtypeStruct((NC, NPAD), f32),
        scratch_types=(
            [pltpu.VMEM((K,), f32),
             pltpu.VMEM((RPT,), f32),
             pltpu.VMEM_SHARED((NPAD,), f32)]
            + [pltpu.VMEM((K,), jnp.int32) for _ in range(DNBUF)]
            + [pltpu.SemaphoreType.DMA for _ in range(2 * DNBUF)]
        ),
    )(ei)



AK = 40
ANC = EPW // AK
RBUF = 5
IBUF = 2 * RBUF
ANIT = ANC // IBUF


def _make_agg(D, tc_tiling):
    def body(tbl_hbm, ei_hbm, out_hbm, acc_sh, *bufs):
        idx_s = bufs[0 * IBUF:1 * IBUF]
        idx_d = bufs[1 * IBUF:2 * IBUF]
        rows = bufs[2 * IBUF:2 * IBUF + RBUF]
        o = 2 * IBUF + RBUF
        sem_is = bufs[o:o + IBUF]
        sem_id = bufs[o + IBUF:o + 2 * IBUF]
        sem_g = bufs[o + 2 * IBUF:o + 2 * IBUF + RBUF]
        sem_sc = bufs[o + 2 * IBUF + RBUF:o + 2 * IBUF + 2 * RBUF]
        c = lax.axis_index("c")
        s = lax.axis_index("s")
        base = (c * NS + s) * EPW

        def start_idx(i, slot):
            off = base + i * AK
            pltpu.async_copy(ei_hbm.at[pl.ds(off, AK)], idx_s[slot],
                             sem_is[slot])
            pltpu.async_copy(ei_hbm.at[pl.ds(E + off, AK)], idx_d[slot],
                             sem_id[slot])

        def wait_is(i, slot):
            pltpu.make_async_copy(ei_hbm.at[pl.ds(base + i * AK, AK)],
                                  idx_s[slot], sem_is[slot]).wait()

        def wait_id(i, slot):
            pltpu.make_async_copy(ei_hbm.at[pl.ds(E + base + i * AK, AK)],
                                  idx_d[slot], sem_id[slot]).wait()

        def start_gather(slot, r):
            return pltpu.async_copy(tbl_hbm.at[idx_s[slot]], rows[r],
                                    sem_g[r])

        def wait_gather(slot, r):
            pltpu.make_async_copy(tbl_hbm.at[idx_s[slot]], rows[r],
                                  sem_g[r]).wait()

        def start_scatter(slot, r):
            return pltpu.async_copy(rows[r], acc_sh.at[idx_d[slot]],
                                    sem_sc[r], add=True)

        def wait_scatter(slot, r):
            pltpu.make_async_copy(rows[r], acc_sh.at[idx_d[slot]],
                                  sem_sc[r]).wait()

        for j in range(RBUF):
            start_idx(j, j)
        pltpu.sync_copy(tbl_hbm.at[pl.ds(s * RPT, RPT)],
                        acc_sh.at[pl.ds(s * RPT, RPT)])
        plsc.subcore_barrier()

        def iteration(t, carry):
            i0 = t * IBUF
            for j in range(IBUF):
                i = i0 + j
                r = j % RBUF
                jm2, rm2 = (j - 2) % IBUF, (j - 2) % RBUF
                jm5 = (j - RBUF) % IBUF

                def step1():
                    wait_scatter(jm5, r)

                if j >= RBUF:
                    step1()
                else:
                    pl.when(t > 0)(step1)
                wait_is(i, j)
                start_gather(j, r)

                def step3():
                    wait_gather(jm2, rm2)
                    wait_id(i - 2, jm2)
                    start_scatter(jm2, rm2)

                if j >= 2:
                    step3()
                else:
                    pl.when(t > 0)(step3)

                def step4():
                    start_idx(i + RBUF, (j + RBUF) % IBUF)

                if j < RBUF:
                    step4()
                else:
                    pl.when(t < ANIT - 1)(step4)
            return carry

        lax.fori_loop(0, ANIT, iteration, 0)
        last = ANC - 2
        for i in range(last, ANC):
            j, r = i % IBUF, i % RBUF
            wait_gather(j, r)
            wait_id(i, j)
            start_scatter(j, r)
        for i in range(ANC - RBUF, ANC):
            wait_scatter(i % IBUF, i % RBUF)
        plsc.subcore_barrier()
        pltpu.sync_copy(acc_sh.at[pl.ds(s * RPT, RPT)],
                        out_hbm.at[c].at[pl.ds(s * RPT, RPT)])

    def run(tbl, ei):
        return pl.kernel(
            body,
            mesh=_MESH(),
            out_type=jax.ShapeDtypeStruct((NC, NPAD, D), f32),
            scratch_types=(
                [pltpu.VMEM_SHARED((NPAD, D), f32)]
                + [pltpu.VMEM((AK,), jnp.int32) for _ in range(2 * IBUF)]
                + [pltpu.VMEM((AK, D), f32) for _ in range(RBUF)]
                + [pltpu.SemaphoreType.DMA for _ in range(2 * IBUF + 2 * RBUF)]
            ),
            compiler_params=pltpu.CompilerParams(
                use_tc_tiling_on_sc=tc_tiling),
        )(tbl, ei)

    return run


_agg128 = _make_agg(128, True)
_agg64 = _make_agg(64, False)



BRA = 1024
BRC = 1000


def _tc_mm(x, W1):
    def body(x_ref, w_ref, h_ref):
        h_ref[...] = jnp.dot(x_ref[...], w_ref[...],
                             preferred_element_type=f32)

    return pl.pallas_call(
        body,
        grid=(5,),
        in_specs=[pl.BlockSpec((2000, 128), lambda i: (i, 0)),
                  pl.BlockSpec((128, 128), lambda i: (0, 0))],
        out_specs=pl.BlockSpec((2000, 128), lambda i: (i, 0)),
        out_shape=jax.ShapeDtypeStruct((N, 128), f32),
    )(x, W1)


def _row_mask(i, br):
    rows = i * br + lax.broadcasted_iota(jnp.int32, (br, 1), 0)
    return rows < N


def _tc_a(h, degp):
    def body(h_ref, degp_ref, tbl_ref, dis_ref):
        i = pl.program_id(0)
        deg = degp_ref[0:1] + degp_ref[1:2] + 1.0
        dis = lax.rsqrt(deg)
        dis_ref[...] = dis[0]
        disc = jnp.reshape(dis, (BRA, 1))
        tbl_ref[...] = jnp.where(_row_mask(i, BRA),
                                 h_ref[...] * disc, 0.0)

    return pl.pallas_call(
        body,
        grid=(NPAD // BRA,),
        in_specs=[pl.BlockSpec((BRA, 128), lambda i: (i, 0)),
                  pl.BlockSpec((2, BRA), lambda i: (0, i))],
        out_specs=(pl.BlockSpec((BRA, 128), lambda i: (i, 0)),
                   pl.BlockSpec((BRA,), lambda i: (i,))),
        out_shape=(jax.ShapeDtypeStruct((NPAD, 128), f32),
                   jax.ShapeDtypeStruct((NPAD,), f32)),
    )(h, degp)


def _tc_b(s1, tbl1, dis, b1, W2):
    def body(s1_ref, tbl_ref, dis_ref, b1_ref, w2_ref, out_ref):
        i = pl.program_id(0)
        disc = jnp.reshape(dis_ref[...], (BRA, 1))
        agg = s1_ref[0] + s1_ref[1] - tbl_ref[...]
        z = jnp.maximum(agg * disc + b1_ref[...], 0.0)
        z = jnp.where(_row_mask(i, BRA), z, 0.0)
        h2 = jnp.dot(z, w2_ref[...], preferred_element_type=f32)
        out_ref[...] = h2 * disc

    return pl.pallas_call(
        body,
        grid=(NPAD // BRA,),
        in_specs=[pl.BlockSpec((2, BRA, 128), lambda i: (0, i, 0)),
                  pl.BlockSpec((BRA, 128), lambda i: (i, 0)),
                  pl.BlockSpec((BRA,), lambda i: (i,)),
                  pl.BlockSpec((128,), lambda i: (0,)),
                  pl.BlockSpec((128, 64), lambda i: (0, 0))],
        out_specs=pl.BlockSpec((BRA, 64), lambda i: (i, 0)),
        out_shape=jax.ShapeDtypeStruct((NPAD, 64), f32),
    )(s1, tbl1, dis, b1, W2)


def _tc_c(s2, tbl2, dis, b2, Wfc, bfc):
    def body(s2_ref, tbl_ref, dis_ref, b2_ref, wfc_ref, bfc_ref, out_ref):
        i = pl.program_id(0)
        disc = jnp.reshape(dis_ref[...], (BRA, 1))
        agg = s2_ref[0] + s2_ref[1] - tbl_ref[...]
        z = jnp.maximum(agg * disc + b2_ref[...], 0.0)
        z = jnp.where(_row_mask(i, BRA), z, 0.0)
        out_ref[...] = (jnp.dot(z, wfc_ref[...],
                                preferred_element_type=f32) + bfc_ref[...])

    return pl.pallas_call(
        body,
        grid=(NPAD // BRA,),
        in_specs=[pl.BlockSpec((2, BRA, 64), lambda i: (0, i, 0)),
                  pl.BlockSpec((BRA, 64), lambda i: (i, 0)),
                  pl.BlockSpec((BRA,), lambda i: (i,)),
                  pl.BlockSpec((64,), lambda i: (0,)),
                  pl.BlockSpec((64, 112), lambda i: (0, 0)),
                  pl.BlockSpec((112,), lambda i: (0,))],
        out_specs=pl.BlockSpec((BRA, 112), lambda i: (i, 0)),
        out_shape=jax.ShapeDtypeStruct((N, 112), f32),
    )(s2, tbl2, dis, b2, Wfc, bfc)



def kernel(x, edge_index, W1, b1, W2, b2, Wfc, bfc):
    ei = edge_index.astype(jnp.int32).reshape(2 * E)
    degp = _deg(ei)
    h = _tc_mm(x, W1)
    tbl1, dis = _tc_a(h, degp)
    s1 = _agg128(tbl1, ei)
    tbl2 = _tc_b(s1, tbl1, dis, b1, W2)
    s2 = _agg64(tbl2, ei)
    return _tc_c(s2, tbl2, dis, b2, Wfc, bfc)

# --- scband reference (transcript-rebuilt; emitter-appended) ---
"""Pipeline reference for scband-gcnmulti-label-13915694039845 (READ-ONLY COPY).

The authoritative reference and input builder live on the scoring server;
editing this copy changes nothing except your own understanding.
"""

import jax, jax.numpy as jnp
import numpy as np

N_NODES = 10000
N_EDGES = 320000
IN_DIM = 128
HID_DIM = 128
OUT_CONV_DIM = 64
OUT_DIM = 112


def setup_inputs(seed: int = 0) -> dict:
    key = jax.random.key(seed)
    k = jax.random.split(key, 9)
    x = jax.random.normal(k[0], (N_NODES, IN_DIM), dtype=jnp.float32)
    edge_index = jax.random.randint(k[1], (2, N_EDGES), 0, N_NODES, dtype=jnp.int64)
    # GCNConv weights (glorot-ish scaling)
    W1 = jax.random.normal(k[2], (IN_DIM, HID_DIM), dtype=jnp.float32) * (1.0 / np.sqrt(IN_DIM))
    b1 = jnp.zeros((HID_DIM,), dtype=jnp.float32)
    W2 = jax.random.normal(k[3], (HID_DIM, OUT_CONV_DIM), dtype=jnp.float32) * (1.0 / np.sqrt(HID_DIM))
    b2 = jnp.zeros((OUT_CONV_DIM,), dtype=jnp.float32)
    Wfc = jax.random.normal(k[4], (OUT_CONV_DIM, OUT_DIM), dtype=jnp.float32) * (1.0 / np.sqrt(OUT_CONV_DIM))
    bfc = jnp.zeros((OUT_DIM,), dtype=jnp.float32)
    return {"x": x, "edge_index": edge_index, "W1": W1, "b1": b1, "W2": W2, "b2": b2, "Wfc": Wfc, "bfc": bfc}


def gcn_conv(x, edge_index, W, b):
    # PyG GCNConv: add self-loops, symmetric normalization, linear transform,
    # gather-src -> scale -> scatter-add to dst, then bias.
    num_nodes = x.shape[0]
    loop = jnp.arange(num_nodes, dtype=edge_index.dtype)
    src = jnp.concatenate([edge_index[0], loop])
    dst = jnp.concatenate([edge_index[1], loop])
    deg = jnp.zeros((num_nodes,), dtype=x.dtype).at[dst].add(1.0)
    deg_inv_sqrt = jnp.where(deg > 0, 1.0 / jnp.sqrt(deg), 0.0)
    norm = deg_inv_sqrt[src] * deg_inv_sqrt[dst]
    h = x @ W
    msg = h[src] * norm[:, None]
    out = jnp.zeros((num_nodes, W.shape[1]), dtype=x.dtype).at[dst].add(msg)
    return out + b


def reference(x, edge_index, W1, b1, W2, b2, Wfc, bfc):
    # layer 1 (dropout is identity in eval mode)
    h = jax.nn.relu(gcn_conv(x, edge_index, W1, b1))
    # layer 2 (last conv also gets relu per the original forward)
    h = jax.nn.relu(gcn_conv(h, edge_index, W2, b2))
    # final linear classifier head
    return h @ Wfc + bfc

if __name__ == "__main__":
    import jax
    _d = setup_inputs()
    print(jax.jit(kernel)(*tuple(_d.values())))

</pallas_src>

<mosaic_0001>
#map = affine_map<(d0, d1) -> (0)>
#map1 = affine_map<(d0, d1) -> (0, 0)>
module attributes {stable_mosaic.version = 14 : i64} {
  func.func @_deg_body(%arg0: i32, %arg1: i32, %arg2: memref<640000xi32, #tpu.memory_space<hbm>>, %arg3: memref<2x10240xf32, #tpu.memory_space<hbm>>, %arg4: memref<80xf32, #tpu.memory_space<vmem>>, %arg5: memref<640xf32, #tpu.memory_space<vmem>>, %arg6: memref<10240xf32, #tpu.memory_space<vmem_shared>>, %arg7: memref<80xi32, #tpu.memory_space<vmem>>, %arg8: memref<80xi32, #tpu.memory_space<vmem>>, %arg9: memref<80xi32, #tpu.memory_space<vmem>>, %arg10: memref<80xi32, #tpu.memory_space<vmem>>, %arg11: memref<80xi32, #tpu.memory_space<vmem>>, %arg12: memref<!tpu.dma_semaphore, #tpu.memory_space<semaphore_mem>>, %arg13: memref<!tpu.dma_semaphore, #tpu.memory_space<semaphore_mem>>, %arg14: memref<!tpu.dma_semaphore, #tpu.memory_space<semaphore_mem>>, %arg15: memref<!tpu.dma_semaphore, #tpu.memory_space<semaphore_mem>>, %arg16: memref<!tpu.dma_semaphore, #tpu.memory_space<semaphore_mem>>, %arg17: memref<!tpu.dma_semaphore, #tpu.memory_space<semaphore_mem>>, %arg18: memref<!tpu.dma_semaphore, #tpu.memory_space<semaphore_mem>>, %arg19: memref<!tpu.dma_semaphore, #tpu.memory_space<semaphore_mem>>, %arg20: memref<!tpu.dma_semaphore, #tpu.memory_space<semaphore_mem>>, %arg21: memref<!tpu.dma_semaphore, #tpu.memory_space<semaphore_mem>>) attributes {dimension_semantics = [#tpu.dimension_semantics<core_parallel>, #tpu.dimension_semantics<subcore_parallel>], iteration_bounds = array<i64: 2, 16>, scalar_prefetch = 0 : i64, scratch_operands = 18 : i64, tpu.core_type = #tpu.core_type<sc_vector_subcore>, window_params = [{transform_indices = #map}, {transform_indices = #map1}]} {
    %broadcast_in_dim3A = arith.constant 1.000000e+00 : f32
    %broadcast_in_dim3A_0 = vector.broadcast %broadcast_in_dim3A : f32 to vector<16xf32>
    %swap3A = arith.constant 0 : index
    %swap3A_1 = tpu.vector_load %arg4[%swap3A] {strides = array<i32>} : memref<80xf32, #tpu.memory_space<vmem>>, vector<16xf32>,
    %swap3A_2 = vector.shape_cast %swap3A_1 : vector<16xf32> to vector<16xf32>
    %swap3A_3 = vector.shape_cast %broadcast_in_dim3A_0 : vector<16xf32> to vector<16xf32>
    tpu.vector_store %arg4[%swap3A], %swap3A_3 {strides = array<i32>} : memref<80xf32, #tpu.memory_space<vmem>>, vector<16xf32>,
    %broadcast_in_dim3A_4 = arith.constant 1.000000e+00 : f32
    %broadcast_in_dim3A_5 = vector.broadcast %broadcast_in_dim3A_4 : f32 to vector<16xf32>
    %swap3A_6 = arith.constant 16 : index
    %swap3A_7 = tpu.vector_load %arg4[%swap3A_6] {strides = array<i32>} : memref<80xf32, #tpu.memory_space<vmem>>, vector<16xf32>,
    %swap3A_8 = vector.shape_cast %swap3A_7 : vector<16xf32> to vector<16xf32>
    %swap3A_9 = vector.shape_cast %broadcast_in_dim3A_5 : vector<16xf32> to vector<16xf32>
    tpu.vector_store %arg4[%swap3A_6], %swap3A_9 {strides = array<i32>} : memref<80xf32, #tpu.memory_space<vmem>>, vector<16xf32>,
    %broadcast_in_dim3A_10 = arith.constant 1.000000e+00 : f32
    %broadcast_in_dim3A_11 = vector.broadcast %broadcast_in_dim3A_10 : f32 to vector<16xf32>
    %swap3A_12 = arith.constant 32 : index
    %swap3A_13 = tpu.vector_load %arg4[%swap3A_12] {strides = array<i32>} : memref<80xf32, #tpu.memory_space<vmem>>, vector<16xf32>,
    %swap3A_14 = vector.shape_cast %swap3A_13 : vector<16xf32> to vector<16xf32>
    %swap3A_15 = vector.shape_cast %broadcast_in_dim3A_11 : vector<16xf32> to vector<16xf32>
    tpu.vector_store %arg4[%swap3A_12], %swap3A_15 {strides = array<i32>} : memref<80xf32, #tpu.memory_space<vmem>>, vector<16xf32>,
    %broadcast_in_dim3A_16 = arith.constant 1.000000e+00 : f32
    %broadcast_in_dim3A_17 = vector.broadcast %broadcast_in_dim3A_16 : f32 to vector<16xf32>
    %swap3A_18 = arith.constant 48 : index
    %swap3A_19 = tpu.vector_load %arg4[%swap3A_18] {strides = array<i32>} : memref<80xf32, #tpu.memory_space<vmem>>, vector<16xf32>,
    %swap3A_20 = vector.shape_cast %swap3A_19 : vector<16xf32> to vector<16xf32>
    %swap3A_21 = vector.shape_cast %broadcast_in_dim3A_17 : vector<16xf32> to vector<16xf32>
    tpu.vector_store %arg4[%swap3A_18], %swap3A_21 {strides = array<i32>} : memref<80xf32, #tpu.memory_space<vmem>>, vector<16xf32>,
    %broadcast_in_dim3A_22 = arith.constant 1.000000e+00 : f32
    %broadcast_in_dim3A_23 = vector.broadcast %broadcast_in_dim3A_22 : f32 to vector<16xf32>
    %swap3A_24 = arith.constant 64 : index
    %swap3A_25 = tpu.vector_load %arg4[%swap3A_24] {strides = array<i32>} : memref<80xf32, #tpu.memory_space<vmem>>, vector<16xf32>,
    %swap3A_26 = vector.shape_cast %swap3A_25 : vector<16xf32> to vector<16xf32>
    %swap3A_27 = vector.shape_cast %broadcast_in_dim3A_23 : vector<16xf32> to vector<16xf32>
    tpu.vector_store %arg4[%swap3A_24], %swap3A_27 {strides = array<i32>} : memref<80xf32, #tpu.memory_space<vmem>>, vector<16xf32>,
    %broadcast_in_dim3A_28 = arith.constant 0.000000e+00 : f32
    %broadcast_in_dim3A_29 = vector.broadcast %broadcast_in_dim3A_28 : f32 to vector<16xf32>
    %swap3A_30 = arith.constant 0 : index
    %swap3A_31 = tpu.vector_load %arg5[%swap3A_30] {strides = array<i32>} : memref<640xf32, #tpu.memory_space<vmem>>, vector<16xf32>,
    %swap3A_32 = vector.shape_cast %swap3A_31 : vector<16xf32> to vector<16xf32>
    %swap3A_33 = vector.shape_cast %broadcast_in_dim3A_29 : vector<16xf32> to vector<16xf32>
    tpu.vector_store %arg5[%swap3A_30], %swap3A_33 {strides = array<i32>} : memref<640xf32, #tpu.memory_space<vmem>>, vector<16xf32>,
    %broadcast_in_dim3A_34 = arith.constant 0.000000e+00 : f32
    %broadcast_in_dim3A_35 = vector.broadcast %broadcast_in_dim3A_34 : f32 to vector<16xf32>
    %swap3A_36 = arith.constant 16 : index
    %swap3A_37 = tpu.vector_load %arg5[%swap3A_36] {strides = array<i32>} : memref<640xf32, #tpu.memory_space<vmem>>, vector<16xf32>,
    %swap3A_38 = vector.shape_cast %swap3A_37 : vector<16xf32> to vector<16xf32>
    %swap3A_39 = vector.shape_cast %broadcast_in_dim3A_35 : vector<16xf32> to vector<16xf32>
    tpu.vector_store %arg5[%swap3A_36], %swap3A_39 {strides = array<i32>} : memref<640xf32, #tpu.memory_space<vmem>>, vector<16xf32>,
    %broadcast_in_dim3A_40 = arith.constant 0.000000e+00 : f32
    %broadcast_in_dim3A_41 = vector.broadcast %broadcast_in_dim3A_40 : f32 to vector<16xf32>
    %swap3A_42 = arith.constant 32 : index
    %swap3A_43 = tpu.vector_load %arg5[%swap3A_42] {strides = array<i32>} : memref<640xf32, #tpu.memory_space<vmem>>, vector<16xf32>,
    %swap3A_44 = vector.shape_cast %swap3A_43 : vector<16xf32> to vector<16xf32>
    %swap3A_45 = vector.shape_cast %broadcast_in_dim3A_41 : vector<16xf32> to vector<16xf32>
    tpu.vector_store %arg5[%swap3A_42], %swap3A_45 {strides = array<i32>} : memref<640xf32, #tpu.memory_space<vmem>>, vector<16xf32>,
    %broadcast_in_dim3A_46 = arith.constant 0.000000e+00 : f32
    %broadcast_in_dim3A_47 = vector.broadcast %broadcast_in_dim3A_46 : f32 to vector<16xf32>
    %swap3A_48 = arith.constant 48 : index
    %swap3A_49 = tpu.vector_load %arg5[%swap3A_48] {strides = array<i32>} : memref<640xf32, #tpu.memory_space<vmem>>, vector<16xf32>,
    %swap3A_50 = vector.shape_cast %swap3A_49 : vector<16xf32> to vector<16xf32>
    %swap3A_51 = vector.shape_cast %broadcast_in_dim3A_47 : vector<16xf32> to vector<16xf32>
    tpu.vector_store %arg5[%swap3A_48], %swap3A_51 {strides = array<i32>} : memref<640xf32, #tpu.memory_space<vmem>>, vector<16xf32>,
    %broadcast_in_dim3A_52 = arith.constant 0.000000e+00 : f32
    %broadcast_in_dim3A_53 = vector.broadcast %broadcast_in_dim3A_52 : f32 to vector<16xf32>
    %swap3A_54 = arith.constant 64 : index
    %swap3A_55 = tpu.vector_load %arg5[%swap3A_54] {strides = array<i32>} : memref<640xf32, #tpu.memory_space<vmem>>, vector<16xf32>,
    %swap3A_56 = vector.shape_cast %swap3A_55 : vector<16xf32> to vector<16xf32>
    %swap3A_57 = vector.shape_cast %broadcast_in_dim3A_53 : vector<16xf32> to vector<16xf32>
    tpu.vector_store %arg5[%swap3A_54], %swap3A_57 {strides = array<i32>} : memref<640xf32, #tpu.memory_space<vmem>>, vector<16xf32>,
    %broadcast_in_dim3A_58 = arith.constant 0.000000e+00 : f32
    %broadcast_in_dim3A_59 = vector.broadcast %broadcast_in_dim3A_58 : f32 to vector<16xf32>
    %swap3A_60 = arith.constant 80 : index
    %swap3A_61 = tpu.vector_load %arg5[%swap3A_60] {strides = array<i32>} : memref<640xf32, #tpu.memory_space<vmem>>, vector<16xf32>,
    %swap3A_62 = vector.shape_cast %swap3A_61 : vector<16xf32> to vector<16xf32>
    %swap3A_63 = vector.shape_cast %broadcast_in_dim3A_59 : vector<16xf32> to vector<16xf32>
    tpu.vector_store %arg5[%swap3A_60], %swap3A_63 {strides = array<i32>} : memref<640xf32, #tpu.memory_space<vmem>>, vector<16xf32>,
    %broadcast_in_dim3A_64 = arith.constant 0.000000e+00 : f32
    %broadcast_in_dim3A_65 = vector.broadcast %broadcast_in_dim3A_64 : f32 to vector<16xf32>
    %swap3A_66 = arith.constant 96 : index
    %swap3A_67 = tpu.vector_load %arg5[%swap3A_66] {strides = array<i32>} : memref<640xf32, #tpu.memory_space<vmem>>, vector<16xf32>,
    %swap3A_68 = vector.shape_cast %swap3A_67 : vector<16xf32> to vector<16xf32>
    %swap3A_69 = vector.shape_cast %broadcast_in_dim3A_65 : vector<16xf32> to vector<16xf32>
    tpu.vector_store %arg5[%swap3A_66], %swap3A_69 {strides = array<i32>} : memref<640xf32, #tpu.memory_space<vmem>>, vector<16xf32>,
    %broadcast_in_dim3A_70 = arith.constant 0.000000e+00 : f32
    %broadcast_in_dim3A_71 = vector.broadcast %broadcast_in_dim3A_70 : f32 to vector<16xf32>
    %swap3A_72 = arith.constant 112 : index
    %swap3A_73 = tpu.vector_load %arg5[%swap3A_72] {strides = array<i32>} : memref<640xf32, #tpu.memory_space<vmem>>, vector<16xf32>,
    %swap3A_74 = vector.shape_cast %swap3A_73 : vector<16xf32> to vector<16xf32>
    %swap3A_75 = vector.shape_cast %broadcast_in_dim3A_71 : vector<16xf32> to vector<16xf32>
    tpu.vector_store %arg5[%swap3A_72], %swap3A_75 {strides = array<i32>} : memref<640xf32, #tpu.memory_space<vmem>>, vector<16xf32>,
    %broadcast_in_dim3A_76 = arith.constant 0.000000e+00 : f32
    %broadcast_in_dim3A_77 = vector.broadcast %broadcast_in_dim3A_76 : f32 to vector<16xf32>
    %swap3A_78 = arith.constant 128 : index
    %swap3A_79 = tpu.vector_load %arg5[%swap3A_78] {strides = array<i32>} : memref<640xf32, #tpu.memory_space<vmem>>, vector<16xf32>,
    %swap3A_80 = vector.shape_cast %swap3A_79 : vector<16xf32> to vector<16xf32>
    %swap3A_81 = vector.shape_cast %broadcast_in_dim3A_77 : vector<16xf32> to vector<16xf32>
    tpu.vector_store %arg5[%swap3A_78], %swap3A_81 {strides = array<i32>} : memref<640xf32, #tpu.memory_space<vmem>>, vector<16xf32>,
    %broadcast_in_dim3A_82 = arith.constant 0.000000e+00 : f32
    %broadcast_in_dim3A_83 = vector.broadcast %broadcast_in_dim3A_82 : f32 to vector<16xf32>
    %swap3A_84 = arith.constant 144 : index
    %swap3A_85 = tpu.vector_load %arg5[%swap3A_84] {strides = array<i32>} : memref<640xf32, #tpu.memory_space<vmem>>, vector<16xf32>,
    %swap3A_86 = vector.shape_cast %swap3A_85 : vector<16xf32> to vector<16xf32>
    %swap3A_87 = vector.shape_cast %broadcast_in_dim3A_83 : vector<16xf32> to vector<16xf32>
    tpu.vector_store %arg5[%swap3A_84], %swap3A_87 {strides = array<i32>} : memref<640xf32, #tpu.memory_space<vmem>>, vector<16xf32>,
    %broadcast_in_dim3A_88 = arith.constant 0.000000e+00 : f32
    %broadcast_in_dim3A_89 = vector.broadcast %broadcast_in_dim3A_88 : f32 to vector<16xf32>
    %swap3A_90 = arith.constant 160 : index
    %swap3A_91 = tpu.vector_load %arg5[%swap3A_90] {strides = array<i32>} : memref<640xf32, #tpu.memory_space<vmem>>, vector<16xf32>,
    %swap3A_92 = vector.shape_cast %swap3A_91 : vector<16xf32> to vector<16xf32>
    %swap3A_93 = vector.shape_cast %broadcast_in_dim3A_89 : vector<16xf32> to vector<16xf32>
    tpu.vector_store %arg5[%swap3A_90], %swap3A_93 {strides = array<i32>} : memref<640xf32, #tpu.memory_space<vmem>>, vector<16xf32>,
    %broadcast_in_dim3A_94 = arith.constant 0.000000e+00 : f32
    %broadcast_in_dim3A_95 = vector.broadcast %broadcast_in_dim3A_94 : f32 to vector<16xf32>
    %swap3A_96 = arith.constant 176 : index
    %swap3A_97 = tpu.vector_load %arg5[%swap3A_96] {strides = array<i32>} : memref<640xf32, #tpu.memory_space<vmem>>, vector<16xf32>,
    %swap3A_98 = vector.shape_cast %swap3A_97 : vector<16xf32> to vector<16xf32>
    %swap3A_99 = vector.shape_cast %broadcast_in_dim3A_95 : vector<16xf32> to vector<16xf32>
    tpu.vector_store %arg5[%swap3A_96], %swap3A_99 {strides = array<i32>} : memref<640xf32, #tpu.memory_space<vmem>>, vector<16xf32>,
    %broadcast_in_dim3A_100 = arith.constant 0.000000e+00 : f32
    %broadcast_in_dim3A_101 = vector.broadcast %broadcast_in_dim3A_100 : f32 to vector<16xf32>
    %swap3A_102 = arith.constant 192 : index
    %swap3A_103 = tpu.vector_load %arg5[%swap3A_102] {strides = array<i32>} : memref<640xf32, #tpu.memory_space<vmem>>, vector<16xf32>,
    %swap3A_104 = vector.shape_cast %swap3A_103 : vector<16xf32> to vector<16xf32>
    %swap3A_105 = vector.shape_cast %broadcast_in_dim3A_101 : vector<16xf32> to vector<16xf32>
    tpu.vector_store %arg5[%swap3A_102], %swap3A_105 {strides = array<i32>} : memref<640xf32, #tpu.memory_space<vmem>>, vector<16xf32>,
    %broadcast_in_dim3A_106 = arith.constant 0.000000e+00 : f32
    %broadcast_in_dim3A_107 = vector.broadcast %broadcast_in_dim3A_106 : f32 to vector<16xf32>
    %swap3A_108 = arith.constant 208 : index
    %swap3A_109 = tpu.vector_load %arg5[%swap3A_108] {strides = array<i32>} : memref<640xf32, #tpu.memory_space<vmem>>, vector<16xf32>,
    %swap3A_110 = vector.shape_cast %swap3A_109 : vector<16xf32> to vector<16xf32>
    %swap3A_111 = vector.shape_cast %broadcast_in_dim3A_107 : vector<16xf32> to vector<16xf32>
    tpu.vector_store %arg5[%swap3A_108], %swap3A_111 {strides = array<i32>} : memref<640xf32, #tpu.memory_space<vmem>>, vector<16xf32>,
    %broadcast_in_dim3A_112 = arith.constant 0.000000e+00 : f32
    %broadcast_in_dim3A_113 = vector.broadcast %broadcast_in_dim3A_112 : f32 to vector<16xf32>
    %swap3A_114 = arith.constant 224 : index
    %swap3A_115 = tpu.vector_load %arg5[%swap3A_114] {strides = array<i32>} : memref<640xf32, #tpu.memory_space<vmem>>, vector<16xf32>,
    %swap3A_116 = vector.shape_cast %swap3A_115 : vector<16xf32> to vector<16xf32>
    %swap3A_117 = vector.shape_cast %broadcast_in_dim3A_113 : vector<16xf32> to vector<16xf32>
    tpu.vector_store %arg5[%swap3A_114], %swap3A_117 {strides = array<i32>} : memref<640xf32, #tpu.memory_space<vmem>>, vector<16xf32>,
    %broadcast_in_dim3A_118 = arith.constant 0.000000e+00 : f32
    %broadcast_in_dim3A_119 = vector.broadcast %broadcast_in_dim3A_118 : f32 to vector<16xf32>
    %swap3A_120 = arith.constant 240 : index
    %swap3A_121 = tpu.vector_load %arg5[%swap3A_120] {strides = array<i32>} : memref<640xf32, #tpu.memory_space<vmem>>, vector<16xf32>,
    %swap3A_122 = vector.shape_cast %swap3A_121 : vector<16xf32> to vector<16xf32>
    %swap3A_123 = vector.shape_cast %broadcast_in_dim3A_119 : vector<16xf32> to vector<16xf32>
    tpu.vector_store %arg5[%swap3A_120], %swap3A_123 {strides = array<i32>} : memref<640xf32, #tpu.memory_space<vmem>>, vector<16xf32>,
    %broadcast_in_dim3A_124 = arith.constant 0.000000e+00 : f32
    %broadcast_in_dim3A_125 = vector.broadcast %broadcast_in_dim3A_124 : f32 to vector<16xf32>
    %swap3A_126 = arith.constant 256 : index
    %swap3A_127 = tpu.vector_load %arg5[%swap3A_126] {strides = array<i32>} : memref<640xf32, #tpu.memory_space<vmem>>, vector<16xf32>,
    %swap3A_128 = vector.shape_cast %swap3A_127 : vector<16xf32> to vector<16xf32>
    %swap3A_129 = vector.shape_cast %broadcast_in_dim3A_125 : vector<16xf32> to vector<16xf32>
    tpu.vector_store %arg5[%swap3A_126], %swap3A_129 {strides = array<i32>} : memref<640xf32, #tpu.memory_space<vmem>>, vector<16xf32>,
    %broadcast_in_dim3A_130 = arith.constant 0.000000e+00 : f32
    %broadcast_in_dim3A_131 = vector.broadcast %broadcast_in_dim3A_130 : f32 to vector<16xf32>
    %swap3A_132 = arith.constant 272 : index
    %swap3A_133 = tpu.vector_load %arg5[%swap3A_132] {strides = array<i32>} : memref<640xf32, #tpu.memory_space<vmem>>, vector<16xf32>,
    %swap3A_134 = vector.shape_cast %swap3A_133 : vector<16xf32> to vector<16xf32>
    %swap3A_135 = vector.shape_cast %broadcast_in_dim3A_131 : vector<16xf32> to vector<16xf32>
    tpu.vector_store %arg5[%swap3A_132], %swap3A_135 {strides = array<i32>} : memref<640xf32, #tpu.memory_space<vmem>>, vector<16xf32>,
    %broadcast_in_dim3A_136 = arith.constant 0.000000e+00 : f32
    %broadcast_in_dim3A_137 = vector.broadcast %broadcast_in_dim3A_136 : f32 to vector<16xf32>
    %swap3A_138 = arith.constant 288 : index
    %swap3A_139 = tpu.vector_load %arg5[%swap3A_138] {strides = array<i32>} : memref<640xf32, #tpu.memory_space<vmem>>, vector<16xf32>,
    %swap3A_140 = vector.shape_cast %swap3A_139 : vector<16xf32> to vector<16xf32>
    %swap3A_141 = vector.shape_cast %broadcast_in_dim3A_137 : vector<16xf32> to vector<16xf32>
    tpu.vector_store %arg5[%swap3A_138], %swap3A_141 {strides = array<i32>} : memref<640xf32, #tpu.memory_space<vmem>>, vector<16xf32>,
    %broadcast_in_dim3A_142 = arith.constant 0.000000e+00 : f32
    %broadcast_in_dim3A_143 = vector.broadcast %broadcast_in_dim3A_142 : f32 to vector<16xf32>
    %swap3A_144 = arith.constant 304 : index
    %swap3A_145 = tpu.vector_load %arg5[%swap3A_144] {strides = array<i32>} : memref<640xf32, #tpu.memory_space<vmem>>, vector<16xf32>,
    %swap3A_146 = vector.shape_cast %swap3A_145 : vector<16xf32> to vector<16xf32>
    %swap3A_147 = vector.shape_cast %broadcast_in_dim3A_143 : vector<16xf32> to vector<16xf32>
    tpu.vector_store %arg5[%swap3A_144], %swap3A_147 {strides = array<i32>} : memref<640xf32, #tpu.memory_space<vmem>>, vector<16xf32>,
    %broadcast_in_dim3A_148 = arith.constant 0.000000e+00 : f32
    %broadcast_in_dim3A_149 = vector.broadcast %broadcast_in_dim3A_148 : f32 to vector<16xf32>
    %swap3A_150 = arith.constant 320 : index
    %swap3A_151 = tpu.vector_load %arg5[%swap3A_150] {strides = array<i32>} : memref<640xf32, #tpu.memory_space<vmem>>, vector<16xf32>,
    %swap3A_152 = vector.shape_cast %swap3A_151 : vector<16xf32> to vector<16xf32>
    %swap3A_153 = vector.shape_cast %broadcast_in_dim3A_149 : vector<16xf32> to vector<16xf32>
    tpu.vector_store %arg5[%swap3A_150], %swap3A_153 {strides = array<i32>} : memref<640xf32, #tpu.memory_space<vmem>>, vector<16xf32>,
    %broadcast_in_dim3A_154 = arith.constant 0.000000e+00 : f32
    %broadcast_in_dim3A_155 = vector.broadcast %broadcast_in_dim3A_154 : f32 to vector<16xf32>
    %swap3A_156 = arith.constant 336 : index
    %swap3A_157 = tpu.vector_load %arg5[%swap3A_156] {strides = array<i32>} : memref<640xf32, #tpu.memory_space<vmem>>, vector<16xf32>,
    %swap3A_158 = vector.shape_cast %swap3A_157 : vector<16xf32> to vector<16xf32>
    %swap3A_159 = vector.shape_cast %broadcast_in_dim3A_155 : vector<16xf32> to vector<16xf32>
    tpu.vector_store %arg5[%swap3A_156], %swap3A_159 {strides = array<i32>} : memref<640xf32, #tpu.memory_space<vmem>>, vector<16xf32>,
    %broadcast_in_dim3A_160 = arith.constant 0.000000e+00 : f32
    %broadcast_in_dim3A_161 = vector.broadcast %broadcast_in_dim3A_160 : f32 to vector<16xf32>
    %swap3A_162 = arith.constant 352 : index
    %swap3A_163 = tpu.vector_load %arg5[%swap3A_162] {strides = array<i32>} : memref<640xf32, #tpu.memory_space<vmem>>, vector<16xf32>,
    %swap3A_164 = vector.shape_cast %swap3A_163 : vector<16xf32> to vector<16xf32>
    %swap3A_165 = vector.shape_cast %broadcast_in_dim3A_161 : vector<16xf32> to vector<16xf32>
    tpu.vector_store %arg5[%swap3A_162], %swap3A_165 {strides = array<i32>} : memref<640xf32, #tpu.memory_space<vmem>>, vector<16xf32>,
    %broadcast_in_dim3A_166 = arith.constant 0.000000e+00 : f32
    %broadcast_in_dim3A_167 = vector.broadcast %broadcast_in_dim3A_166 : f32 to vector<16xf32>
    %swap3A_168 = arith.constant 368 : index
    %swap3A_169 = tpu.vector_load %arg5[%swap3A_168] {strides = array<i32>} : memref<640xf32, #tpu.memory_space<vmem>>, vector<16xf32>,
    %swap3A_170 = vector.shape_cast %swap3A_169 : vector<16xf32> to vector<16xf32>
    %swap3A_171 = vector.shape_cast %broadcast_in_dim3A_167 : vector<16xf32> to vector<16xf32>
    tpu.vector_store %arg5[%swap3A_168], %swap3A_171 {strides = array<i32>} : memref<640xf32, #tpu.memory_space<vmem>>, vector<16xf32>,
    %broadcast_in_dim3A_172 = arith.constant 0.000000e+00 : f32
    %broadcast_in_dim3A_173 = vector.broadcast %broadcast_in_dim3A_172 : f32 to vector<16xf32>
    %swap3A_174 = arith.constant 384 : index
    %swap3A_175 = tpu.vector_load %arg5[%swap3A_174] {strides = array<i32>} : memref<640xf32, #tpu.memory_space<vmem>>, vector<16xf32>,
    %swap3A_176 = vector.shape_cast %swap3A_175 : vector<16xf32> to vector<16xf32>
    %swap3A_177 = vector.shape_cast %broadcast_in_dim3A_173 : vector<16xf32> to vector<16xf32>
    tpu.vector_store %arg5[%swap3A_174], %swap3A_177 {strides = array<i32>} : memref<640xf32, #tpu.memory_space<vmem>>, vector<16xf32>,
    %broadcast_in_dim3A_178 = arith.constant 0.000000e+00 : f32
    %broadcast_in_dim3A_179 = vector.broadcast %broadcast_in_dim3A_178 : f32 to vector<16xf32>
    %swap3A_180 = arith.constant 400 : index
    %swap3A_181 = tpu.vector_load %arg5[%swap3A_180] {strides = array<i32>} : memref<640xf32, #tpu.memory_space<vmem>>, vector<16xf32>,
    %swap3A_182 = vector.shape_cast %swap3A_181 : vector<16xf32> to vector<16xf32>
    %swap3A_183 = vector.shape_cast %broadcast_in_dim3A_179 : vector<16xf32> to vector<16xf32>
    tpu.vector_store %arg5[%swap3A_180], %swap3A_183 {strides = array<i32>} : memref<640xf32, #tpu.memory_space<vmem>>, vector<16xf32>,
    %broadcast_in_dim3A_184 = arith.constant 0.000000e+00 : f32
    %broadcast_in_dim3A_185 = vector.broadcast %broadcast_in_dim3A_184 : f32 to vector<16xf32>
    %swap3A_186 = arith.constant 416 : index
    %swap3A_187 = tpu.vector_load %arg5[%swap3A_186] {strides = array<i32>} : memref<640xf32, #tpu.memory_space<vmem>>, vector<16xf32>,
    %swap3A_188 = vector.shape_cast %swap3A_187 : vector<16xf32> to vector<16xf32>
    %swap3A_189 = vector.shape_cast %broadcast_in_dim3A_185 : vector<16xf32> to vector<16xf32>
    tpu.vector_store %arg5[%swap3A_186], %swap3A_189 {strides = array<i32>} : memref<640xf32, #tpu.memory_space<vmem>>, vector<16xf32>,
    %broadcast_in_dim3A_190 = arith.constant 0.000000e+00 : f32
    %broadcast_in_dim3A_191 = vector.broadcast %broadcast_in_dim3A_190 : f32 to vector<16xf32>
    %swap3A_192 = arith.constant 432 : index
    %swap3A_193 = tpu.vector_load %arg5[%swap3A_192] {strides = array<i32>} : memref<640xf32, #tpu.memory_space<vmem>>, vector<16xf32>,
    %swap3A_194 = vector.shape_cast %swap3A_193 : vector<16xf32> to vector<16xf32>
    %swap3A_195 = vector.shape_cast %broadcast_in_dim3A_191 : vector<16xf32> to vector<16xf32>
    tpu.vector_store %arg5[%swap3A_192], %swap3A_195 {strides = array<i32>} : memref<640xf32, #tpu.memory_space<vmem>>, vector<16xf32>,
    %broadcast_in_dim3A_196 = arith.constant 0.000000e+00 : f32
    %broadcast_in_dim3A_197 = vector.broadcast %broadcast_in_dim3A_196 : f32 to vector<16xf32>
    %swap3A_198 = arith.constant 448 : index
    %swap3A_199 = tpu.vector_load %arg5[%swap3A_198] {strides = array<i32>} : memref<640xf32, #tpu.memory_space<vmem>>, vector<16xf32>,
    %swap3A_200 = vector.shape_cast %swap3A_199 : vector<16xf32> to vector<16xf32>
    %swap3A_201 = vector.shape_cast %broadcast_in_dim3A_197 : vector<16xf32> to vector<16xf32>
    tpu.vector_store %arg5[%swap3A_198], %swap3A_201 {strides = array<i32>} : memref<640xf32, #tpu.memory_space<vmem>>, vector<16xf32>,
    %broadcast_in_dim3A_202 = arith.constant 0.000000e+00 : f32
    %broadcast_in_dim3A_203 = vector.broadcast %broadcast_in_dim3A_202 : f32 to vector<16xf32>
    %swap3A_204 = arith.constant 464 : index
    %swap3A_205 = tpu.vector_load %arg5[%swap3A_204] {strides = array<i32>} : memref<640xf32, #tpu.memory_space<vmem>>, vector<16xf32>,
    %swap3A_206 = vector.shape_cast %swap3A_205 : vector<16xf32> to vector<16xf32>
    %swap3A_207 = vector.shape_cast %broadcast_in_dim3A_203 : vector<16xf32> to vector<16xf32>
    tpu.vector_store %arg5[%swap3A_204], %swap3A_207 {strides = array<i32>} : memref<640xf32, #tpu.memory_space<vmem>>, vector<16xf32>,
    %broadcast_in_dim3A_208 = arith.constant 0.000000e+00 : f32
    %broadcast_in_dim3A_209 = vector.broadcast %broadcast_in_dim3A_208 : f32 to vector<16xf32>
    %swap3A_210 = arith.constant 480 : index
    %swap3A_211 = tpu.vector_load %arg5[%swap3A_210] {strides = array<i32>} : memref<640xf32, #tpu.memory_space<vmem>>, vector<16xf32>,
    %swap3A_212 = vector.shape_cast %swap3A_211 : vector<16xf32> to vector<16xf32>
    %swap3A_213 = vector.shape_cast %broadcast_in_dim3A_209 : vector<16xf32> to vector<16xf32>
    tpu.vector_store %arg5[%swap3A_210], %swap3A_213 {strides = array<i32>} : memref<640xf32, #tpu.memory_space<vmem>>, vector<16xf32>,
    %broadcast_in_dim3A_214 = arith.constant 0.000000e+00 : f32
    %broadcast_in_dim3A_215 = vector.broadcast %broadcast_in_dim3A_214 : f32 to vector<16xf32>
    %swap3A_216 = arith.constant 496 : index
    %swap3A_217 = tpu.vector_load %arg5[%swap3A_216] {strides = array<i32>} : memref<640xf32, #tpu.memory_space<vmem>>, vector<16xf32>,
    %swap3A_218 = vector.shape_cast %swap3A_217 : vector<16xf32> to vector<16xf32>
    %swap3A_219 = vector.shape_cast %broadcast_in_dim3A_215 : vector<16xf32> to vector<16xf32>
    tpu.vector_store %arg5[%swap3A_216], %swap3A_219 {strides = array<i32>} : memref<640xf32, #tpu.memory_space<vmem>>, vector<16xf32>,
    %broadcast_in_dim3A_220 = arith.constant 0.000000e+00 : f32
    %broadcast_in_dim3A_221 = vector.broadcast %broadcast_in_dim3A_220 : f32 to vector<16xf32>
    %swap3A_222 = arith.constant 512 : index
    %swap3A_223 = tpu.vector_load %arg5[%swap3A_222] {strides = array<i32>} : memref<640xf32, #tpu.memory_space<vmem>>, vector<16xf32>,
    %swap3A_224 = vector.shape_cast %swap3A_223 : vector<16xf32> to vector<16xf32>
    %swap3A_225 = vector.shape_cast %broadcast_in_dim3A_221 : vector<16xf32> to vector<16xf32>
    tpu.vector_store %arg5[%swap3A_222], %swap3A_225 {strides = array<i32>} : memref<640xf32, #tpu.memory_space<vmem>>, vector<16xf32>,
    %broadcast_in_dim3A_226 = arith.constant 0.000000e+00 : f32
    %broadcast_in_dim3A_227 = vector.broadcast %broadcast_in_dim3A_226 : f32 to vector<16xf32>
    %swap3A_228 = arith.constant 528 : index
    %swap3A_229 = tpu.vector_load %arg5[%swap3A_228] {strides = array<i32>} : memref<640xf32, #tpu.memory_space<vmem>>, vector<16xf32>,
    %swap3A_230 = vector.shape_cast %swap3A_229 : vector<16xf32> to vector<16xf32>
    %swap3A_231 = vector.shape_cast %broadcast_in_dim3A_227 : vector<16xf32> to vector<16xf32>
    tpu.vector_store %arg5[%swap3A_228], %swap3A_231 {strides = array<i32>} : memref<640xf32, #tpu.memory_space<vmem>>, vector<16xf32>,
    %broadcast_in_dim3A_232 = arith.constant 0.000000e+00 : f32
    %broadcast_in_dim3A_233 = vector.broadcast %broadcast_in_dim3A_232 : f32 to vector<16xf32>
    %swap3A_234 = arith.constant 544 : index
    %swap3A_235 = tpu.vector_load %arg5[%swap3A_234] {strides = array<i32>} : memref<640xf32, #tpu.memory_space<vmem>>, vector<16xf32>,
    %swap3A_236 = vector.shape_cast %swap3A_235 : vector<16xf32> to vector<16xf32>
    %swap3A_237 = vector.shape_cast %broadcast_in_dim3A_233 : vector<16xf32> to vector<16xf32>
    tpu.vector_store %arg5[%swap3A_234], %swap3A_237 {strides = array<i32>} : memref<640xf32, #tpu.memory_space<vmem>>, vector<16xf32>,
    %broadcast_in_dim3A_238 = arith.constant 0.000000e+00 : f32
    %broadcast_in_dim3A_239 = vector.broadcast %broadcast_in_dim3A_238 : f32 to vector<16xf32>
    %swap3A_240 = arith.constant 560 : index
    %swap3A_241 = tpu.vector_load %arg5[%swap3A_240] {strides = array<i32>} : memref<640xf32, #tpu.memory_space<vmem>>, vector<16xf32>,
    %swap3A_242 = vector.shape_cast %swap3A_241 : vector<16xf32> to vector<16xf32>
    %swap3A_243 = vector.shape_cast %broadcast_in_dim3A_239 : vector<16xf32> to vector<16xf32>
    tpu.vector_store %arg5[%swap3A_240], %swap3A_243 {strides = array<i32>} : memref<640xf32, #tpu.memory_space<vmem>>, vector<16xf32>,
    %broadcast_in_dim3A_244 = arith.constant 0.000000e+00 : f32
    %broadcast_in_dim3A_245 = vector.broadcast %broadcast_in_dim3A_244 : f32 to vector<16xf32>
    %swap3A_246 = arith.constant 576 : index
    %swap3A_247 = tpu.vector_load %arg5[%swap3A_246] {strides = array<i32>} : memref<640xf32, #tpu.memory_space<vmem>>, vector<16xf32>,
    %swap3A_248 = vector.shape_cast %swap3A_247 : vector<16xf32> to vector<16xf32>
    %swap3A_249 = vector.shape_cast %broadcast_in_dim3A_245 : vector<16xf32> to vector<16xf32>
    tpu.vector_store %arg5[%swap3A_246], %swap3A_249 {strides = array<i32>} : memref<640xf32, #tpu.memory_space<vmem>>, vector<16xf32>,
    %broadcast_in_dim3A_250 = arith.constant 0.000000e+00 : f32
    %broadcast_in_dim3A_251 = vector.broadcast %broadcast_in_dim3A_250 : f32 to vector<16xf32>
    %swap3A_252 = arith.constant 592 : index
    %swap3A_253 = tpu.vector_load %arg5[%swap3A_252] {strides = array<i32>} : memref<640xf32, #tpu.memory_space<vmem>>, vector<16xf32>,
    %swap3A_254 = vector.shape_cast %swap3A_253 : vector<16xf32> to vector<16xf32>
    %swap3A_255 = vector.shape_cast %broadcast_in_dim3A_251 : vector<16xf32> to vector<16xf32>
    tpu.vector_store %arg5[%swap3A_252], %swap3A_255 {strides = array<i32>} : memref<640xf32, #tpu.memory_space<vmem>>, vector<16xf32>,
    %broadcast_in_dim3A_256 = arith.constant 0.000000e+00 : f32
    %broadcast_in_dim3A_257 = vector.broadcast %broadcast_in_dim3A_256 : f32 to vector<16xf32>
    %swap3A_258 = arith.constant 608 : index
    %swap3A_259 = tpu.vector_load %arg5[%swap3A_258] {strides = array<i32>} : memref<640xf32, #tpu.memory_space<vmem>>, vector<16xf32>,
    %swap3A_260 = vector.shape_cast %swap3A_259 : vector<16xf32> to vector<16xf32>
    %swap3A_261 = vector.shape_cast %broadcast_in_dim3A_257 : vector<16xf32> to vector<16xf32>
    tpu.vector_store %arg5[%swap3A_258], %swap3A_261 {strides = array<i32>} : memref<640xf32, #tpu.memory_space<vmem>>, vector<16xf32>,
    %broadcast_in_dim3A_262 = arith.constant 0.000000e+00 : f32
    %broadcast_in_dim3A_263 = vector.broadcast %broadcast_in_dim3A_262 : f32 to vector<16xf32>
    %swap3A_264 = arith.constant 624 : index
    %swap3A_265 = tpu.vector_load %arg5[%swap3A_264] {strides = array<i32>} : memref<640xf32, #tpu.memory_space<vmem>>, vector<16xf32>,
    %swap3A_266 = vector.shape_cast %swap3A_265 : vector<16xf32> to vector<16xf32>
    %swap3A_267 = vector.shape_cast %broadcast_in_dim3A_263 : vector<16xf32> to vector<16xf32>
    tpu.vector_store %arg5[%swap3A_264], %swap3A_267 {strides = array<i32>} : memref<640xf32, #tpu.memory_space<vmem>>, vector<16xf32>,
    %mul3A = arith.constant 640 : i32
    %mul3A_268 = arith.muli %arg1, %mul3A : i32
    "tpu.region"() ({
      %run_scoped3A = tpu.sem_alloc : memref<!tpu.dma_semaphore, #tpu.memory_space<semaphore_mem>>
      %dma_start3A_304 = tpu.memref_slice %arg6[%mul3A_268] : memref<10240xf32, #tpu.memory_space<vmem_shared>> -> memref<640xf32, #tpu.memory_space<vmem_shared>>
      %dma_start3A_305 = tpu.memref_slice %arg6[%mul3A_268] : memref<10240xf32, #tpu.memory_space<vmem_shared>> -> memref<640xf32, #tpu.memory_space<vmem_shared>>
      tpu.enqueue_dma source(%arg5 : memref<640xf32, #tpu.memory_space<vmem>>) target(%dma_start3A_305 : memref<640xf32, #tpu.memory_space<vmem_shared>>) target_semaphore(%run_scoped3A : memref<!tpu.dma_semaphore, #tpu.memory_space<semaphore_mem>>)
      %dma_wait3A = tpu.memref_slice %arg6[%mul3A_268] : memref<10240xf32, #tpu.memory_space<vmem_shared>> -> memref<640xf32, #tpu.memory_space<vmem_shared>>
      %dma_wait3A_306 = tpu.memref_slice %arg6[%mul3A_268] : memref<10240xf32, #tpu.memory_space<vmem_shared>> -> memref<640xf32, #tpu.memory_space<vmem_shared>>
      tpu.wait_dma2 semaphore(%run_scoped3A : memref<!tpu.dma_semaphore, #tpu.memory_space<semaphore_mem>>) src(%arg5 : memref<640xf32, #tpu.memory_space<vmem>>) dst(%dma_wait3A_306 : memref<640xf32, #tpu.memory_space<vmem_shared>>)
      tpu.yield
    }) : () -> ()
    %barrier3A = arith.constant 0 : index
    tpu.barrier barrier_id(%barrier3A)
    %mul3A_269 = arith.constant 16 : i32
    %mul3A_270 = arith.muli %arg0, %mul3A_269 : i32
    %add3A = arith.addi %mul3A_270, %arg1 : i32
    %mul3A_271 = arith.constant 10000 : i32
    %mul3A_272 = arith.muli %add3A, %mul3A_271 : i32
    %add3A_273 = arith.constant 320000 : i32
    %add3A_274 = arith.addi %add3A_273, %mul3A_272 : i32
    %add3A_275 = arith.constant 0 : i32
    %add3A_276 = arith.addi %add3A_274, %add3A_275 : i32
    %dma_start3A = tpu.memref_slice %arg2[%add3A_276] : memref<640000xi32, #tpu.memory_space<hbm>> -> memref<80xi32, #tpu.memory_space<hbm>>
    %dma_start3A_277 = tpu.memref_slice %arg2[%add3A_276] : memref<640000xi32, #tpu.memory_space<hbm>> -> memref<80xi32, #tpu.memory_space<hbm>>
    tpu.enqueue_dma source(%dma_start3A_277 : memref<80xi32, #tpu.memory_space<hbm>>) target(%arg7 : memref<80xi32, #tpu.memory_space<vmem>>) target_semaphore(%arg12 : memref<!tpu.dma_semaphore, #tpu.memory_space<semaphore_mem>>)
    %add3A_278 = arith.constant 80 : i32
    %add3A_279 = arith.addi %add3A_274, %add3A_278 : i32
    %dma_start3A_280 = tpu.memref_slice %arg2[%add3A_279] : memref<640000xi32, #tpu.memory_space<hbm>> -> memref<80xi32, #tpu.memory_space<hbm>>
    %dma_start3A_281 = tpu.memref_slice %arg2[%add3A_279] : memref<640000xi32, #tpu.memory_space<hbm>> -> memref<80xi32, #tpu.memory_space<hbm>>
    tpu.enqueue_dma source(%dma_start3A_281 : memref<80xi32, #tpu.memory_space<hbm>>) target(%arg8 : memref<80xi32, #tpu.memory_space<vmem>>) target_semaphore(%arg13 : memref<!tpu.dma_semaphore, #tpu.memory_space<semaphore_mem>>)
    %add3A_282 = arith.constant 160 : i32
    %add3A_283 = arith.addi %add3A_274, %add3A_282 : i32
    %dma_start3A_284 = tpu.memref_slice %arg2[%add3A_283] : memref<640000xi32, #tpu.memory_space<hbm>> -> memref<80xi32, #tpu.memory_space<hbm>>
    %dma_start3A_285 = tpu.memref_slice %arg2[%add3A_283] : memref<640000xi32, #tpu.memory_space<hbm>> -> memref<80xi32, #tpu.memory_space<hbm>>
    tpu.enqueue_dma source(%dma_start3A_285 : memref<80xi32, #tpu.memory_space<hbm>>) target(%arg9 : memref<80xi32, #tpu.memory_space<vmem>>) target_semaphore(%arg14 : memref<!tpu.dma_semaphore, #tpu.memory_space<semaphore_mem>>)
    %add3A_286 = arith.constant 240 : i32
    %add3A_287 = arith.addi %add3A_274, %add3A_286 : i32
    %dma_start3A_288 = tpu.memref_slice %arg2[%add3A_287] : memref<640000xi32, #tpu.memory_space<hbm>> -> memref<80xi32, #tpu.memory_space<hbm>>
    %dma_start3A_289 = tpu.memref_slice %arg2[%add3A_287] : memref<640000xi32, #tpu.memory_space<hbm>> -> memref<80xi32, #tpu.memory_space<hbm>>
    tpu.enqueue_dma source(%dma_start3A_289 : memref<80xi32, #tpu.memory_space<hbm>>) target(%arg10 : memref<80xi32, #tpu.memory_space<vmem>>) target_semaphore(%arg15 : memref<!tpu.dma_semaphore, #tpu.memory_space<semaphore_mem>>)
    %add3A_290 = arith.constant 320 : i32
    %add3A_291 = arith.addi %add3A_274, %add3A_290 : i32
    %dma_start3A_292 = tpu.memref_slice %arg2[%add3A_291] : memref<640000xi32, #tpu.memory_space<hbm>> -> memref<80xi32, #tpu.memory_space<hbm>>
    %dma_start3A_293 = tpu.memref_slice %arg2[%add3A_291] : memref<640000xi32, #tpu.memory_space<hbm>> -> memref<80xi32, #tpu.memory_space<hbm>>
    tpu.enqueue_dma source(%dma_start3A_293 : memref<80xi32, #tpu.memory_space<hbm>>) target(%arg11 : memref<80xi32, #tpu.memory_space<vmem>>) target_semaphore(%arg16 : memref<!tpu.dma_semaphore, #tpu.memory_space<semaphore_mem>>)
    %scan3A = arith.constant 0 : i32
    %scan3A_294 = arith.constant 0 : i32
    %scan3A_295 = arith.constant 25 : i32
    %scan3A_296 = arith.addi %scan3A_294, %scan3A_295 : i32
    %scan3A_297 = arith.constant 1 : i32
    scf.for %scan3A_304 = %scan3A_294 to %scan3A_296 step %scan3A_297  : i32 {
      %mul3A_305 = arith.constant 5 : i32
      %mul3A_306 = arith.muli %scan3A_304, %mul3A_305 : i32
      %add3A_307 = arith.constant 0 : i32
      %add3A_308 = arith.addi %mul3A_306, %add3A_307 : i32
      %mul3A_309 = arith.constant 80 : i32
      %mul3A_310 = arith.muli %add3A_308, %mul3A_309 : i32
      %add3A_311 = arith.addi %add3A_274, %mul3A_310 : i32
      %dma_wait3A = tpu.memref_slice %arg2[%add3A_311] : memref<640000xi32, #tpu.memory_space<hbm>> -> memref<80xi32, #tpu.memory_space<hbm>>
      %dma_wait3A_312 = tpu.memref_slice %arg2[%add3A_311] : memref<640000xi32, #tpu.memory_space<hbm>> -> memref<80xi32, #tpu.memory_space<hbm>>
      tpu.wait_dma2 semaphore(%arg12 : memref<!tpu.dma_semaphore, #tpu.memory_space<semaphore_mem>>) src(%dma_wait3A_312 : memref<80xi32, #tpu.memory_space<hbm>>) dst(%arg7 : memref<80xi32, #tpu.memory_space<vmem>>)
      %dma_start3A_313 = arith.constant 0 : i32
      %dma_start3A_314 = tpu.memref_slice %arg6[%dma_start3A_313] : memref<10240xf32, #tpu.memory_space<vmem_shared>> -> memref<10240xf32, #tpu.memory_space<vmem_shared>>
      tpu.enqueue_indirect_dma source(%arg4 : memref<80xf32, #tpu.memory_space<vmem>>) target(%dma_start3A_314 : memref<10240xf32, #tpu.memory_space<vmem_shared>>) offsets(%arg7 : memref<80xi32, #tpu.memory_space<vmem>>) semaphore(%arg17 : memref<!tpu.dma_semaphore, #tpu.memory_space<semaphore_mem>>) {add = true}
      %mul3A_315 = arith.constant 5 : i32
      %mul3A_316 = arith.muli %scan3A_304, %mul3A_315 : i32
      %add3A_317 = arith.constant 1 : i32
      %add3A_318 = arith.addi %mul3A_316, %add3A_317 : i32
      %mul3A_319 = arith.constant 80 : i32
      %mul3A_320 = arith.muli %add3A_318, %mul3A_319 : i32
      %add3A_321 = arith.addi %add3A_274, %mul3A_320 : i32
      %dma_wait3A_322 = tpu.memref_slice %arg2[%add3A_321] : memref<640000xi32, #tpu.memory_space<hbm>> -> memref<80xi32, #tpu.memory_space<hbm>>
      %dma_wait3A_323 = tpu.memref_slice %arg2[%add3A_321] : memref<640000xi32, #tpu.memory_space<hbm>> -> memref<80xi32, #tpu.memory_space<hbm>>
      tpu.wait_dma2 semaphore(%arg13 : memref<!tpu.dma_semaphore, #tpu.memory_space<semaphore_mem>>) src(%dma_wait3A_323 : memref<80xi32, #tpu.memory_space<hbm>>) dst(%arg8 : memref<80xi32, #tpu.memory_space<vmem>>)
      %dma_start3A_324 = arith.constant 0 : i32
      %dma_start3A_325 = tpu.memref_slice %arg6[%dma_start3A_324] : memref<10240xf32, #tpu.memory_space<vmem_shared>> -> memref<10240xf32, #tpu.memory_space<vmem_shared>>
      tpu.enqueue_indirect_dma source(%arg4 : memref<80xf32, #tpu.memory_space<vmem>>) target(%dma_start3A_325 : memref<10240xf32, #tpu.memory_space<vmem_shared>>) offsets(%arg8 : memref<80xi32, #tpu.memory_space<vmem>>) semaphore(%arg18 : memref<!tpu.dma_semaphore, #tpu.memory_space<semaphore_mem>>) {add = true}
      %mul3A_326 = arith.constant 5 : i32
      %mul3A_327 = arith.muli %scan3A_304, %mul3A_326 : i32
      %add3A_328 = arith.constant 2 : i32
      %add3A_329 = arith.addi %mul3A_327, %add3A_328 : i32
      %mul3A_330 = arith.constant 80 : i32
      %mul3A_331 = arith.muli %add3A_329, %mul3A_330 : i32
      %add3A_332 = arith.addi %add3A_274, %mul3A_331 : i32
      %dma_wait3A_333 = tpu.memref_slice %arg2[%add3A_332] : memref<640000xi32, #tpu.memory_space<hbm>> -> memref<80xi32, #tpu.memory_space<hbm>>
      %dma_wait3A_334 = tpu.memref_slice %arg2[%add3A_332] : memref<640000xi32, #tpu.memory_space<hbm>> -> memref<80xi32, #tpu.memory_space<hbm>>
      tpu.wait_dma2 semaphore(%arg14 : memref<!tpu.dma_semaphore, #tpu.memory_space<semaphore_mem>>) src(%dma_wait3A_334 : memref<80xi32, #tpu.memory_space<hbm>>) dst(%arg9 : memref<80xi32, #tpu.memory_space<vmem>>)
      %dma_start3A_335 = arith.constant 0 : i32
      %dma_start3A_336 = tpu.memref_slice %arg6[%dma_start3A_335] : memref<10240xf32, #tpu.memory_space<vmem_shared>> -> memref<10240xf32, #tpu.memory_space<vmem_shared>>
      tpu.enqueue_indirect_dma source(%arg4 : memref<80xf32, #tpu.memory_space<vmem>>) target(%dma_start3A_336 : memref<10240xf32, #tpu.memory_space<vmem_shared>>) offsets(%arg9 : memref<80xi32, #tpu.memory_space<vmem>>) semaphore(%arg19 : memref<!tpu.dma_semaphore, #tpu.memory_space<semaphore_mem>>) {add = true}
      %mul3A_337 = arith.constant 5 : i32
      %mul3A_338 = arith.muli %scan3A_304, %mul3A_337 : i32
      %add3A_339 = arith.constant 3 : i32
      %add3A_340 = arith.addi %mul3A_338, %add3A_339 : i32
      %mul3A_341 = arith.constant 80 : i32
      %mul3A_342 = arith.muli %add3A_340, %mul3A_341 : i32
      %add3A_343 = arith.addi %add3A_274, %mul3A_342 : i32
      %dma_wait3A_344 = tpu.memref_slice %arg2[%add3A_343] : memref<640000xi32, #tpu.memory_space<hbm>> -> memref<80xi32, #tpu.memory_space<hbm>>
      %dma_wait3A_345 = tpu.memref_slice %arg2[%add3A_343] : memref<640000xi32, #tpu.memory_space<hbm>> -> memref<80xi32, #tpu.memory_space<hbm>>
      tpu.wait_dma2 semaphore(%arg15 : memref<!tpu.dma_semaphore, #tpu.memory_space<semaphore_mem>>) src(%dma_wait3A_345 : memref<80xi32, #tpu.memory_space<hbm>>) dst(%arg10 : memref<80xi32, #tpu.memory_space<vmem>>)
      %dma_start3A_346 = arith.constant 0 : i32
      %dma_start3A_347 = tpu.memref_slice %arg6[%dma_start3A_346] : memref<10240xf32, #tpu.memory_space<vmem_shared>> -> memref<10240xf32, #tpu.memory_space<vmem_shared>>
      tpu.enqueue_indirect_dma source(%arg4 : memref<80xf32, #tpu.memory_space<vmem>>) target(%dma_start3A_347 : memref<10240xf32, #tpu.memory_space<vmem_shared>>) offsets(%arg10 : memref<80xi32, #tpu.memory_space<vmem>>) semaphore(%arg20 : memref<!tpu.dma_semaphore, #tpu.memory_space<semaphore_mem>>) {add = true}
      %mul3A_348 = arith.constant 5 : i32
      %mul3A_349 = arith.muli %scan3A_304, %mul3A_348 : i32
      %add3A_350 = arith.constant 4 : i32
      %add3A_351 = arith.addi %mul3A_349, %add3A_350 : i32
      %mul3A_352 = arith.constant 80 : i32
      %mul3A_353 = arith.muli %add3A_351, %mul3A_352 : i32
      %add3A_354 = arith.addi %add3A_274, %mul3A_353 : i32
      %dma_wait3A_355 = tpu.memref_slice %arg2[%add3A_354] : memref<640000xi32, #tpu.memory_space<hbm>> -> memref<80xi32, #tpu.memory_space<hbm>>
      %dma_wait3A_356 = tpu.memref_slice %arg2[%add3A_354] : memref<640000xi32, #tpu.memory_space<hbm>> -> memref<80xi32, #tpu.memory_space<hbm>>
      tpu.wait_dma2 semaphore(%arg16 : memref<!tpu.dma_semaphore, #tpu.memory_space<semaphore_mem>>) src(%dma_wait3A_356 : memref<80xi32, #tpu.memory_space<hbm>>) dst(%arg11 : memref<80xi32, #tpu.memory_space<vmem>>)
      %dma_start3A_357 = arith.constant 0 : i32
      %dma_start3A_358 = tpu.memref_slice %arg6[%dma_start3A_357] : memref<10240xf32, #tpu.memory_space<vmem_shared>> -> memref<10240xf32, #tpu.memory_space<vmem_shared>>
      tpu.enqueue_indirect_dma source(%arg4 : memref<80xf32, #tpu.memory_space<vmem>>) target(%dma_start3A_358 : memref<10240xf32, #tpu.memory_space<vmem_shared>>) offsets(%arg11 : memref<80xi32, #tpu.memory_space<vmem>>) semaphore(%arg21 : memref<!tpu.dma_semaphore, #tpu.memory_space<semaphore_mem>>) {add = true}
      %dma_wait3A_359 = arith.constant 0 : i32
      %dma_wait3A_360 = tpu.memref_slice %arg6[%dma_wait3A_359] : memref<10240xf32, #tpu.memory_space<vmem_shared>> -> memref<10240xf32, #tpu.memory_space<vmem_shared>>
      tpu.wait_indirect_dma semaphore(%arg17 : memref<!tpu.dma_semaphore, #tpu.memory_space<semaphore_mem>>) src(%arg4 : memref<80xf32, #tpu.memory_space<vmem>>) dst(%dma_wait3A_360 : memref<10240xf32, #tpu.memory_space<vmem_shared>>)
      %lt3A = arith.constant 24 : i32
      %lt3A_361 = arith.cmpi slt, %scan3A_304, %lt3A : i32
      %convert_element_type3A = arith.extui %lt3A_361 : i1 to i32
      %cond3A = arith.constant 0 : i32
      %cond3A_362 = arith.cmpi ne, %convert_element_type3A, %cond3A : i32
      scf.if %cond3A_362 {
        %add3A_391 = arith.constant 1 : i32
        %add3A_392 = arith.addi %scan3A_304, %add3A_391 : i32
        %mul3A_393 = arith.constant 5 : i32
        %mul3A_394 = arith.muli %add3A_392, %mul3A_393 : i32
        %add3A_395 = arith.constant 0 : i32
        %add3A_396 = arith.addi %mul3A_394, %add3A_395 : i32
        %mul3A_397 = arith.constant 80 : i32
        %mul3A_398 = arith.muli %add3A_396, %mul3A_397 : i32
        %add3A_399 = arith.addi %add3A_274, %mul3A_398 : i32
        %dma_start3A_400 = tpu.memref_slice %arg2[%add3A_399] : memref<640000xi32, #tpu.memory_space<hbm>> -> memref<80xi32, #tpu.memory_space<hbm>>
        %dma_start3A_401 = tpu.memref_slice %arg2[%add3A_399] : memref<640000xi32, #tpu.memory_space<hbm>> -> memref<80xi32, #tpu.memory_space<hbm>>
        tpu.enqueue_dma source(%dma_start3A_401 : memref<80xi32, #tpu.memory_space<hbm>>) target(%arg7 : memref<80xi32, #tpu.memory_space<vmem>>) target_semaphore(%arg12 : memref<!tpu.dma_semaphore, #tpu.memory_space<semaphore_mem>>)
      } else {
      }
      %dma_wait3A_363 = arith.constant 0 : i32
      %dma_wait3A_364 = tpu.memref_slice %arg6[%dma_wait3A_363] : memref<10240xf32, #tpu.memory_space<vmem_shared>> -> memref<10240xf32, #tpu.memory_space<vmem_shared>>
      tpu.wait_indirect_dma semaphore(%arg18 : memref<!tpu.dma_semaphore, #tpu.memory_space<semaphore_mem>>) src(%arg4 : memref<80xf32, #tpu.memory_space<vmem>>) dst(%dma_wait3A_364 : memref<10240xf32, #tpu.memory_space<vmem_shared>>)
      %lt3A_365 = arith.constant 24 : i32
      %lt3A_366 = arith.cmpi slt, %scan3A_304, %lt3A_365 : i32
      %convert_element_type3A_367 = arith.extui %lt3A_366 : i1 to i32
      %cond3A_368 = arith.constant 0 : i32
      %cond3A_369 = arith.cmpi ne, %convert_element_type3A_367, %cond3A_368 : i32
      scf.if %cond3A_369 {
        %add3A_391 = arith.constant 1 : i32
        %add3A_392 = arith.addi %scan3A_304, %add3A_391 : i32
        %mul3A_393 = arith.constant 5 : i32
        %mul3A_394 = arith.muli %add3A_392, %mul3A_393 : i32
        %add3A_395 = arith.constant 1 : i32
        %add3A_396 = arith.addi %mul3A_394, %add3A_395 : i32
        %mul3A_397 = arith.constant 80 : i32
        %mul3A_398 = arith.muli %add3A_396, %mul3A_397 : i32
        %add3A_399 = arith.addi %add3A_274, %mul3A_398 : i32
        %dma_start3A_400 = tpu.memref_slice %arg2[%add3A_399] : memref<640000xi32, #tpu.memory_space<hbm>> -> memref<80xi32, #tpu.memory_space<hbm>>
        %dma_start3A_401 = tpu.memref_slice %arg2[%add3A_399] : memref<640000xi32, #tpu.memory_space<hbm>> -> memref<80xi32, #tpu.memory_space<hbm>>
        tpu.enqueue_dma source(%dma_start3A_401 : memref<80xi32, #tpu.memory_space<hbm>>) target(%arg8 : memref<80xi32, #tpu.memory_space<vmem>>) target_semaphore(%arg13 : memref<!tpu.dma_semaphore, #tpu.memory_space<semaphore_mem>>)
      } else {
      }
      %dma_wait3A_370 = arith.constant 0 : i32
      %dma_wait3A_371 = tpu.memref_slice %arg6[%dma_wait3A_370] : memref<10240xf32, #tpu.memory_space<vmem_shared>> -> memref<10240xf32, #tpu.memory_space<vmem_shared>>
      tpu.wait_indirect_dma semaphore(%arg19 : memref<!tpu.dma_semaphore, #tpu.memory_space<semaphore_mem>>) src(%arg4 : memref<80xf32, #tpu.memory_space<vmem>>) dst(%dma_wait3A_371 : memref<10240xf32, #tpu.memory_space<vmem_shared>>)
      %lt3A_372 = arith.constant 24 : i32
      %lt3A_373 = arith.cmpi slt, %scan3A_304, %lt3A_372 : i32
      %convert_element_type3A_374 = arith.extui %lt3A_373 : i1 to i32
      %cond3A_375 = arith.constant 0 : i32
      %cond3A_376 = arith.cmpi ne, %convert_element_type3A_374, %cond3A_375 : i32
      scf.if %cond3A_376 {
        %add3A_391 = arith.constant 1 : i32
        %add3A_392 = arith.addi %scan3A_304, %add3A_391 : i32
        %mul3A_393 = arith.constant 5 : i32
        %mul3A_394 = arith.muli %add3A_392, %mul3A_393 : i32
        %add3A_395 = arith.constant 2 : i32
        %add3A_396 = arith.addi %mul3A_394, %add3A_395 : i32
        %mul3A_397 = arith.constant 80 : i32
        %mul3A_398 = arith.muli %add3A_396, %mul3A_397 : i32
        %add3A_399 = arith.addi %add3A_274, %mul3A_398 : i32
        %dma_start3A_400 = tpu.memref_slice %arg2[%add3A_399] : memref<640000xi32, #tpu.memory_space<hbm>> -> memref<80xi32, #tpu.memory_space<hbm>>
        %dma_start3A_401 = tpu.memref_slice %arg2[%add3A_399] : memref<640000xi32, #tpu.memory_space<hbm>> -> memref<80xi32, #tpu.memory_space<hbm>>
        tpu.enqueue_dma source(%dma_start3A_401 : memref<80xi32, #tpu.memory_space<hbm>>) target(%arg9 : memref<80xi32, #tpu.memory_space<vmem>>) target_semaphore(%arg14 : memref<!tpu.dma_semaphore, #tpu.memory_space<semaphore_mem>>)
      } else {
      }
      %dma_wait3A_377 = arith.constant 0 : i32
      %dma_wait3A_378 = tpu.memref_slice %arg6[%dma_wait3A_377] : memref<10240xf32, #tpu.memory_space<vmem_shared>> -> memref<10240xf32, #tpu.memory_space<vmem_shared>>
      tpu.wait_indirect_dma semaphore(%arg20 : memref<!tpu.dma_semaphore, #tpu.memory_space<semaphore_mem>>) src(%arg4 : memref<80xf32, #tpu.memory_space<vmem>>) dst(%dma_wait3A_378 : memref<10240xf32, #tpu.memory_space<vmem_shared>>)
      %lt3A_379 = arith.constant 24 : i32
      %lt3A_380 = arith.cmpi slt, %scan3A_304, %lt3A_379 : i32
      %convert_element_type3A_381 = arith.extui %lt3A_380 : i1 to i32
      %cond3A_382 = arith.constant 0 : i32
      %cond3A_383 = arith.cmpi ne, %convert_element_type3A_381, %cond3A_382 : i32
      scf.if %cond3A_383 {
        %add3A_391 = arith.constant 1 : i32
        %add3A_392 = arith.addi %scan3A_304, %add3A_391 : i32
        %mul3A_393 = arith.constant 5 : i32
        %mul3A_394 = arith.muli %add3A_392, %mul3A_393 : i32
        %add3A_395 = arith.constant 3 : i32
        %add3A_396 = arith.addi %mul3A_394, %add3A_395 : i32
        %mul3A_397 = arith.constant 80 : i32
        %mul3A_398 = arith.muli %add3A_396, %mul3A_397 : i32
        %add3A_399 = arith.addi %add3A_274, %mul3A_398 : i32
        %dma_start3A_400 = tpu.memref_slice %arg2[%add3A_399] : memref<640000xi32, #tpu.memory_space<hbm>> -> memref<80xi32, #tpu.memory_space<hbm>>
        %dma_start3A_401 = tpu.memref_slice %arg2[%add3A_399] : memref<640000xi32, #tpu.memory_space<hbm>> -> memref<80xi32, #tpu.memory_space<hbm>>
        tpu.enqueue_dma source(%dma_start3A_401 : memref<80xi32, #tpu.memory_space<hbm>>) target(%arg10 : memref<80xi32, #tpu.memory_space<vmem>>) target_semaphore(%arg15 : memref<!tpu.dma_semaphore, #tpu.memory_space<semaphore_mem>>)
      } else {
      }
      %dma_wait3A_384 = arith.constant 0 : i32
      %dma_wait3A_385 = tpu.memref_slice %arg6[%dma_wait3A_384] : memref<10240xf32, #tpu.memory_space<vmem_shared>> -> memref<10240xf32, #tpu.memory_space<vmem_shared>>
      tpu.wait_indirect_dma semaphore(%arg21 : memref<!tpu.dma_semaphore, #tpu.memory_space<semaphore_mem>>) src(%arg4 : memref<80xf32, #tpu.memory_space<vmem>>) dst(%dma_wait3A_385 : memref<10240xf32, #tpu.memory_space<vmem_shared>>)
      %lt3A_386 = arith.constant 24 : i32
      %lt3A_387 = arith.cmpi slt, %scan3A_304, %lt3A_386 : i32
      %convert_element_type3A_388 = arith.extui %lt3A_387 : i1 to i32
      %cond3A_389 = arith.constant 0 : i32
      %cond3A_390 = arith.cmpi ne, %convert_element_type3A_388, %cond3A_389 : i32
      scf.if %cond3A_390 {
        %add3A_391 = arith.constant 1 : i32
        %add3A_392 = arith.addi %scan3A_304, %add3A_391 : i32
        %mul3A_393 = arith.constant 5 : i32
        %mul3A_394 = arith.muli %add3A_392, %mul3A_393 : i32
        %add3A_395 = arith.constant 4 : i32
        %add3A_396 = arith.addi %mul3A_394, %add3A_395 : i32
        %mul3A_397 = arith.constant 80 : i32
        %mul3A_398 = arith.muli %add3A_396, %mul3A_397 : i32
        %add3A_399 = arith.addi %add3A_274, %mul3A_398 : i32
        %dma_start3A_400 = tpu.memref_slice %arg2[%add3A_399] : memref<640000xi32, #tpu.memory_space<hbm>> -> memref<80xi32, #tpu.memory_space<hbm>>
        %dma_start3A_401 = tpu.memref_slice %arg2[%add3A_399] : memref<640000xi32, #tpu.memory_space<hbm>> -> memref<80xi32, #tpu.memory_space<hbm>>
        tpu.enqueue_dma source(%dma_start3A_401 : memref<80xi32, #tpu.memory_space<hbm>>) target(%arg11 : memref<80xi32, #tpu.memory_space<vmem>>) target_semaphore(%arg16 : memref<!tpu.dma_semaphore, #tpu.memory_space<semaphore_mem>>)
      } else {
      }
    }
    %scan3A_298 = arith.constant 25 : i32
    %barrier3A_299 = arith.constant 0 : index
    tpu.barrier barrier_id(%barrier3A_299)
    %mul3A_300 = arith.constant 640 : i32
    %mul3A_301 = arith.muli %arg1, %mul3A_300 : i32
    %mul3A_302 = arith.constant 640 : i32
    %mul3A_303 = arith.muli %arg1, %mul3A_302 : i32
    "tpu.region"() ({
      %run_scoped3A = tpu.sem_alloc : memref<!tpu.dma_semaphore, #tpu.memory_space<semaphore_mem>>
      %dma_start3A_304 = arith.constant 0 : i32
      %dma_start3A_305 = tpu.memref_slice %arg3[%arg0, %dma_start3A_304] : memref<2x10240xf32, #tpu.memory_space<hbm>> -> memref<1x10240xf32, #tpu.memory_space<hbm>>
      %dma_start3A_306 = tpu.memref_squeeze %dma_start3A_305 : memref<1x10240xf32, #tpu.memory_space<hbm>> -> memref<10240xf32, #tpu.memory_space<hbm>>
      %dma_start3A_307 = tpu.memref_slice %dma_start3A_306[%mul3A_303] : memref<10240xf32, #tpu.memory_space<hbm>> -> memref<640xf32, #tpu.memory_space<hbm>>
      %dma_start3A_308 = tpu.memref_slice %arg6[%mul3A_301] : memref<10240xf32, #tpu.memory_space<vmem_shared>> -> memref<640xf32, #tpu.memory_space<vmem_shared>>
      tpu.enqueue_dma source(%dma_start3A_308 : memref<640xf32, #tpu.memory_space<vmem_shared>>) target(%dma_start3A_307 : memref<640xf32, #tpu.memory_space<hbm>>) target_semaphore(%run_scoped3A : memref<!tpu.dma_semaphore, #tpu.memory_space<semaphore_mem>>)
      %dma_wait3A = arith.constant 0 : i32
      %dma_wait3A_309 = tpu.memref_slice %arg3[%arg0, %dma_wait3A] : memref<2x10240xf32, #tpu.memory_space<hbm>> -> memref<1x10240xf32, #tpu.memory_space<hbm>>
      %dma_wait3A_310 = tpu.memref_squeeze %dma_wait3A_309 : memref<1x10240xf32, #tpu.memory_space<hbm>> -> memref<10240xf32, #tpu.memory_space<hbm>>
      %dma_wait3A_311 = tpu.memref_slice %dma_wait3A_310[%mul3A_303] : memref<10240xf32, #tpu.memory_space<hbm>> -> memref<640xf32, #tpu.memory_space<hbm>>
      %dma_wait3A_312 = tpu.memref_slice %arg6[%mul3A_301] : memref<10240xf32, #tpu.memory_space<vmem_shared>> -> memref<640xf32, #tpu.memory_space<vmem_shared>>
      tpu.wait_dma2 semaphore(%run_scoped3A : memref<!tpu.dma_semaphore, #tpu.memory_space<semaphore_mem>>) src(%dma_wait3A_312 : memref<640xf32, #tpu.memory_space<vmem_shared>>) dst(%dma_wait3A_311 : memref<640xf32, #tpu.memory_space<hbm>>)
      tpu.yield
    }) : () -> ()
    return
  }
}

#map = affine_map<(d0, d1) -> (0, 0)>
#map1 = affine_map<(d0, d1) -> (0)>
#map2 = affine_map<(d0, d1) -> (0, 0, 0)>
module attributes {stable_mosaic.version = 14 : i64} {
  func.func @body(%arg0: i32, %arg1: i32, %arg2: memref<10240x64xf32, #tpu.memory_space<hbm>>, %arg3: memref<640000xi32, #tpu.memory_space<hbm>>, %arg4: memref<2x10240x64xf32, #tpu.memory_space<hbm>>, %arg5: memref<10240x64xf32, #tpu.memory_space<vmem_shared>>, %arg6: memref<40xi32, #tpu.memory_space<vmem>>, %arg7: memref<40xi32, #tpu.memory_space<vmem>>, %arg8: memref<40xi32, #tpu.memory_space<vmem>>, %arg9: memref<40xi32, #tpu.memory_space<vmem>>, %arg10: memref<40xi32, #tpu.memory_space<vmem>>, %arg11: memref<40xi32, #tpu.memory_space<vmem>>, %arg12: memref<40xi32, #tpu.memory_space<vmem>>, %arg13: memref<40xi32, #tpu.memory_space<vmem>>, %arg14: memref<40xi32, #tpu.memory_space<vmem>>, %arg15: memref<40xi32, #tpu.memory_space<vmem>>, %arg16: memref<40xi32, #tpu.memory_space<vmem>>, %arg17: memref<40xi32, #tpu.memory_space<vmem>>, %arg18: memref<40xi32, #tpu.memory_space<vmem>>, %arg19: memref<40xi32, #tpu.memory_space<vmem>>, %arg20: memref<40xi32, #tpu.memory_space<vmem>>, %arg21: memref<40xi32, #tpu.memory_space<vmem>>, %arg22: memref<40xi32, #tpu.memory_space<vmem>>, %arg23: memref<40xi32, #tpu.memory_space<vmem>>, %arg24: memref<40xi32, #tpu.memory_space<vmem>>, %arg25: memref<40xi32, #tpu.memory_space<vmem>>, %arg26: memref<40x64xf32, #tpu.memory_space<vmem>>, %arg27: memref<40x64xf32, #tpu.memory_space<vmem>>, %arg28: memref<40x64xf32, #tpu.memory_space<vmem>>, %arg29: memref<40x64xf32, #tpu.memory_space<vmem>>, %arg30: memref<40x64xf32, #tpu.memory_space<vmem>>, %arg31: memref<!tpu.dma_semaphore, #tpu.memory_space<semaphore_mem>>, %arg32: memref<!tpu.dma_semaphore, #tpu.memory_space<semaphore_mem>>, %arg33: memref<!tpu.dma_semaphore, #tpu.memory_space<semaphore_mem>>, %arg34: memref<!tpu.dma_semaphore, #tpu.memory_space<semaphore_mem>>, %arg35: memref<!tpu.dma_semaphore, #tpu.memory_space<semaphore_mem>>, %arg36: memref<!tpu.dma_semaphore, #tpu.memory_space<semaphore_mem>>, %arg37: memref<!tpu.dma_semaphore, #tpu.memory_space<semaphore_mem>>, %arg38: memref<!tpu.dma_semaphore, #tpu.memory_space<semaphore_mem>>, %arg39: memref<!tpu.dma_semaphore, #tpu.memory_space<semaphore_mem>>, %arg40: memref<!tpu.dma_semaphore, #tpu.memory_space<semaphore_mem>>, %arg41: memref<!tpu.dma_semaphore, #tpu.memory_space<semaphore_mem>>, %arg42: memref<!tpu.dma_semaphore, #tpu.memory_space<semaphore_mem>>, %arg43: memref<!tpu.dma_semaphore, #tpu.memory_space<semaphore_mem>>, %arg44: memref<!tpu.dma_semaphore, #tpu.memory_space<semaphore_mem>>, %arg45: memref<!tpu.dma_semaphore, #tpu.memory_space<semaphore_mem>>, %arg46: memref<!tpu.dma_semaphore, #tpu.memory_space<semaphore_mem>>, %arg47: memref<!tpu.dma_semaphore, #tpu.memory_space<semaphore_mem>>, %arg48: memref<!tpu.dma_semaphore, #tpu.memory_space<semaphore_mem>>, %arg49: memref<!tpu.dma_semaphore, #tpu.memory_space<semaphore_mem>>, %arg50: memref<!tpu.dma_semaphore, #tpu.memory_space<semaphore_mem>>, %arg51: memref<!tpu.dma_semaphore, #tpu.memory_space<semaphore_mem>>, %arg52: memref<!tpu.dma_semaphore, #tpu.memory_space<semaphore_mem>>, %arg53: memref<!tpu.dma_semaphore, #tpu.memory_space<semaphore_mem>>, %arg54: memref<!tpu.dma_semaphore, #tpu.memory_space<semaphore_mem>>, %arg55: memref<!tpu.dma_semaphore, #tpu.memory_space<semaphore_mem>>, %arg56: memref<!tpu.dma_semaphore, #tpu.memory_space<semaphore_mem>>, %arg57: memref<!tpu.dma_semaphore, #tpu.memory_space<semaphore_mem>>, %arg58: memref<!tpu.dma_semaphore, #tpu.memory_space<semaphore_mem>>, %arg59: memref<!tpu.dma_semaphore, #tpu.memory_space<semaphore_mem>>, %arg60: memref<!tpu.dma_semaphore, #tpu.memory_space<semaphore_mem>>) attributes {dimension_semantics = [#tpu.dimension_semantics<core_parallel>, #tpu.dimension_semantics<subcore_parallel>], iteration_bounds = array<i64: 2, 16>, scalar_prefetch = 0 : i64, scratch_operands = 56 : i64, tpu.core_type = #tpu.core_type<sc_vector_subcore>, window_params = [{transform_indices = #map}, {transform_indices = #map1}, {transform_indices = #map2}]} {
    %mul3A = arith.constant 16 : i32
    %mul3A_0 = arith.muli %arg0, %mul3A : i32
    %add3A = arith.addi %mul3A_0, %arg1 : i32
    %mul3A_1 = arith.constant 10000 : i32
    %mul3A_2 = arith.muli %add3A, %mul3A_1 : i32
    %add3A_3 = arith.constant 0 : i32
    %add3A_4 = arith.addi %mul3A_2, %add3A_3 : i32
    %dma_start3A = tpu.memref_slice %arg3[%add3A_4] : memref<640000xi32, #tpu.memory_space<hbm>> -> memref<40xi32, #tpu.memory_space<hbm>>
    %dma_start3A_5 = tpu.memref_slice %arg3[%add3A_4] : memref<640000xi32, #tpu.memory_space<hbm>> -> memref<40xi32, #tpu.memory_space<hbm>>
    tpu.enqueue_dma source(%dma_start3A_5 : memref<40xi32, #tpu.memory_space<hbm>>) target(%arg6 : memref<40xi32, #tpu.memory_space<vmem>>) target_semaphore(%arg31 : memref<!tpu.dma_semaphore, #tpu.memory_space<semaphore_mem>>)
    %add3A_6 = arith.constant 320000 : i32
    %add3A_7 = arith.addi %add3A_6, %add3A_4 : i32
    %dma_start3A_8 = tpu.memref_slice %arg3[%add3A_7] : memref<640000xi32, #tpu.memory_space<hbm>> -> memref<40xi32, #tpu.memory_space<hbm>>
    %dma_start3A_9 = tpu.memref_slice %arg3[%add3A_7] : memref<640000xi32, #tpu.memory_space<hbm>> -> memref<40xi32, #tpu.memory_space<hbm>>
    tpu.enqueue_dma source(%dma_start3A_9 : memref<40xi32, #tpu.memory_space<hbm>>) target(%arg16 : memref<40xi32, #tpu.memory_space<vmem>>) target_semaphore(%arg41 : memref<!tpu.dma_semaphore, #tpu.memory_space<semaphore_mem>>)
    %add3A_10 = arith.constant 40 : i32
    %add3A_11 = arith.addi %mul3A_2, %add3A_10 : i32
    %dma_start3A_12 = tpu.memref_slice %arg3[%add3A_11] : memref<640000xi32, #tpu.memory_space<hbm>> -> memref<40xi32, #tpu.memory_space<hbm>>
    %dma_start3A_13 = tpu.memref_slice %arg3[%add3A_11] : memref<640000xi32, #tpu.memory_space<hbm>> -> memref<40xi32, #tpu.memory_space<hbm>>
    tpu.enqueue_dma source(%dma_start3A_13 : memref<40xi32, #tpu.memory_space<hbm>>) target(%arg7 : memref<40xi32, #tpu.memory_space<vmem>>) target_semaphore(%arg32 : memref<!tpu.dma_semaphore, #tpu.memory_space<semaphore_mem>>)
    %add3A_14 = arith.constant 320000 : i32
    %add3A_15 = arith.addi %add3A_14, %add3A_11 : i32
    %dma_start3A_16 = tpu.memref_slice %arg3[%add3A_15] : memref<640000xi32, #tpu.memory_space<hbm>> -> memref<40xi32, #tpu.memory_space<hbm>>
    %dma_start3A_17 = tpu.memref_slice %arg3[%add3A_15] : memref<640000xi32, #tpu.memory_space<hbm>> -> memref<40xi32, #tpu.memory_space<hbm>>
    tpu.enqueue_dma source(%dma_start3A_17 : memref<40xi32, #tpu.memory_space<hbm>>) target(%arg17 : memref<40xi32, #tpu.memory_space<vmem>>) target_semaphore(%arg42 : memref<!tpu.dma_semaphore, #tpu.memory_space<semaphore_mem>>)
    %add3A_18 = arith.constant 80 : i32
    %add3A_19 = arith.addi %mul3A_2, %add3A_18 : i32
    %dma_start3A_20 = tpu.memref_slice %arg3[%add3A_19] : memref<640000xi32, #tpu.memory_space<hbm>> -> memref<40xi32, #tpu.memory_space<hbm>>
    %dma_start3A_21 = tpu.memref_slice %arg3[%add3A_19] : memref<640000xi32, #tpu.memory_space<hbm>> -> memref<40xi32, #tpu.memory_space<hbm>>
    tpu.enqueue_dma source(%dma_start3A_21 : memref<40xi32, #tpu.memory_space<hbm>>) target(%arg8 : memref<40xi32, #tpu.memory_space<vmem>>) target_semaphore(%arg33 : memref<!tpu.dma_semaphore, #tpu.memory_space<semaphore_mem>>)
    %add3A_22 = arith.constant 320000 : i32
    %add3A_23 = arith.addi %add3A_22, %add3A_19 : i32
    %dma_start3A_24 = tpu.memref_slice %arg3[%add3A_23] : memref<640000xi32, #tpu.memory_space<hbm>> -> memref<40xi32, #tpu.memory_space<hbm>>
    %dma_start3A_25 = tpu.memref_slice %arg3[%add3A_23] : memref<640000xi32, #tpu.memory_space<hbm>> -> memref<40xi32, #tpu.memory_space<hbm>>
    tpu.enqueue_dma source(%dma_start3A_25 : memref<40xi32, #tpu.memory_space<hbm>>) target(%arg18 : memref<40xi32, #tpu.memory_space<vmem>>) target_semaphore(%arg43 : memref<!tpu.dma_semaphore, #tpu.memory_space<semaphore_mem>>)
    %add3A_26 = arith.constant 120 : i32
    %add3A_27 = arith.addi %mul3A_2, %add3A_26 : i32
    %dma_start3A_28 = tpu.memref_slice %arg3[%add3A_27] : memref<640000xi32, #tpu.memory_space<hbm>> -> memref<40xi32, #tpu.memory_space<hbm>>
    %dma_start3A_29 = tpu.memref_slice %arg3[%add3A_27] : memref<640000xi32, #tpu.memory_space<hbm>> -> memref<40xi32, #tpu.memory_space<hbm>>
    tpu.enqueue_dma source(%dma_start3A_29 : memref<40xi32, #tpu.memory_space<hbm>>) target(%arg9 : memref<40xi32, #tpu.memory_space<vmem>>) target_semaphore(%arg34 : memref<!tpu.dma_semaphore, #tpu.memory_space<semaphore_mem>>)
    %add3A_30 = arith.constant 320000 : i32
    %add3A_31 = arith.addi %add3A_30, %add3A_27 : i32
    %dma_start3A_32 = tpu.memref_slice %arg3[%add3A_31] : memref<640000xi32, #tpu.memory_space<hbm>> -> memref<40xi32, #tpu.memory_space<hbm>>
    %dma_start3A_33 = tpu.memref_slice %arg3[%add3A_31] : memref<640000xi32, #tpu.memory_space<hbm>> -> memref<40xi32, #tpu.memory_space<hbm>>
    tpu.enqueue_dma source(%dma_start3A_33 : memref<40xi32, #tpu.memory_space<hbm>>) target(%arg19 : memref<40xi32, #tpu.memory_space<vmem>>) target_semaphore(%arg44 : memref<!tpu.dma_semaphore, #tpu.memory_space<semaphore_mem>>)
    %add3A_34 = arith.constant 160 : i32
    %add3A_35 = arith.addi %mul3A_2, %add3A_34 : i32
    %dma_start3A_36 = tpu.memref_slice %arg3[%add3A_35] : memref<640000xi32, #tpu.memory_space<hbm>> -> memref<40xi32, #tpu.memory_space<hbm>>
    %dma_start3A_37 = tpu.memref_slice %arg3[%add3A_35] : memref<640000xi32, #tpu.memory_space<hbm>> -> memref<40xi32, #tpu.memory_space<hbm>>
    tpu.enqueue_dma source(%dma_start3A_37 : memref<40xi32, #tpu.memory_space<hbm>>) target(%arg10 : memref<40xi32, #tpu.memory_space<vmem>>) target_semaphore(%arg35 : memref<!tpu.dma_semaphore, #tpu.memory_space<semaphore_mem>>)
    %add3A_38 = arith.constant 320000 : i32
    %add3A_39 = arith.addi %add3A_38, %add3A_35 : i32
    %dma_start3A_40 = tpu.memref_slice %arg3[%add3A_39] : memref<640000xi32, #tpu.memory_space<hbm>> -> memref<40xi32, #tpu.memory_space<hbm>>
    %dma_start3A_41 = tpu.memref_slice %arg3[%add3A_39] : memref<640000xi32, #tpu.memory_space<hbm>> -> memref<40xi32, #tpu.memory_space<hbm>>
    tpu.enqueue_dma source(%dma_start3A_41 : memref<40xi32, #tpu.memory_space<hbm>>) target(%arg20 : memref<40xi32, #tpu.memory_space<vmem>>) target_semaphore(%arg45 : memref<!tpu.dma_semaphore, #tpu.memory_space<semaphore_mem>>)
    %mul3A_42 = arith.constant 640 : i32
    %mul3A_43 = arith.muli %arg1, %mul3A_42 : i32
    %mul3A_44 = arith.constant 640 : i32
    %mul3A_45 = arith.muli %arg1, %mul3A_44 : i32
    "tpu.region"() ({
      %run_scoped3A = tpu.sem_alloc : memref<!tpu.dma_semaphore, #tpu.memory_space<semaphore_mem>>
      %dma_start3A_94 = arith.constant 0 : i32
      %dma_start3A_95 = tpu.memref_slice %arg5[%mul3A_45, %dma_start3A_94] : memref<10240x64xf32, #tpu.memory_space<vmem_shared>> -> memref<640x64xf32, #tpu.memory_space<vmem_shared>>
      %dma_start3A_96 = arith.constant 0 : i32
      %dma_start3A_97 = tpu.memref_slice %arg2[%mul3A_43, %dma_start3A_96] : memref<10240x64xf32, #tpu.memory_space<hbm>> -> memref<640x64xf32, #tpu.memory_space<hbm>>
      tpu.enqueue_dma source(%dma_start3A_97 : memref<640x64xf32, #tpu.memory_space<hbm>>) target(%dma_start3A_95 : memref<640x64xf32, #tpu.memory_space<vmem_shared>>) target_semaphore(%run_scoped3A : memref<!tpu.dma_semaphore, #tpu.memory_space<semaphore_mem>>)
      %dma_wait3A_98 = arith.constant 0 : i32
      %dma_wait3A_99 = tpu.memref_slice %arg5[%mul3A_45, %dma_wait3A_98] : memref<10240x64xf32, #tpu.memory_space<vmem_shared>> -> memref<640x64xf32, #tpu.memory_space<vmem_shared>>
      %dma_wait3A_100 = arith.constant 0 : i32
      %dma_wait3A_101 = tpu.memref_slice %arg2[%mul3A_43, %dma_wait3A_100] : memref<10240x64xf32, #tpu.memory_space<hbm>> -> memref<640x64xf32, #tpu.memory_space<hbm>>
      tpu.wait_dma2 semaphore(%run_scoped3A : memref<!tpu.dma_semaphore, #tpu.memory_space<semaphore_mem>>) src(%dma_wait3A_101 : memref<640x64xf32, #tpu.memory_space<hbm>>) dst(%dma_wait3A_99 : memref<640x64xf32, #tpu.memory_space<vmem_shared>>)
      tpu.yield
    }) : () -> ()
    %barrier3A = arith.constant 0 : index
    tpu.barrier barrier_id(%barrier3A)
    %scan3A = arith.constant 0 : i32
    %scan3A_46 = arith.constant 0 : i32
    %scan3A_47 = arith.constant 25 : i32
    %scan3A_48 = arith.addi %scan3A_46, %scan3A_47 : i32
    %scan3A_49 = arith.constant 1 : i32
    scf.for %scan3A_94 = %scan3A_46 to %scan3A_48 step %scan3A_49  : i32 {
      %mul3A_95 = arith.constant 10 : i32
      %mul3A_96 = arith.muli %scan3A_94, %mul3A_95 : i32
      %add3A_97 = arith.constant 0 : i32
      %add3A_98 = arith.addi %mul3A_96, %add3A_97 : i32
      %gt3A = arith.constant 0 : i32
      %gt3A_99 = arith.cmpi sgt, %scan3A_94, %gt3A : i32
      %convert_element_type3A = arith.extui %gt3A_99 : i1 to i32
      %cond3A = arith.constant 0 : i32
      %cond3A_100 = arith.cmpi ne, %convert_element_type3A, %cond3A : i32
      scf.if %cond3A_100 {
        %dma_wait3A_442 = arith.constant 0 : i32
        %dma_wait3A_443 = arith.constant 0 : i32
        %dma_wait3A_444 = tpu.memref_slice %arg5[%dma_wait3A_442, %dma_wait3A_443] : memref<10240x64xf32, #tpu.memory_space<vmem_shared>> -> memref<10240x64xf32, #tpu.memory_space<vmem_shared>>
        tpu.wait_indirect_dma semaphore(%arg56 : memref<!tpu.dma_semaphore, #tpu.memory_space<semaphore_mem>>) src(%arg26 : memref<40x64xf32, #tpu.memory_space<vmem>>) dst(%dma_wait3A_444 : memref<10240x64xf32, #tpu.memory_space<vmem_shared>>)
      } else {
      }
      %mul3A_101 = arith.constant 40 : i32
      %mul3A_102 = arith.muli %add3A_98, %mul3A_101 : i32
      %add3A_103 = arith.addi %mul3A_2, %mul3A_102 : i32
      %dma_wait3A_104 = tpu.memref_slice %arg3[%add3A_103] : memref<640000xi32, #tpu.memory_space<hbm>> -> memref<40xi32, #tpu.memory_space<hbm>>
      %dma_wait3A_105 = tpu.memref_slice %arg3[%add3A_103] : memref<640000xi32, #tpu.memory_space<hbm>> -> memref<40xi32, #tpu.memory_space<hbm>>
      tpu.wait_dma2 semaphore(%arg31 : memref<!tpu.dma_semaphore, #tpu.memory_space<semaphore_mem>>) src(%dma_wait3A_105 : memref<40xi32, #tpu.memory_space<hbm>>) dst(%arg6 : memref<40xi32, #tpu.memory_space<vmem>>)
      %dma_start3A_106 = arith.constant 0 : i32
      %dma_start3A_107 = arith.constant 0 : i32
      %dma_start3A_108 = tpu.memref_slice %arg2[%dma_start3A_106, %dma_start3A_107] : memref<10240x64xf32, #tpu.memory_space<hbm>> -> memref<10240x64xf32, #tpu.memory_space<hbm>>
      tpu.enqueue_indirect_dma source(%dma_start3A_108 : memref<10240x64xf32, #tpu.memory_space<hbm>>) target(%arg26 : memref<40x64xf32, #tpu.memory_space<vmem>>) offsets(%arg6 : memref<40xi32, #tpu.memory_space<vmem>>) semaphore(%arg51 : memref<!tpu.dma_semaphore, #tpu.memory_space<semaphore_mem>>)
      %gt3A_109 = arith.constant 0 : i32
      %gt3A_110 = arith.cmpi sgt, %scan3A_94, %gt3A_109 : i32
      %convert_element_type3A_111 = arith.extui %gt3A_110 : i1 to i32
      %cond3A_112 = arith.constant 0 : i32
      %cond3A_113 = arith.cmpi ne, %convert_element_type3A_111, %cond3A_112 : i32
      scf.if %cond3A_113 {
        %dma_wait3A_442 = arith.constant 0 : i32
        %dma_wait3A_443 = arith.constant 0 : i32
        %dma_wait3A_444 = tpu.memref_slice %arg2[%dma_wait3A_442, %dma_wait3A_443] : memref<10240x64xf32, #tpu.memory_space<hbm>> -> memref<10240x64xf32, #tpu.memory_space<hbm>>
        tpu.wait_indirect_dma semaphore(%arg54 : memref<!tpu.dma_semaphore, #tpu.memory_space<semaphore_mem>>) src(%dma_wait3A_444 : memref<10240x64xf32, #tpu.memory_space<hbm>>) dst(%arg29 : memref<40x64xf32, #tpu.memory_space<vmem>>)
        %sub3A_445 = arith.constant 2 : i32
        %sub3A_446 = arith.subi %add3A_98, %sub3A_445 : i32
        %add3A_447 = arith.constant 320000 : i32
        %add3A_448 = arith.addi %add3A_447, %mul3A_2 : i32
        %mul3A_449 = arith.constant 40 : i32
        %mul3A_450 = arith.muli %sub3A_446, %mul3A_449 : i32
        %add3A_451 = arith.addi %add3A_448, %mul3A_450 : i32
        %dma_wait3A_452 = tpu.memref_slice %arg3[%add3A_451] : memref<640000xi32, #tpu.memory_space<hbm>> -> memref<40xi32, #tpu.memory_space<hbm>>
        %dma_wait3A_453 = tpu.memref_slice %arg3[%add3A_451] : memref<640000xi32, #tpu.memory_space<hbm>> -> memref<40xi32, #tpu.memory_space<hbm>>
        tpu.wait_dma2 semaphore(%arg49 : memref<!tpu.dma_semaphore, #tpu.memory_space<semaphore_mem>>) src(%dma_wait3A_453 : memref<40xi32, #tpu.memory_space<hbm>>) dst(%arg24 : memref<40xi32, #tpu.memory_space<vmem>>)
        %dma_start3A_454 = arith.constant 0 : i32
        %dma_start3A_455 = arith.constant 0 : i32
        %dma_start3A_456 = tpu.memref_slice %arg5[%dma_start3A_454, %dma_start3A_455] : memref<10240x64xf32, #tpu.memory_space<vmem_shared>> -> memref<10240x64xf32, #tpu.memory_space<vmem_shared>>
        tpu.enqueue_indirect_dma source(%arg29 : memref<40x64xf32, #tpu.memory_space<vmem>>) target(%dma_start3A_456 : memref<10240x64xf32, #tpu.memory_space<vmem_shared>>) offsets(%arg24 : memref<40xi32, #tpu.memory_space<vmem>>) semaphore(%arg59 : memref<!tpu.dma_semaphore, #tpu.memory_space<semaphore_mem>>) {add = true}
      } else {
      }
      %add3A_114 = arith.constant 5 : i32
      %add3A_115 = arith.addi %add3A_98, %add3A_114 : i32
      %mul3A_116 = arith.constant 40 : i32
      %mul3A_117 = arith.muli %add3A_115, %mul3A_116 : i32
      %add3A_118 = arith.addi %mul3A_2, %mul3A_117 : i32
      %dma_start3A_119 = tpu.memref_slice %arg3[%add3A_118] : memref<640000xi32, #tpu.memory_space<hbm>> -> memref<40xi32, #tpu.memory_space<hbm>>
      %dma_start3A_120 = tpu.memref_slice %arg3[%add3A_118] : memref<640000xi32, #tpu.memory_space<hbm>> -> memref<40xi32, #tpu.memory_space<hbm>>
      tpu.enqueue_dma source(%dma_start3A_120 : memref<40xi32, #tpu.memory_space<hbm>>) target(%arg11 : memref<40xi32, #tpu.memory_space<vmem>>) target_semaphore(%arg36 : memref<!tpu.dma_semaphore, #tpu.memory_space<semaphore_mem>>)
      %add3A_121 = arith.constant 320000 : i32
      %add3A_122 = arith.addi %add3A_121, %add3A_118 : i32
      %dma_start3A_123 = tpu.memref_slice %arg3[%add3A_122] : memref<640000xi32, #tpu.memory_space<hbm>> -> memref<40xi32, #tpu.memory_space<hbm>>
      %dma_start3A_124 = tpu.memref_slice %arg3[%add3A_122] : memref<640000xi32, #tpu.memory_space<hbm>> -> memref<40xi32, #tpu.memory_space<hbm>>
      tpu.enqueue_dma source(%dma_start3A_124 : memref<40xi32, #tpu.memory_space<hbm>>) target(%arg21 : memref<40xi32, #tpu.memory_space<vmem>>) target_semaphore(%arg46 : memref<!tpu.dma_semaphore, #tpu.memory_space<semaphore_mem>>)
      %add3A_125 = arith.constant 1 : i32
      %add3A_126 = arith.addi %mul3A_96, %add3A_125 : i32
      %gt3A_127 = arith.constant 0 : i32
      %gt3A_128 = arith.cmpi sgt, %scan3A_94, %gt3A_127 : i32
      %convert_element_type3A_129 = arith.extui %gt3A_128 : i1 to i32
      %cond3A_130 = arith.constant 0 : i32
      %cond3A_131 = arith.cmpi ne, %convert_element_type3A_129, %cond3A_130 : i32
      scf.if %cond3A_131 {
        %dma_wait3A_442 = arith.constant 0 : i32
        %dma_wait3A_443 = arith.constant 0 : i32
        %dma_wait3A_444 = tpu.memref_slice %arg5[%dma_wait3A_442, %dma_wait3A_443] : memref<10240x64xf32, #tpu.memory_space<vmem_shared>> -> memref<10240x64xf32, #tpu.memory_space<vmem_shared>>
        tpu.wait_indirect_dma semaphore(%arg57 : memref<!tpu.dma_semaphore, #tpu.memory_space<semaphore_mem>>) src(%arg27 : memref<40x64xf32, #tpu.memory_space<vmem>>) dst(%dma_wait3A_444 : memref<10240x64xf32, #tpu.memory_space<vmem_shared>>)
      } else {
      }
      %mul3A_132 = arith.constant 40 : i32
      %mul3A_133 = arith.muli %add3A_126, %mul3A_132 : i32
      %add3A_134 = arith.addi %mul3A_2, %mul3A_133 : i32
      %dma_wait3A_135 = tpu.memref_slice %arg3[%add3A_134] : memref<640000xi32, #tpu.memory_space<hbm>> -> memref<40xi32, #tpu.memory_space<hbm>>
      %dma_wait3A_136 = tpu.memref_slice %arg3[%add3A_134] : memref<640000xi32, #tpu.memory_space<hbm>> -> memref<40xi32, #tpu.memory_space<hbm>>
      tpu.wait_dma2 semaphore(%arg32 : memref<!tpu.dma_semaphore, #tpu.memory_space<semaphore_mem>>) src(%dma_wait3A_136 : memref<40xi32, #tpu.memory_space<hbm>>) dst(%arg7 : memref<40xi32, #tpu.memory_space<vmem>>)
      %dma_start3A_137 = arith.constant 0 : i32
      %dma_start3A_138 = arith.constant 0 : i32
      %dma_start3A_139 = tpu.memref_slice %arg2[%dma_start3A_137, %dma_start3A_138] : memref<10240x64xf32, #tpu.memory_space<hbm>> -> memref<10240x64xf32, #tpu.memory_space<hbm>>
      tpu.enqueue_indirect_dma source(%dma_start3A_139 : memref<10240x64xf32, #tpu.memory_space<hbm>>) target(%arg27 : memref<40x64xf32, #tpu.memory_space<vmem>>) offsets(%arg7 : memref<40xi32, #tpu.memory_space<vmem>>) semaphore(%arg52 : memref<!tpu.dma_semaphore, #tpu.memory_space<semaphore_mem>>)
      %gt3A_140 = arith.constant 0 : i32
      %gt3A_141 = arith.cmpi sgt, %scan3A_94, %gt3A_140 : i32
      %convert_element_type3A_142 = arith.extui %gt3A_141 : i1 to i32
      %cond3A_143 = arith.constant 0 : i32
      %cond3A_144 = arith.cmpi ne, %convert_element_type3A_142, %cond3A_143 : i32
      scf.if %cond3A_144 {
        %dma_wait3A_442 = arith.constant 0 : i32
        %dma_wait3A_443 = arith.constant 0 : i32
        %dma_wait3A_444 = tpu.memref_slice %arg2[%dma_wait3A_442, %dma_wait3A_443] : memref<10240x64xf32, #tpu.memory_space<hbm>> -> memref<10240x64xf32, #tpu.memory_space<hbm>>
        tpu.wait_indirect_dma semaphore(%arg55 : memref<!tpu.dma_semaphore, #tpu.memory_space<semaphore_mem>>) src(%dma_wait3A_444 : memref<10240x64xf32, #tpu.memory_space<hbm>>) dst(%arg30 : memref<40x64xf32, #tpu.memory_space<vmem>>)
        %sub3A_445 = arith.constant 2 : i32
        %sub3A_446 = arith.subi %add3A_126, %sub3A_445 : i32
        %add3A_447 = arith.constant 320000 : i32
        %add3A_448 = arith.addi %add3A_447, %mul3A_2 : i32
        %mul3A_449 = arith.constant 40 : i32
        %mul3A_450 = arith.muli %sub3A_446, %mul3A_449 : i32
        %add3A_451 = arith.addi %add3A_448, %mul3A_450 : i32
        %dma_wait3A_452 = tpu.memref_slice %arg3[%add3A_451] : memref<640000xi32, #tpu.memory_space<hbm>> -> memref<40xi32, #tpu.memory_space<hbm>>
        %dma_wait3A_453 = tpu.memref_slice %arg3[%add3A_451] : memref<640000xi32, #tpu.memory_space<hbm>> -> memref<40xi32, #tpu.memory_space<hbm>>
        tpu.wait_dma2 semaphore(%arg50 : memref<!tpu.dma_semaphore, #tpu.memory_space<semaphore_mem>>) src(%dma_wait3A_453 : memref<40xi32, #tpu.memory_space<hbm>>) dst(%arg25 : memref<40xi32, #tpu.memory_space<vmem>>)
        %dma_start3A_454 = arith.constant 0 : i32
        %dma_start3A_455 = arith.constant 0 : i32
        %dma_start3A_456 = tpu.memref_slice %arg5[%dma_start3A_454, %dma_start3A_455] : memref<10240x64xf32, #tpu.memory_space<vmem_shared>> -> memref<10240x64xf32, #tpu.memory_space<vmem_shared>>
        tpu.enqueue_indirect_dma source(%arg30 : memref<40x64xf32, #tpu.memory_space<vmem>>) target(%dma_start3A_456 : memref<10240x64xf32, #tpu.memory_space<vmem_shared>>) offsets(%arg25 : memref<40xi32, #tpu.memory_space<vmem>>) semaphore(%arg60 : memref<!tpu.dma_semaphore, #tpu.memory_space<semaphore_mem>>) {add = true}
      } else {
      }
      %add3A_145 = arith.constant 5 : i32
      %add3A_146 = arith.addi %add3A_126, %add3A_145 : i32
      %mul3A_147 = arith.constant 40 : i32
      %mul3A_148 = arith.muli %add3A_146, %mul3A_147 : i32
      %add3A_149 = arith.addi %mul3A_2, %mul3A_148 : i32
      %dma_start3A_150 = tpu.memref_slice %arg3[%add3A_149] : memref<640000xi32, #tpu.memory_space<hbm>> -> memref<40xi32, #tpu.memory_space<hbm>>
      %dma_start3A_151 = tpu.memref_slice %arg3[%add3A_149] : memref<640000xi32, #tpu.memory_space<hbm>> -> memref<40xi32, #tpu.memory_space<hbm>>
      tpu.enqueue_dma source(%dma_start3A_151 : memref<40xi32, #tpu.memory_space<hbm>>) target(%arg12 : memref<40xi32, #tpu.memory_space<vmem>>) target_semaphore(%arg37 : memref<!tpu.dma_semaphore, #tpu.memory_space<semaphore_mem>>)
      %add3A_152 = arith.constant 320000 : i32
      %add3A_153 = arith.addi %add3A_152, %add3A_149 : i32
      %dma_start3A_154 = tpu.memref_slice %arg3[%add3A_153] : memref<640000xi32, #tpu.memory_space<hbm>> -> memref<40xi32, #tpu.memory_space<hbm>>
      %dma_start3A_155 = tpu.memref_slice %arg3[%add3A_153] : memref<640000xi32, #tpu.memory_space<hbm>> -> memref<40xi32, #tpu.memory_space<hbm>>
      tpu.enqueue_dma source(%dma_start3A_155 : memref<40xi32, #tpu.memory_space<hbm>>) target(%arg22 : memref<40xi32, #tpu.memory_space<vmem>>) target_semaphore(%arg47 : memref<!tpu.dma_semaphore, #tpu.memory_space<semaphore_mem>>)
      %add3A_156 = arith.constant 2 : i32
      %add3A_157 = arith.addi %mul3A_96, %add3A_156 : i32
      %gt3A_158 = arith.constant 0 : i32
      %gt3A_159 = arith.cmpi sgt, %scan3A_94, %gt3A_158 : i32
      %convert_element_type3A_160 = arith.extui %gt3A_159 : i1 to i32
      %cond3A_161 = arith.constant 0 : i32
      %cond3A_162 = arith.cmpi ne, %convert_element_type3A_160, %cond3A_161 : i32
      scf.if %cond3A_162 {
        %dma_wait3A_442 = arith.constant 0 : i32
        %dma_wait3A_443 = arith.constant 0 : i32
        %dma_wait3A_444 = tpu.memref_slice %arg5[%dma_wait3A_442, %dma_wait3A_443] : memref<10240x64xf32, #tpu.memory_space<vmem_shared>> -> memref<10240x64xf32, #tpu.memory_space<vmem_shared>>
        tpu.wait_indirect_dma semaphore(%arg58 : memref<!tpu.dma_semaphore, #tpu.memory_space<semaphore_mem>>) src(%arg28 : memref<40x64xf32, #tpu.memory_space<vmem>>) dst(%dma_wait3A_444 : memref<10240x64xf32, #tpu.memory_space<vmem_shared>>)
      } else {
      }
      %mul3A_163 = arith.constant 40 : i32
      %mul3A_164 = arith.muli %add3A_157, %mul3A_163 : i32
      %add3A_165 = arith.addi %mul3A_2, %mul3A_164 : i32
      %dma_wait3A_166 = tpu.memref_slice %arg3[%add3A_165] : memref<640000xi32, #tpu.memory_space<hbm>> -> memref<40xi32, #tpu.memory_space<hbm>>
      %dma_wait3A_167 = tpu.memref_slice %arg3[%add3A_165] : memref<640000xi32, #tpu.memory_space<hbm>> -> memref<40xi32, #tpu.memory_space<hbm>>
      tpu.wait_dma2 semaphore(%arg33 : memref<!tpu.dma_semaphore, #tpu.memory_space<semaphore_mem>>) src(%dma_wait3A_167 : memref<40xi32, #tpu.memory_space<hbm>>) dst(%arg8 : memref<40xi32, #tpu.memory_space<vmem>>)
      %dma_start3A_168 = arith.constant 0 : i32
      %dma_start3A_169 = arith.constant 0 : i32
      %dma_start3A_170 = tpu.memref_slice %arg2[%dma_start3A_168, %dma_start3A_169] : memref<10240x64xf32, #tpu.memory_space<hbm>> -> memref<10240x64xf32, #tpu.memory_space<hbm>>
      tpu.enqueue_indirect_dma source(%dma_start3A_170 : memref<10240x64xf32, #tpu.memory_space<hbm>>) target(%arg28 : memref<40x64xf32, #tpu.memory_space<vmem>>) offsets(%arg8 : memref<40xi32, #tpu.memory_space<vmem>>) semaphore(%arg53 : memref<!tpu.dma_semaphore, #tpu.memory_space<semaphore_mem>>)
      %dma_wait3A_171 = arith.constant 0 : i32
      %dma_wait3A_172 = arith.constant 0 : i32
      %dma_wait3A_173 = tpu.memref_slice %arg2[%dma_wait3A_171, %dma_wait3A_172] : memref<10240x64xf32, #tpu.memory_space<hbm>> -> memref<10240x64xf32, #tpu.memory_space<hbm>>
      tpu.wait_indirect_dma semaphore(%arg51 : memref<!tpu.dma_semaphore, #tpu.memory_space<semaphore_mem>>) src(%dma_wait3A_173 : memref<10240x64xf32, #tpu.memory_space<hbm>>) dst(%arg26 : memref<40x64xf32, #tpu.memory_space<vmem>>)
      %sub3A = arith.constant 2 : i32
      %sub3A_174 = arith.subi %add3A_157, %sub3A : i32
      %add3A_175 = arith.constant 320000 : i32
      %add3A_176 = arith.addi %add3A_175, %mul3A_2 : i32
      %mul3A_177 = arith.constant 40 : i32
      %mul3A_178 = arith.muli %sub3A_174, %mul3A_177 : i32
      %add3A_179 = arith.addi %add3A_176, %mul3A_178 : i32
      %dma_wait3A_180 = tpu.memref_slice %arg3[%add3A_179] : memref<640000xi32, #tpu.memory_space<hbm>> -> memref<40xi32, #tpu.memory_space<hbm>>
      %dma_wait3A_181 = tpu.memref_slice %arg3[%add3A_179] : memref<640000xi32, #tpu.memory_space<hbm>> -> memref<40xi32, #tpu.memory_space<hbm>>
      tpu.wait_dma2 semaphore(%arg41 : memref<!tpu.dma_semaphore, #tpu.memory_space<semaphore_mem>>) src(%dma_wait3A_181 : memref<40xi32, #tpu.memory_space<hbm>>) dst(%arg16 : memref<40xi32, #tpu.memory_space<vmem>>)
      %dma_start3A_182 = arith.constant 0 : i32
      %dma_start3A_183 = arith.constant 0 : i32
      %dma_start3A_184 = tpu.memref_slice %arg5[%dma_start3A_182, %dma_start3A_183] : memref<10240x64xf32, #tpu.memory_space<vmem_shared>> -> memref<10240x64xf32, #tpu.memory_space<vmem_shared>>
      tpu.enqueue_indirect_dma source(%arg26 : memref<40x64xf32, #tpu.memory_space<vmem>>) target(%dma_start3A_184 : memref<10240x64xf32, #tpu.memory_space<vmem_shared>>) offsets(%arg16 : memref<40xi32, #tpu.memory_space<vmem>>) semaphore(%arg56 : memref<!tpu.dma_semaphore, #tpu.memory_space<semaphore_mem>>) {add = true}
      %add3A_185 = arith.constant 5 : i32
      %add3A_186 = arith.addi %add3A_157, %add3A_185 : i32
      %mul3A_187 = arith.constant 40 : i32
      %mul3A_188 = arith.muli %add3A_186, %mul3A_187 : i32
      %add3A_189 = arith.addi %mul3A_2, %mul3A_188 : i32
      %dma_start3A_190 = tpu.memref_slice %arg3[%add3A_189] : memref<640000xi32, #tpu.memory_space<hbm>> -> memref<40xi32, #tpu.memory_space<hbm>>
      %dma_start3A_191 = tpu.memref_slice %arg3[%add3A_189] : memref<640000xi32, #tpu.memory_space<hbm>> -> memref<40xi32, #tpu.memory_space<hbm>>
      tpu.enqueue_dma source(%dma_start3A_191 : memref<40xi32, #tpu.memory_space<hbm>>) target(%arg13 : memref<40xi32, #tpu.memory_space<vmem>>) target_semaphore(%arg38 : memref<!tpu.dma_semaphore, #tpu.memory_space<semaphore_mem>>)
      %add3A_192 = arith.constant 320000 : i32
      %add3A_193 = arith.addi %add3A_192, %add3A_189 : i32
      %dma_start3A_194 = tpu.memref_slice %arg3[%add3A_193] : memref<640000xi32, #tpu.memory_space<hbm>> -> memref<40xi32, #tpu.memory_space<hbm>>
      %dma_start3A_195 = tpu.memref_slice %arg3[%add3A_193] : memref<640000xi32, #tpu.memory_space<hbm>> -> memref<40xi32, #tpu.memory_space<hbm>>
      tpu.enqueue_dma source(%dma_start3A_195 : memref<40xi32, #tpu.memory_space<hbm>>) target(%arg23 : memref<40xi32, #tpu.memory_space<vmem>>) target_semaphore(%arg48 : memref<!tpu.dma_semaphore, #tpu.memory_space<semaphore_mem>>)
      %add3A_196 = arith.constant 3 : i32
      %add3A_197 = arith.addi %mul3A_96, %add3A_196 : i32
      %gt3A_198 = arith.constant 0 : i32
      %gt3A_199 = arith.cmpi sgt, %scan3A_94, %gt3A_198 : i32
      %convert_element_type3A_200 = arith.extui %gt3A_199 : i1 to i32
      %cond3A_201 = arith.constant 0 : i32
      %cond3A_202 = arith.cmpi ne, %convert_element_type3A_200, %cond3A_201 : i32
      scf.if %cond3A_202 {
        %dma_wait3A_442 = arith.constant 0 : i32
        %dma_wait3A_443 = arith.constant 0 : i32
        %dma_wait3A_444 = tpu.memref_slice %arg5[%dma_wait3A_442, %dma_wait3A_443] : memref<10240x64xf32, #tpu.memory_space<vmem_shared>> -> memref<10240x64xf32, #tpu.memory_space<vmem_shared>>
        tpu.wait_indirect_dma semaphore(%arg59 : memref<!tpu.dma_semaphore, #tpu.memory_space<semaphore_mem>>) src(%arg29 : memref<40x64xf32, #tpu.memory_space<vmem>>) dst(%dma_wait3A_444 : memref<10240x64xf32, #tpu.memory_space<vmem_shared>>)
      } else {
      }
      %mul3A_203 = arith.constant 40 : i32
      %mul3A_204 = arith.muli %add3A_197, %mul3A_203 : i32
      %add3A_205 = arith.addi %mul3A_2, %mul3A_204 : i32
      %dma_wait3A_206 = tpu.memref_slice %arg3[%add3A_205] : memref<640000xi32, #tpu.memory_space<hbm>> -> memref<40xi32, #tpu.memory_space<hbm>>
      %dma_wait3A_207 = tpu.memref_slice %arg3[%add3A_205] : memref<640000xi32, #tpu.memory_space<hbm>> -> memref<40xi32, #tpu.memory_space<hbm>>
      tpu.wait_dma2 semaphore(%arg34 : memref<!tpu.dma_semaphore, #tpu.memory_space<semaphore_mem>>) src(%dma_wait3A_207 : memref<40xi32, #tpu.memory_space<hbm>>) dst(%arg9 : memref<40xi32, #tpu.memory_space<vmem>>)
      %dma_start3A_208 = arith.constant 0 : i32
      %dma_start3A_209 = arith.constant 0 : i32
      %dma_start3A_210 = tpu.memref_slice %arg2[%dma_start3A_208, %dma_start3A_209] : memref<10240x64xf32, #tpu.memory_space<hbm>> -> memref<10240x64xf32, #tpu.memory_space<hbm>>
      tpu.enqueue_indirect_dma source(%dma_start3A_210 : memref<10240x64xf32, #tpu.memory_space<hbm>>) target(%arg29 : memref<40x64xf32, #tpu.memory_space<vmem>>) offsets(%arg9 : memref<40xi32, #tpu.memory_space<vmem>>) semaphore(%arg54 : memref<!tpu.dma_semaphore, #tpu.memory_space<semaphore_mem>>)
      %dma_wait3A_211 = arith.constant 0 : i32
      %dma_wait3A_212 = arith.constant 0 : i32
      %dma_wait3A_213 = tpu.memref_slice %arg2[%dma_wait3A_211, %dma_wait3A_212] : memref<10240x64xf32, #tpu.memory_space<hbm>> -> memref<10240x64xf32, #tpu.memory_space<hbm>>
      tpu.wait_indirect_dma semaphore(%arg52 : memref<!tpu.dma_semaphore, #tpu.memory_space<semaphore_mem>>) src(%dma_wait3A_213 : memref<10240x64xf32, #tpu.memory_space<hbm>>) dst(%arg27 : memref<40x64xf32, #tpu.memory_space<vmem>>)
      %sub3A_214 = arith.constant 2 : i32
      %sub3A_215 = arith.subi %add3A_197, %sub3A_214 : i32
      %add3A_216 = arith.constant 320000 : i32
      %add3A_217 = arith.addi %add3A_216, %mul3A_2 : i32
      %mul3A_218 = arith.constant 40 : i32
      %mul3A_219 = arith.muli %sub3A_215, %mul3A_218 : i32
      %add3A_220 = arith.addi %add3A_217, %mul3A_219 : i32
      %dma_wait3A_221 = tpu.memref_slice %arg3[%add3A_220] : memref<640000xi32, #tpu.memory_space<hbm>> -> memref<40xi32, #tpu.memory_space<hbm>>
      %dma_wait3A_222 = tpu.memref_slice %arg3[%add3A_220] : memref<640000xi32, #tpu.memory_space<hbm>> -> memref<40xi32, #tpu.memory_space<hbm>>
      tpu.wait_dma2 semaphore(%arg42 : memref<!tpu.dma_semaphore, #tpu.memory_space<semaphore_mem>>) src(%dma_wait3A_222 : memref<40xi32, #tpu.memory_space<hbm>>) dst(%arg17 : memref<40xi32, #tpu.memory_space<vmem>>)
      %dma_start3A_223 = arith.constant 0 : i32
      %dma_start3A_224 = arith.constant 0 : i32
      %dma_start3A_225 = tpu.memref_slice %arg5[%dma_start3A_223, %dma_start3A_224] : memref<10240x64xf32, #tpu.memory_space<vmem_shared>> -> memref<10240x64xf32, #tpu.memory_space<vmem_shared>>
      tpu.enqueue_indirect_dma source(%arg27 : memref<40x64xf32, #tpu.memory_space<vmem>>) target(%dma_start3A_225 : memref<10240x64xf32, #tpu.memory_space<vmem_shared>>) offsets(%arg17 : memref<40xi32, #tpu.memory_space<vmem>>) semaphore(%arg57 : memref<!tpu.dma_semaphore, #tpu.memory_space<semaphore_mem>>) {add = true}
      %add3A_226 = arith.constant 5 : i32
      %add3A_227 = arith.addi %add3A_197, %add3A_226 : i32
      %mul3A_228 = arith.constant 40 : i32
      %mul3A_229 = arith.muli %add3A_227, %mul3A_228 : i32
      %add3A_230 = arith.addi %mul3A_2, %mul3A_229 : i32
      %dma_start3A_231 = tpu.memref_slice %arg3[%add3A_230] : memref<640000xi32, #tpu.memory_space<hbm>> -> memref<40xi32, #tpu.memory_space<hbm>>
      %dma_start3A_232 = tpu.memref_slice %arg3[%add3A_230] : memref<640000xi32, #tpu.memory_space<hbm>> -> memref<40xi32, #tpu.memory_space<hbm>>
      tpu.enqueue_dma source(%dma_start3A_232 : memref<40xi32, #tpu.memory_space<hbm>>) target(%arg14 : memref<40xi32, #tpu.memory_space<vmem>>) target_semaphore(%arg39 : memref<!tpu.dma_semaphore, #tpu.memory_space<semaphore_mem>>)
      %add3A_233 = arith.constant 320000 : i32
      %add3A_234 = arith.addi %add3A_233, %add3A_230 : i32
      %dma_start3A_235 = tpu.memref_slice %arg3[%add3A_234] : memref<640000xi32, #tpu.memory_space<hbm>> -> memref<40xi32, #tpu.memory_space<hbm>>
      %dma_start3A_236 = tpu.memref_slice %arg3[%add3A_234] : memref<640000xi32, #tpu.memory_space<hbm>> -> memref<40xi32, #tpu.memory_space<hbm>>
      tpu.enqueue_dma source(%dma_start3A_236 : memref<40xi32, #tpu.memory_space<hbm>>) target(%arg24 : memref<40xi32, #tpu.memory_space<vmem>>) target_semaphore(%arg49 : memref<!tpu.dma_semaphore, #tpu.memory_space<semaphore_mem>>)
      %add3A_237 = arith.constant 4 : i32
      %add3A_238 = arith.addi %mul3A_96, %add3A_237 : i32
      %gt3A_239 = arith.constant 0 : i32
      %gt3A_240 = arith.cmpi sgt, %scan3A_94, %gt3A_239 : i32
      %convert_element_type3A_241 = arith.extui %gt3A_240 : i1 to i32
      %cond3A_242 = arith.constant 0 : i32
      %cond3A_243 = arith.cmpi ne, %convert_element_type3A_241, %cond3A_242 : i32
      scf.if %cond3A_243 {
        %dma_wait3A_442 = arith.constant 0 : i32
        %dma_wait3A_443 = arith.constant 0 : i32
        %dma_wait3A_444 = tpu.memref_slice %arg5[%dma_wait3A_442, %dma_wait3A_443] : memref<10240x64xf32, #tpu.memory_space<vmem_shared>> -> memref<10240x64xf32, #tpu.memory_space<vmem_shared>>
        tpu.wait_indirect_dma semaphore(%arg60 : memref<!tpu.dma_semaphore, #tpu.memory_space<semaphore_mem>>) src(%arg30 : memref<40x64xf32, #tpu.memory_space<vmem>>) dst(%dma_wait3A_444 : memref<10240x64xf32, #tpu.memory_space<vmem_shared>>)
      } else {
      }
      %mul3A_244 = arith.constant 40 : i32
      %mul3A_245 = arith.muli %add3A_238, %mul3A_244 : i32
      %add3A_246 = arith.addi %mul3A_2, %mul3A_245 : i32
      %dma_wait3A_247 = tpu.memref_slice %arg3[%add3A_246] : memref<640000xi32, #tpu.memory_space<hbm>> -> memref<40xi32, #tpu.memory_space<hbm>>
      %dma_wait3A_248 = tpu.memref_slice %arg3[%add3A_246] : memref<640000xi32, #tpu.memory_space<hbm>> -> memref<40xi32, #tpu.memory_space<hbm>>
      tpu.wait_dma2 semaphore(%arg35 : memref<!tpu.dma_semaphore, #tpu.memory_space<semaphore_mem>>) src(%dma_wait3A_248 : memref<40xi32, #tpu.memory_space<hbm>>) dst(%arg10 : memref<40xi32, #tpu.memory_space<vmem>>)
      %dma_start3A_249 = arith.constant 0 : i32
      %dma_start3A_250 = arith.constant 0 : i32
      %dma_start3A_251 = tpu.memref_slice %arg2[%dma_start3A_249, %dma_start3A_250] : memref<10240x64xf32, #tpu.memory_space<hbm>> -> memref<10240x64xf32, #tpu.memory_space<hbm>>
      tpu.enqueue_indirect_dma source(%dma_start3A_251 : memref<10240x64xf32, #tpu.memory_space<hbm>>) target(%arg30 : memref<40x64xf32, #tpu.memory_space<vmem>>) offsets(%arg10 : memref<40xi32, #tpu.memory_space<vmem>>) semaphore(%arg55 : memref<!tpu.dma_semaphore, #tpu.memory_space<semaphore_mem>>)
      %dma_wait3A_252 = arith.constant 0 : i32
      %dma_wait3A_253 = arith.constant 0 : i32
      %dma_wait3A_254 = tpu.memref_slice %arg2[%dma_wait3A_252, %dma_wait3A_253] : memref<10240x64xf32, #tpu.memory_space<hbm>> -> memref<10240x64xf32, #tpu.memory_space<hbm>>
      tpu.wait_indirect_dma semaphore(%arg53 : memref<!tpu.dma_semaphore, #tpu.memory_space<semaphore_mem>>) src(%dma_wait3A_254 : memref<10240x64xf32, #tpu.memory_space<hbm>>) dst(%arg28 : memref<40x64xf32, #tpu.memory_space<vmem>>)
      %sub3A_255 = arith.constant 2 : i32
      %sub3A_256 = arith.subi %add3A_238, %sub3A_255 : i32
      %add3A_257 = arith.constant 320000 : i32
      %add3A_258 = arith.addi %add3A_257, %mul3A_2 : i32
      %mul3A_259 = arith.constant 40 : i32
      %mul3A_260 = arith.muli %sub3A_256, %mul3A_259 : i32
      %add3A_261 = arith.addi %add3A_258, %mul3A_260 : i32
      %dma_wait3A_262 = tpu.memref_slice %arg3[%add3A_261] : memref<640000xi32, #tpu.memory_space<hbm>> -> memref<40xi32, #tpu.memory_space<hbm>>
      %dma_wait3A_263 = tpu.memref_slice %arg3[%add3A_261] : memref<640000xi32, #tpu.memory_space<hbm>> -> memref<40xi32, #tpu.memory_space<hbm>>
      tpu.wait_dma2 semaphore(%arg43 : memref<!tpu.dma_semaphore, #tpu.memory_space<semaphore_mem>>) src(%dma_wait3A_263 : memref<40xi32, #tpu.memory_space<hbm>>) dst(%arg18 : memref<40xi32, #tpu.memory_space<vmem>>)
      %dma_start3A_264 = arith.constant 0 : i32
      %dma_start3A_265 = arith.constant 0 : i32
      %dma_start3A_266 = tpu.memref_slice %arg5[%dma_start3A_264, %dma_start3A_265] : memref<10240x64xf32, #tpu.memory_space<vmem_shared>> -> memref<10240x64xf32, #tpu.memory_space<vmem_shared>>
      tpu.enqueue_indirect_dma source(%arg28 : memref<40x64xf32, #tpu.memory_space<vmem>>) target(%dma_start3A_266 : memref<10240x64xf32, #tpu.memory_space<vmem_shared>>) offsets(%arg18 : memref<40xi32, #tpu.memory_space<vmem>>) semaphore(%arg58 : memref<!tpu.dma_semaphore, #tpu.memory_space<semaphore_mem>>) {add = true}
      %add3A_267 = arith.constant 5 : i32
      %add3A_268 = arith.addi %add3A_238, %add3A_267 : i32
      %mul3A_269 = arith.constant 40 : i32
      %mul3A_270 = arith.muli %add3A_268, %mul3A_269 : i32
      %add3A_271 = arith.addi %mul3A_2, %mul3A_270 : i32
      %dma_start3A_272 = tpu.memref_slice %arg3[%add3A_271] : memref<640000xi32, #tpu.memory_space<hbm>> -> memref<40xi32, #tpu.memory_space<hbm>>
      %dma_start3A_273 = tpu.memref_slice %arg3[%add3A_271] : memref<640000xi32, #tpu.memory_space<hbm>> -> memref<40xi32, #tpu.memory_space<hbm>>
      tpu.enqueue_dma source(%dma_start3A_273 : memref<40xi32, #tpu.memory_space<hbm>>) target(%arg15 : memref<40xi32, #tpu.memory_space<vmem>>) target_semaphore(%arg40 : memref<!tpu.dma_semaphore, #tpu.memory_space<semaphore_mem>>)
      %add3A_274 = arith.constant 320000 : i32
      %add3A_275 = arith.addi %add3A_274, %add3A_271 : i32
      %dma_start3A_276 = tpu.memref_slice %arg3[%add3A_275] : memref<640000xi32, #tpu.memory_space<hbm>> -> memref<40xi32, #tpu.memory_space<hbm>>
      %dma_start3A_277 = tpu.memref_slice %arg3[%add3A_275] : memref<640000xi32, #tpu.memory_space<hbm>> -> memref<40xi32, #tpu.memory_space<hbm>>
      tpu.enqueue_dma source(%dma_start3A_277 : memref<40xi32, #tpu.memory_space<hbm>>) target(%arg25 : memref<40xi32, #tpu.memory_space<vmem>>) target_semaphore(%arg50 : memref<!tpu.dma_semaphore, #tpu.memory_space<semaphore_mem>>)
      %add3A_278 = arith.constant 5 : i32
      %add3A_279 = arith.addi %mul3A_96, %add3A_278 : i32
      %dma_wait3A_280 = arith.constant 0 : i32
      %dma_wait3A_281 = arith.constant 0 : i32
      %dma_wait3A_282 = tpu.memref_slice %arg5[%dma_wait3A_280, %dma_wait3A_281] : memref<10240x64xf32, #tpu.memory_space<vmem_shared>> -> memref<10240x64xf32, #tpu.memory_space<vmem_shared>>
      tpu.wait_indirect_dma semaphore(%arg56 : memref<!tpu.dma_semaphore, #tpu.memory_space<semaphore_mem>>) src(%arg26 : memref<40x64xf32, #tpu.memory_space<vmem>>) dst(%dma_wait3A_282 : memref<10240x64xf32, #tpu.memory_space<vmem_shared>>)
      %mul3A_283 = arith.constant 40 : i32
      %mul3A_284 = arith.muli %add3A_279, %mul3A_283 : i32
      %add3A_285 = arith.addi %mul3A_2, %mul3A_284 : i32
      %dma_wait3A_286 = tpu.memref_slice %arg3[%add3A_285] : memref<640000xi32, #tpu.memory_space<hbm>> -> memref<40xi32, #tpu.memory_space<hbm>>
      %dma_wait3A_287 = tpu.memref_slice %arg3[%add3A_285] : memref<640000xi32, #tpu.memory_space<hbm>> -> memref<40xi32, #tpu.memory_space<hbm>>
      tpu.wait_dma2 semaphore(%arg36 : memref<!tpu.dma_semaphore, #tpu.memory_space<semaphore_mem>>) src(%dma_wait3A_287 : memref<40xi32, #tpu.memory_space<hbm>>) dst(%arg11 : memref<40xi32, #tpu.memory_space<vmem>>)
      %dma_start3A_288 = arith.constant 0 : i32
      %dma_start3A_289 = arith.constant 0 : i32
      %dma_start3A_290 = tpu.memref_slice %arg2[%dma_start3A_288, %dma_start3A_289] : memref<10240x64xf32, #tpu.memory_space<hbm>> -> memref<10240x64xf32, #tpu.memory_space<hbm>>
      tpu.enqueue_indirect_dma source(%dma_start3A_290 : memref<10240x64xf32, #tpu.memory_space<hbm>>) target(%arg26 : memref<40x64xf32, #tpu.memory_space<vmem>>) offsets(%arg11 : memref<40xi32, #tpu.memory_space<vmem>>) semaphore(%arg51 : memref<!tpu.dma_semaphore, #tpu.memory_space<semaphore_mem>>)
      %dma_wait3A_291 = arith.constant 0 : i32
      %dma_wait3A_292 = arith.constant 0 : i32
      %dma_wait3A_293 = tpu.memref_slice %arg2[%dma_wait3A_291, %dma_wait3A_292] : memref<10240x64xf32, #tpu.memory_space<hbm>> -> memref<10240x64xf32, #tpu.memory_space<hbm>>
      tpu.wait_indirect_dma semaphore(%arg54 : memref<!tpu.dma_semaphore, #tpu.memory_space<semaphore_mem>>) src(%dma_wait3A_293 : memref<10240x64xf32, #tpu.memory_space<hbm>>) dst(%arg29 : memref<40x64xf32, #tpu.memory_space<vmem>>)
      %sub3A_294 = arith.constant 2 : i32
      %sub3A_295 = arith.subi %add3A_279, %sub3A_294 : i32
      %add3A_296 = arith.constant 320000 : i32
      %add3A_297 = arith.addi %add3A_296, %mul3A_2 : i32
      %mul3A_298 = arith.constant 40 : i32
      %mul3A_299 = arith.muli %sub3A_295, %mul3A_298 : i32
      %add3A_300 = arith.addi %add3A_297, %mul3A_299 : i32
      %dma_wait3A_301 = tpu.memref_slice %arg3[%add3A_300] : memref<640000xi32, #tpu.memory_space<hbm>> -> memref<40xi32, #tpu.memory_space<hbm>>
      %dma_wait3A_302 = tpu.memref_slice %arg3[%add3A_300] : memref<640000xi32, #tpu.memory_space<hbm>> -> memref<40xi32, #tpu.memory_space<hbm>>
      tpu.wait_dma2 semaphore(%arg44 : memref<!tpu.dma_semaphore, #tpu.memory_space<semaphore_mem>>) src(%dma_wait3A_302 : memref<40xi32, #tpu.memory_space<hbm>>) dst(%arg19 : memref<40xi32, #tpu.memory_space<vmem>>)
      %dma_start3A_303 = arith.constant 0 : i32
      %dma_start3A_304 = arith.constant 0 : i32
      %dma_start3A_305 = tpu.memref_slice %arg5[%dma_start3A_303, %dma_start3A_304] : memref<10240x64xf32, #tpu.memory_space<vmem_shared>> -> memref<10240x64xf32, #tpu.memory_space<vmem_shared>>
      tpu.enqueue_indirect_dma source(%arg29 : memref<40x64xf32, #tpu.memory_space<vmem>>) target(%dma_start3A_305 : memref<10240x64xf32, #tpu.memory_space<vmem_shared>>) offsets(%arg19 : memref<40xi32, #tpu.memory_space<vmem>>) semaphore(%arg59 : memref<!tpu.dma_semaphore, #tpu.memory_space<semaphore_mem>>) {add = true}
      %lt3A = arith.constant 24 : i32
      %lt3A_306 = arith.cmpi slt, %scan3A_94, %lt3A : i32
      %convert_element_type3A_307 = arith.extui %lt3A_306 : i1 to i32
      %cond3A_308 = arith.constant 0 : i32
      %cond3A_309 = arith.cmpi ne, %convert_element_type3A_307, %cond3A_308 : i32
      scf.if %cond3A_309 {
        %add3A_442 = arith.constant 5 : i32
        %add3A_443 = arith.addi %add3A_279, %add3A_442 : i32
        %mul3A_444 = arith.constant 40 : i32
        %mul3A_445 = arith.muli %add3A_443, %mul3A_444 : i32
        %add3A_446 = arith.addi %mul3A_2, %mul3A_445 : i32
        %dma_start3A_447 = tpu.memref_slice %arg3[%add3A_446] : memref<640000xi32, #tpu.memory_space<hbm>> -> memref<40xi32, #tpu.memory_space<hbm>>
        %dma_start3A_448 = tpu.memref_slice %arg3[%add3A_446] : memref<640000xi32, #tpu.memory_space<hbm>> -> memref<40xi32, #tpu.memory_space<hbm>>
        tpu.enqueue_dma source(%dma_start3A_448 : memref<40xi32, #tpu.memory_space<hbm>>) target(%arg6 : memref<40xi32, #tpu.memory_space<vmem>>) target_semaphore(%arg31 : memref<!tpu.dma_semaphore, #tpu.memory_space<semaphore_mem>>)
        %add3A_449 = arith.constant 320000 : i32
        %add3A_450 = arith.addi %add3A_449, %add3A_446 : i32
        %dma_start3A_451 = tpu.memref_slice %arg3[%add3A_450] : memref<640000xi32, #tpu.memory_space<hbm>> -> memref<40xi32, #tpu.memory_space<hbm>>
        %dma_start3A_452 = tpu.memref_slice %arg3[%add3A_450] : memref<640000xi32, #tpu.memory_space<hbm>> -> memref<40xi32, #tpu.memory_space<hbm>>
        tpu.enqueue_dma source(%dma_start3A_452 : memref<40xi32, #tpu.memory_space<hbm>>) target(%arg16 : memref<40xi32, #tpu.memory_space<vmem>>) target_semaphore(%arg41 : memref<!tpu.dma_semaphore, #tpu.memory_space<semaphore_mem>>)
      } else {
      }
      %add3A_310 = arith.constant 6 : i32
      %add3A_311 = arith.addi %mul3A_96, %add3A_310 : i32
      %dma_wait3A_312 = arith.constant 0 : i32
      %dma_wait3A_313 = arith.constant 0 : i32
      %dma_wait3A_314 = tpu.memref_slice %arg5[%dma_wait3A_312, %dma_wait3A_313] : memref<10240x64xf32, #tpu.memory_space<vmem_shared>> -> memref<10240x64xf32, #tpu.memory_space<vmem_shared>>
      tpu.wait_indirect_dma semaphore(%arg57 : memref<!tpu.dma_semaphore, #tpu.memory_space<semaphore_mem>>) src(%arg27 : memref<40x64xf32, #tpu.memory_space<vmem>>) dst(%dma_wait3A_314 : memref<10240x64xf32, #tpu.memory_space<vmem_shared>>)
      %mul3A_315 = arith.constant 40 : i32
      %mul3A_316 = arith.muli %add3A_311, %mul3A_315 : i32
      %add3A_317 = arith.addi %mul3A_2, %mul3A_316 : i32
      %dma_wait3A_318 = tpu.memref_slice %arg3[%add3A_317] : memref<640000xi32, #tpu.memory_space<hbm>> -> memref<40xi32, #tpu.memory_space<hbm>>
      %dma_wait3A_319 = tpu.memref_slice %arg3[%add3A_317] : memref<640000xi32, #tpu.memory_space<hbm>> -> memref<40xi32, #tpu.memory_space<hbm>>
      tpu.wait_dma2 semaphore(%arg37 : memref<!tpu.dma_semaphore, #tpu.memory_space<semaphore_mem>>) src(%dma_wait3A_319 : memref<40xi32, #tpu.memory_space<hbm>>) dst(%arg12 : memref<40xi32, #tpu.memory_space<vmem>>)
      %dma_start3A_320 = arith.constant 0 : i32
      %dma_start3A_321 = arith.constant 0 : i32
      %dma_start3A_322 = tpu.memref_slice %arg2[%dma_start3A_320, %dma_start3A_321] : memref<10240x64xf32, #tpu.memory_space<hbm>> -> memref<10240x64xf32, #tpu.memory_space<hbm>>
      tpu.enqueue_indirect_dma source(%dma_start3A_322 : memref<10240x64xf32, #tpu.memory_space<hbm>>) target(%arg27 : memref<40x64xf32, #tpu.memory_space<vmem>>) offsets(%arg12 : memref<40xi32, #tpu.memory_space<vmem>>) semaphore(%arg52 : memref<!tpu.dma_semaphore, #tpu.memory_space<semaphore_mem>>)
      %dma_wait3A_323 = arith.constant 0 : i32
      %dma_wait3A_324 = arith.constant 0 : i32
      %dma_wait3A_325 = tpu.memref_slice %arg2[%dma_wait3A_323, %dma_wait3A_324] : memref<10240x64xf32, #tpu.memory_space<hbm>> -> memref<10240x64xf32, #tpu.memory_space<hbm>>
      tpu.wait_indirect_dma semaphore(%arg55 : memref<!tpu.dma_semaphore, #tpu.memory_space<semaphore_mem>>) src(%dma_wait3A_325 : memref<10240x64xf32, #tpu.memory_space<hbm>>) dst(%arg30 : memref<40x64xf32, #tpu.memory_space<vmem>>)
      %sub3A_326 = arith.constant 2 : i32
      %sub3A_327 = arith.subi %add3A_311, %sub3A_326 : i32
      %add3A_328 = arith.constant 320000 : i32
      %add3A_329 = arith.addi %add3A_328, %mul3A_2 : i32
      %mul3A_330 = arith.constant 40 : i32
      %mul3A_331 = arith.muli %sub3A_327, %mul3A_330 : i32
      %add3A_332 = arith.addi %add3A_329, %mul3A_331 : i32
      %dma_wait3A_333 = tpu.memref_slice %arg3[%add3A_332] : memref<640000xi32, #tpu.memory_space<hbm>> -> memref<40xi32, #tpu.memory_space<hbm>>
      %dma_wait3A_334 = tpu.memref_slice %arg3[%add3A_332] : memref<640000xi32, #tpu.memory_space<hbm>> -> memref<40xi32, #tpu.memory_space<hbm>>
      tpu.wait_dma2 semaphore(%arg45 : memref<!tpu.dma_semaphore, #tpu.memory_space<semaphore_mem>>) src(%dma_wait3A_334 : memref<40xi32, #tpu.memory_space<hbm>>) dst(%arg20 : memref<40xi32, #tpu.memory_space<vmem>>)
      %dma_start3A_335 = arith.constant 0 : i32
      %dma_start3A_336 = arith.constant 0 : i32
      %dma_start3A_337 = tpu.memref_slice %arg5[%dma_start3A_335, %dma_start3A_336] : memref<10240x64xf32, #tpu.memory_space<vmem_shared>> -> memref<10240x64xf32, #tpu.memory_space<vmem_shared>>
      tpu.enqueue_indirect_dma source(%arg30 : memref<40x64xf32, #tpu.memory_space<vmem>>) target(%dma_start3A_337 : memref<10240x64xf32, #tpu.memory_space<vmem_shared>>) offsets(%arg20 : memref<40xi32, #tpu.memory_space<vmem>>) semaphore(%arg60 : memref<!tpu.dma_semaphore, #tpu.memory_space<semaphore_mem>>) {add = true}
      %lt3A_338 = arith.constant 24 : i32
      %lt3A_339 = arith.cmpi slt, %scan3A_94, %lt3A_338 : i32
      %convert_element_type3A_340 = arith.extui %lt3A_339 : i1 to i32
      %cond3A_341 = arith.constant 0 : i32
      %cond3A_342 = arith.cmpi ne, %convert_element_type3A_340, %cond3A_341 : i32
      scf.if %cond3A_342 {
        %add3A_442 = arith.constant 5 : i32
        %add3A_443 = arith.addi %add3A_311, %add3A_442 : i32
        %mul3A_444 = arith.constant 40 : i32
        %mul3A_445 = arith.muli %add3A_443, %mul3A_444 : i32
        %add3A_446 = arith.addi %mul3A_2, %mul3A_445 : i32
        %dma_start3A_447 = tpu.memref_slice %arg3[%add3A_446] : memref<640000xi32, #tpu.memory_space<hbm>> -> memref<40xi32, #tpu.memory_space<hbm>>
        %dma_start3A_448 = tpu.memref_slice %arg3[%add3A_446] : memref<640000xi32, #tpu.memory_space<hbm>> -> memref<40xi32, #tpu.memory_space<hbm>>
        tpu.enqueue_dma source(%dma_start3A_448 : memref<40xi32, #tpu.memory_space<hbm>>) target(%arg7 : memref<40xi32, #tpu.memory_space<vmem>>) target_semaphore(%arg32 : memref<!tpu.dma_semaphore, #tpu.memory_space<semaphore_mem>>)
        %add3A_449 = arith.constant 320000 : i32
        %add3A_450 = arith.addi %add3A_449, %add3A_446 : i32
        %dma_start3A_451 = tpu.memref_slice %arg3[%add3A_450] : memref<640000xi32, #tpu.memory_space<hbm>> -> memref<40xi32, #tpu.memory_space<hbm>>
        %dma_start3A_452 = tpu.memref_slice %arg3[%add3A_450] : memref<640000xi32, #tpu.memory_space<hbm>> -> memref<40xi32, #tpu.memory_space<hbm>>
        tpu.enqueue_dma source(%dma_start3A_452 : memref<40xi32, #tpu.memory_space<hbm>>) target(%arg17 : memref<40xi32, #tpu.memory_space<vmem>>) target_semaphore(%arg42 : memref<!tpu.dma_semaphore, #tpu.memory_space<semaphore_mem>>)
      } else {
      }
      %add3A_343 = arith.constant 7 : i32
      %add3A_344 = arith.addi %mul3A_96, %add3A_343 : i32
      %dma_wait3A_345 = arith.constant 0 : i32
      %dma_wait3A_346 = arith.constant 0 : i32
      %dma_wait3A_347 = tpu.memref_slice %arg5[%dma_wait3A_345, %dma_wait3A_346] : memref<10240x64xf32, #tpu.memory_space<vmem_shared>> -> memref<10240x64xf32, #tpu.memory_space<vmem_shared>>
      tpu.wait_indirect_dma semaphore(%arg58 : memref<!tpu.dma_semaphore, #tpu.memory_space<semaphore_mem>>) src(%arg28 : memref<40x64xf32, #tpu.memory_space<vmem>>) dst(%dma_wait3A_347 : memref<10240x64xf32, #tpu.memory_space<vmem_shared>>)
      %mul3A_348 = arith.constant 40 : i32
      %mul3A_349 = arith.muli %add3A_344, %mul3A_348 : i32
      %add3A_350 = arith.addi %mul3A_2, %mul3A_349 : i32
      %dma_wait3A_351 = tpu.memref_slice %arg3[%add3A_350] : memref<640000xi32, #tpu.memory_space<hbm>> -> memref<40xi32, #tpu.memory_space<hbm>>
      %dma_wait3A_352 = tpu.memref_slice %arg3[%add3A_350] : memref<640000xi32, #tpu.memory_space<hbm>> -> memref<40xi32, #tpu.memory_space<hbm>>
      tpu.wait_dma2 semaphore(%arg38 : memref<!tpu.dma_semaphore, #tpu.memory_space<semaphore_mem>>) src(%dma_wait3A_352 : memref<40xi32, #tpu.memory_space<hbm>>) dst(%arg13 : memref<40xi32, #tpu.memory_space<vmem>>)
      %dma_start3A_353 = arith.constant 0 : i32
      %dma_start3A_354 = arith.constant 0 : i32
      %dma_start3A_355 = tpu.memref_slice %arg2[%dma_start3A_353, %dma_start3A_354] : memref<10240x64xf32, #tpu.memory_space<hbm>> -> memref<10240x64xf32, #tpu.memory_space<hbm>>
      tpu.enqueue_indirect_dma source(%dma_start3A_355 : memref<10240x64xf32, #tpu.memory_space<hbm>>) target(%arg28 : memref<40x64xf32, #tpu.memory_space<vmem>>) offsets(%arg13 : memref<40xi32, #tpu.memory_space<vmem>>) semaphore(%arg53 : memref<!tpu.dma_semaphore, #tpu.memory_space<semaphore_mem>>)
      %dma_wait3A_356 = arith.constant 0 : i32
      %dma_wait3A_357 = arith.constant 0 : i32
      %dma_wait3A_358 = tpu.memref_slice %arg2[%dma_wait3A_356, %dma_wait3A_357] : memref<10240x64xf32, #tpu.memory_space<hbm>> -> memref<10240x64xf32, #tpu.memory_space<hbm>>
      tpu.wait_indirect_dma semaphore(%arg51 : memref<!tpu.dma_semaphore, #tpu.memory_space<semaphore_mem>>) src(%dma_wait3A_358 : memref<10240x64xf32, #tpu.memory_space<hbm>>) dst(%arg26 : memref<40x64xf32, #tpu.memory_space<vmem>>)
      %sub3A_359 = arith.constant 2 : i32
      %sub3A_360 = arith.subi %add3A_344, %sub3A_359 : i32
      %add3A_361 = arith.constant 320000 : i32
      %add3A_362 = arith.addi %add3A_361, %mul3A_2 : i32
      %mul3A_363 = arith.constant 40 : i32
      %mul3A_364 = arith.muli %sub3A_360, %mul3A_363 : i32
      %add3A_365 = arith.addi %add3A_362, %mul3A_364 : i32
      %dma_wait3A_366 = tpu.memref_slice %arg3[%add3A_365] : memref<640000xi32, #tpu.memory_space<hbm>> -> memref<40xi32, #tpu.memory_space<hbm>>
      %dma_wait3A_367 = tpu.memref_slice %arg3[%add3A_365] : memref<640000xi32, #tpu.memory_space<hbm>> -> memref<40xi32, #tpu.memory_space<hbm>>
      tpu.wait_dma2 semaphore(%arg46 : memref<!tpu.dma_semaphore, #tpu.memory_space<semaphore_mem>>) src(%dma_wait3A_367 : memref<40xi32, #tpu.memory_space<hbm>>) dst(%arg21 : memref<40xi32, #tpu.memory_space<vmem>>)
      %dma_start3A_368 = arith.constant 0 : i32
      %dma_start3A_369 = arith.constant 0 : i32
      %dma_start3A_370 = tpu.memref_slice %arg5[%dma_start3A_368, %dma_start3A_369] : memref<10240x64xf32, #tpu.memory_space<vmem_shared>> -> memref<10240x64xf32, #tpu.memory_space<vmem_shared>>
      tpu.enqueue_indirect_dma source(%arg26 : memref<40x64xf32, #tpu.memory_space<vmem>>) target(%dma_start3A_370 : memref<10240x64xf32, #tpu.memory_space<vmem_shared>>) offsets(%arg21 : memref<40xi32, #tpu.memory_space<vmem>>) semaphore(%arg56 : memref<!tpu.dma_semaphore, #tpu.memory_space<semaphore_mem>>) {add = true}
      %lt3A_371 = arith.constant 24 : i32
      %lt3A_372 = arith.cmpi slt, %scan3A_94, %lt3A_371 : i32
      %convert_element_type3A_373 = arith.extui %lt3A_372 : i1 to i32
      %cond3A_374 = arith.constant 0 : i32
      %cond3A_375 = arith.cmpi ne, %convert_element_type3A_373, %cond3A_374 : i32
      scf.if %cond3A_375 {
        %add3A_442 = arith.constant 5 : i32
        %add3A_443 = arith.addi %add3A_344, %add3A_442 : i32
        %mul3A_444 = arith.constant 40 : i32
        %mul3A_445 = arith.muli %add3A_443, %mul3A_444 : i32
        %add3A_446 = arith.addi %mul3A_2, %mul3A_445 : i32
        %dma_start3A_447 = tpu.memref_slice %arg3[%add3A_446] : memref<640000xi32, #tpu.memory_space<hbm>> -> memref<40xi32, #tpu.memory_space<hbm>>
        %dma_start3A_448 = tpu.memref_slice %arg3[%add3A_446] : memref<640000xi32, #tpu.memory_space<hbm>> -> memref<40xi32, #tpu.memory_space<hbm>>
        tpu.enqueue_dma source(%dma_start3A_448 : memref<40xi32, #tpu.memory_space<hbm>>) target(%arg8 : memref<40xi32, #tpu.memory_space<vmem>>) target_semaphore(%arg33 : memref<!tpu.dma_semaphore, #tpu.memory_space<semaphore_mem>>)
        %add3A_449 = arith.constant 320000 : i32
        %add3A_450 = arith.addi %add3A_449, %add3A_446 : i32
        %dma_start3A_451 = tpu.memref_slice %arg3[%add3A_450] : memref<640000xi32, #tpu.memory_space<hbm>> -> memref<40xi32, #tpu.memory_space<hbm>>
        %dma_start3A_452 = tpu.memref_slice %arg3[%add3A_450] : memref<640000xi32, #tpu.memory_space<hbm>> -> memref<40xi32, #tpu.memory_space<hbm>>
        tpu.enqueue_dma source(%dma_start3A_452 : memref<40xi32, #tpu.memory_space<hbm>>) target(%arg18 : memref<40xi32, #tpu.memory_space<vmem>>) target_semaphore(%arg43 : memref<!tpu.dma_semaphore, #tpu.memory_space<semaphore_mem>>)
      } else {
      }
      %add3A_376 = arith.constant 8 : i32
      %add3A_377 = arith.addi %mul3A_96, %add3A_376 : i32
      %dma_wait3A_378 = arith.constant 0 : i32
      %dma_wait3A_379 = arith.constant 0 : i32
      %dma_wait3A_380 = tpu.memref_slice %arg5[%dma_wait3A_378, %dma_wait3A_379] : memref<10240x64xf32, #tpu.memory_space<vmem_shared>> -> memref<10240x64xf32, #tpu.memory_space<vmem_shared>>
      tpu.wait_indirect_dma semaphore(%arg59 : memref<!tpu.dma_semaphore, #tpu.memory_space<semaphore_mem>>) src(%arg29 : memref<40x64xf32, #tpu.memory_space<vmem>>) dst(%dma_wait3A_380 : memref<10240x64xf32, #tpu.memory_space<vmem_shared>>)
      %mul3A_381 = arith.constant 40 : i32
      %mul3A_382 = arith.muli %add3A_377, %mul3A_381 : i32
      %add3A_383 = arith.addi %mul3A_2, %mul3A_382 : i32
      %dma_wait3A_384 = tpu.memref_slice %arg3[%add3A_383] : memref<640000xi32, #tpu.memory_space<hbm>> -> memref<40xi32, #tpu.memory_space<hbm>>
      %dma_wait3A_385 = tpu.memref_slice %arg3[%add3A_383] : memref<640000xi32, #tpu.memory_space<hbm>> -> memref<40xi32, #tpu.memory_space<hbm>>
      tpu.wait_dma2 semaphore(%arg39 : memref<!tpu.dma_semaphore, #tpu.memory_space<semaphore_mem>>) src(%dma_wait3A_385 : memref<40xi32, #tpu.memory_space<hbm>>) dst(%arg14 : memref<40xi32, #tpu.memory_space<vmem>>)
      %dma_start3A_386 = arith.constant 0 : i32
      %dma_start3A_387 = arith.constant 0 : i32
      %dma_start3A_388 = tpu.memref_slice %arg2[%dma_start3A_386, %dma_start3A_387] : memref<10240x64xf32, #tpu.memory_space<hbm>> -> memref<10240x64xf32, #tpu.memory_space<hbm>>
      tpu.enqueue_indirect_dma source(%dma_start3A_388 : memref<10240x64xf32, #tpu.memory_space<hbm>>) target(%arg29 : memref<40x64xf32, #tpu.memory_space<vmem>>) offsets(%arg14 : memref<40xi32, #tpu.memory_space<vmem>>) semaphore(%arg54 : memref<!tpu.dma_semaphore, #tpu.memory_space<semaphore_mem>>)
      %dma_wait3A_389 = arith.constant 0 : i32
      %dma_wait3A_390 = arith.constant 0 : i32
      %dma_wait3A_391 = tpu.memref_slice %arg2[%dma_wait3A_389, %dma_wait3A_390] : memref<10240x64xf32, #tpu.memory_space<hbm>> -> memref<10240x64xf32, #tpu.memory_space<hbm>>
      tpu.wait_indirect_dma semaphore(%arg52 : memref<!tpu.dma_semaphore, #tpu.memory_space<semaphore_mem>>) src(%dma_wait3A_391 : memref<10240x64xf32, #tpu.memory_space<hbm>>) dst(%arg27 : memref<40x64xf32, #tpu.memory_space<vmem>>)
      %sub3A_392 = arith.constant 2 : i32
      %sub3A_393 = arith.subi %add3A_377, %sub3A_392 : i32
      %add3A_394 = arith.constant 320000 : i32
      %add3A_395 = arith.addi %add3A_394, %mul3A_2 : i32
      %mul3A_396 = arith.constant 40 : i32
      %mul3A_397 = arith.muli %sub3A_393, %mul3A_396 : i32
      %add3A_398 = arith.addi %add3A_395, %mul3A_397 : i32
      %dma_wait3A_399 = tpu.memref_slice %arg3[%add3A_398] : memref<640000xi32, #tpu.memory_space<hbm>> -> memref<40xi32, #tpu.memory_space<hbm>>
      %dma_wait3A_400 = tpu.memref_slice %arg3[%add3A_398] : memref<640000xi32, #tpu.memory_space<hbm>> -> memref<40xi32, #tpu.memory_space<hbm>>
      tpu.wait_dma2 semaphore(%arg47 : memref<!tpu.dma_semaphore, #tpu.memory_space<semaphore_mem>>) src(%dma_wait3A_400 : memref<40xi32, #tpu.memory_space<hbm>>) dst(%arg22 : memref<40xi32, #tpu.memory_space<vmem>>)
      %dma_start3A_401 = arith.constant 0 : i32
      %dma_start3A_402 = arith.constant 0 : i32
      %dma_start3A_403 = tpu.memref_slice %arg5[%dma_start3A_401, %dma_start3A_402] : memref<10240x64xf32, #tpu.memory_space<vmem_shared>> -> memref<10240x64xf32, #tpu.memory_space<vmem_shared>>
      tpu.enqueue_indirect_dma source(%arg27 : memref<40x64xf32, #tpu.memory_space<vmem>>) target(%dma_start3A_403 : memref<10240x64xf32, #tpu.memory_space<vmem_shared>>) offsets(%arg22 : memref<40xi32, #tpu.memory_space<vmem>>) semaphore(%arg57 : memref<!tpu.dma_semaphore, #tpu.memory_space<semaphore_mem>>) {add = true}
      %lt3A_404 = arith.constant 24 : i32
      %lt3A_405 = arith.cmpi slt, %scan3A_94, %lt3A_404 : i32
      %convert_element_type3A_406 = arith.extui %lt3A_405 : i1 to i32
      %cond3A_407 = arith.constant 0 : i32
      %cond3A_408 = arith.cmpi ne, %convert_element_type3A_406, %cond3A_407 : i32
      scf.if %cond3A_408 {
        %add3A_442 = arith.constant 5 : i32
        %add3A_443 = arith.addi %add3A_377, %add3A_442 : i32
        %mul3A_444 = arith.constant 40 : i32
        %mul3A_445 = arith.muli %add3A_443, %mul3A_444 : i32
        %add3A_446 = arith.addi %mul3A_2, %mul3A_445 : i32
        %dma_start3A_447 = tpu.memref_slice %arg3[%add3A_446] : memref<640000xi32, #tpu.memory_space<hbm>> -> memref<40xi32, #tpu.memory_space<hbm>>
        %dma_start3A_448 = tpu.memref_slice %arg3[%add3A_446] : memref<640000xi32, #tpu.memory_space<hbm>> -> memref<40xi32, #tpu.memory_space<hbm>>
        tpu.enqueue_dma source(%dma_start3A_448 : memref<40xi32, #tpu.memory_space<hbm>>) target(%arg9 : memref<40xi32, #tpu.memory_space<vmem>>) target_semaphore(%arg34 : memref<!tpu.dma_semaphore, #tpu.memory_space<semaphore_mem>>)
        %add3A_449 = arith.constant 320000 : i32
        %add3A_450 = arith.addi %add3A_449, %add3A_446 : i32
        %dma_start3A_451 = tpu.memref_slice %arg3[%add3A_450] : memref<640000xi32, #tpu.memory_space<hbm>> -> memref<40xi32, #tpu.memory_space<hbm>>
        %dma_start3A_452 = tpu.memref_slice %arg3[%add3A_450] : memref<640000xi32, #tpu.memory_space<hbm>> -> memref<40xi32, #tpu.memory_space<hbm>>
        tpu.enqueue_dma source(%dma_start3A_452 : memref<40xi32, #tpu.memory_space<hbm>>) target(%arg19 : memref<40xi32, #tpu.memory_space<vmem>>) target_semaphore(%arg44 : memref<!tpu.dma_semaphore, #tpu.memory_space<semaphore_mem>>)
      } else {
      }
      %add3A_409 = arith.constant 9 : i32
      %add3A_410 = arith.addi %mul3A_96, %add3A_409 : i32
      %dma_wait3A_411 = arith.constant 0 : i32
      %dma_wait3A_412 = arith.constant 0 : i32
      %dma_wait3A_413 = tpu.memref_slice %arg5[%dma_wait3A_411, %dma_wait3A_412] : memref<10240x64xf32, #tpu.memory_space<vmem_shared>> -> memref<10240x64xf32, #tpu.memory_space<vmem_shared>>
      tpu.wait_indirect_dma semaphore(%arg60 : memref<!tpu.dma_semaphore, #tpu.memory_space<semaphore_mem>>) src(%arg30 : memref<40x64xf32, #tpu.memory_space<vmem>>) dst(%dma_wait3A_413 : memref<10240x64xf32, #tpu.memory_space<vmem_shared>>)
      %mul3A_414 = arith.constant 40 : i32
      %mul3A_415 = arith.muli %add3A_410, %mul3A_414 : i32
      %add3A_416 = arith.addi %mul3A_2, %mul3A_415 : i32
      %dma_wait3A_417 = tpu.memref_slice %arg3[%add3A_416] : memref<640000xi32, #tpu.memory_space<hbm>> -> memref<40xi32, #tpu.memory_space<hbm>>
      %dma_wait3A_418 = tpu.memref_slice %arg3[%add3A_416] : memref<640000xi32, #tpu.memory_space<hbm>> -> memref<40xi32, #tpu.memory_space<hbm>>
      tpu.wait_dma2 semaphore(%arg40 : memref<!tpu.dma_semaphore, #tpu.memory_space<semaphore_mem>>) src(%dma_wait3A_418 : memref<40xi32, #tpu.memory_space<hbm>>) dst(%arg15 : memref<40xi32, #tpu.memory_space<vmem>>)
      %dma_start3A_419 = arith.constant 0 : i32
      %dma_start3A_420 = arith.constant 0 : i32
      %dma_start3A_421 = tpu.memref_slice %arg2[%dma_start3A_419, %dma_start3A_420] : memref<10240x64xf32, #tpu.memory_space<hbm>> -> memref<10240x64xf32, #tpu.memory_space<hbm>>
      tpu.enqueue_indirect_dma source(%dma_start3A_421 : memref<10240x64xf32, #tpu.memory_space<hbm>>) target(%arg30 : memref<40x64xf32, #tpu.memory_space<vmem>>) offsets(%arg15 : memref<40xi32, #tpu.memory_space<vmem>>) semaphore(%arg55 : memref<!tpu.dma_semaphore, #tpu.memory_space<semaphore_mem>>)
      %dma_wait3A_422 = arith.constant 0 : i32
      %dma_wait3A_423 = arith.constant 0 : i32
      %dma_wait3A_424 = tpu.memref_slice %arg2[%dma_wait3A_422, %dma_wait3A_423] : memref<10240x64xf32, #tpu.memory_space<hbm>> -> memref<10240x64xf32, #tpu.memory_space<hbm>>
      tpu.wait_indirect_dma semaphore(%arg53 : memref<!tpu.dma_semaphore, #tpu.memory_space<semaphore_mem>>) src(%dma_wait3A_424 : memref<10240x64xf32, #tpu.memory_space<hbm>>) dst(%arg28 : memref<40x64xf32, #tpu.memory_space<vmem>>)
      %sub3A_425 = arith.constant 2 : i32
      %sub3A_426 = arith.subi %add3A_410, %sub3A_425 : i32
      %add3A_427 = arith.constant 320000 : i32
      %add3A_428 = arith.addi %add3A_427, %mul3A_2 : i32
      %mul3A_429 = arith.constant 40 : i32
      %mul3A_430 = arith.muli %sub3A_426, %mul3A_429 : i32
      %add3A_431 = arith.addi %add3A_428, %mul3A_430 : i32
      %dma_wait3A_432 = tpu.memref_slice %arg3[%add3A_431] : memref<640000xi32, #tpu.memory_space<hbm>> -> memref<40xi32, #tpu.memory_space<hbm>>
      %dma_wait3A_433 = tpu.memref_slice %arg3[%add3A_431] : memref<640000xi32, #tpu.memory_space<hbm>> -> memref<40xi32, #tpu.memory_space<hbm>>
      tpu.wait_dma2 semaphore(%arg48 : memref<!tpu.dma_semaphore, #tpu.memory_space<semaphore_mem>>) src(%dma_wait3A_433 : memref<40xi32, #tpu.memory_space<hbm>>) dst(%arg23 : memref<40xi32, #tpu.memory_space<vmem>>)
      %dma_start3A_434 = arith.constant 0 : i32
      %dma_start3A_435 = arith.constant 0 : i32
      %dma_start3A_436 = tpu.memref_slice %arg5[%dma_start3A_434, %dma_start3A_435] : memref<10240x64xf32, #tpu.memory_space<vmem_shared>> -> memref<10240x64xf32, #tpu.memory_space<vmem_shared>>
      tpu.enqueue_indirect_dma source(%arg28 : memref<40x64xf32, #tpu.memory_space<vmem>>) target(%dma_start3A_436 : memref<10240x64xf32, #tpu.memory_space<vmem_shared>>) offsets(%arg23 : memref<40xi32, #tpu.memory_space<vmem>>) semaphore(%arg58 : memref<!tpu.dma_semaphore, #tpu.memory_space<semaphore_mem>>) {add = true}
      %lt3A_437 = arith.constant 24 : i32
      %lt3A_438 = arith.cmpi slt, %scan3A_94, %lt3A_437 : i32
      %convert_element_type3A_439 = arith.extui %lt3A_438 : i1 to i32
      %cond3A_440 = arith.constant 0 : i32
      %cond3A_441 = arith.cmpi ne, %convert_element_type3A_439, %cond3A_440 : i32
      scf.if %cond3A_441 {
        %add3A_442 = arith.constant 5 : i32
        %add3A_443 = arith.addi %add3A_410, %add3A_442 : i32
        %mul3A_444 = arith.constant 40 : i32
        %mul3A_445 = arith.muli %add3A_443, %mul3A_444 : i32
        %add3A_446 = arith.addi %mul3A_2, %mul3A_445 : i32
        %dma_start3A_447 = tpu.memref_slice %arg3[%add3A_446] : memref<640000xi32, #tpu.memory_space<hbm>> -> memref<40xi32, #tpu.memory_space<hbm>>
        %dma_start3A_448 = tpu.memref_slice %arg3[%add3A_446] : memref<640000xi32, #tpu.memory_space<hbm>> -> memref<40xi32, #tpu.memory_space<hbm>>
        tpu.enqueue_dma source(%dma_start3A_448 : memref<40xi32, #tpu.memory_space<hbm>>) target(%arg10 : memref<40xi32, #tpu.memory_space<vmem>>) target_semaphore(%arg35 : memref<!tpu.dma_semaphore, #tpu.memory_space<semaphore_mem>>)
        %add3A_449 = arith.constant 320000 : i32
        %add3A_450 = arith.addi %add3A_449, %add3A_446 : i32
        %dma_start3A_451 = tpu.memref_slice %arg3[%add3A_450] : memref<640000xi32, #tpu.memory_space<hbm>> -> memref<40xi32, #tpu.memory_space<hbm>>
        %dma_start3A_452 = tpu.memref_slice %arg3[%add3A_450] : memref<640000xi32, #tpu.memory_space<hbm>> -> memref<40xi32, #tpu.memory_space<hbm>>
        tpu.enqueue_dma source(%dma_start3A_452 : memref<40xi32, #tpu.memory_space<hbm>>) target(%arg20 : memref<40xi32, #tpu.memory_space<vmem>>) target_semaphore(%arg45 : memref<!tpu.dma_semaphore, #tpu.memory_space<semaphore_mem>>)
      } else {
      }
    }
    %scan3A_50 = arith.constant 25 : i32
    %dma_wait3A = arith.constant 0 : i32
    %dma_wait3A_51 = arith.constant 0 : i32
    %dma_wait3A_52 = tpu.memref_slice %arg2[%dma_wait3A, %dma_wait3A_51] : memref<10240x64xf32, #tpu.memory_space<hbm>> -> memref<10240x64xf32, #tpu.memory_space<hbm>>
    tpu.wait_indirect_dma semaphore(%arg54 : memref<!tpu.dma_semaphore, #tpu.memory_space<semaphore_mem>>) src(%dma_wait3A_52 : memref<10240x64xf32, #tpu.memory_space<hbm>>) dst(%arg29 : memref<40x64xf32, #tpu.memory_space<vmem>>)
    %add3A_53 = arith.constant 320000 : i32
    %add3A_54 = arith.addi %add3A_53, %mul3A_2 : i32
    %add3A_55 = arith.constant 9920 : i32
    %add3A_56 = arith.addi %add3A_54, %add3A_55 : i32
    %dma_wait3A_57 = tpu.memref_slice %arg3[%add3A_56] : memref<640000xi32, #tpu.memory_space<hbm>> -> memref<40xi32, #tpu.memory_space<hbm>>
    %dma_wait3A_58 = tpu.memref_slice %arg3[%add3A_56] : memref<640000xi32, #tpu.memory_space<hbm>> -> memref<40xi32, #tpu.memory_space<hbm>>
    tpu.wait_dma2 semaphore(%arg49 : memref<!tpu.dma_semaphore, #tpu.memory_space<semaphore_mem>>) src(%dma_wait3A_58 : memref<40xi32, #tpu.memory_space<hbm>>) dst(%arg24 : memref<40xi32, #tpu.memory_space<vmem>>)
    %dma_start3A_59 = arith.constant 0 : i32
    %dma_start3A_60 = arith.constant 0 : i32
    %dma_start3A_61 = tpu.memref_slice %arg5[%dma_start3A_59, %dma_start3A_60] : memref<10240x64xf32, #tpu.memory_space<vmem_shared>> -> memref<10240x64xf32, #tpu.memory_space<vmem_shared>>
    tpu.enqueue_indirect_dma source(%arg29 : memref<40x64xf32, #tpu.memory_space<vmem>>) target(%dma_start3A_61 : memref<10240x64xf32, #tpu.memory_space<vmem_shared>>) offsets(%arg24 : memref<40xi32, #tpu.memory_space<vmem>>) semaphore(%arg59 : memref<!tpu.dma_semaphore, #tpu.memory_space<semaphore_mem>>) {add = true}
    %dma_wait3A_62 = arith.constant 0 : i32
    %dma_wait3A_63 = arith.constant 0 : i32
    %dma_wait3A_64 = tpu.memref_slice %arg2[%dma_wait3A_62, %dma_wait3A_63] : memref<10240x64xf32, #tpu.memory_space<hbm>> -> memref<10240x64xf32, #tpu.memory_space<hbm>>
    tpu.wait_indirect_dma semaphore(%arg55 : memref<!tpu.dma_semaphore, #tpu.memory_space<semaphore_mem>>) src(%dma_wait3A_64 : memref<10240x64xf32, #tpu.memory_space<hbm>>) dst(%arg30 : memref<40x64xf32, #tpu.memory_space<vmem>>)
    %add3A_65 = arith.constant 320000 : i32
    %add3A_66 = arith.addi %add3A_65, %mul3A_2 : i32
    %add3A_67 = arith.constant 9960 : i32
    %add3A_68 = arith.addi %add3A_66, %add3A_67 : i32
    %dma_wait3A_69 = tpu.memref_slice %arg3[%add3A_68] : memref<640000xi32, #tpu.memory_space<hbm>> -> memref<40xi32, #tpu.memory_space<hbm>>
    %dma_wait3A_70 = tpu.memref_slice %arg3[%add3A_68] : memref<640000xi32, #tpu.memory_space<hbm>> -> memref<40xi32, #tpu.memory_space<hbm>>
    tpu.wait_dma2 semaphore(%arg50 : memref<!tpu.dma_semaphore, #tpu.memory_space<semaphore_mem>>) src(%dma_wait3A_70 : memref<40xi32, #tpu.memory_space<hbm>>) dst(%arg25 : memref<40xi32, #tpu.memory_space<vmem>>)
    %dma_start3A_71 = arith.constant 0 : i32
    %dma_start3A_72 = arith.constant 0 : i32
    %dma_start3A_73 = tpu.memref_slice %arg5[%dma_start3A_71, %dma_start3A_72] : memref<10240x64xf32, #tpu.memory_space<vmem_shared>> -> memref<10240x64xf32, #tpu.memory_space<vmem_shared>>
    tpu.enqueue_indirect_dma source(%arg30 : memref<40x64xf32, #tpu.memory_space<vmem>>) target(%dma_start3A_73 : memref<10240x64xf32, #tpu.memory_space<vmem_shared>>) offsets(%arg25 : memref<40xi32, #tpu.memory_space<vmem>>) semaphore(%arg60 : memref<!tpu.dma_semaphore, #tpu.memory_space<semaphore_mem>>) {add = true}
    %dma_wait3A_74 = arith.constant 0 : i32
    %dma_wait3A_75 = arith.constant 0 : i32
    %dma_wait3A_76 = tpu.memref_slice %arg5[%dma_wait3A_74, %dma_wait3A_75] : memref<10240x64xf32, #tpu.memory_space<vmem_shared>> -> memref<10240x64xf32, #tpu.memory_space<vmem_shared>>
    tpu.wait_indirect_dma semaphore(%arg56 : memref<!tpu.dma_semaphore, #tpu.memory_space<semaphore_mem>>) src(%arg26 : memref<40x64xf32, #tpu.memory_space<vmem>>) dst(%dma_wait3A_76 : memref<10240x64xf32, #tpu.memory_space<vmem_shared>>)
    %dma_wait3A_77 = arith.constant 0 : i32
    %dma_wait3A_78 = arith.constant 0 : i32
    %dma_wait3A_79 = tpu.memref_slice %arg5[%dma_wait3A_77, %dma_wait3A_78] : memref<10240x64xf32, #tpu.memory_space<vmem_shared>> -> memref<10240x64xf32, #tpu.memory_space<vmem_shared>>
    tpu.wait_indirect_dma semaphore(%arg57 : memref<!tpu.dma_semaphore, #tpu.memory_space<semaphore_mem>>) src(%arg27 : memref<40x64xf32, #tpu.memory_space<vmem>>) dst(%dma_wait3A_79 : memref<10240x64xf32, #tpu.memory_space<vmem_shared>>)
    %dma_wait3A_80 = arith.constant 0 : i32
    %dma_wait3A_81 = arith.constant 0 : i32
    %dma_wait3A_82 = tpu.memref_slice %arg5[%dma_wait3A_80, %dma_wait3A_81] : memref<10240x64xf32, #tpu.memory_space<vmem_shared>> -> memref<10240x64xf32, #tpu.memory_space<vmem_shared>>
    tpu.wait_indirect_dma semaphore(%arg58 : memref<!tpu.dma_semaphore, #tpu.memory_space<semaphore_mem>>) src(%arg28 : memref<40x64xf32, #tpu.memory_space<vmem>>) dst(%dma_wait3A_82 : memref<10240x64xf32, #tpu.memory_space<vmem_shared>>)
    %dma_wait3A_83 = arith.constant 0 : i32
    %dma_wait3A_84 = arith.constant 0 : i32
    %dma_wait3A_85 = tpu.memref_slice %arg5[%dma_wait3A_83, %dma_wait3A_84] : memref<10240x64xf32, #tpu.memory_space<vmem_shared>> -> memref<10240x64xf32, #tpu.memory_space<vmem_shared>>
    tpu.wait_indirect_dma semaphore(%arg59 : memref<!tpu.dma_semaphore, #tpu.memory_space<semaphore_mem>>) src(%arg29 : memref<40x64xf32, #tpu.memory_space<vmem>>) dst(%dma_wait3A_85 : memref<10240x64xf32, #tpu.memory_space<vmem_shared>>)
    %dma_wait3A_86 = arith.constant 0 : i32
    %dma_wait3A_87 = arith.constant 0 : i32
    %dma_wait3A_88 = tpu.memref_slice %arg5[%dma_wait3A_86, %dma_wait3A_87] : memref<10240x64xf32, #tpu.memory_space<vmem_shared>> -> memref<10240x64xf32, #tpu.memory_space<vmem_shared>>
    tpu.wait_indirect_dma semaphore(%arg60 : memref<!tpu.dma_semaphore, #tpu.memory_space<semaphore_mem>>) src(%arg30 : memref<40x64xf32, #tpu.memory_space<vmem>>) dst(%dma_wait3A_88 : memref<10240x64xf32, #tpu.memory_space<vmem_shared>>)
    %barrier3A_89 = arith.constant 0 : index
    tpu.barrier barrier_id(%barrier3A_89)
    %mul3A_90 = arith.constant 640 : i32
    %mul3A_91 = arith.muli %arg1, %mul3A_90 : i32
    %mul3A_92 = arith.constant 640 : i32
    %mul3A_93 = arith.muli %arg1, %mul3A_92 : i32
    "tpu.region"() ({
      %run_scoped3A = tpu.sem_alloc : memref<!tpu.dma_semaphore, #tpu.memory_space<semaphore_mem>>
      %dma_start3A_94 = arith.constant 0 : i32
      %dma_start3A_95 = arith.constant 0 : i32
      %dma_start3A_96 = tpu.memref_slice %arg4[%arg0, %dma_start3A_94, %dma_start3A_95] : memref<2x10240x64xf32, #tpu.memory_space<hbm>> -> memref<1x10240x64xf32, #tpu.memory_space<hbm>>
      %dma_start3A_97 = tpu.memref_squeeze %dma_start3A_96 : memref<1x10240x64xf32, #tpu.memory_space<hbm>> -> memref<10240x64xf32, #tpu.memory_space<hbm>>
      %dma_start3A_98 = arith.constant 0 : i32
      %dma_start3A_99 = tpu.memref_slice %dma_start3A_97[%mul3A_93, %dma_start3A_98] : memref<10240x64xf32, #tpu.memory_space<hbm>> -> memref<640x64xf32, #tpu.memory_space<hbm>>
      %dma_start3A_100 = arith.constant 0 : i32
      %dma_start3A_101 = tpu.memref_slice %arg5[%mul3A_91, %dma_start3A_100] : memref<10240x64xf32, #tpu.memory_space<vmem_shared>> -> memref<640x64xf32, #tpu.memory_space<vmem_shared>>
      tpu.enqueue_dma source(%dma_start3A_101 : memref<640x64xf32, #tpu.memory_space<vmem_shared>>) target(%dma_start3A_99 : memref<640x64xf32, #tpu.memory_space<hbm>>) target_semaphore(%run_scoped3A : memref<!tpu.dma_semaphore, #tpu.memory_space<semaphore_mem>>)
      %dma_wait3A_102 = arith.constant 0 : i32
      %dma_wait3A_103 = arith.constant 0 : i32
      %dma_wait3A_104 = tpu.memref_slice %arg4[%arg0, %dma_wait3A_102, %dma_wait3A_103] : memref<2x10240x64xf32, #tpu.memory_space<hbm>> -> memref<1x10240x64xf32, #tpu.memory_space<hbm>>
      %dma_wait3A_105 = tpu.memref_squeeze %dma_wait3A_104 : memref<1x10240x64xf32, #tpu.memory_space<hbm>> -> memref<10240x64xf32, #tpu.memory_space<hbm>>
      %dma_wait3A_106 = arith.constant 0 : i32
      %dma_wait3A_107 = tpu.memref_slice %dma_wait3A_105[%mul3A_93, %dma_wait3A_106] : memref<10240x64xf32, #tpu.memory_space<hbm>> -> memref<640x64xf32, #tpu.memory_space<hbm>>
      %dma_wait3A_108 = arith.constant 0 : i32
      %dma_wait3A_109 = tpu.memref_slice %arg5[%mul3A_91, %dma_wait3A_108] : memref<10240x64xf32, #tpu.memory_space<vmem_shared>> -> memref<640x64xf32, #tpu.memory_space<vmem_shared>>
      tpu.wait_dma2 semaphore(%run_scoped3A : memref<!tpu.dma_semaphore, #tpu.memory_space<semaphore_mem>>) src(%dma_wait3A_109 : memref<640x64xf32, #tpu.memory_space<vmem_shared>>) dst(%dma_wait3A_107 : memref<640x64xf32, #tpu.memory_space<hbm>>)
      tpu.yield
    }) : () -> ()
    return
  }
}

#map = affine_map<(d0, d1) -> (0, 0)>
#map1 = affine_map<(d0, d1) -> (0)>
#map2 = affine_map<(d0, d1) -> (0, 0, 0)>
module attributes {stable_mosaic.version = 14 : i64} {
  func.func @body(%arg0: i32, %arg1: i32, %arg2: memref<10240x128xf32, #tpu.memory_space<hbm>>, %arg3: memref<640000xi32, #tpu.memory_space<hbm>>, %arg4: memref<2x10240x128xf32, #tpu.memory_space<hbm>>, %arg5: memref<10240x128xf32, #tpu.memory_space<vmem_shared>>, %arg6: memref<40xi32, #tpu.memory_space<vmem>>, %arg7: memref<40xi32, #tpu.memory_space<vmem>>, %arg8: memref<40xi32, #tpu.memory_space<vmem>>, %arg9: memref<40xi32, #tpu.memory_space<vmem>>, %arg10: memref<40xi32, #tpu.memory_space<vmem>>, %arg11: memref<40xi32, #tpu.memory_space<vmem>>, %arg12: memref<40xi32, #tpu.memory_space<vmem>>, %arg13: memref<40xi32, #tpu.memory_space<vmem>>, %arg14: memref<40xi32, #tpu.memory_space<vmem>>, %arg15: memref<40xi32, #tpu.memory_space<vmem>>, %arg16: memref<40xi32, #tpu.memory_space<vmem>>, %arg17: memref<40xi32, #tpu.memory_space<vmem>>, %arg18: memref<40xi32, #tpu.memory_space<vmem>>, %arg19: memref<40xi32, #tpu.memory_space<vmem>>, %arg20: memref<40xi32, #tpu.memory_space<vmem>>, %arg21: memref<40xi32, #tpu.memory_space<vmem>>, %arg22: memref<40xi32, #tpu.memory_space<vmem>>, %arg23: memref<40xi32, #tpu.memory_space<vmem>>, %arg24: memref<40xi32, #tpu.memory_space<vmem>>, %arg25: memref<40xi32, #tpu.memory_space<vmem>>, %arg26: memref<40x128xf32, #tpu.memory_space<vmem>>, %arg27: memref<40x128xf32, #tpu.memory_space<vmem>>, %arg28: memref<40x128xf32, #tpu.memory_space<vmem>>, %arg29: memref<40x128xf32, #tpu.memory_space<vmem>>, %arg30: memref<40x128xf32, #tpu.memory_space<vmem>>, %arg31: memref<!tpu.dma_semaphore, #tpu.memory_space<semaphore_mem>>, %arg32: memref<!tpu.dma_semaphore, #tpu.memory_space<semaphore_mem>>, %arg33: memref<!tpu.dma_semaphore, #tpu.memory_space<semaphore_mem>>, %arg34: memref<!tpu.dma_semaphore, #tpu.memory_space<semaphore_mem>>, %arg35: memref<!tpu.dma_semaphore, #tpu.memory_space<semaphore_mem>>, %arg36: memref<!tpu.dma_semaphore, #tpu.memory_space<semaphore_mem>>, %arg37: memref<!tpu.dma_semaphore, #tpu.memory_space<semaphore_mem>>, %arg38: memref<!tpu.dma_semaphore, #tpu.memory_space<semaphore_mem>>, %arg39: memref<!tpu.dma_semaphore, #tpu.memory_space<semaphore_mem>>, %arg40: memref<!tpu.dma_semaphore, #tpu.memory_space<semaphore_mem>>, %arg41: memref<!tpu.dma_semaphore, #tpu.memory_space<semaphore_mem>>, %arg42: memref<!tpu.dma_semaphore, #tpu.memory_space<semaphore_mem>>, %arg43: memref<!tpu.dma_semaphore, #tpu.memory_space<semaphore_mem>>, %arg44: memref<!tpu.dma_semaphore, #tpu.memory_space<semaphore_mem>>, %arg45: memref<!tpu.dma_semaphore, #tpu.memory_space<semaphore_mem>>, %arg46: memref<!tpu.dma_semaphore, #tpu.memory_space<semaphore_mem>>, %arg47: memref<!tpu.dma_semaphore, #tpu.memory_space<semaphore_mem>>, %arg48: memref<!tpu.dma_semaphore, #tpu.memory_space<semaphore_mem>>, %arg49: memref<!tpu.dma_semaphore, #tpu.memory_space<semaphore_mem>>, %arg50: memref<!tpu.dma_semaphore, #tpu.memory_space<semaphore_mem>>, %arg51: memref<!tpu.dma_semaphore, #tpu.memory_space<semaphore_mem>>, %arg52: memref<!tpu.dma_semaphore, #tpu.memory_space<semaphore_mem>>, %arg53: memref<!tpu.dma_semaphore, #tpu.memory_space<semaphore_mem>>, %arg54: memref<!tpu.dma_semaphore, #tpu.memory_space<semaphore_mem>>, %arg55: memref<!tpu.dma_semaphore, #tpu.memory_space<semaphore_mem>>, %arg56: memref<!tpu.dma_semaphore, #tpu.memory_space<semaphore_mem>>, %arg57: memref<!tpu.dma_semaphore, #tpu.memory_space<semaphore_mem>>, %arg58: memref<!tpu.dma_semaphore, #tpu.memory_space<semaphore_mem>>, %arg59: memref<!tpu.dma_semaphore, #tpu.memory_space<semaphore_mem>>, %arg60: memref<!tpu.dma_semaphore, #tpu.memory_space<semaphore_mem>>) attributes {dimension_semantics = [#tpu.dimension_semantics<core_parallel>, #tpu.dimension_semantics<subcore_parallel>], iteration_bounds = array<i64: 2, 16>, scalar_prefetch = 0 : i64, scratch_operands = 56 : i64, tpu.core_type = #tpu.core_type<sc_vector_subcore>, window_params = [{transform_indices = #map}, {transform_indices = #map1}, {transform_indices = #map2}]} {
    %mul3A = arith.constant 16 : i32
    %mul3A_0 = arith.muli %arg0, %mul3A : i32
    %add3A = arith.addi %mul3A_0, %arg1 : i32
    %mul3A_1 = arith.constant 10000 : i32
    %mul3A_2 = arith.muli %add3A, %mul3A_1 : i32
    %add3A_3 = arith.constant 0 : i32
    %add3A_4 = arith.addi %mul3A_2, %add3A_3 : i32
    %dma_start3A = tpu.memref_slice %arg3[%add3A_4] : memref<640000xi32, #tpu.memory_space<hbm>> -> memref<40xi32, #tpu.memory_space<hbm>>
    %dma_start3A_5 = tpu.memref_slice %arg3[%add3A_4] : memref<640000xi32, #tpu.memory_space<hbm>> -> memref<40xi32, #tpu.memory_space<hbm>>
    tpu.enqueue_dma source(%dma_start3A_5 : memref<40xi32, #tpu.memory_space<hbm>>) target(%arg6 : memref<40xi32, #tpu.memory_space<vmem>>) target_semaphore(%arg31 : memref<!tpu.dma_semaphore, #tpu.memory_space<semaphore_mem>>)
    %add3A_6 = arith.constant 320000 : i32
    %add3A_7 = arith.addi %add3A_6, %add3A_4 : i32
    %dma_start3A_8 = tpu.memref_slice %arg3[%add3A_7] : memref<640000xi32, #tpu.memory_space<hbm>> -> memref<40xi32, #tpu.memory_space<hbm>>
    %dma_start3A_9 = tpu.memref_slice %arg3[%add3A_7] : memref<640000xi32, #tpu.memory_space<hbm>> -> memref<40xi32, #tpu.memory_space<hbm>>
    tpu.enqueue_dma source(%dma_start3A_9 : memref<40xi32, #tpu.memory_space<hbm>>) target(%arg16 : memref<40xi32, #tpu.memory_space<vmem>>) target_semaphore(%arg41 : memref<!tpu.dma_semaphore, #tpu.memory_space<semaphore_mem>>)
    %add3A_10 = arith.constant 40 : i32
    %add3A_11 = arith.addi %mul3A_2, %add3A_10 : i32
    %dma_start3A_12 = tpu.memref_slice %arg3[%add3A_11] : memref<640000xi32, #tpu.memory_space<hbm>> -> memref<40xi32, #tpu.memory_space<hbm>>
    %dma_start3A_13 = tpu.memref_slice %arg3[%add3A_11] : memref<640000xi32, #tpu.memory_space<hbm>> -> memref<40xi32, #tpu.memory_space<hbm>>
    tpu.enqueue_dma source(%dma_start3A_13 : memref<40xi32, #tpu.memory_space<hbm>>) target(%arg7 : memref<40xi32, #tpu.memory_space<vmem>>) target_semaphore(%arg32 : memref<!tpu.dma_semaphore, #tpu.memory_space<semaphore_mem>>)
    %add3A_14 = arith.constant 320000 : i32
    %add3A_15 = arith.addi %add3A_14, %add3A_11 : i32
    %dma_start3A_16 = tpu.memref_slice %arg3[%add3A_15] : memref<640000xi32, #tpu.memory_space<hbm>> -> memref<40xi32, #tpu.memory_space<hbm>>
    %dma_start3A_17 = tpu.memref_slice %arg3[%add3A_15] : memref<640000xi32, #tpu.memory_space<hbm>> -> memref<40xi32, #tpu.memory_space<hbm>>
    tpu.enqueue_dma source(%dma_start3A_17 : memref<40xi32, #tpu.memory_space<hbm>>) target(%arg17 : memref<40xi32, #tpu.memory_space<vmem>>) target_semaphore(%arg42 : memref<!tpu.dma_semaphore, #tpu.memory_space<semaphore_mem>>)
    %add3A_18 = arith.constant 80 : i32
    %add3A_19 = arith.addi %mul3A_2, %add3A_18 : i32
    %dma_start3A_20 = tpu.memref_slice %arg3[%add3A_19] : memref<640000xi32, #tpu.memory_space<hbm>> -> memref<40xi32, #tpu.memory_space<hbm>>
    %dma_start3A_21 = tpu.memref_slice %arg3[%add3A_19] : memref<640000xi32, #tpu.memory_space<hbm>> -> memref<40xi32, #tpu.memory_space<hbm>>
    tpu.enqueue_dma source(%dma_start3A_21 : memref<40xi32, #tpu.memory_space<hbm>>) target(%arg8 : memref<40xi32, #tpu.memory_space<vmem>>) target_semaphore(%arg33 : memref<!tpu.dma_semaphore, #tpu.memory_space<semaphore_mem>>)
    %add3A_22 = arith.constant 320000 : i32
    %add3A_23 = arith.addi %add3A_22, %add3A_19 : i32
    %dma_start3A_24 = tpu.memref_slice %arg3[%add3A_23] : memref<640000xi32, #tpu.memory_space<hbm>> -> memref<40xi32, #tpu.memory_space<hbm>>
    %dma_start3A_25 = tpu.memref_slice %arg3[%add3A_23] : memref<640000xi32, #tpu.memory_space<hbm>> -> memref<40xi32, #tpu.memory_space<hbm>>
    tpu.enqueue_dma source(%dma_start3A_25 : memref<40xi32, #tpu.memory_space<hbm>>) target(%arg18 : memref<40xi32, #tpu.memory_space<vmem>>) target_semaphore(%arg43 : memref<!tpu.dma_semaphore, #tpu.memory_space<semaphore_mem>>)
    %add3A_26 = arith.constant 120 : i32
    %add3A_27 = arith.addi %mul3A_2, %add3A_26 : i32
    %dma_start3A_28 = tpu.memref_slice %arg3[%add3A_27] : memref<640000xi32, #tpu.memory_space<hbm>> -> memref<40xi32, #tpu.memory_space<hbm>>
    %dma_start3A_29 = tpu.memref_slice %arg3[%add3A_27] : memref<640000xi32, #tpu.memory_space<hbm>> -> memref<40xi32, #tpu.memory_space<hbm>>
    tpu.enqueue_dma source(%dma_start3A_29 : memref<40xi32, #tpu.memory_space<hbm>>) target(%arg9 : memref<40xi32, #tpu.memory_space<vmem>>) target_semaphore(%arg34 : memref<!tpu.dma_semaphore, #tpu.memory_space<semaphore_mem>>)
    %add3A_30 = arith.constant 320000 : i32
    %add3A_31 = arith.addi %add3A_30, %add3A_27 : i32
    %dma_start3A_32 = tpu.memref_slice %arg3[%add3A_31] : memref<640000xi32, #tpu.memory_space<hbm>> -> memref<40xi32, #tpu.memory_space<hbm>>
    %dma_start3A_33 = tpu.memref_slice %arg3[%add3A_31] : memref<640000xi32, #tpu.memory_space<hbm>> -> memref<40xi32, #tpu.memory_space<hbm>>
    tpu.enqueue_dma source(%dma_start3A_33 : memref<40xi32, #tpu.memory_space<hbm>>) target(%arg19 : memref<40xi32, #tpu.memory_space<vmem>>) target_semaphore(%arg44 : memref<!tpu.dma_semaphore, #tpu.memory_space<semaphore_mem>>)
    %add3A_34 = arith.constant 160 : i32
    %add3A_35 = arith.addi %mul3A_2, %add3A_34 : i32
    %dma_start3A_36 = tpu.memref_slice %arg3[%add3A_35] : memref<640000xi32, #tpu.memory_space<hbm>> -> memref<40xi32, #tpu.memory_space<hbm>>
    %dma_start3A_37 = tpu.memref_slice %arg3[%add3A_35] : memref<640000xi32, #tpu.memory_space<hbm>> -> memref<40xi32, #tpu.memory_space<hbm>>
    tpu.enqueue_dma source(%dma_start3A_37 : memref<40xi32, #tpu.memory_space<hbm>>) target(%arg10 : memref<40xi32, #tpu.memory_space<vmem>>) target_semaphore(%arg35 : memref<!tpu.dma_semaphore, #tpu.memory_space<semaphore_mem>>)
    %add3A_38 = arith.constant 320000 : i32
    %add3A_39 = arith.addi %add3A_38, %add3A_35 : i32
    %dma_start3A_40 = tpu.memref_slice %arg3[%add3A_39] : memref<640000xi32, #tpu.memory_space<hbm>> -> memref<40xi32, #tpu.memory_space<hbm>>
    %dma_start3A_41 = tpu.memref_slice %arg3[%add3A_39] : memref<640000xi32, #tpu.memory_space<hbm>> -> memref<40xi32, #tpu.memory_space<hbm>>
    tpu.enqueue_dma source(%dma_start3A_41 : memref<40xi32, #tpu.memory_space<hbm>>) target(%arg20 : memref<40xi32, #tpu.memory_space<vmem>>) target_semaphore(%arg45 : memref<!tpu.dma_semaphore, #tpu.memory_space<semaphore_mem>>)
    %mul3A_42 = arith.constant 640 : i32
    %mul3A_43 = arith.muli %arg1, %mul3A_42 : i32
    %mul3A_44 = arith.constant 640 : i32
    %mul3A_45 = arith.muli %arg1, %mul3A_44 : i32
    "tpu.region"() ({
      %run_scoped3A = tpu.sem_alloc : memref<!tpu.dma_semaphore, #tpu.memory_space<semaphore_mem>>
      %dma_start3A_94 = arith.constant 0 : i32
      %dma_start3A_95 = tpu.memref_slice %arg5[%mul3A_45, %dma_start3A_94] : memref<10240x128xf32, #tpu.memory_space<vmem_shared>> -> memref<640x128xf32, #tpu.memory_space<vmem_shared>>
      %dma_start3A_96 = arith.constant 0 : i32
      %dma_start3A_97 = tpu.memref_slice %arg2[%mul3A_43, %dma_start3A_96] : memref<10240x128xf32, #tpu.memory_space<hbm>> -> memref<640x128xf32, #tpu.memory_space<hbm>>
      tpu.enqueue_dma source(%dma_start3A_97 : memref<640x128xf32, #tpu.memory_space<hbm>>) target(%dma_start3A_95 : memref<640x128xf32, #tpu.memory_space<vmem_shared>>) target_semaphore(%run_scoped3A : memref<!tpu.dma_semaphore, #tpu.memory_space<semaphore_mem>>)
      %dma_wait3A_98 = arith.constant 0 : i32
      %dma_wait3A_99 = tpu.memref_slice %arg5[%mul3A_45, %dma_wait3A_98] : memref<10240x128xf32, #tpu.memory_space<vmem_shared>> -> memref<640x128xf32, #tpu.memory_space<vmem_shared>>
      %dma_wait3A_100 = arith.constant 0 : i32
      %dma_wait3A_101 = tpu.memref_slice %arg2[%mul3A_43, %dma_wait3A_100] : memref<10240x128xf32, #tpu.memory_space<hbm>> -> memref<640x128xf32, #tpu.memory_space<hbm>>
      tpu.wait_dma2 semaphore(%run_scoped3A : memref<!tpu.dma_semaphore, #tpu.memory_space<semaphore_mem>>) src(%dma_wait3A_101 : memref<640x128xf32, #tpu.memory_space<hbm>>) dst(%dma_wait3A_99 : memref<640x128xf32, #tpu.memory_space<vmem_shared>>)
      tpu.yield
    }) : () -> ()
    %barrier3A = arith.constant 0 : index
    tpu.barrier barrier_id(%barrier3A)
    %scan3A = arith.constant 0 : i32
    %scan3A_46 = arith.constant 0 : i32
    %scan3A_47 = arith.constant 25 : i32
    %scan3A_48 = arith.addi %scan3A_46, %scan3A_47 : i32
    %scan3A_49 = arith.constant 1 : i32
    scf.for %scan3A_94 = %scan3A_46 to %scan3A_48 step %scan3A_49  : i32 {
      %mul3A_95 = arith.constant 10 : i32
      %mul3A_96 = arith.muli %scan3A_94, %mul3A_95 : i32
      %add3A_97 = arith.constant 0 : i32
      %add3A_98 = arith.addi %mul3A_96, %add3A_97 : i32
      %gt3A = arith.constant 0 : i32
      %gt3A_99 = arith.cmpi sgt, %scan3A_94, %gt3A : i32
      %convert_element_type3A = arith.extui %gt3A_99 : i1 to i32
      %cond3A = arith.constant 0 : i32
      %cond3A_100 = arith.cmpi ne, %convert_element_type3A, %cond3A : i32
      scf.if %cond3A_100 {
        %dma_wait3A_442 = arith.constant 0 : i32
        %dma_wait3A_443 = arith.constant 0 : i32
        %dma_wait3A_444 = tpu.memref_slice %arg5[%dma_wait3A_442, %dma_wait3A_443] : memref<10240x128xf32, #tpu.memory_space<vmem_shared>> -> memref<10240x128xf32, #tpu.memory_space<vmem_shared>>
        tpu.wait_indirect_dma semaphore(%arg56 : memref<!tpu.dma_semaphore, #tpu.memory_space<semaphore_mem>>) src(%arg26 : memref<40x128xf32, #tpu.memory_space<vmem>>) dst(%dma_wait3A_444 : memref<10240x128xf32, #tpu.memory_space<vmem_shared>>)
      } else {
      }
      %mul3A_101 = arith.constant 40 : i32
      %mul3A_102 = arith.muli %add3A_98, %mul3A_101 : i32
      %add3A_103 = arith.addi %mul3A_2, %mul3A_102 : i32
      %dma_wait3A_104 = tpu.memref_slice %arg3[%add3A_103] : memref<640000xi32, #tpu.memory_space<hbm>> -> memref<40xi32, #tpu.memory_space<hbm>>
      %dma_wait3A_105 = tpu.memref_slice %arg3[%add3A_103] : memref<640000xi32, #tpu.memory_space<hbm>> -> memref<40xi32, #tpu.memory_space<hbm>>
      tpu.wait_dma2 semaphore(%arg31 : memref<!tpu.dma_semaphore, #tpu.memory_space<semaphore_mem>>) src(%dma_wait3A_105 : memref<40xi32, #tpu.memory_space<hbm>>) dst(%arg6 : memref<40xi32, #tpu.memory_space<vmem>>)
      %dma_start3A_106 = arith.constant 0 : i32
      %dma_start3A_107 = arith.constant 0 : i32
      %dma_start3A_108 = tpu.memref_slice %arg2[%dma_start3A_106, %dma_start3A_107] : memref<10240x128xf32, #tpu.memory_space<hbm>> -> memref<10240x128xf32, #tpu.memory_space<hbm>>
      tpu.enqueue_indirect_dma source(%dma_start3A_108 : memref<10240x128xf32, #tpu.memory_space<hbm>>) target(%arg26 : memref<40x128xf32, #tpu.memory_space<vmem>>) offsets(%arg6 : memref<40xi32, #tpu.memory_space<vmem>>) semaphore(%arg51 : memref<!tpu.dma_semaphore, #tpu.memory_space<semaphore_mem>>)
      %gt3A_109 = arith.constant 0 : i32
      %gt3A_110 = arith.cmpi sgt, %scan3A_94, %gt3A_109 : i32
      %convert_element_type3A_111 = arith.extui %gt3A_110 : i1 to i32
      %cond3A_112 = arith.constant 0 : i32
      %cond3A_113 = arith.cmpi ne, %convert_element_type3A_111, %cond3A_112 : i32
      scf.if %cond3A_113 {
        %dma_wait3A_442 = arith.constant 0 : i32
        %dma_wait3A_443 = arith.constant 0 : i32
        %dma_wait3A_444 = tpu.memref_slice %arg2[%dma_wait3A_442, %dma_wait3A_443] : memref<10240x128xf32, #tpu.memory_space<hbm>> -> memref<10240x128xf32, #tpu.memory_space<hbm>>
        tpu.wait_indirect_dma semaphore(%arg54 : memref<!tpu.dma_semaphore, #tpu.memory_space<semaphore_mem>>) src(%dma_wait3A_444 : memref<10240x128xf32, #tpu.memory_space<hbm>>) dst(%arg29 : memref<40x128xf32, #tpu.memory_space<vmem>>)
        %sub3A_445 = arith.constant 2 : i32
        %sub3A_446 = arith.subi %add3A_98, %sub3A_445 : i32
        %add3A_447 = arith.constant 320000 : i32
        %add3A_448 = arith.addi %add3A_447, %mul3A_2 : i32
        %mul3A_449 = arith.constant 40 : i32
        %mul3A_450 = arith.muli %sub3A_446, %mul3A_449 : i32
        %add3A_451 = arith.addi %add3A_448, %mul3A_450 : i32
        %dma_wait3A_452 = tpu.memref_slice %arg3[%add3A_451] : memref<640000xi32, #tpu.memory_space<hbm>> -> memref<40xi32, #tpu.memory_space<hbm>>
        %dma_wait3A_453 = tpu.memref_slice %arg3[%add3A_451] : memref<640000xi32, #tpu.memory_space<hbm>> -> memref<40xi32, #tpu.memory_space<hbm>>
        tpu.wait_dma2 semaphore(%arg49 : memref<!tpu.dma_semaphore, #tpu.memory_space<semaphore_mem>>) src(%dma_wait3A_453 : memref<40xi32, #tpu.memory_space<hbm>>) dst(%arg24 : memref<40xi32, #tpu.memory_space<vmem>>)
        %dma_start3A_454 = arith.constant 0 : i32
        %dma_start3A_455 = arith.constant 0 : i32
        %dma_start3A_456 = tpu.memref_slice %arg5[%dma_start3A_454, %dma_start3A_455] : memref<10240x128xf32, #tpu.memory_space<vmem_shared>> -> memref<10240x128xf32, #tpu.memory_space<vmem_shared>>
        tpu.enqueue_indirect_dma source(%arg29 : memref<40x128xf32, #tpu.memory_space<vmem>>) target(%dma_start3A_456 : memref<10240x128xf32, #tpu.memory_space<vmem_shared>>) offsets(%arg24 : memref<40xi32, #tpu.memory_space<vmem>>) semaphore(%arg59 : memref<!tpu.dma_semaphore, #tpu.memory_space<semaphore_mem>>) {add = true}
      } else {
      }
      %add3A_114 = arith.constant 5 : i32
      %add3A_115 = arith.addi %add3A_98, %add3A_114 : i32
      %mul3A_116 = arith.constant 40 : i32
      %mul3A_117 = arith.muli %add3A_115, %mul3A_116 : i32
      %add3A_118 = arith.addi %mul3A_2, %mul3A_117 : i32
      %dma_start3A_119 = tpu.memref_slice %arg3[%add3A_118] : memref<640000xi32, #tpu.memory_space<hbm>> -> memref<40xi32, #tpu.memory_space<hbm>>
      %dma_start3A_120 = tpu.memref_slice %arg3[%add3A_118] : memref<640000xi32, #tpu.memory_space<hbm>> -> memref<40xi32, #tpu.memory_space<hbm>>
      tpu.enqueue_dma source(%dma_start3A_120 : memref<40xi32, #tpu.memory_space<hbm>>) target(%arg11 : memref<40xi32, #tpu.memory_space<vmem>>) target_semaphore(%arg36 : memref<!tpu.dma_semaphore, #tpu.memory_space<semaphore_mem>>)
      %add3A_121 = arith.constant 320000 : i32
      %add3A_122 = arith.addi %add3A_121, %add3A_118 : i32
      %dma_start3A_123 = tpu.memref_slice %arg3[%add3A_122] : memref<640000xi32, #tpu.memory_space<hbm>> -> memref<40xi32, #tpu.memory_space<hbm>>
      %dma_start3A_124 = tpu.memref_slice %arg3[%add3A_122] : memref<640000xi32, #tpu.memory_space<hbm>> -> memref<40xi32, #tpu.memory_space<hbm>>
      tpu.enqueue_dma source(%dma_start3A_124 : memref<40xi32, #tpu.memory_space<hbm>>) target(%arg21 : memref<40xi32, #tpu.memory_space<vmem>>) target_semaphore(%arg46 : memref<!tpu.dma_semaphore, #tpu.memory_space<semaphore_mem>>)
      %add3A_125 = arith.constant 1 : i32
      %add3A_126 = arith.addi %mul3A_96, %add3A_125 : i32
      %gt3A_127 = arith.constant 0 : i32
      %gt3A_128 = arith.cmpi sgt, %scan3A_94, %gt3A_127 : i32
      %convert_element_type3A_129 = arith.extui %gt3A_128 : i1 to i32
      %cond3A_130 = arith.constant 0 : i32
      %cond3A_131 = arith.cmpi ne, %convert_element_type3A_129, %cond3A_130 : i32
      scf.if %cond3A_131 {
        %dma_wait3A_442 = arith.constant 0 : i32
        %dma_wait3A_443 = arith.constant 0 : i32
        %dma_wait3A_444 = tpu.memref_slice %arg5[%dma_wait3A_442, %dma_wait3A_443] : memref<10240x128xf32, #tpu.memory_space<vmem_shared>> -> memref<10240x128xf32, #tpu.memory_space<vmem_shared>>
        tpu.wait_indirect_dma semaphore(%arg57 : memref<!tpu.dma_semaphore, #tpu.memory_space<semaphore_mem>>) src(%arg27 : memref<40x128xf32, #tpu.memory_space<vmem>>) dst(%dma_wait3A_444 : memref<10240x128xf32, #tpu.memory_space<vmem_shared>>)
      } else {
      }
      %mul3A_132 = arith.constant 40 : i32
      %mul3A_133 = arith.muli %add3A_126, %mul3A_132 : i32
      %add3A_134 = arith.addi %mul3A_2, %mul3A_133 : i32
      %dma_wait3A_135 = tpu.memref_slice %arg3[%add3A_134] : memref<640000xi32, #tpu.memory_space<hbm>> -> memref<40xi32, #tpu.memory_space<hbm>>
      %dma_wait3A_136 = tpu.memref_slice %arg3[%add3A_134] : memref<640000xi32, #tpu.memory_space<hbm>> -> memref<40xi32, #tpu.memory_space<hbm>>
      tpu.wait_dma2 semaphore(%arg32 : memref<!tpu.dma_semaphore, #tpu.memory_space<semaphore_mem>>) src(%dma_wait3A_136 : memref<40xi32, #tpu.memory_space<hbm>>) dst(%arg7 : memref<40xi32, #tpu.memory_space<vmem>>)
      %dma_start3A_137 = arith.constant 0 : i32
      %dma_start3A_138 = arith.constant 0 : i32
      %dma_start3A_139 = tpu.memref_slice %arg2[%dma_start3A_137, %dma_start3A_138] : memref<10240x128xf32, #tpu.memory_space<hbm>> -> memref<10240x128xf32, #tpu.memory_space<hbm>>
      tpu.enqueue_indirect_dma source(%dma_start3A_139 : memref<10240x128xf32, #tpu.memory_space<hbm>>) target(%arg27 : memref<40x128xf32, #tpu.memory_space<vmem>>) offsets(%arg7 : memref<40xi32, #tpu.memory_space<vmem>>) semaphore(%arg52 : memref<!tpu.dma_semaphore, #tpu.memory_space<semaphore_mem>>)
      %gt3A_140 = arith.constant 0 : i32
      %gt3A_141 = arith.cmpi sgt, %scan3A_94, %gt3A_140 : i32
      %convert_element_type3A_142 = arith.extui %gt3A_141 : i1 to i32
      %cond3A_143 = arith.constant 0 : i32
      %cond3A_144 = arith.cmpi ne, %convert_element_type3A_142, %cond3A_143 : i32
      scf.if %cond3A_144 {
        %dma_wait3A_442 = arith.constant 0 : i32
        %dma_wait3A_443 = arith.constant 0 : i32
        %dma_wait3A_444 = tpu.memref_slice %arg2[%dma_wait3A_442, %dma_wait3A_443] : memref<10240x128xf32, #tpu.memory_space<hbm>> -> memref<10240x128xf32, #tpu.memory_space<hbm>>
        tpu.wait_indirect_dma semaphore(%arg55 : memref<!tpu.dma_semaphore, #tpu.memory_space<semaphore_mem>>) src(%dma_wait3A_444 : memref<10240x128xf32, #tpu.memory_space<hbm>>) dst(%arg30 : memref<40x128xf32, #tpu.memory_space<vmem>>)
        %sub3A_445 = arith.constant 2 : i32
        %sub3A_446 = arith.subi %add3A_126, %sub3A_445 : i32
        %add3A_447 = arith.constant 320000 : i32
        %add3A_448 = arith.addi %add3A_447, %mul3A_2 : i32
        %mul3A_449 = arith.constant 40 : i32
        %mul3A_450 = arith.muli %sub3A_446, %mul3A_449 : i32
        %add3A_451 = arith.addi %add3A_448, %mul3A_450 : i32
        %dma_wait3A_452 = tpu.memref_slice %arg3[%add3A_451] : memref<640000xi32, #tpu.memory_space<hbm>> -> memref<40xi32, #tpu.memory_space<hbm>>
        %dma_wait3A_453 = tpu.memref_slice %arg3[%add3A_451] : memref<640000xi32, #tpu.memory_space<hbm>> -> memref<40xi32, #tpu.memory_space<hbm>>
        tpu.wait_dma2 semaphore(%arg50 : memref<!tpu.dma_semaphore, #tpu.memory_space<semaphore_mem>>) src(%dma_wait3A_453 : memref<40xi32, #tpu.memory_space<hbm>>) dst(%arg25 : memref<40xi32, #tpu.memory_space<vmem>>)
        %dma_start3A_454 = arith.constant 0 : i32
        %dma_start3A_455 = arith.constant 0 : i32
        %dma_start3A_456 = tpu.memref_slice %arg5[%dma_start3A_454, %dma_start3A_455] : memref<10240x128xf32, #tpu.memory_space<vmem_shared>> -> memref<10240x128xf32, #tpu.memory_space<vmem_shared>>
        tpu.enqueue_indirect_dma source(%arg30 : memref<40x128xf32, #tpu.memory_space<vmem>>) target(%dma_start3A_456 : memref<10240x128xf32, #tpu.memory_space<vmem_shared>>) offsets(%arg25 : memref<40xi32, #tpu.memory_space<vmem>>) semaphore(%arg60 : memref<!tpu.dma_semaphore, #tpu.memory_space<semaphore_mem>>) {add = true}
      } else {
      }
      %add3A_145 = arith.constant 5 : i32
      %add3A_146 = arith.addi %add3A_126, %add3A_145 : i32
      %mul3A_147 = arith.constant 40 : i32
      %mul3A_148 = arith.muli %add3A_146, %mul3A_147 : i32
      %add3A_149 = arith.addi %mul3A_2, %mul3A_148 : i32
      %dma_start3A_150 = tpu.memref_slice %arg3[%add3A_149] : memref<640000xi32, #tpu.memory_space<hbm>> -> memref<40xi32, #tpu.memory_space<hbm>>
      %dma_start3A_151 = tpu.memref_slice %arg3[%add3A_149] : memref<640000xi32, #tpu.memory_space<hbm>> -> memref<40xi32, #tpu.memory_space<hbm>>
      tpu.enqueue_dma source(%dma_start3A_151 : memref<40xi32, #tpu.memory_space<hbm>>) target(%arg12 : memref<40xi32, #tpu.memory_space<vmem>>) target_semaphore(%arg37 : memref<!tpu.dma_semaphore, #tpu.memory_space<semaphore_mem>>)
      %add3A_152 = arith.constant 320000 : i32
      %add3A_153 = arith.addi %add3A_152, %add3A_149 : i32
      %dma_start3A_154 = tpu.memref_slice %arg3[%add3A_153] : memref<640000xi32, #tpu.memory_space<hbm>> -> memref<40xi32, #tpu.memory_space<hbm>>
      %dma_start3A_155 = tpu.memref_slice %arg3[%add3A_153] : memref<640000xi32, #tpu.memory_space<hbm>> -> memref<40xi32, #tpu.memory_space<hbm>>
      tpu.enqueue_dma source(%dma_start3A_155 : memref<40xi32, #tpu.memory_space<hbm>>) target(%arg22 : memref<40xi32, #tpu.memory_space<vmem>>) target_semaphore(%arg47 : memref<!tpu.dma_semaphore, #tpu.memory_space<semaphore_mem>>)
      %add3A_156 = arith.constant 2 : i32
      %add3A_157 = arith.addi %mul3A_96, %add3A_156 : i32
      %gt3A_158 = arith.constant 0 : i32
      %gt3A_159 = arith.cmpi sgt, %scan3A_94, %gt3A_158 : i32
      %convert_element_type3A_160 = arith.extui %gt3A_159 : i1 to i32
      %cond3A_161 = arith.constant 0 : i32
      %cond3A_162 = arith.cmpi ne, %convert_element_type3A_160, %cond3A_161 : i32
      scf.if %cond3A_162 {
        %dma_wait3A_442 = arith.constant 0 : i32
        %dma_wait3A_443 = arith.constant 0 : i32
        %dma_wait3A_444 = tpu.memref_slice %arg5[%dma_wait3A_442, %dma_wait3A_443] : memref<10240x128xf32, #tpu.memory_space<vmem_shared>> -> memref<10240x128xf32, #tpu.memory_space<vmem_shared>>
        tpu.wait_indirect_dma semaphore(%arg58 : memref<!tpu.dma_semaphore, #tpu.memory_space<semaphore_mem>>) src(%arg28 : memref<40x128xf32, #tpu.memory_space<vmem>>) dst(%dma_wait3A_444 : memref<10240x128xf32, #tpu.memory_space<vmem_shared>>)
      } else {
      }
      %mul3A_163 = arith.constant 40 : i32
      %mul3A_164 = arith.muli %add3A_157, %mul3A_163 : i32
      %add3A_165 = arith.addi %mul3A_2, %mul3A_164 : i32
      %dma_wait3A_166 = tpu.memref_slice %arg3[%add3A_165] : memref<640000xi32, #tpu.memory_space<hbm>> -> memref<40xi32, #tpu.memory_space<hbm>>
      %dma_wait3A_167 = tpu.memref_slice %arg3[%add3A_165] : memref<640000xi32, #tpu.memory_space<hbm>> -> memref<40xi32, #tpu.memory_space<hbm>>
      tpu.wait_dma2 semaphore(%arg33 : memref<!tpu.dma_semaphore, #tpu.memory_space<semaphore_mem>>) src(%dma_wait3A_167 : memref<40xi32, #tpu.memory_space<hbm>>) dst(%arg8 : memref<40xi32, #tpu.memory_space<vmem>>)
      %dma_start3A_168 = arith.constant 0 : i32
      %dma_start3A_169 = arith.constant 0 : i32
      %dma_start3A_170 = tpu.memref_slice %arg2[%dma_start3A_168, %dma_start3A_169] : memref<10240x128xf32, #tpu.memory_space<hbm>> -> memref<10240x128xf32, #tpu.memory_space<hbm>>
      tpu.enqueue_indirect_dma source(%dma_start3A_170 : memref<10240x128xf32, #tpu.memory_space<hbm>>) target(%arg28 : memref<40x128xf32, #tpu.memory_space<vmem>>) offsets(%arg8 : memref<40xi32, #tpu.memory_space<vmem>>) semaphore(%arg53 : memref<!tpu.dma_semaphore, #tpu.memory_space<semaphore_mem>>)
      %dma_wait3A_171 = arith.constant 0 : i32
      %dma_wait3A_172 = arith.constant 0 : i32
      %dma_wait3A_173 = tpu.memref_slice %arg2[%dma_wait3A_171, %dma_wait3A_172] : memref<10240x128xf32, #tpu.memory_space<hbm>> -> memref<10240x128xf32, #tpu.memory_space<hbm>>
      tpu.wait_indirect_dma semaphore(%arg51 : memref<!tpu.dma_semaphore, #tpu.memory_space<semaphore_mem>>) src(%dma_wait3A_173 : memref<10240x128xf32, #tpu.memory_space<hbm>>) dst(%arg26 : memref<40x128xf32, #tpu.memory_space<vmem>>)
      %sub3A = arith.constant 2 : i32
      %sub3A_174 = arith.subi %add3A_157, %sub3A : i32
      %add3A_175 = arith.constant 320000 : i32
      %add3A_176 = arith.addi %add3A_175, %mul3A_2 : i32
      %mul3A_177 = arith.constant 40 : i32
      %mul3A_178 = arith.muli %sub3A_174, %mul3A_177 : i32
      %add3A_179 = arith.addi %add3A_176, %mul3A_178 : i32
      %dma_wait3A_180 = tpu.memref_slice %arg3[%add3A_179] : memref<640000xi32, #tpu.memory_space<hbm>> -> memref<40xi32, #tpu.memory_space<hbm>>
      %dma_wait3A_181 = tpu.memref_slice %arg3[%add3A_179] : memref<640000xi32, #tpu.memory_space<hbm>> -> memref<40xi32, #tpu.memory_space<hbm>>
      tpu.wait_dma2 semaphore(%arg41 : memref<!tpu.dma_semaphore, #tpu.memory_space<semaphore_mem>>) src(%dma_wait3A_181 : memref<40xi32, #tpu.memory_space<hbm>>) dst(%arg16 : memref<40xi32, #tpu.memory_space<vmem>>)
      %dma_start3A_182 = arith.constant 0 : i32
      %dma_start3A_183 = arith.constant 0 : i32
      %dma_start3A_184 = tpu.memref_slice %arg5[%dma_start3A_182, %dma_start3A_183] : memref<10240x128xf32, #tpu.memory_space<vmem_shared>> -> memref<10240x128xf32, #tpu.memory_space<vmem_shared>>
      tpu.enqueue_indirect_dma source(%arg26 : memref<40x128xf32, #tpu.memory_space<vmem>>) target(%dma_start3A_184 : memref<10240x128xf32, #tpu.memory_space<vmem_shared>>) offsets(%arg16 : memref<40xi32, #tpu.memory_space<vmem>>) semaphore(%arg56 : memref<!tpu.dma_semaphore, #tpu.memory_space<semaphore_mem>>) {add = true}
      %add3A_185 = arith.constant 5 : i32
      %add3A_186 = arith.addi %add3A_157, %add3A_185 : i32
      %mul3A_187 = arith.constant 40 : i32
      %mul3A_188 = arith.muli %add3A_186, %mul3A_187 : i32
      %add3A_189 = arith.addi %mul3A_2, %mul3A_188 : i32
      %dma_start3A_190 = tpu.memref_slice %arg3[%add3A_189] : memref<640000xi32, #tpu.memory_space<hbm>> -> memref<40xi32, #tpu.memory_space<hbm>>
      %dma_start3A_191 = tpu.memref_slice %arg3[%add3A_189] : memref<640000xi32, #tpu.memory_space<hbm>> -> memref<40xi32, #tpu.memory_space<hbm>>
      tpu.enqueue_dma source(%dma_start3A_191 : memref<40xi32, #tpu.memory_space<hbm>>) target(%arg13 : memref<40xi32, #tpu.memory_space<vmem>>) target_semaphore(%arg38 : memref<!tpu.dma_semaphore, #tpu.memory_space<semaphore_mem>>)
      %add3A_192 = arith.constant 320000 : i32
      %add3A_193 = arith.addi %add3A_192, %add3A_189 : i32
      %dma_start3A_194 = tpu.memref_slice %arg3[%add3A_193] : memref<640000xi32, #tpu.memory_space<hbm>> -> memref<40xi32, #tpu.memory_space<hbm>>
      %dma_start3A_195 = tpu.memref_slice %arg3[%add3A_193] : memref<640000xi32, #tpu.memory_space<hbm>> -> memref<40xi32, #tpu.memory_space<hbm>>
      tpu.enqueue_dma source(%dma_start3A_195 : memref<40xi32, #tpu.memory_space<hbm>>) target(%arg23 : memref<40xi32, #tpu.memory_space<vmem>>) target_semaphore(%arg48 : memref<!tpu.dma_semaphore, #tpu.memory_space<semaphore_mem>>)
      %add3A_196 = arith.constant 3 : i32
      %add3A_197 = arith.addi %mul3A_96, %add3A_196 : i32
      %gt3A_198 = arith.constant 0 : i32
      %gt3A_199 = arith.cmpi sgt, %scan3A_94, %gt3A_198 : i32
      %convert_element_type3A_200 = arith.extui %gt3A_199 : i1 to i32
      %cond3A_201 = arith.constant 0 : i32
      %cond3A_202 = arith.cmpi ne, %convert_element_type3A_200, %cond3A_201 : i32
      scf.if %cond3A_202 {
        %dma_wait3A_442 = arith.constant 0 : i32
        %dma_wait3A_443 = arith.constant 0 : i32
        %dma_wait3A_444 = tpu.memref_slice %arg5[%dma_wait3A_442, %dma_wait3A_443] : memref<10240x128xf32, #tpu.memory_space<vmem_shared>> -> memref<10240x128xf32, #tpu.memory_space<vmem_shared>>
        tpu.wait_indirect_dma semaphore(%arg59 : memref<!tpu.dma_semaphore, #tpu.memory_space<semaphore_mem>>) src(%arg29 : memref<40x128xf32, #tpu.memory_space<vmem>>) dst(%dma_wait3A_444 : memref<10240x128xf32, #tpu.memory_space<vmem_shared>>)
      } else {
      }
      %mul3A_203 = arith.constant 40 : i32
      %mul3A_204 = arith.muli %add3A_197, %mul3A_203 : i32
      %add3A_205 = arith.addi %mul3A_2, %mul3A_204 : i32
      %dma_wait3A_206 = tpu.memref_slice %arg3[%add3A_205] : memref<640000xi32, #tpu.memory_space<hbm>> -> memref<40xi32, #tpu.memory_space<hbm>>
      %dma_wait3A_207 = tpu.memref_slice %arg3[%add3A_205] : memref<640000xi32, #tpu.memory_space<hbm>> -> memref<40xi32, #tpu.memory_space<hbm>>
      tpu.wait_dma2 semaphore(%arg34 : memref<!tpu.dma_semaphore, #tpu.memory_space<semaphore_mem>>) src(%dma_wait3A_207 : memref<40xi32, #tpu.memory_space<hbm>>) dst(%arg9 : memref<40xi32, #tpu.memory_space<vmem>>)
      %dma_start3A_208 = arith.constant 0 : i32
      %dma_start3A_209 = arith.constant 0 : i32
      %dma_start3A_210 = tpu.memref_slice %arg2[%dma_start3A_208, %dma_start3A_209] : memref<10240x128xf32, #tpu.memory_space<hbm>> -> memref<10240x128xf32, #tpu.memory_space<hbm>>
      tpu.enqueue_indirect_dma source(%dma_start3A_210 : memref<10240x128xf32, #tpu.memory_space<hbm>>) target(%arg29 : memref<40x128xf32, #tpu.memory_space<vmem>>) offsets(%arg9 : memref<40xi32, #tpu.memory_space<vmem>>) semaphore(%arg54 : memref<!tpu.dma_semaphore, #tpu.memory_space<semaphore_mem>>)
      %dma_wait3A_211 = arith.constant 0 : i32
      %dma_wait3A_212 = arith.constant 0 : i32
      %dma_wait3A_213 = tpu.memref_slice %arg2[%dma_wait3A_211, %dma_wait3A_212] : memref<10240x128xf32, #tpu.memory_space<hbm>> -> memref<10240x128xf32, #tpu.memory_space<hbm>>
      tpu.wait_indirect_dma semaphore(%arg52 : memref<!tpu.dma_semaphore, #tpu.memory_space<semaphore_mem>>) src(%dma_wait3A_213 : memref<10240x128xf32, #tpu.memory_space<hbm>>) dst(%arg27 : memref<40x128xf32, #tpu.memory_space<vmem>>)
      %sub3A_214 = arith.constant 2 : i32
      %sub3A_215 = arith.subi %add3A_197, %sub3A_214 : i32
      %add3A_216 = arith.constant 320000 : i32
      %add3A_217 = arith.addi %add3A_216, %mul3A_2 : i32
      %mul3A_218 = arith.constant 40 : i32
      %mul3A_219 = arith.muli %sub3A_215, %mul3A_218 : i32
      %add3A_220 = arith.addi %add3A_217, %mul3A_219 : i32
      %dma_wait3A_221 = tpu.memref_slice %arg3[%add3A_220] : memref<640000xi32, #tpu.memory_space<hbm>> -> memref<40xi32, #tpu.memory_space<hbm>>
      %dma_wait3A_222 = tpu.memref_slice %arg3[%add3A_220] : memref<640000xi32, #tpu.memory_space<hbm>> -> memref<40xi32, #tpu.memory_space<hbm>>
      tpu.wait_dma2 semaphore(%arg42 : memref<!tpu.dma_semaphore, #tpu.memory_space<semaphore_mem>>) src(%dma_wait3A_222 : memref<40xi32, #tpu.memory_space<hbm>>) dst(%arg17 : memref<40xi32, #tpu.memory_space<vmem>>)
      %dma_start3A_223 = arith.constant 0 : i32
      %dma_start3A_224 = arith.constant 0 : i32
      %dma_start3A_225 = tpu.memref_slice %arg5[%dma_start3A_223, %dma_start3A_224] : memref<10240x128xf32, #tpu.memory_space<vmem_shared>> -> memref<10240x128xf32, #tpu.memory_space<vmem_shared>>
      tpu.enqueue_indirect_dma source(%arg27 : memref<40x128xf32, #tpu.memory_space<vmem>>) target(%dma_start3A_225 : memref<10240x128xf32, #tpu.memory_space<vmem_shared>>) offsets(%arg17 : memref<40xi32, #tpu.memory_space<vmem>>) semaphore(%arg57 : memref<!tpu.dma_semaphore, #tpu.memory_space<semaphore_mem>>) {add = true}
      %add3A_226 = arith.constant 5 : i32
      %add3A_227 = arith.addi %add3A_197, %add3A_226 : i32
      %mul3A_228 = arith.constant 40 : i32
      %mul3A_229 = arith.muli %add3A_227, %mul3A_228 : i32
      %add3A_230 = arith.addi %mul3A_2, %mul3A_229 : i32
      %dma_start3A_231 = tpu.memref_slice %arg3[%add3A_230] : memref<640000xi32, #tpu.memory_space<hbm>> -> memref<40xi32, #tpu.memory_space<hbm>>
      %dma_start3A_232 = tpu.memref_slice %arg3[%add3A_230] : memref<640000xi32, #tpu.memory_space<hbm>> -> memref<40xi32, #tpu.memory_space<hbm>>
      tpu.enqueue_dma source(%dma_start3A_232 : memref<40xi32, #tpu.memory_space<hbm>>) target(%arg14 : memref<40xi32, #tpu.memory_space<vmem>>) target_semaphore(%arg39 : memref<!tpu.dma_semaphore, #tpu.memory_space<semaphore_mem>>)
      %add3A_233 = arith.constant 320000 : i32
      %add3A_234 = arith.addi %add3A_233, %add3A_230 : i32
      %dma_start3A_235 = tpu.memref_slice %arg3[%add3A_234] : memref<640000xi32, #tpu.memory_space<hbm>> -> memref<40xi32, #tpu.memory_space<hbm>>
      %dma_start3A_236 = tpu.memref_slice %arg3[%add3A_234] : memref<640000xi32, #tpu.memory_space<hbm>> -> memref<40xi32, #tpu.memory_space<hbm>>
      tpu.enqueue_dma source(%dma_start3A_236 : memref<40xi32, #tpu.memory_space<hbm>>) target(%arg24 : memref<40xi32, #tpu.memory_space<vmem>>) target_semaphore(%arg49 : memref<!tpu.dma_semaphore, #tpu.memory_space<semaphore_mem>>)
      %add3A_237 = arith.constant 4 : i32
      %add3A_238 = arith.addi %mul3A_96, %add3A_237 : i32
      %gt3A_239 = arith.constant 0 : i32
      %gt3A_240 = arith.cmpi sgt, %scan3A_94, %gt3A_239 : i32
      %convert_element_type3A_241 = arith.extui %gt3A_240 : i1 to i32
      %cond3A_242 = arith.constant 0 : i32
      %cond3A_243 = arith.cmpi ne, %convert_element_type3A_241, %cond3A_242 : i32
      scf.if %cond3A_243 {
        %dma_wait3A_442 = arith.constant 0 : i32
        %dma_wait3A_443 = arith.constant 0 : i32
        %dma_wait3A_444 = tpu.memref_slice %arg5[%dma_wait3A_442, %dma_wait3A_443] : memref<10240x128xf32, #tpu.memory_space<vmem_shared>> -> memref<10240x128xf32, #tpu.memory_space<vmem_shared>>
        tpu.wait_indirect_dma semaphore(%arg60 : memref<!tpu.dma_semaphore, #tpu.memory_space<semaphore_mem>>) src(%arg30 : memref<40x128xf32, #tpu.memory_space<vmem>>) dst(%dma_wait3A_444 : memref<10240x128xf32, #tpu.memory_space<vmem_shared>>)
      } else {
      }
      %mul3A_244 = arith.constant 40 : i32
      %mul3A_245 = arith.muli %add3A_238, %mul3A_244 : i32
      %add3A_246 = arith.addi %mul3A_2, %mul3A_245 : i32
      %dma_wait3A_247 = tpu.memref_slice %arg3[%add3A_246] : memref<640000xi32, #tpu.memory_space<hbm>> -> memref<40xi32, #tpu.memory_space<hbm>>
      %dma_wait3A_248 = tpu.memref_slice %arg3[%add3A_246] : memref<640000xi32, #tpu.memory_space<hbm>> -> memref<40xi32, #tpu.memory_space<hbm>>
      tpu.wait_dma2 semaphore(%arg35 : memref<!tpu.dma_semaphore, #tpu.memory_space<semaphore_mem>>) src(%dma_wait3A_248 : memref<40xi32, #tpu.memory_space<hbm>>) dst(%arg10 : memref<40xi32, #tpu.memory_space<vmem>>)
      %dma_start3A_249 = arith.constant 0 : i32
      %dma_start3A_250 = arith.constant 0 : i32
      %dma_start3A_251 = tpu.memref_slice %arg2[%dma_start3A_249, %dma_start3A_250] : memref<10240x128xf32, #tpu.memory_space<hbm>> -> memref<10240x128xf32, #tpu.memory_space<hbm>>
      tpu.enqueue_indirect_dma source(%dma_start3A_251 : memref<10240x128xf32, #tpu.memory_space<hbm>>) target(%arg30 : memref<40x128xf32, #tpu.memory_space<vmem>>) offsets(%arg10 : memref<40xi32, #tpu.memory_space<vmem>>) semaphore(%arg55 : memref<!tpu.dma_semaphore, #tpu.memory_space<semaphore_mem>>)
      %dma_wait3A_252 = arith.constant 0 : i32
      %dma_wait3A_253 = arith.constant 0 : i32
      %dma_wait3A_254 = tpu.memref_slice %arg2[%dma_wait3A_252, %dma_wait3A_253] : memref<10240x128xf32, #tpu.memory_space<hbm>> -> memref<10240x128xf32, #tpu.memory_space<hbm>>
      tpu.wait_indirect_dma semaphore(%arg53 : memref<!tpu.dma_semaphore, #tpu.memory_space<semaphore_mem>>) src(%dma_wait3A_254 : memref<10240x128xf32, #tpu.memory_space<hbm>>) dst(%arg28 : memref<40x128xf32, #tpu.memory_space<vmem>>)
      %sub3A_255 = arith.constant 2 : i32
      %sub3A_256 = arith.subi %add3A_238, %sub3A_255 : i32
      %add3A_257 = arith.constant 320000 : i32
      %add3A_258 = arith.addi %add3A_257, %mul3A_2 : i32
      %mul3A_259 = arith.constant 40 : i32
      %mul3A_260 = arith.muli %sub3A_256, %mul3A_259 : i32
      %add3A_261 = arith.addi %add3A_258, %mul3A_260 : i32
      %dma_wait3A_262 = tpu.memref_slice %arg3[%add3A_261] : memref<640000xi32, #tpu.memory_space<hbm>> -> memref<40xi32, #tpu.memory_space<hbm>>
      %dma_wait3A_263 = tpu.memref_slice %arg3[%add3A_261] : memref<640000xi32, #tpu.memory_space<hbm>> -> memref<40xi32, #tpu.memory_space<hbm>>
      tpu.wait_dma2 semaphore(%arg43 : memref<!tpu.dma_semaphore, #tpu.memory_space<semaphore_mem>>) src(%dma_wait3A_263 : memref<40xi32, #tpu.memory_space<hbm>>) dst(%arg18 : memref<40xi32, #tpu.memory_space<vmem>>)
      %dma_start3A_264 = arith.constant 0 : i32
      %dma_start3A_265 = arith.constant 0 : i32
      %dma_start3A_266 = tpu.memref_slice %arg5[%dma_start3A_264, %dma_start3A_265] : memref<10240x128xf32, #tpu.memory_space<vmem_shared>> -> memref<10240x128xf32, #tpu.memory_space<vmem_shared>>
      tpu.enqueue_indirect_dma source(%arg28 : memref<40x128xf32, #tpu.memory_space<vmem>>) target(%dma_start3A_266 : memref<10240x128xf32, #tpu.memory_space<vmem_shared>>) offsets(%arg18 : memref<40xi32, #tpu.memory_space<vmem>>) semaphore(%arg58 : memref<!tpu.dma_semaphore, #tpu.memory_space<semaphore_mem>>) {add = true}
      %add3A_267 = arith.constant 5 : i32
      %add3A_268 = arith.addi %add3A_238, %add3A_267 : i32
      %mul3A_269 = arith.constant 40 : i32
      %mul3A_270 = arith.muli %add3A_268, %mul3A_269 : i32
      %add3A_271 = arith.addi %mul3A_2, %mul3A_270 : i32
      %dma_start3A_272 = tpu.memref_slice %arg3[%add3A_271] : memref<640000xi32, #tpu.memory_space<hbm>> -> memref<40xi32, #tpu.memory_space<hbm>>
      %dma_start3A_273 = tpu.memref_slice %arg3[%add3A_271] : memref<640000xi32, #tpu.memory_space<hbm>> -> memref<40xi32, #tpu.memory_space<hbm>>
      tpu.enqueue_dma source(%dma_start3A_273 : memref<40xi32, #tpu.memory_space<hbm>>) target(%arg15 : memref<40xi32, #tpu.memory_space<vmem>>) target_semaphore(%arg40 : memref<!tpu.dma_semaphore, #tpu.memory_space<semaphore_mem>>)
      %add3A_274 = arith.constant 320000 : i32
      %add3A_275 = arith.addi %add3A_274, %add3A_271 : i32
      %dma_start3A_276 = tpu.memref_slice %arg3[%add3A_275] : memref<640000xi32, #tpu.memory_space<hbm>> -> memref<40xi32, #tpu.memory_space<hbm>>
      %dma_start3A_277 = tpu.memref_slice %arg3[%add3A_275] : memref<640000xi32, #tpu.memory_space<hbm>> -> memref<40xi32, #tpu.memory_space<hbm>>
      tpu.enqueue_dma source(%dma_start3A_277 : memref<40xi32, #tpu.memory_space<hbm>>) target(%arg25 : memref<40xi32, #tpu.memory_space<vmem>>) target_semaphore(%arg50 : memref<!tpu.dma_semaphore, #tpu.memory_space<semaphore_mem>>)
      %add3A_278 = arith.constant 5 : i32
      %add3A_279 = arith.addi %mul3A_96, %add3A_278 : i32
      %dma_wait3A_280 = arith.constant 0 : i32
      %dma_wait3A_281 = arith.constant 0 : i32
      %dma_wait3A_282 = tpu.memref_slice %arg5[%dma_wait3A_280, %dma_wait3A_281] : memref<10240x128xf32, #tpu.memory_space<vmem_shared>> -> memref<10240x128xf32, #tpu.memory_space<vmem_shared>>
      tpu.wait_indirect_dma semaphore(%arg56 : memref<!tpu.dma_semaphore, #tpu.memory_space<semaphore_mem>>) src(%arg26 : memref<40x128xf32, #tpu.memory_space<vmem>>) dst(%dma_wait3A_282 : memref<10240x128xf32, #tpu.memory_space<vmem_shared>>)
      %mul3A_283 = arith.constant 40 : i32
      %mul3A_284 = arith.muli %add3A_279, %mul3A_283 : i32
      %add3A_285 = arith.addi %mul3A_2, %mul3A_284 : i32
      %dma_wait3A_286 = tpu.memref_slice %arg3[%add3A_285] : memref<640000xi32, #tpu.memory_space<hbm>> -> memref<40xi32, #tpu.memory_space<hbm>>
      %dma_wait3A_287 = tpu.memref_slice %arg3[%add3A_285] : memref<640000xi32, #tpu.memory_space<hbm>> -> memref<40xi32, #tpu.memory_space<hbm>>
      tpu.wait_dma2 semaphore(%arg36 : memref<!tpu.dma_semaphore, #tpu.memory_space<semaphore_mem>>) src(%dma_wait3A_287 : memref<40xi32, #tpu.memory_space<hbm>>) dst(%arg11 : memref<40xi32, #tpu.memory_space<vmem>>)
      %dma_start3A_288 = arith.constant 0 : i32
      %dma_start3A_289 = arith.constant 0 : i32
      %dma_start3A_290 = tpu.memref_slice %arg2[%dma_start3A_288, %dma_start3A_289] : memref<10240x128xf32, #tpu.memory_space<hbm>> -> memref<10240x128xf32, #tpu.memory_space<hbm>>
      tpu.enqueue_indirect_dma source(%dma_start3A_290 : memref<10240x128xf32, #tpu.memory_space<hbm>>) target(%arg26 : memref<40x128xf32, #tpu.memory_space<vmem>>) offsets(%arg11 : memref<40xi32, #tpu.memory_space<vmem>>) semaphore(%arg51 : memref<!tpu.dma_semaphore, #tpu.memory_space<semaphore_mem>>)
      %dma_wait3A_291 = arith.constant 0 : i32
      %dma_wait3A_292 = arith.constant 0 : i32
      %dma_wait3A_293 = tpu.memref_slice %arg2[%dma_wait3A_291, %dma_wait3A_292] : memref<10240x128xf32, #tpu.memory_space<hbm>> -> memref<10240x128xf32, #tpu.memory_space<hbm>>
      tpu.wait_indirect_dma semaphore(%arg54 : memref<!tpu.dma_semaphore, #tpu.memory_space<semaphore_mem>>) src(%dma_wait3A_293 : memref<10240x128xf32, #tpu.memory_space<hbm>>) dst(%arg29 : memref<40x128xf32, #tpu.memory_space<vmem>>)
      %sub3A_294 = arith.constant 2 : i32
      %sub3A_295 = arith.subi %add3A_279, %sub3A_294 : i32
      %add3A_296 = arith.constant 320000 : i32
      %add3A_297 = arith.addi %add3A_296, %mul3A_2 : i32
      %mul3A_298 = arith.constant 40 : i32
      %mul3A_299 = arith.muli %sub3A_295, %mul3A_298 : i32
      %add3A_300 = arith.addi %add3A_297, %mul3A_299 : i32
      %dma_wait3A_301 = tpu.memref_slice %arg3[%add3A_300] : memref<640000xi32, #tpu.memory_space<hbm>> -> memref<40xi32, #tpu.memory_space<hbm>>
      %dma_wait3A_302 = tpu.memref_slice %arg3[%add3A_300] : memref<640000xi32, #tpu.memory_space<hbm>> -> memref<40xi32, #tpu.memory_space<hbm>>
      tpu.wait_dma2 semaphore(%arg44 : memref<!tpu.dma_semaphore, #tpu.memory_space<semaphore_mem>>) src(%dma_wait3A_302 : memref<40xi32, #tpu.memory_space<hbm>>) dst(%arg19 : memref<40xi32, #tpu.memory_space<vmem>>)
      %dma_start3A_303 = arith.constant 0 : i32
      %dma_start3A_304 = arith.constant 0 : i32
      %dma_start3A_305 = tpu.memref_slice %arg5[%dma_start3A_303, %dma_start3A_304] : memref<10240x128xf32, #tpu.memory_space<vmem_shared>> -> memref<10240x128xf32, #tpu.memory_space<vmem_shared>>
      tpu.enqueue_indirect_dma source(%arg29 : memref<40x128xf32, #tpu.memory_space<vmem>>) target(%dma_start3A_305 : memref<10240x128xf32, #tpu.memory_space<vmem_shared>>) offsets(%arg19 : memref<40xi32, #tpu.memory_space<vmem>>) semaphore(%arg59 : memref<!tpu.dma_semaphore, #tpu.memory_space<semaphore_mem>>) {add = true}
      %lt3A = arith.constant 24 : i32
      %lt3A_306 = arith.cmpi slt, %scan3A_94, %lt3A : i32
      %convert_element_type3A_307 = arith.extui %lt3A_306 : i1 to i32
      %cond3A_308 = arith.constant 0 : i32
      %cond3A_309 = arith.cmpi ne, %convert_element_type3A_307, %cond3A_308 : i32
      scf.if %cond3A_309 {
        %add3A_442 = arith.constant 5 : i32
        %add3A_443 = arith.addi %add3A_279, %add3A_442 : i32
        %mul3A_444 = arith.constant 40 : i32
        %mul3A_445 = arith.muli %add3A_443, %mul3A_444 : i32
        %add3A_446 = arith.addi %mul3A_2, %mul3A_445 : i32
        %dma_start3A_447 = tpu.memref_slice %arg3[%add3A_446] : memref<640000xi32, #tpu.memory_space<hbm>> -> memref<40xi32, #tpu.memory_space<hbm>>
        %dma_start3A_448 = tpu.memref_slice %arg3[%add3A_446] : memref<640000xi32, #tpu.memory_space<hbm>> -> memref<40xi32, #tpu.memory_space<hbm>>
        tpu.enqueue_dma source(%dma_start3A_448 : memref<40xi32, #tpu.memory_space<hbm>>) target(%arg6 : memref<40xi32, #tpu.memory_space<vmem>>) target_semaphore(%arg31 : memref<!tpu.dma_semaphore, #tpu.memory_space<semaphore_mem>>)
        %add3A_449 = arith.constant 320000 : i32
        %add3A_450 = arith.addi %add3A_449, %add3A_446 : i32
        %dma_start3A_451 = tpu.memref_slice %arg3[%add3A_450] : memref<640000xi32, #tpu.memory_space<hbm>> -> memref<40xi32, #tpu.memory_space<hbm>>
        %dma_start3A_452 = tpu.memref_slice %arg3[%add3A_450] : memref<640000xi32, #tpu.memory_space<hbm>> -> memref<40xi32, #tpu.memory_space<hbm>>
        tpu.enqueue_dma source(%dma_start3A_452 : memref<40xi32, #tpu.memory_space<hbm>>) target(%arg16 : memref<40xi32, #tpu.memory_space<vmem>>) target_semaphore(%arg41 : memref<!tpu.dma_semaphore, #tpu.memory_space<semaphore_mem>>)
      } else {
      }
      %add3A_310 = arith.constant 6 : i32
      %add3A_311 = arith.addi %mul3A_96, %add3A_310 : i32
      %dma_wait3A_312 = arith.constant 0 : i32
      %dma_wait3A_313 = arith.constant 0 : i32
      %dma_wait3A_314 = tpu.memref_slice %arg5[%dma_wait3A_312, %dma_wait3A_313] : memref<10240x128xf32, #tpu.memory_space<vmem_shared>> -> memref<10240x128xf32, #tpu.memory_space<vmem_shared>>
      tpu.wait_indirect_dma semaphore(%arg57 : memref<!tpu.dma_semaphore, #tpu.memory_space<semaphore_mem>>) src(%arg27 : memref<40x128xf32, #tpu.memory_space<vmem>>) dst(%dma_wait3A_314 : memref<10240x128xf32, #tpu.memory_space<vmem_shared>>)
      %mul3A_315 = arith.constant 40 : i32
      %mul3A_316 = arith.muli %add3A_311, %mul3A_315 : i32
      %add3A_317 = arith.addi %mul3A_2, %mul3A_316 : i32
      %dma_wait3A_318 = tpu.memref_slice %arg3[%add3A_317] : memref<640000xi32, #tpu.memory_space<hbm>> -> memref<40xi32, #tpu.memory_space<hbm>>
      %dma_wait3A_319 = tpu.memref_slice %arg3[%add3A_317] : memref<640000xi32, #tpu.memory_space<hbm>> -> memref<40xi32, #tpu.memory_space<hbm>>
      tpu.wait_dma2 semaphore(%arg37 : memref<!tpu.dma_semaphore, #tpu.memory_space<semaphore_mem>>) src(%dma_wait3A_319 : memref<40xi32, #tpu.memory_space<hbm>>) dst(%arg12 : memref<40xi32, #tpu.memory_space<vmem>>)
      %dma_start3A_320 = arith.constant 0 : i32
      %dma_start3A_321 = arith.constant 0 : i32
      %dma_start3A_322 = tpu.memref_slice %arg2[%dma_start3A_320, %dma_start3A_321] : memref<10240x128xf32, #tpu.memory_space<hbm>> -> memref<10240x128xf32, #tpu.memory_space<hbm>>
      tpu.enqueue_indirect_dma source(%dma_start3A_322 : memref<10240x128xf32, #tpu.memory_space<hbm>>) target(%arg27 : memref<40x128xf32, #tpu.memory_space<vmem>>) offsets(%arg12 : memref<40xi32, #tpu.memory_space<vmem>>) semaphore(%arg52 : memref<!tpu.dma_semaphore, #tpu.memory_space<semaphore_mem>>)
      %dma_wait3A_323 = arith.constant 0 : i32
      %dma_wait3A_324 = arith.constant 0 : i32
      %dma_wait3A_325 = tpu.memref_slice %arg2[%dma_wait3A_323, %dma_wait3A_324] : memref<10240x128xf32, #tpu.memory_space<hbm>> -> memref<10240x128xf32, #tpu.memory_space<hbm>>
      tpu.wait_indirect_dma semaphore(%arg55 : memref<!tpu.dma_semaphore, #tpu.memory_space<semaphore_mem>>) src(%dma_wait3A_325 : memref<10240x128xf32, #tpu.memory_space<hbm>>) dst(%arg30 : memref<40x128xf32, #tpu.memory_space<vmem>>)
      %sub3A_326 = arith.constant 2 : i32
      %sub3A_327 = arith.subi %add3A_311, %sub3A_326 : i32
      %add3A_328 = arith.constant 320000 : i32
      %add3A_329 = arith.addi %add3A_328, %mul3A_2 : i32
      %mul3A_330 = arith.constant 40 : i32
      %mul3A_331 = arith.muli %sub3A_327, %mul3A_330 : i32
      %add3A_332 = arith.addi %add3A_329, %mul3A_331 : i32
      %dma_wait3A_333 = tpu.memref_slice %arg3[%add3A_332] : memref<640000xi32, #tpu.memory_space<hbm>> -> memref<40xi32, #tpu.memory_space<hbm>>
      %dma_wait3A_334 = tpu.memref_slice %arg3[%add3A_332] : memref<640000xi32, #tpu.memory_space<hbm>> -> memref<40xi32, #tpu.memory_space<hbm>>
      tpu.wait_dma2 semaphore(%arg45 : memref<!tpu.dma_semaphore, #tpu.memory_space<semaphore_mem>>) src(%dma_wait3A_334 : memref<40xi32, #tpu.memory_space<hbm>>) dst(%arg20 : memref<40xi32, #tpu.memory_space<vmem>>)
      %dma_start3A_335 = arith.constant 0 : i32
      %dma_start3A_336 = arith.constant 0 : i32
      %dma_start3A_337 = tpu.memref_slice %arg5[%dma_start3A_335, %dma_start3A_336] : memref<10240x128xf32, #tpu.memory_space<vmem_shared>> -> memref<10240x128xf32, #tpu.memory_space<vmem_shared>>
      tpu.enqueue_indirect_dma source(%arg30 : memref<40x128xf32, #tpu.memory_space<vmem>>) target(%dma_start3A_337 : memref<10240x128xf32, #tpu.memory_space<vmem_shared>>) offsets(%arg20 : memref<40xi32, #tpu.memory_space<vmem>>) semaphore(%arg60 : memref<!tpu.dma_semaphore, #tpu.memory_space<semaphore_mem>>) {add = true}
      %lt3A_338 = arith.constant 24 : i32
      %lt3A_339 = arith.cmpi slt, %scan3A_94, %lt3A_338 : i32
      %convert_element_type3A_340 = arith.extui %lt3A_339 : i1 to i32
      %cond3A_341 = arith.constant 0 : i32
      %cond3A_342 = arith.cmpi ne, %convert_element_type3A_340, %cond3A_341 : i32
      scf.if %cond3A_342 {
        %add3A_442 = arith.constant 5 : i32
        %add3A_443 = arith.addi %add3A_311, %add3A_442 : i32
        %mul3A_444 = arith.constant 40 : i32
        %mul3A_445 = arith.muli %add3A_443, %mul3A_444 : i32
        %add3A_446 = arith.addi %mul3A_2, %mul3A_445 : i32
        %dma_start3A_447 = tpu.memref_slice %arg3[%add3A_446] : memref<640000xi32, #tpu.memory_space<hbm>> -> memref<40xi32, #tpu.memory_space<hbm>>
        %dma_start3A_448 = tpu.memref_slice %arg3[%add3A_446] : memref<640000xi32, #tpu.memory_space<hbm>> -> memref<40xi32, #tpu.memory_space<hbm>>
        tpu.enqueue_dma source(%dma_start3A_448 : memref<40xi32, #tpu.memory_space<hbm>>) target(%arg7 : memref<40xi32, #tpu.memory_space<vmem>>) target_semaphore(%arg32 : memref<!tpu.dma_semaphore, #tpu.memory_space<semaphore_mem>>)
        %add3A_449 = arith.constant 320000 : i32
        %add3A_450 = arith.addi %add3A_449, %add3A_446 : i32
        %dma_start3A_451 = tpu.memref_slice %arg3[%add3A_450] : memref<640000xi32, #tpu.memory_space<hbm>> -> memref<40xi32, #tpu.memory_space<hbm>>
        %dma_start3A_452 = tpu.memref_slice %arg3[%add3A_450] : memref<640000xi32, #tpu.memory_space<hbm>> -> memref<40xi32, #tpu.memory_space<hbm>>
        tpu.enqueue_dma source(%dma_start3A_452 : memref<40xi32, #tpu.memory_space<hbm>>) target(%arg17 : memref<40xi32, #tpu.memory_space<vmem>>) target_semaphore(%arg42 : memref<!tpu.dma_semaphore, #tpu.memory_space<semaphore_mem>>)
      } else {
      }
      %add3A_343 = arith.constant 7 : i32
      %add3A_344 = arith.addi %mul3A_96, %add3A_343 : i32
      %dma_wait3A_345 = arith.constant 0 : i32
      %dma_wait3A_346 = arith.constant 0 : i32
      %dma_wait3A_347 = tpu.memref_slice %arg5[%dma_wait3A_345, %dma_wait3A_346] : memref<10240x128xf32, #tpu.memory_space<vmem_shared>> -> memref<10240x128xf32, #tpu.memory_space<vmem_shared>>
      tpu.wait_indirect_dma semaphore(%arg58 : memref<!tpu.dma_semaphore, #tpu.memory_space<semaphore_mem>>) src(%arg28 : memref<40x128xf32, #tpu.memory_space<vmem>>) dst(%dma_wait3A_347 : memref<10240x128xf32, #tpu.memory_space<vmem_shared>>)
      %mul3A_348 = arith.constant 40 : i32
      %mul3A_349 = arith.muli %add3A_344, %mul3A_348 : i32
      %add3A_350 = arith.addi %mul3A_2, %mul3A_349 : i32
      %dma_wait3A_351 = tpu.memref_slice %arg3[%add3A_350] : memref<640000xi32, #tpu.memory_space<hbm>> -> memref<40xi32, #tpu.memory_space<hbm>>
      %dma_wait3A_352 = tpu.memref_slice %arg3[%add3A_350] : memref<640000xi32, #tpu.memory_space<hbm>> -> memref<40xi32, #tpu.memory_space<hbm>>
      tpu.wait_dma2 semaphore(%arg38 : memref<!tpu.dma_semaphore, #tpu.memory_space<semaphore_mem>>) src(%dma_wait3A_352 : memref<40xi32, #tpu.memory_space<hbm>>) dst(%arg13 : memref<40xi32, #tpu.memory_space<vmem>>)
      %dma_start3A_353 = arith.constant 0 : i32
      %dma_start3A_354 = arith.constant 0 : i32
      %dma_start3A_355 = tpu.memref_slice %arg2[%dma_start3A_353, %dma_start3A_354] : memref<10240x128xf32, #tpu.memory_space<hbm>> -> memref<10240x128xf32, #tpu.memory_space<hbm>>
      tpu.enqueue_indirect_dma source(%dma_start3A_355 : memref<10240x128xf32, #tpu.memory_space<hbm>>) target(%arg28 : memref<40x128xf32, #tpu.memory_space<vmem>>) offsets(%arg13 : memref<40xi32, #tpu.memory_space<vmem>>) semaphore(%arg53 : memref<!tpu.dma_semaphore, #tpu.memory_space<semaphore_mem>>)
      %dma_wait3A_356 = arith.constant 0 : i32
      %dma_wait3A_357 = arith.constant 0 : i32
      %dma_wait3A_358 = tpu.memref_slice %arg2[%dma_wait3A_356, %dma_wait3A_357] : memref<10240x128xf32, #tpu.memory_space<hbm>> -> memref<10240x128xf32, #tpu.memory_space<hbm>>
      tpu.wait_indirect_dma semaphore(%arg51 : memref<!tpu.dma_semaphore, #tpu.memory_space<semaphore_mem>>) src(%dma_wait3A_358 : memref<10240x128xf32, #tpu.memory_space<hbm>>) dst(%arg26 : memref<40x128xf32, #tpu.memory_space<vmem>>)
      %sub3A_359 = arith.constant 2 : i32
      %sub3A_360 = arith.subi %add3A_344, %sub3A_359 : i32
      %add3A_361 = arith.constant 320000 : i32
      %add3A_362 = arith.addi %add3A_361, %mul3A_2 : i32
      %mul3A_363 = arith.constant 40 : i32
      %mul3A_364 = arith.muli %sub3A_360, %mul3A_363 : i32
      %add3A_365 = arith.addi %add3A_362, %mul3A_364 : i32
      %dma_wait3A_366 = tpu.memref_slice %arg3[%add3A_365] : memref<640000xi32, #tpu.memory_space<hbm>> -> memref<40xi32, #tpu.memory_space<hbm>>
      %dma_wait3A_367 = tpu.memref_slice %arg3[%add3A_365] : memref<640000xi32, #tpu.memory_space<hbm>> -> memref<40xi32, #tpu.memory_space<hbm>>
      tpu.wait_dma2 semaphore(%arg46 : memref<!tpu.dma_semaphore, #tpu.memory_space<semaphore_mem>>) src(%dma_wait3A_367 : memref<40xi32, #tpu.memory_space<hbm>>) dst(%arg21 : memref<40xi32, #tpu.memory_space<vmem>>)
      %dma_start3A_368 = arith.constant 0 : i32
      %dma_start3A_369 = arith.constant 0 : i32
      %dma_start3A_370 = tpu.memref_slice %arg5[%dma_start3A_368, %dma_start3A_369] : memref<10240x128xf32, #tpu.memory_space<vmem_shared>> -> memref<10240x128xf32, #tpu.memory_space<vmem_shared>>
      tpu.enqueue_indirect_dma source(%arg26 : memref<40x128xf32, #tpu.memory_space<vmem>>) target(%dma_start3A_370 : memref<10240x128xf32, #tpu.memory_space<vmem_shared>>) offsets(%arg21 : memref<40xi32, #tpu.memory_space<vmem>>) semaphore(%arg56 : memref<!tpu.dma_semaphore, #tpu.memory_space<semaphore_mem>>) {add = true}
      %lt3A_371 = arith.constant 24 : i32
      %lt3A_372 = arith.cmpi slt, %scan3A_94, %lt3A_371 : i32
      %convert_element_type3A_373 = arith.extui %lt3A_372 : i1 to i32
      %cond3A_374 = arith.constant 0 : i32
      %cond3A_375 = arith.cmpi ne, %convert_element_type3A_373, %cond3A_374 : i32
      scf.if %cond3A_375 {
        %add3A_442 = arith.constant 5 : i32
        %add3A_443 = arith.addi %add3A_344, %add3A_442 : i32
        %mul3A_444 = arith.constant 40 : i32
        %mul3A_445 = arith.muli %add3A_443, %mul3A_444 : i32
        %add3A_446 = arith.addi %mul3A_2, %mul3A_445 : i32
        %dma_start3A_447 = tpu.memref_slice %arg3[%add3A_446] : memref<640000xi32, #tpu.memory_space<hbm>> -> memref<40xi32, #tpu.memory_space<hbm>>
        %dma_start3A_448 = tpu.memref_slice %arg3[%add3A_446] : memref<640000xi32, #tpu.memory_space<hbm>> -> memref<40xi32, #tpu.memory_space<hbm>>
        tpu.enqueue_dma source(%dma_start3A_448 : memref<40xi32, #tpu.memory_space<hbm>>) target(%arg8 : memref<40xi32, #tpu.memory_space<vmem>>) target_semaphore(%arg33 : memref<!tpu.dma_semaphore, #tpu.memory_space<semaphore_mem>>)
        %add3A_449 = arith.constant 320000 : i32
        %add3A_450 = arith.addi %add3A_449, %add3A_446 : i32
        %dma_start3A_451 = tpu.memref_slice %arg3[%add3A_450] : memref<640000xi32, #tpu.memory_space<hbm>> -> memref<40xi32, #tpu.memory_space<hbm>>
        %dma_start3A_452 = tpu.memref_slice %arg3[%add3A_450] : memref<640000xi32, #tpu.memory_space<hbm>> -> memref<40xi32, #tpu.memory_space<hbm>>
        tpu.enqueue_dma source(%dma_start3A_452 : memref<40xi32, #tpu.memory_space<hbm>>) target(%arg18 : memref<40xi32, #tpu.memory_space<vmem>>) target_semaphore(%arg43 : memref<!tpu.dma_semaphore, #tpu.memory_space<semaphore_mem>>)
      } else {
      }
      %add3A_376 = arith.constant 8 : i32
      %add3A_377 = arith.addi %mul3A_96, %add3A_376 : i32
      %dma_wait3A_378 = arith.constant 0 : i32
      %dma_wait3A_379 = arith.constant 0 : i32
      %dma_wait3A_380 = tpu.memref_slice %arg5[%dma_wait3A_378, %dma_wait3A_379] : memref<10240x128xf32, #tpu.memory_space<vmem_shared>> -> memref<10240x128xf32, #tpu.memory_space<vmem_shared>>
      tpu.wait_indirect_dma semaphore(%arg59 : memref<!tpu.dma_semaphore, #tpu.memory_space<semaphore_mem>>) src(%arg29 : memref<40x128xf32, #tpu.memory_space<vmem>>) dst(%dma_wait3A_380 : memref<10240x128xf32, #tpu.memory_space<vmem_shared>>)
      %mul3A_381 = arith.constant 40 : i32
      %mul3A_382 = arith.muli %add3A_377, %mul3A_381 : i32
      %add3A_383 = arith.addi %mul3A_2, %mul3A_382 : i32
      %dma_wait3A_384 = tpu.memref_slice %arg3[%add3A_383] : memref<640000xi32, #tpu.memory_space<hbm>> -> memref<40xi32, #tpu.memory_space<hbm>>
      %dma_wait3A_385 = tpu.memref_slice %arg3[%add3A_383] : memref<640000xi32, #tpu.memory_space<hbm>> -> memref<40xi32, #tpu.memory_space<hbm>>
      tpu.wait_dma2 semaphore(%arg39 : memref<!tpu.dma_semaphore, #tpu.memory_space<semaphore_mem>>) src(%dma_wait3A_385 : memref<40xi32, #tpu.memory_space<hbm>>) dst(%arg14 : memref<40xi32, #tpu.memory_space<vmem>>)
      %dma_start3A_386 = arith.constant 0 : i32
      %dma_start3A_387 = arith.constant 0 : i32
      %dma_start3A_388 = tpu.memref_slice %arg2[%dma_start3A_386, %dma_start3A_387] : memref<10240x128xf32, #tpu.memory_space<hbm>> -> memref<10240x128xf32, #tpu.memory_space<hbm>>
      tpu.enqueue_indirect_dma source(%dma_start3A_388 : memref<10240x128xf32, #tpu.memory_space<hbm>>) target(%arg29 : memref<40x128xf32, #tpu.memory_space<vmem>>) offsets(%arg14 : memref<40xi32, #tpu.memory_space<vmem>>) semaphore(%arg54 : memref<!tpu.dma_semaphore, #tpu.memory_space<semaphore_mem>>)
      %dma_wait3A_389 = arith.constant 0 : i32
      %dma_wait3A_390 = arith.constant 0 : i32
      %dma_wait3A_391 = tpu.memref_slice %arg2[%dma_wait3A_389, %dma_wait3A_390] : memref<10240x128xf32, #tpu.memory_space<hbm>> -> memref<10240x128xf32, #tpu.memory_space<hbm>>
      tpu.wait_indirect_dma semaphore(%arg52 : memref<!tpu.dma_semaphore, #tpu.memory_space<semaphore_mem>>) src(%dma_wait3A_391 : memref<10240x128xf32, #tpu.memory_space<hbm>>) dst(%arg27 : memref<40x128xf32, #tpu.memory_space<vmem>>)
      %sub3A_392 = arith.constant 2 : i32
      %sub3A_393 = arith.subi %add3A_377, %sub3A_392 : i32
      %add3A_394 = arith.constant 320000 : i32
      %add3A_395 = arith.addi %add3A_394, %mul3A_2 : i32
      %mul3A_396 = arith.constant 40 : i32
      %mul3A_397 = arith.muli %sub3A_393, %mul3A_396 : i32
      %add3A_398 = arith.addi %add3A_395, %mul3A_397 : i32
      %dma_wait3A_399 = tpu.memref_slice %arg3[%add3A_398] : memref<640000xi32, #tpu.memory_space<hbm>> -> memref<40xi32, #tpu.memory_space<hbm>>
      %dma_wait3A_400 = tpu.memref_slice %arg3[%add3A_398] : memref<640000xi32, #tpu.memory_space<hbm>> -> memref<40xi32, #tpu.memory_space<hbm>>
      tpu.wait_dma2 semaphore(%arg47 : memref<!tpu.dma_semaphore, #tpu.memory_space<semaphore_mem>>) src(%dma_wait3A_400 : memref<40xi32, #tpu.memory_space<hbm>>) dst(%arg22 : memref<40xi32, #tpu.memory_space<vmem>>)
      %dma_start3A_401 = arith.constant 0 : i32
      %dma_start3A_402 = arith.constant 0 : i32
      %dma_start3A_403 = tpu.memref_slice %arg5[%dma_start3A_401, %dma_start3A_402] : memref<10240x128xf32, #tpu.memory_space<vmem_shared>> -> memref<10240x128xf32, #tpu.memory_space<vmem_shared>>
      tpu.enqueue_indirect_dma source(%arg27 : memref<40x128xf32, #tpu.memory_space<vmem>>) target(%dma_start3A_403 : memref<10240x128xf32, #tpu.memory_space<vmem_shared>>) offsets(%arg22 : memref<40xi32, #tpu.memory_space<vmem>>) semaphore(%arg57 : memref<!tpu.dma_semaphore, #tpu.memory_space<semaphore_mem>>) {add = true}
      %lt3A_404 = arith.constant 24 : i32
      %lt3A_405 = arith.cmpi slt, %scan3A_94, %lt3A_404 : i32
      %convert_element_type3A_406 = arith.extui %lt3A_405 : i1 to i32
      %cond3A_407 = arith.constant 0 : i32
      %cond3A_408 = arith.cmpi ne, %convert_element_type3A_406, %cond3A_407 : i32
      scf.if %cond3A_408 {
        %add3A_442 = arith.constant 5 : i32
        %add3A_443 = arith.addi %add3A_377, %add3A_442 : i32
        %mul3A_444 = arith.constant 40 : i32
        %mul3A_445 = arith.muli %add3A_443, %mul3A_444 : i32
        %add3A_446 = arith.addi %mul3A_2, %mul3A_445 : i32
        %dma_start3A_447 = tpu.memref_slice %arg3[%add3A_446] : memref<640000xi32, #tpu.memory_space<hbm>> -> memref<40xi32, #tpu.memory_space<hbm>>
        %dma_start3A_448 = tpu.memref_slice %arg3[%add3A_446] : memref<640000xi32, #tpu.memory_space<hbm>> -> memref<40xi32, #tpu.memory_space<hbm>>
        tpu.enqueue_dma source(%dma_start3A_448 : memref<40xi32, #tpu.memory_space<hbm>>) target(%arg9 : memref<40xi32, #tpu.memory_space<vmem>>) target_semaphore(%arg34 : memref<!tpu.dma_semaphore, #tpu.memory_space<semaphore_mem>>)
        %add3A_449 = arith.constant 320000 : i32
        %add3A_450 = arith.addi %add3A_449, %add3A_446 : i32
        %dma_start3A_451 = tpu.memref_slice %arg3[%add3A_450] : memref<640000xi32, #tpu.memory_space<hbm>> -> memref<40xi32, #tpu.memory_space<hbm>>
        %dma_start3A_452 = tpu.memref_slice %arg3[%add3A_450] : memref<640000xi32, #tpu.memory_space<hbm>> -> memref<40xi32, #tpu.memory_space<hbm>>
        tpu.enqueue_dma source(%dma_start3A_452 : memref<40xi32, #tpu.memory_space<hbm>>) target(%arg19 : memref<40xi32, #tpu.memory_space<vmem>>) target_semaphore(%arg44 : memref<!tpu.dma_semaphore, #tpu.memory_space<semaphore_mem>>)
      } else {
      }
      %add3A_409 = arith.constant 9 : i32
      %add3A_410 = arith.addi %mul3A_96, %add3A_409 : i32
      %dma_wait3A_411 = arith.constant 0 : i32
      %dma_wait3A_412 = arith.constant 0 : i32
      %dma_wait3A_413 = tpu.memref_slice %arg5[%dma_wait3A_411, %dma_wait3A_412] : memref<10240x128xf32, #tpu.memory_space<vmem_shared>> -> memref<10240x128xf32, #tpu.memory_space<vmem_shared>>
      tpu.wait_indirect_dma semaphore(%arg60 : memref<!tpu.dma_semaphore, #tpu.memory_space<semaphore_mem>>) src(%arg30 : memref<40x128xf32, #tpu.memory_space<vmem>>) dst(%dma_wait3A_413 : memref<10240x128xf32, #tpu.memory_space<vmem_shared>>)
      %mul3A_414 = arith.constant 40 : i32
      %mul3A_415 = arith.muli %add3A_410, %mul3A_414 : i32
      %add3A_416 = arith.addi %mul3A_2, %mul3A_415 : i32
      %dma_wait3A_417 = tpu.memref_slice %arg3[%add3A_416] : memref<640000xi32, #tpu.memory_space<hbm>> -> memref<40xi32, #tpu.memory_space<hbm>>
      %dma_wait3A_418 = tpu.memref_slice %arg3[%add3A_416] : memref<640000xi32, #tpu.memory_space<hbm>> -> memref<40xi32, #tpu.memory_space<hbm>>
      tpu.wait_dma2 semaphore(%arg40 : memref<!tpu.dma_semaphore, #tpu.memory_space<semaphore_mem>>) src(%dma_wait3A_418 : memref<40xi32, #tpu.memory_space<hbm>>) dst(%arg15 : memref<40xi32, #tpu.memory_space<vmem>>)
      %dma_start3A_419 = arith.constant 0 : i32
      %dma_start3A_420 = arith.constant 0 : i32
      %dma_start3A_421 = tpu.memref_slice %arg2[%dma_start3A_419, %dma_start3A_420] : memref<10240x128xf32, #tpu.memory_space<hbm>> -> memref<10240x128xf32, #tpu.memory_space<hbm>>
      tpu.enqueue_indirect_dma source(%dma_start3A_421 : memref<10240x128xf32, #tpu.memory_space<hbm>>) target(%arg30 : memref<40x128xf32, #tpu.memory_space<vmem>>) offsets(%arg15 : memref<40xi32, #tpu.memory_space<vmem>>) semaphore(%arg55 : memref<!tpu.dma_semaphore, #tpu.memory_space<semaphore_mem>>)
      %dma_wait3A_422 = arith.constant 0 : i32
      %dma_wait3A_423 = arith.constant 0 : i32
      %dma_wait3A_424 = tpu.memref_slice %arg2[%dma_wait3A_422, %dma_wait3A_423] : memref<10240x128xf32, #tpu.memory_space<hbm>> -> memref<10240x128xf32, #tpu.memory_space<hbm>>
      tpu.wait_indirect_dma semaphore(%arg53 : memref<!tpu.dma_semaphore, #tpu.memory_space<semaphore_mem>>) src(%dma_wait3A_424 : memref<10240x128xf32, #tpu.memory_space<hbm>>) dst(%arg28 : memref<40x128xf32, #tpu.memory_space<vmem>>)
      %sub3A_425 = arith.constant 2 : i32
      %sub3A_426 = arith.subi %add3A_410, %sub3A_425 : i32
      %add3A_427 = arith.constant 320000 : i32
      %add3A_428 = arith.addi %add3A_427, %mul3A_2 : i32
      %mul3A_429 = arith.constant 40 : i32
      %mul3A_430 = arith.muli %sub3A_426, %mul3A_429 : i32
      %add3A_431 = arith.addi %add3A_428, %mul3A_430 : i32
      %dma_wait3A_432 = tpu.memref_slice %arg3[%add3A_431] : memref<640000xi32, #tpu.memory_space<hbm>> -> memref<40xi32, #tpu.memory_space<hbm>>
      %dma_wait3A_433 = tpu.memref_slice %arg3[%add3A_431] : memref<640000xi32, #tpu.memory_space<hbm>> -> memref<40xi32, #tpu.memory_space<hbm>>
      tpu.wait_dma2 semaphore(%arg48 : memref<!tpu.dma_semaphore, #tpu.memory_space<semaphore_mem>>) src(%dma_wait3A_433 : memref<40xi32, #tpu.memory_space<hbm>>) dst(%arg23 : memref<40xi32, #tpu.memory_space<vmem>>)
      %dma_start3A_434 = arith.constant 0 : i32
      %dma_start3A_435 = arith.constant 0 : i32
      %dma_start3A_436 = tpu.memref_slice %arg5[%dma_start3A_434, %dma_start3A_435] : memref<10240x128xf32, #tpu.memory_space<vmem_shared>> -> memref<10240x128xf32, #tpu.memory_space<vmem_shared>>
      tpu.enqueue_indirect_dma source(%arg28 : memref<40x128xf32, #tpu.memory_space<vmem>>) target(%dma_start3A_436 : memref<10240x128xf32, #tpu.memory_space<vmem_shared>>) offsets(%arg23 : memref<40xi32, #tpu.memory_space<vmem>>) semaphore(%arg58 : memref<!tpu.dma_semaphore, #tpu.memory_space<semaphore_mem>>) {add = true}
      %lt3A_437 = arith.constant 24 : i32
      %lt3A_438 = arith.cmpi slt, %scan3A_94, %lt3A_437 : i32
      %convert_element_type3A_439 = arith.extui %lt3A_438 : i1 to i32
      %cond3A_440 = arith.constant 0 : i32
      %cond3A_441 = arith.cmpi ne, %convert_element_type3A_439, %cond3A_440 : i32
      scf.if %cond3A_441 {
        %add3A_442 = arith.constant 5 : i32
        %add3A_443 = arith.addi %add3A_410, %add3A_442 : i32
        %mul3A_444 = arith.constant 40 : i32
        %mul3A_445 = arith.muli %add3A_443, %mul3A_444 : i32
        %add3A_446 = arith.addi %mul3A_2, %mul3A_445 : i32
        %dma_start3A_447 = tpu.memref_slice %arg3[%add3A_446] : memref<640000xi32, #tpu.memory_space<hbm>> -> memref<40xi32, #tpu.memory_space<hbm>>
        %dma_start3A_448 = tpu.memref_slice %arg3[%add3A_446] : memref<640000xi32, #tpu.memory_space<hbm>> -> memref<40xi32, #tpu.memory_space<hbm>>
        tpu.enqueue_dma source(%dma_start3A_448 : memref<40xi32, #tpu.memory_space<hbm>>) target(%arg10 : memref<40xi32, #tpu.memory_space<vmem>>) target_semaphore(%arg35 : memref<!tpu.dma_semaphore, #tpu.memory_space<semaphore_mem>>)
        %add3A_449 = arith.constant 320000 : i32
        %add3A_450 = arith.addi %add3A_449, %add3A_446 : i32
        %dma_start3A_451 = tpu.memref_slice %arg3[%add3A_450] : memref<640000xi32, #tpu.memory_space<hbm>> -> memref<40xi32, #tpu.memory_space<hbm>>
        %dma_start3A_452 = tpu.memref_slice %arg3[%add3A_450] : memref<640000xi32, #tpu.memory_space<hbm>> -> memref<40xi32, #tpu.memory_space<hbm>>
        tpu.enqueue_dma source(%dma_start3A_452 : memref<40xi32, #tpu.memory_space<hbm>>) target(%arg20 : memref<40xi32, #tpu.memory_space<vmem>>) target_semaphore(%arg45 : memref<!tpu.dma_semaphore, #tpu.memory_space<semaphore_mem>>)
      } else {
      }
    }
    %scan3A_50 = arith.constant 25 : i32
    %dma_wait3A = arith.constant 0 : i32
    %dma_wait3A_51 = arith.constant 0 : i32
    %dma_wait3A_52 = tpu.memref_slice %arg2[%dma_wait3A, %dma_wait3A_51] : memref<10240x128xf32, #tpu.memory_space<hbm>> -> memref<10240x128xf32, #tpu.memory_space<hbm>>
    tpu.wait_indirect_dma semaphore(%arg54 : memref<!tpu.dma_semaphore, #tpu.memory_space<semaphore_mem>>) src(%dma_wait3A_52 : memref<10240x128xf32, #tpu.memory_space<hbm>>) dst(%arg29 : memref<40x128xf32, #tpu.memory_space<vmem>>)
    %add3A_53 = arith.constant 320000 : i32
    %add3A_54 = arith.addi %add3A_53, %mul3A_2 : i32
    %add3A_55 = arith.constant 9920 : i32
    %add3A_56 = arith.addi %add3A_54, %add3A_55 : i32
    %dma_wait3A_57 = tpu.memref_slice %arg3[%add3A_56] : memref<640000xi32, #tpu.memory_space<hbm>> -> memref<40xi32, #tpu.memory_space<hbm>>
    %dma_wait3A_58 = tpu.memref_slice %arg3[%add3A_56] : memref<640000xi32, #tpu.memory_space<hbm>> -> memref<40xi32, #tpu.memory_space<hbm>>
    tpu.wait_dma2 semaphore(%arg49 : memref<!tpu.dma_semaphore, #tpu.memory_space<semaphore_mem>>) src(%dma_wait3A_58 : memref<40xi32, #tpu.memory_space<hbm>>) dst(%arg24 : memref<40xi32, #tpu.memory_space<vmem>>)
    %dma_start3A_59 = arith.constant 0 : i32
    %dma_start3A_60 = arith.constant 0 : i32
    %dma_start3A_61 = tpu.memref_slice %arg5[%dma_start3A_59, %dma_start3A_60] : memref<10240x128xf32, #tpu.memory_space<vmem_shared>> -> memref<10240x128xf32, #tpu.memory_space<vmem_shared>>
    tpu.enqueue_indirect_dma source(%arg29 : memref<40x128xf32, #tpu.memory_space<vmem>>) target(%dma_start3A_61 : memref<10240x128xf32, #tpu.memory_space<vmem_shared>>) offsets(%arg24 : memref<40xi32, #tpu.memory_space<vmem>>) semaphore(%arg59 : memref<!tpu.dma_semaphore, #tpu.memory_space<semaphore_mem>>) {add = true}
    %dma_wait3A_62 = arith.constant 0 : i32
    %dma_wait3A_63 = arith.constant 0 : i32
    %dma_wait3A_64 = tpu.memref_slice %arg2[%dma_wait3A_62, %dma_wait3A_63] : memref<10240x128xf32, #tpu.memory_space<hbm>> -> memref<10240x128xf32, #tpu.memory_space<hbm>>
    tpu.wait_indirect_dma semaphore(%arg55 : memref<!tpu.dma_semaphore, #tpu.memory_space<semaphore_mem>>) src(%dma_wait3A_64 : memref<10240x128xf32, #tpu.memory_space<hbm>>) dst(%arg30 : memref<40x128xf32, #tpu.memory_space<vmem>>)
    %add3A_65 = arith.constant 320000 : i32
    %add3A_66 = arith.addi %add3A_65, %mul3A_2 : i32
    %add3A_67 = arith.constant 9960 : i32
    %add3A_68 = arith.addi %add3A_66, %add3A_67 : i32
    %dma_wait3A_69 = tpu.memref_slice %arg3[%add3A_68] : memref<640000xi32, #tpu.memory_space<hbm>> -> memref<40xi32, #tpu.memory_space<hbm>>
    %dma_wait3A_70 = tpu.memref_slice %arg3[%add3A_68] : memref<640000xi32, #tpu.memory_space<hbm>> -> memref<40xi32, #tpu.memory_space<hbm>>
    tpu.wait_dma2 semaphore(%arg50 : memref<!tpu.dma_semaphore, #tpu.memory_space<semaphore_mem>>) src(%dma_wait3A_70 : memref<40xi32, #tpu.memory_space<hbm>>) dst(%arg25 : memref<40xi32, #tpu.memory_space<vmem>>)
    %dma_start3A_71 = arith.constant 0 : i32
    %dma_start3A_72 = arith.constant 0 : i32
    %dma_start3A_73 = tpu.memref_slice %arg5[%dma_start3A_71, %dma_start3A_72] : memref<10240x128xf32, #tpu.memory_space<vmem_shared>> -> memref<10240x128xf32, #tpu.memory_space<vmem_shared>>
    tpu.enqueue_indirect_dma source(%arg30 : memref<40x128xf32, #tpu.memory_space<vmem>>) target(%dma_start3A_73 : memref<10240x128xf32, #tpu.memory_space<vmem_shared>>) offsets(%arg25 : memref<40xi32, #tpu.memory_space<vmem>>) semaphore(%arg60 : memref<!tpu.dma_semaphore, #tpu.memory_space<semaphore_mem>>) {add = true}
    %dma_wait3A_74 = arith.constant 0 : i32
    %dma_wait3A_75 = arith.constant 0 : i32
    %dma_wait3A_76 = tpu.memref_slice %arg5[%dma_wait3A_74, %dma_wait3A_75] : memref<10240x128xf32, #tpu.memory_space<vmem_shared>> -> memref<10240x128xf32, #tpu.memory_space<vmem_shared>>
    tpu.wait_indirect_dma semaphore(%arg56 : memref<!tpu.dma_semaphore, #tpu.memory_space<semaphore_mem>>) src(%arg26 : memref<40x128xf32, #tpu.memory_space<vmem>>) dst(%dma_wait3A_76 : memref<10240x128xf32, #tpu.memory_space<vmem_shared>>)
    %dma_wait3A_77 = arith.constant 0 : i32
    %dma_wait3A_78 = arith.constant 0 : i32
    %dma_wait3A_79 = tpu.memref_slice %arg5[%dma_wait3A_77, %dma_wait3A_78] : memref<10240x128xf32, #tpu.memory_space<vmem_shared>> -> memref<10240x128xf32, #tpu.memory_space<vmem_shared>>
    tpu.wait_indirect_dma semaphore(%arg57 : memref<!tpu.dma_semaphore, #tpu.memory_space<semaphore_mem>>) src(%arg27 : memref<40x128xf32, #tpu.memory_space<vmem>>) dst(%dma_wait3A_79 : memref<10240x128xf32, #tpu.memory_space<vmem_shared>>)
    %dma_wait3A_80 = arith.constant 0 : i32
    %dma_wait3A_81 = arith.constant 0 : i32
    %dma_wait3A_82 = tpu.memref_slice %arg5[%dma_wait3A_80, %dma_wait3A_81] : memref<10240x128xf32, #tpu.memory_space<vmem_shared>> -> memref<10240x128xf32, #tpu.memory_space<vmem_shared>>
    tpu.wait_indirect_dma semaphore(%arg58 : memref<!tpu.dma_semaphore, #tpu.memory_space<semaphore_mem>>) src(%arg28 : memref<40x128xf32, #tpu.memory_space<vmem>>) dst(%dma_wait3A_82 : memref<10240x128xf32, #tpu.memory_space<vmem_shared>>)
    %dma_wait3A_83 = arith.constant 0 : i32
    %dma_wait3A_84 = arith.constant 0 : i32
    %dma_wait3A_85 = tpu.memref_slice %arg5[%dma_wait3A_83, %dma_wait3A_84] : memref<10240x128xf32, #tpu.memory_space<vmem_shared>> -> memref<10240x128xf32, #tpu.memory_space<vmem_shared>>
    tpu.wait_indirect_dma semaphore(%arg59 : memref<!tpu.dma_semaphore, #tpu.memory_space<semaphore_mem>>) src(%arg29 : memref<40x128xf32, #tpu.memory_space<vmem>>) dst(%dma_wait3A_85 : memref<10240x128xf32, #tpu.memory_space<vmem_shared>>)
    %dma_wait3A_86 = arith.constant 0 : i32
    %dma_wait3A_87 = arith.constant 0 : i32
    %dma_wait3A_88 = tpu.memref_slice %arg5[%dma_wait3A_86, %dma_wait3A_87] : memref<10240x128xf32, #tpu.memory_space<vmem_shared>> -> memref<10240x128xf32, #tpu.memory_space<vmem_shared>>
    tpu.wait_indirect_dma semaphore(%arg60 : memref<!tpu.dma_semaphore, #tpu.memory_space<semaphore_mem>>) src(%arg30 : memref<40x128xf32, #tpu.memory_space<vmem>>) dst(%dma_wait3A_88 : memref<10240x128xf32, #tpu.memory_space<vmem_shared>>)
    %barrier3A_89 = arith.constant 0 : index
    tpu.barrier barrier_id(%barrier3A_89)
    %mul3A_90 = arith.constant 640 : i32
    %mul3A_91 = arith.muli %arg1, %mul3A_90 : i32
    %mul3A_92 = arith.constant 640 : i32
    %mul3A_93 = arith.muli %arg1, %mul3A_92 : i32
    "tpu.region"() ({
      %run_scoped3A = tpu.sem_alloc : memref<!tpu.dma_semaphore, #tpu.memory_space<semaphore_mem>>
      %dma_start3A_94 = arith.constant 0 : i32
      %dma_start3A_95 = arith.constant 0 : i32
      %dma_start3A_96 = tpu.memref_slice %arg4[%arg0, %dma_start3A_94, %dma_start3A_95] : memref<2x10240x128xf32, #tpu.memory_space<hbm>> -> memref<1x10240x128xf32, #tpu.memory_space<hbm>>
      %dma_start3A_97 = tpu.memref_squeeze %dma_start3A_96 : memref<1x10240x128xf32, #tpu.memory_space<hbm>> -> memref<10240x128xf32, #tpu.memory_space<hbm>>
      %dma_start3A_98 = arith.constant 0 : i32
      %dma_start3A_99 = tpu.memref_slice %dma_start3A_97[%mul3A_93, %dma_start3A_98] : memref<10240x128xf32, #tpu.memory_space<hbm>> -> memref<640x128xf32, #tpu.memory_space<hbm>>
      %dma_start3A_100 = arith.constant 0 : i32
      %dma_start3A_101 = tpu.memref_slice %arg5[%mul3A_91, %dma_start3A_100] : memref<10240x128xf32, #tpu.memory_space<vmem_shared>> -> memref<640x128xf32, #tpu.memory_space<vmem_shared>>
      tpu.enqueue_dma source(%dma_start3A_101 : memref<640x128xf32, #tpu.memory_space<vmem_shared>>) target(%dma_start3A_99 : memref<640x128xf32, #tpu.memory_space<hbm>>) target_semaphore(%run_scoped3A : memref<!tpu.dma_semaphore, #tpu.memory_space<semaphore_mem>>)
      %dma_wait3A_102 = arith.constant 0 : i32
      %dma_wait3A_103 = arith.constant 0 : i32
      %dma_wait3A_104 = tpu.memref_slice %arg4[%arg0, %dma_wait3A_102, %dma_wait3A_103] : memref<2x10240x128xf32, #tpu.memory_space<hbm>> -> memref<1x10240x128xf32, #tpu.memory_space<hbm>>
      %dma_wait3A_105 = tpu.memref_squeeze %dma_wait3A_104 : memref<1x10240x128xf32, #tpu.memory_space<hbm>> -> memref<10240x128xf32, #tpu.memory_space<hbm>>
      %dma_wait3A_106 = arith.constant 0 : i32
      %dma_wait3A_107 = tpu.memref_slice %dma_wait3A_105[%mul3A_93, %dma_wait3A_106] : memref<10240x128xf32, #tpu.memory_space<hbm>> -> memref<640x128xf32, #tpu.memory_space<hbm>>
      %dma_wait3A_108 = arith.constant 0 : i32
      %dma_wait3A_109 = tpu.memref_slice %arg5[%mul3A_91, %dma_wait3A_108] : memref<10240x128xf32, #tpu.memory_space<vmem_shared>> -> memref<640x128xf32, #tpu.memory_space<vmem_shared>>
      tpu.wait_dma2 semaphore(%run_scoped3A : memref<!tpu.dma_semaphore, #tpu.memory_space<semaphore_mem>>) src(%dma_wait3A_109 : memref<640x128xf32, #tpu.memory_space<vmem_shared>>) dst(%dma_wait3A_107 : memref<640x128xf32, #tpu.memory_space<hbm>>)
      tpu.yield
    }) : () -> ()
    return
  }
}

module attributes {stable_mosaic.version = 14 : i64} {
  func.func @body(%arg0: i32, %arg1: memref<2000x128xf32, #tpu.memory_space<vmem>>, %arg2: memref<128x128xf32, #tpu.memory_space<vmem>>, %arg3: memref<2000x128xf32, #tpu.memory_space<vmem>>) attributes {dimension_semantics = [#tpu.dimension_semantics<arbitrary>], iteration_bounds = array<i64: 5>, scalar_prefetch = 0 : i64, scratch_operands = 0 : i64, tpu.core_type = #tpu.core_type<tc>, window_params = [{transform_indices = @transform_0, window_bounds = array<i64: 2000, 128>}, {pipeline_mode = #tpu.pipeline_mode<synchronous>, transform_indices = @transform_1, window_bounds = array<i64: 128, 128>}, {transform_indices = @transform_2, window_bounds = array<i64: 2000, 128>}]} {
    %get3A = arith.constant 0 : index
    %get3A_0 = arith.constant 0 : index
    %get3A_1 = vector.load %arg1[%get3A, %get3A_0] : memref<2000x128xf32, #tpu.memory_space<vmem>>, vector<2000x128xf32>
    %get3A_2 = arith.constant 0 : index
    %get3A_3 = arith.constant 0 : index
    %get3A_4 = vector.load %arg2[%get3A_2, %get3A_3] : memref<128x128xf32, #tpu.memory_space<vmem>>, vector<128x128xf32>
    %dot_general3A = arith.constant dense<0.000000e+00> : vector<2000x128xf32>
    %dot_general3A_5 = tpu.matmul %get3A_1, %get3A_4, %dot_general3A {dimension_numbers = #tpu.dot_dimension_numbers<[1], [0], [0], [1], [0, 0, 1, 1], [], []>, transpose_lhs_hint = false} : vector<2000x128xf32>, vector<128x128xf32>, vector<2000x128xf32> -> vector<2000x128xf32>
    %swap3A = arith.constant 0 : index
    %swap3A_6 = arith.constant 0 : index
    %swap3A_7 = vector.load %arg3[%swap3A, %swap3A_6] : memref<2000x128xf32, #tpu.memory_space<vmem>>, vector<2000x128xf32>
    tpu.vector_store %arg3[%swap3A, %swap3A_6], %dot_general3A_5 {strides = array<i32>} : memref<2000x128xf32, #tpu.memory_space<vmem>>, vector<2000x128xf32>,
    return
  }
  func.func @transform_0(%arg0: i32) -> (i32, i32) {
    %c0_i32 = arith.constant 0 : i32
    %c0_i32_0 = arith.constant 0 : i32
    return %arg0, %c0_i32 : i32, i32
  }
  func.func @transform_1(%arg0: i32) -> (i32, i32) {
    %c0_i32 = arith.constant 0 : i32
    %c0_i32_0 = arith.constant 0 : i32
    %c0_i32_1 = arith.constant 0 : i32
    return %c0_i32, %c0_i32_0 : i32, i32
  }
  func.func @transform_2(%arg0: i32) -> (i32, i32) {
    %c0_i32 = arith.constant 0 : i32
    %c0_i32_0 = arith.constant 0 : i32
    return %arg0, %c0_i32 : i32, i32
  }
}

module attributes {stable_mosaic.version = 14 : i64} {
  func.func @body(%arg0: i32, %arg1: memref<1024x128xf32, #tpu.memory_space<vmem>>, %arg2: memref<2x1024xf32, #tpu.memory_space<vmem>>, %arg3: memref<1024x128xf32, #tpu.memory_space<vmem>>, %arg4: memref<1024xf32, #tpu.memory_space<vmem>>) attributes {dimension_semantics = [#tpu.dimension_semantics<arbitrary>], iteration_bounds = array<i64: 10>, scalar_prefetch = 0 : i64, scratch_operands = 0 : i64, tpu.core_type = #tpu.core_type<tc>, window_params = [{transform_indices = @transform_0, window_bounds = array<i64: 1024, 128>}, {transform_indices = @transform_1, window_bounds = array<i64: 2, 1024>}, {transform_indices = @transform_2, window_bounds = array<i64: 1024, 128>}, {transform_indices = @transform_3, window_bounds = array<i64: 1024>}]} {
    %get3A = arith.constant 0 : index
    %get3A_0 = arith.constant 0 : index
    %get3A_1 = vector.load %arg2[%get3A, %get3A_0] : memref<2x1024xf32, #tpu.memory_space<vmem>>, vector<1x1024xf32>
    %get3A_2 = arith.constant 1 : index
    %get3A_3 = arith.constant 0 : index
    %get3A_4 = vector.load %arg2[%get3A_2, %get3A_3] : memref<2x1024xf32, #tpu.memory_space<vmem>>, vector<1x1024xf32>
    %add3A = arith.addf %get3A_1, %get3A_4 : vector<1x1024xf32>
    %add3A_5 = arith.constant 1.000000e+00 : f32
    %add3A_6 = vector.broadcast %add3A_5 : f32 to vector<1x1024xf32>
    %add3A_7 = arith.addf %add3A, %add3A_6 : vector<1x1024xf32>
    %rsqrt3A = math.rsqrt %add3A_7 : vector<1x1024xf32>
    %squeeze3A = vector.shape_cast %rsqrt3A : vector<1x1024xf32> to vector<1024xf32>
    %swap3A = arith.constant 0 : index
    %swap3A_8 = vector.load %arg4[%swap3A] : memref<1024xf32, #tpu.memory_space<vmem>>, vector<1024xf32>
    tpu.vector_store %arg4[%swap3A], %squeeze3A {strides = array<i32>} : memref<1024xf32, #tpu.memory_space<vmem>>, vector<1024xf32>,
    %reshape3A = vector.shape_cast %rsqrt3A : vector<1x1024xf32> to vector<1024x1xf32>
    %mul3A = arith.constant 1024 : i32
    %mul3A_9 = arith.muli %arg0, %mul3A : i32
    %iota3A = tpu.iota {dimensions = array<i32: 0>} : vector<1024x1xi32>
    %add3A_10 = vector.broadcast %mul3A_9 : i32 to vector<1024x1xi32>
    %add3A_11 = arith.addi %add3A_10, %iota3A : vector<1024x1xi32>
    %lt3A = arith.constant 10000 : i32
    %lt3A_12 = vector.broadcast %lt3A : i32 to vector<1024x1xi32>
    %lt3A_13 = arith.cmpi slt, %add3A_11, %lt3A_12 : vector<1024x1xi32>
    %get3A_14 = arith.constant 0 : index
    %get3A_15 = arith.constant 0 : index
    %get3A_16 = vector.load %arg1[%get3A_14, %get3A_15] : memref<1024x128xf32, #tpu.memory_space<vmem>>, vector<1024x128xf32>
    %mul3A_17 = vector.broadcast %reshape3A : vector<1024x1xf32> to vector<1024x128xf32>
    %mul3A_18 = arith.mulf %get3A_16, %mul3A_17 : vector<1024x128xf32>
    %jit3A = arith.constant 0.000000e+00 : f32
    %broadcast_in_dim3A = vector.shape_cast %lt3A_13 : vector<1024x1xi1> to vector<1024x1xi1>
    %broadcast_in_dim3A_19 = vector.broadcast %broadcast_in_dim3A : vector<1024x1xi1> to vector<1024x128xi1>
    %broadcast_in_dim3A_20 = vector.broadcast %jit3A : f32 to vector<1024x128xf32>
    %select_n3A = arith.select %broadcast_in_dim3A_19, %mul3A_18, %broadcast_in_dim3A_20 : vector<1024x128xi1>, vector<1024x128xf32>
    %swap3A_21 = arith.constant 0 : index
    %swap3A_22 = arith.constant 0 : index
    %swap3A_23 = vector.load %arg3[%swap3A_21, %swap3A_22] : memref<1024x128xf32, #tpu.memory_space<vmem>>, vector<1024x128xf32>
    tpu.vector_store %arg3[%swap3A_21, %swap3A_22], %select_n3A {strides = array<i32>} : memref<1024x128xf32, #tpu.memory_space<vmem>>, vector<1024x128xf32>,
    return
  }
  func.func @transform_0(%arg0: i32) -> (i32, i32) {
    %c0_i32 = arith.constant 0 : i32
    %c0_i32_0 = arith.constant 0 : i32
    return %arg0, %c0_i32 : i32, i32
  }
  func.func @transform_1(%arg0: i32) -> (i32, i32) {
    %c0_i32 = arith.constant 0 : i32
    %c0_i32_0 = arith.constant 0 : i32
    return %c0_i32, %arg0 : i32, i32
  }
  func.func @transform_2(%arg0: i32) -> (i32, i32) {
    %c0_i32 = arith.constant 0 : i32
    %c0_i32_0 = arith.constant 0 : i32
    return %arg0, %c0_i32 : i32, i32
  }
  func.func @transform_3(%arg0: i32) -> i32 {
    %c0_i32 = arith.constant 0 : i32
    return %arg0 : i32
  }
}

module attributes {stable_mosaic.version = 14 : i64} {
  func.func @body(%arg0: i32, %arg1: memref<2x1024x128xf32, #tpu.memory_space<vmem>>, %arg2: memref<1024x128xf32, #tpu.memory_space<vmem>>, %arg3: memref<1024xf32, #tpu.memory_space<vmem>>, %arg4: memref<128xf32, #tpu.memory_space<vmem>>, %arg5: memref<128x64xf32, #tpu.memory_space<vmem>>, %arg6: memref<1024x64xf32, #tpu.memory_space<vmem>>) attributes {dimension_semantics = [#tpu.dimension_semantics<arbitrary>], iteration_bounds = array<i64: 10>, scalar_prefetch = 0 : i64, scratch_operands = 0 : i64, tpu.core_type = #tpu.core_type<tc>, window_params = [{transform_indices = @transform_0, window_bounds = array<i64: 2, 1024, 128>}, {transform_indices = @transform_1, window_bounds = array<i64: 1024, 128>}, {transform_indices = @transform_2, window_bounds = array<i64: 1024>}, {pipeline_mode = #tpu.pipeline_mode<synchronous>, transform_indices = @transform_3, window_bounds = array<i64: 128>}, {pipeline_mode = #tpu.pipeline_mode<synchronous>, transform_indices = @transform_4, window_bounds = array<i64: 128, 64>}, {transform_indices = @transform_5, window_bounds = array<i64: 1024, 64>}]} {
    %get3A = arith.constant 0 : index
    %get3A_0 = vector.load %arg3[%get3A] : memref<1024xf32, #tpu.memory_space<vmem>>, vector<1024xf32>
    %reshape3A = vector.shape_cast %get3A_0 : vector<1024xf32> to vector<1024x1xf32>
    %get3A_1 = arith.constant 0 : index
    %get3A_2 = arith.constant 0 : index
    %get3A_3 = arith.constant 0 : index
    %get3A_4 = vector.load %arg1[%get3A_1, %get3A_2, %get3A_3] : memref<2x1024x128xf32, #tpu.memory_space<vmem>>, vector<1x1024x128xf32>
    %get3A_5 = vector.shape_cast %get3A_4 : vector<1x1024x128xf32> to vector<1024x128xf32>
    %get3A_6 = arith.constant 1 : index
    %get3A_7 = arith.constant 0 : index
    %get3A_8 = arith.constant 0 : index
    %get3A_9 = vector.load %arg1[%get3A_6, %get3A_7, %get3A_8] : memref<2x1024x128xf32, #tpu.memory_space<vmem>>, vector<1x1024x128xf32>
    %get3A_10 = vector.shape_cast %get3A_9 : vector<1x1024x128xf32> to vector<1024x128xf32>
    %add3A = arith.addf %get3A_5, %get3A_10 : vector<1024x128xf32>
    %get3A_11 = arith.constant 0 : index
    %get3A_12 = arith.constant 0 : index
    %get3A_13 = vector.load %arg2[%get3A_11, %get3A_12] : memref<1024x128xf32, #tpu.memory_space<vmem>>, vector<1024x128xf32>
    %sub3A = arith.subf %add3A, %get3A_13 : vector<1024x128xf32>
    %mul3A = vector.broadcast %reshape3A : vector<1024x1xf32> to vector<1024x128xf32>
    %mul3A_14 = arith.mulf %sub3A, %mul3A : vector<1024x128xf32>
    %get3A_15 = arith.constant 0 : index
    %get3A_16 = vector.load %arg4[%get3A_15] : memref<128xf32, #tpu.memory_space<vmem>>, vector<128xf32>
    %broadcast_in_dim3A = vector.shape_cast %get3A_16 : vector<128xf32> to vector<1x128xf32>
    %add3A_17 = vector.broadcast %broadcast_in_dim3A : vector<1x128xf32> to vector<1024x128xf32>
    %add3A_18 = arith.addf %mul3A_14, %add3A_17 : vector<1024x128xf32>
    %max3A = arith.constant 0.000000e+00 : f32
    %max3A_19 = vector.broadcast %max3A : f32 to vector<1024x128xf32>
    %max3A_20 = arith.maximumf %add3A_18, %max3A_19 : vector<1024x128xf32>
    %mul3A_21 = arith.constant 1024 : i32
    %mul3A_22 = arith.muli %arg0, %mul3A_21 : i32
    %iota3A = tpu.iota {dimensions = array<i32: 0>} : vector<1024x1xi32>
    %add3A_23 = vector.broadcast %mul3A_22 : i32 to vector<1024x1xi32>
    %add3A_24 = arith.addi %add3A_23, %iota3A : vector<1024x1xi32>
    %lt3A = arith.constant 10000 : i32
    %lt3A_25 = vector.broadcast %lt3A : i32 to vector<1024x1xi32>
    %lt3A_26 = arith.cmpi slt, %add3A_24, %lt3A_25 : vector<1024x1xi32>
    %jit3A = arith.constant 0.000000e+00 : f32
    %broadcast_in_dim3A_27 = vector.shape_cast %lt3A_26 : vector<1024x1xi1> to vector<1024x1xi1>
    %broadcast_in_dim3A_28 = vector.broadcast %broadcast_in_dim3A_27 : vector<1024x1xi1> to vector<1024x128xi1>
    %broadcast_in_dim3A_29 = vector.broadcast %jit3A : f32 to vector<1024x128xf32>
    %select_n3A = arith.select %broadcast_in_dim3A_28, %max3A_20, %broadcast_in_dim3A_29 : vector<1024x128xi1>, vector<1024x128xf32>
    %get3A_30 = arith.constant 0 : index
    %get3A_31 = arith.constant 0 : index
    %get3A_32 = vector.load %arg5[%get3A_30, %get3A_31] : memref<128x64xf32, #tpu.memory_space<vmem>>, vector<128x64xf32>
    %dot_general3A = arith.constant dense<0.000000e+00> : vector<1024x64xf32>
    %dot_general3A_33 = tpu.matmul %select_n3A, %get3A_32, %dot_general3A {dimension_numbers = #tpu.dot_dimension_numbers<[1], [0], [0], [1], [0, 0, 1, 1], [], []>, transpose_lhs_hint = false} : vector<1024x128xf32>, vector<128x64xf32>, vector<1024x64xf32> -> vector<1024x64xf32>
    %mul3A_34 = vector.broadcast %reshape3A : vector<1024x1xf32> to vector<1024x64xf32>
    %mul3A_35 = arith.mulf %dot_general3A_33, %mul3A_34 : vector<1024x64xf32>
    %swap3A = arith.constant 0 : index
    %swap3A_36 = arith.constant 0 : index
    %swap3A_37 = vector.load %arg6[%swap3A, %swap3A_36] : memref<1024x64xf32, #tpu.memory_space<vmem>>, vector<1024x64xf32>
    tpu.vector_store %arg6[%swap3A, %swap3A_36], %mul3A_35 {strides = array<i32>} : memref<1024x64xf32, #tpu.memory_space<vmem>>, vector<1024x64xf32>,
    return
  }
  func.func @transform_0(%arg0: i32) -> (i32, i32, i32) {
    %c0_i32 = arith.constant 0 : i32
    %c0_i32_0 = arith.constant 0 : i32
    %c0_i32_1 = arith.constant 0 : i32
    return %c0_i32, %arg0, %c0_i32_0 : i32, i32, i32
  }
  func.func @transform_1(%arg0: i32) -> (i32, i32) {
    %c0_i32 = arith.constant 0 : i32
    %c0_i32_0 = arith.constant 0 : i32
    return %arg0, %c0_i32 : i32, i32
  }
  func.func @transform_2(%arg0: i32) -> i32 {
    %c0_i32 = arith.constant 0 : i32
    return %arg0 : i32
  }
  func.func @transform_3(%arg0: i32) -> i32 {
    %c0_i32 = arith.constant 0 : i32
    %c0_i32_0 = arith.constant 0 : i32
    return %c0_i32 : i32
  }
  func.func @transform_4(%arg0: i32) -> (i32, i32) {
    %c0_i32 = arith.constant 0 : i32
    %c0_i32_0 = arith.constant 0 : i32
    %c0_i32_1 = arith.constant 0 : i32
    return %c0_i32, %c0_i32_0 : i32, i32
  }
  func.func @transform_5(%arg0: i32) -> (i32, i32) {
    %c0_i32 = arith.constant 0 : i32
    %c0_i32_0 = arith.constant 0 : i32
    return %arg0, %c0_i32 : i32, i32
  }
}

module attributes {stable_mosaic.version = 14 : i64} {
  func.func @body(%arg0: i32, %arg1: memref<2x1024x64xf32, #tpu.memory_space<vmem>>, %arg2: memref<1024x64xf32, #tpu.memory_space<vmem>>, %arg3: memref<1024xf32, #tpu.memory_space<vmem>>, %arg4: memref<64xf32, #tpu.memory_space<vmem>>, %arg5: memref<64x112xf32, #tpu.memory_space<vmem>>, %arg6: memref<112xf32, #tpu.memory_space<vmem>>, %arg7: memref<1024x112xf32, #tpu.memory_space<vmem>>) attributes {dimension_semantics = [#tpu.dimension_semantics<arbitrary>], iteration_bounds = array<i64: 10>, scalar_prefetch = 0 : i64, scratch_operands = 0 : i64, tpu.core_type = #tpu.core_type<tc>, window_params = [{transform_indices = @transform_0, window_bounds = array<i64: 2, 1024, 64>}, {transform_indices = @transform_1, window_bounds = array<i64: 1024, 64>}, {transform_indices = @transform_2, window_bounds = array<i64: 1024>}, {pipeline_mode = #tpu.pipeline_mode<synchronous>, transform_indices = @transform_3, window_bounds = array<i64: 64>}, {pipeline_mode = #tpu.pipeline_mode<synchronous>, transform_indices = @transform_4, window_bounds = array<i64: 64, 112>}, {pipeline_mode = #tpu.pipeline_mode<synchronous>, transform_indices = @transform_5, window_bounds = array<i64: 112>}, {transform_indices = @transform_6, window_bounds = array<i64: 1024, 112>}]} {
    %get3A = arith.constant 0 : index
    %get3A_0 = vector.load %arg3[%get3A] : memref<1024xf32, #tpu.memory_space<vmem>>, vector<1024xf32>
    %reshape3A = vector.shape_cast %get3A_0 : vector<1024xf32> to vector<1024x1xf32>
    %get3A_1 = arith.constant 0 : index
    %get3A_2 = arith.constant 0 : index
    %get3A_3 = arith.constant 0 : index
    %get3A_4 = vector.load %arg1[%get3A_1, %get3A_2, %get3A_3] : memref<2x1024x64xf32, #tpu.memory_space<vmem>>, vector<1x1024x64xf32>
    %get3A_5 = vector.shape_cast %get3A_4 : vector<1x1024x64xf32> to vector<1024x64xf32>
    %get3A_6 = arith.constant 1 : index
    %get3A_7 = arith.constant 0 : index
    %get3A_8 = arith.constant 0 : index
    %get3A_9 = vector.load %arg1[%get3A_6, %get3A_7, %get3A_8] : memref<2x1024x64xf32, #tpu.memory_space<vmem>>, vector<1x1024x64xf32>
    %get3A_10 = vector.shape_cast %get3A_9 : vector<1x1024x64xf32> to vector<1024x64xf32>
    %add3A = arith.addf %get3A_5, %get3A_10 : vector<1024x64xf32>
    %get3A_11 = arith.constant 0 : index
    %get3A_12 = arith.constant 0 : index
    %get3A_13 = vector.load %arg2[%get3A_11, %get3A_12] : memref<1024x64xf32, #tpu.memory_space<vmem>>, vector<1024x64xf32>
    %sub3A = arith.subf %add3A, %get3A_13 : vector<1024x64xf32>
    %mul3A = vector.broadcast %reshape3A : vector<1024x1xf32> to vector<1024x64xf32>
    %mul3A_14 = arith.mulf %sub3A, %mul3A : vector<1024x64xf32>
    %get3A_15 = arith.constant 0 : index
    %get3A_16 = vector.load %arg4[%get3A_15] : memref<64xf32, #tpu.memory_space<vmem>>, vector<64xf32>
    %broadcast_in_dim3A = vector.shape_cast %get3A_16 : vector<64xf32> to vector<1x64xf32>
    %add3A_17 = vector.broadcast %broadcast_in_dim3A : vector<1x64xf32> to vector<1024x64xf32>
    %add3A_18 = arith.addf %mul3A_14, %add3A_17 : vector<1024x64xf32>
    %max3A = arith.constant 0.000000e+00 : f32
    %max3A_19 = vector.broadcast %max3A : f32 to vector<1024x64xf32>
    %max3A_20 = arith.maximumf %add3A_18, %max3A_19 : vector<1024x64xf32>
    %mul3A_21 = arith.constant 1024 : i32
    %mul3A_22 = arith.muli %arg0, %mul3A_21 : i32
    %iota3A = tpu.iota {dimensions = array<i32: 0>} : vector<1024x1xi32>
    %add3A_23 = vector.broadcast %mul3A_22 : i32 to vector<1024x1xi32>
    %add3A_24 = arith.addi %add3A_23, %iota3A : vector<1024x1xi32>
    %lt3A = arith.constant 10000 : i32
    %lt3A_25 = vector.broadcast %lt3A : i32 to vector<1024x1xi32>
    %lt3A_26 = arith.cmpi slt, %add3A_24, %lt3A_25 : vector<1024x1xi32>
    %jit3A = arith.constant 0.000000e+00 : f32
    %broadcast_in_dim3A_27 = vector.shape_cast %lt3A_26 : vector<1024x1xi1> to vector<1024x1xi1>
    %broadcast_in_dim3A_28 = vector.broadcast %broadcast_in_dim3A_27 : vector<1024x1xi1> to vector<1024x64xi1>
    %broadcast_in_dim3A_29 = vector.broadcast %jit3A : f32 to vector<1024x64xf32>
    %select_n3A = arith.select %broadcast_in_dim3A_28, %max3A_20, %broadcast_in_dim3A_29 : vector<1024x64xi1>, vector<1024x64xf32>
    %get3A_30 = arith.constant 0 : index
    %get3A_31 = arith.constant 0 : index
    %get3A_32 = vector.load %arg5[%get3A_30, %get3A_31] : memref<64x112xf32, #tpu.memory_space<vmem>>, vector<64x112xf32>
    %dot_general3A = arith.constant dense<0.000000e+00> : vector<1024x112xf32>
    %dot_general3A_33 = tpu.matmul %select_n3A, %get3A_32, %dot_general3A {dimension_numbers = #tpu.dot_dimension_numbers<[1], [0], [0], [1], [0, 0, 1, 1], [], []>, transpose_lhs_hint = false} : vector<1024x64xf32>, vector<64x112xf32>, vector<1024x112xf32> -> vector<1024x112xf32>
    %get3A_34 = arith.constant 0 : index
    %get3A_35 = vector.load %arg6[%get3A_34] : memref<112xf32, #tpu.memory_space<vmem>>, vector<112xf32>
    %broadcast_in_dim3A_36 = vector.shape_cast %get3A_35 : vector<112xf32> to vector<1x112xf32>
    %add3A_37 = vector.broadcast %broadcast_in_dim3A_36 : vector<1x112xf32> to vector<1024x112xf32>
    %add3A_38 = arith.addf %dot_general3A_33, %add3A_37 : vector<1024x112xf32>
    %swap3A = arith.constant 0 : index
    %swap3A_39 = arith.constant 0 : index
    %swap3A_40 = vector.load %arg7[%swap3A, %swap3A_39] : memref<1024x112xf32, #tpu.memory_space<vmem>>, vector<1024x112xf32>
    tpu.vector_store %arg7[%swap3A, %swap3A_39], %add3A_38 {strides = array<i32>} : memref<1024x112xf32, #tpu.memory_space<vmem>>, vector<1024x112xf32>,
    return
  }
  func.func @transform_0(%arg0: i32) -> (i32, i32, i32) {
    %c0_i32 = arith.constant 0 : i32
    %c0_i32_0 = arith.constant 0 : i32
    %c0_i32_1 = arith.constant 0 : i32
    return %c0_i32, %arg0, %c0_i32_0 : i32, i32, i32
  }
  func.func @transform_1(%arg0: i32) -> (i32, i32) {
    %c0_i32 = arith.constant 0 : i32
    %c0_i32_0 = arith.constant 0 : i32
    return %arg0, %c0_i32 : i32, i32
  }
  func.func @transform_2(%arg0: i32) -> i32 {
    %c0_i32 = arith.constant 0 : i32
    return %arg0 : i32
  }
  func.func @transform_3(%arg0: i32) -> i32 {
    %c0_i32 = arith.constant 0 : i32
    %c0_i32_0 = arith.constant 0 : i32
    return %c0_i32 : i32
  }
  func.func @transform_4(%arg0: i32) -> (i32, i32) {
    %c0_i32 = arith.constant 0 : i32
    %c0_i32_0 = arith.constant 0 : i32
    %c0_i32_1 = arith.constant 0 : i32
    return %c0_i32, %c0_i32_0 : i32, i32
  }
  func.func @transform_5(%arg0: i32) -> i32 {
    %c0_i32 = arith.constant 0 : i32
    %c0_i32_0 = arith.constant 0 : i32
    return %c0_i32 : i32
  }
  func.func @transform_6(%arg0: i32) -> (i32, i32) {
    %c0_i32 = arith.constant 0 : i32
    %c0_i32_0 = arith.constant 0 : i32
    return %arg0, %c0_i32 : i32, i32
  }
}

</mosaic_0001>

<sc_bundles>
// kernel: kernel.12.cloned.1.call-start
scs
__scs_entry_jumppad:
0x0: {  	(pc) =	sbr.rel $0x88, $3  }
0x1: {  	(tag) =	ssettag $0x0;
	lr =	simm.s32 $0x1  }
0x2: {  	[smem:$0x3F99] =	sst lr;
	_ =	strace $0xD0000000  }
0x3: {  	_ = 	snop  }
0x4: {  	_ = 	snop  }
0x5: {  	_ = 	snop  }
0x6: {  	_ = 	snop  }
0x7: {  	_ = 	snop  }
__scs_overlays_trampoline_lowered:
0x8: {  	[smem:$0x3FA8] =	sst s0  }
0x9: {  	[smem:$0x3FA9] =	sst s1  }
0xa: {  	[smem:$0x3FAA] =	sst s2  }
0xb: {  	[smem:$0x3FAB] =	sst s3  }
0xc: {  	[smem:$0x3FAC] =	sst s4  }
0xd: {  	[smem:$0x3FAD] =	sst s5  }
0xe: {  	[smem:$0x3FAE] =	sst s6  }
0xf: {  	[smem:$0x3FAF] =	sst s7  }
0x10: {  	[smem:$0x3FB0] =	sst s8  }
0x11: {  	[smem:$0x3FB1] =	sst s9;
	s0 =	simm.s32 @!p0 $0x0  }
0x12: {  	s1 =	sld [smem:$0x3F97];
	s0 =	simm.s32 @p0 $0x1  }
0x13: {  	[smem:$0x3FB2] =	sst s0;
	s0 =	simm.s32 @!p1 $0x0  }
0x14: {  	s2 =	sld [smem:$0x3F96];
	s0 =	simm.s32 @p1 $0x1  }
0x15: {  	[smem:$0x3FB3] =	sst s0;
	s0 =	simm.s32 @!p2 $0x0  }
0x16: {  	s3 =	sld [smem:$0x3FDB];
	s0 =	simm.s32 @p2 $0x1  }
0x17: {  	s4 =	simm.s32 $0x1BF5;
	[smem:$0x3FB5] =	sst s0  }
0x18: {  	s0 =	sld [smem:$0x3F98];
	_ =	swait.ge [sflag:s4], $0x0  }
0x19: {  	s7 =	sld [smem:$0x3F99]  }
0x1a: {  	s8 =	sadd.s32 $0xFFFFE003, lr  }
0x1b: {  	s9 =	sadd.s32 $0xFFFFFEF7, lr;
	s5 =	simm.s32 $0xFFFFFFFF;
	p2 =	slt.u32 s8, $0xFFFFF086  }
0x1c: {  	p1 =	slt.u32 s9, $0xF7A;
	s5 =	simm.s32 @!p2 $0x0  }
0x1d: {  	s5 =	simm.s32 @p1 $0x1;
	p0 =	seq.s32 s7, s2  }
0x1e: {  	s7 =	smul.u32 @!p0 $0xF7A, s2;
	p2 =	seq.s32 @!p0 s5, $0x0  }
0x1f: {  	s9 =	smul.u32 $0xF7A, s1;
	s8 =	simm.s32 @!p0 $0x1BF5;
	p2 =	por !p2, p0  }
0x20: {  	[sflag:s8] =	ssyncset.s32 @!p0 $0xFFFFF086;
	s6 =	sadd.s32 @!p0 s3, s7;
	s7 =	simm.s32 @!p0 $0x108  }
0x21: {  	s3 =	sadd.s32 s3, s9;
	s6 =	sadd.s32 @!p0 $0x88, s6;
	s7 =	simm.s32 @p2 $0x1082  }
0x22: {  	[simem:s7], [sflag:s8] =	dma.local @!p0 [hbm:s6], $0xF7A  }
0x23: {  	s9 =	sor.u32 $0xD0000000, s2;
	s6 =	simm.s32 $0x108;
	_ =	swait.ge @!p0 [sflag:s8], $0x0  }
0x24: {  	s3 =	sadd.s32 $0x88, s3;
	s6 =	simm.s32 @!p1 $0x1082;
	[sflag:s4] =	ssyncset.s32 $0xFFFFF086  }
0x25: {  	[simem:s6], [sflag:s4] =	dma.local [hbm:s3], $0xF7A  }
0x26: {  	[smem:$0x3F99] =	sst s1;
	(tag) =	ssettag s2;
	_ =	strace s9  }
0x27: {  	s1 =	sld [smem:$0x3FA9]  }
0x28: {  	s2 =	sld [smem:$0x3FAA]  }
0x29: {  	s4 =	sld [smem:$0x3FAC]  }
0x2a: {  	p0 =	seq.s32 s5, $0x0;
	s5 =	sld [smem:$0x3FAD]  }
0x2b: {  	s6 =	sld [smem:$0x3FAE]  }
0x2c: {  	s7 =	sld [smem:$0x3FAF]  }
0x2d: {  	s3 =	simm.s32 $0x108;
	s8 =	sld [smem:$0x3FB0]  }
0x2e: {  	s3 =	simm.s32 @!p0 $0x1082;
	s9 =	sld [smem:$0x3FB1]  }
0x2f: {  	lr =	sadd.s32 s0, s3;
	s0 =	sld [smem:$0x3FA8]  }
0x30: {  	s3 =	sld [smem:$0x3FAB]  }
0x31: {  	[smem:$0x3FB4] =	sst s10  }
0x32: {  	s10 =	sld [smem:$0x3FB2];
	_ =	sdelay $0x3  }
0x33: {  	p0 =	seq.s32 s10, $0x1;
	s10 =	sld [smem:$0x3FB4];
	_ =	sdelay $0x3  }
0x34: {  	[smem:$0x3FB4] =	sst s10  }
0x35: {  	s10 =	sld [smem:$0x3FB3];
	_ =	sdelay $0x3  }
0x36: {  	p1 =	seq.s32 s10, $0x1;
	s10 =	sld [smem:$0x3FB4];
	_ =	sdelay $0x3  }
0x37: {  	[smem:$0x3FB4] =	sst s10  }
0x38: {  	s10 =	sld [smem:$0x3FB5]  }
0x39: {  	_ = 	snop;
	(pc) =	sbr.ind lr, $3  }
0x3a: {  	_ = 	snop  }
0x3b: {  	_ = 	snop  }
0x3c: {  	p2 =	seq.s32 s10, $0x1;
	s10 =	sld [smem:$0x3FB4]  }
0x3d: {  	_ =	shalt  }
0x3e: {  	_ =	shalt  }
0x3f: {  	_ =	shalt  }
0x40: {  	_ =	shalt  }
0x41: {  	_ =	shalt  }
0x42: {  	_ =	shalt  }
0x43: {  	_ =	shalt  }
0x44: {  	_ =	shalt  }
0x45: {  	_ =	shalt  }
0x46: {  	_ =	shalt  }
0x47: {  	_ =	shalt  }
0x48: {  	_ =	shalt  }
0x49: {  	_ =	shalt  }
0x4a: {  	_ =	shalt  }
0x4b: {  	_ =	shalt  }
0x4c: {  	_ =	shalt  }
0x4d: {  	_ =	shalt  }
0x4e: {  	_ =	shalt  }
0x4f: {  	_ =	shalt  }
0x50: {  	_ =	shalt  }
0x51: {  	_ =	shalt  }
0x52: {  	_ =	shalt  }
0x53: {  	_ =	shalt  }
0x54: {  	_ =	shalt  }
0x55: {  	_ =	shalt  }
0x56: {  	_ =	shalt  }
0x57: {  	_ =	shalt  }
0x58: {  	_ =	shalt  }
0x59: {  	_ =	shalt  }
0x5a: {  	_ =	shalt  }
0x5b: {  	_ =	shalt  }
0x5c: {  	_ =	shalt  }
0x5d: {  	_ =	shalt  }
0x5e: {  	_ =	shalt  }
0x5f: {  	_ =	shalt  }
0x60: {  	_ =	shalt  }
0x61: {  	_ =	shalt  }
0x62: {  	_ =	shalt  }
0x63: {  	_ =	shalt  }
0x64: {  	_ =	shalt  }
0x65: {  	_ =	shalt  }
0x66: {  	_ =	shalt  }
0x67: {  	_ =	shalt  }
0x68: {  	_ =	shalt  }
0x69: {  	_ =	shalt  }
0x6a: {  	_ =	shalt  }
0x6b: {  	_ =	shalt  }
0x6c: {  	_ =	shalt  }
0x6d: {  	_ =	shalt  }
0x6e: {  	_ =	shalt  }
0x6f: {  	_ =	shalt  }
0x70: {  	_ =	shalt  }
0x71: {  	_ =	shalt  }
0x72: {  	_ =	shalt  }
0x73: {  	_ =	shalt  }
0x74: {  	_ =	shalt  }
0x75: {  	_ =	shalt  }
0x76: {  	_ =	shalt  }
0x77: {  	_ =	shalt  }
0x78: {  	_ =	shalt  }
0x79: {  	_ =	shalt  }
0x7a: {  	_ =	shalt  }
0x7b: {  	_ =	shalt  }
0x7c: {  	_ =	shalt  }
0x7d: {  	_ =	shalt  }
0x7e: {  	_ =	shalt  }
0x7f: {  	_ =	shalt  }
0x80: {  	_ =	shalt  }
0x81: {  	_ =	shalt  }
0x82: {  	_ =	shalt  }
0x83: {  	_ =	shalt  }
0x84: {  	_ =	shalt  }
0x85: {  	_ =	shalt  }
0x86: {  	_ =	shalt  }
0x87: {  	_ =	shalt  }
.Lfunc_end0:
.L_simem_size_0:
called_computation.1_lowered:
.L_overlay_start_0:
0x88: {  	s2 =	sld [smem:$0x3FD9]  }
0x89: {  	s3 =	sld [smem:$0x3FFE];
	_ =	sdelay $0x1  }
0x8a: {  	s1 =	srdreg.scid  }
0x8b: {  	s0 =	sand.u32 $0x1, s1  }
0x8c: {  	s16 =	sshll.u32 s0, $0xA;
	s2 =	sadd.s32 s3, s2  }
0x8d: {  	s2 =	sadd.s32 s2, s16  }
0x8e: {  	[smem:$0x3FC0] =	sst s2  }
0x8f: {  	_ = 	snop  }
0x90: {  	(tm) =	ssettm $0x1  }
0x91: {  	s17 =	sld [smem:$0x3FFB];
	_ =	sdelay $0x3  }
0x92: {  	_ =	strace s17  }
0x93: {  	s2 =	sld [smem:$0x3FFC];
	_ =	sdelay $0x3  }
0x94: {  	_ =	strace s2  }
0x95: {  	s2 =	sld [smem:$0x3FFD];
	_ =	sdelay $0x3  }
0x96: {  	_ =	strace s2  }
0x97: {  	_ =	strace $0x8FFFFFFF  }
0x98: {  	s18 =	sld [smem:$0x3FDB];
	_ =	sdelay $0x1  }
0x99: {  	s19 =	simm.s32 $_scs_section_size  }
0x9a: {  	s4 =	simm.s32 $_size__tile_overlayer_lowered;
	s5 =	simm.s32 $_tile_overlayer_lowered  }
0x9b: {  	s22 =	simm.s32 $0x1BFF;
	s21 =	sshll.u32 s5, $0x1;
	s2 =	sadd.s32 s19, s18  }
0x9c: {  	s6 =	simm.s32 $0x0;
	s20 =	sshll.u32 s4, $0x1;
	s4 =	sadd.s32 s21, s2  }
0x9d: {  	[timem:s6], [sflag:s22] =	dma.local [hbm:s4], s20  }
0x9e: {  	_ =	swait.ge [sflag:s22], s20  }
0x9f: {  	s3 =	ssub.s32 $0x0, s20;
	[sflag:s22] =	ssyncset.done $0x0  }
0xa0: {  	[sflag:s22] =	ssyncadd.s32 s3;
	_ =	sdelay $0x1  }
0xa1: {  	s23 =	simm.s32 $0x1B8B  }
0xa2: {  	_ =	swait.ge [sflag:s23], $0x1  }
0xa3: {  	[sflag:s23] =	ssyncset.done $0x0  }
0xa4: {  	s25 =	simm.s32 $0x1B8E;
	s24 =	sld [smem:$0x3FFE];
	[sflag:s23] =	ssyncadd.s32 $0xFFFFFFFF  }
0xa5: {  	s26 =	simm.s32 $execute0_lowered;
	[smem:$0x3FD2] =	sst s25  }
0xa6: {  	s4 =	sshll.u32 s26, $0x1;
	_ =	strace $0x80000049;
	[dreg:$0x1] =	wrdreg $0xFFFFFFFF  }
0xa7: {  	s28 =	simm.s32 $_size_execute0_lowered;
	s2 =	sadd.s32 s2, s4;
	[dreg:$0x0] =	wrdreg $0x0  }
0xa8: {  	s4 =	sshll.u32 s28, $0x1;
	[dreg:$0x2] =	wrdreg s2  }
0xa9: {  	[dreg:$0x3] =	wrdreg s4  }
0xaa: {  	[dreg:$0x4] =	wrdreg $0xC0  }
0xab: {  	_ =	task [dreg:s6], $0x5FFFF  }
0xac: {  	[dreg:$0x1] =	wrdreg $0xFFFFFFFF  }
0xad: {  	[dreg:$0x0] =	wrdreg $0x60  }
0xae: {  	[dreg:$0x2] =	wrdreg s24  }
0xaf: {  	[dreg:$0x3] =	wrdreg $0x0  }
0xb0: {  	[dreg:$0x4] =	wrdreg $0x9  }
0xb1: {  	_ =	task.clear_ibuf [dreg:s6], $0x5FFFF;
	_ =	strace $0x90000049  }
0xb2: {  	s29 =	simm.s32 $0x9;
	_ =	strace $0x8000004B  }
0xb3: {  	_ =	swait.ge [sflag:s29], $0x1  }
0xb4: {  	[sflag:s29] =	ssyncadd.s32 $0xFFFFFFFF  }
0xb5: {  	_ =	strace $0x9000004B  }
0xb6: {  	_ =	sfence  }
0xb7: {  	s30 =	sld [smem:$0x0];
	_ =	sdelay $0x2  }
0xb8: {  	s31 =	sshll.u32 s1, $0xD;
	s1 =	sshrl.u32 s1, $0x2  }
0xb9: {  	s3 =	sand.u32 $0x4000, s31;
	s1 =	sadd.s32 s1, s30  }
0xba: {  	s0 =	sor.u32 s3, s0;
	s1 =	sshll.u32 s1, $0x11  }
0xbb: {  	s0 =	sor.u32 s1, s0  }
0xbc: {  	s0 =	sadd.s32 $0x8F2B, s0  }
0xbd: {  	[sflag:s0] =	ssyncadd.remote.s32 $0x1  }
0xbe: {  	_ =	sfence.sel $0xFFFF  }
0xbf: {  	[dreg:$0x0] =	wrdreg $0xFFFFFFFF;
	(pc) =	sbr.abs _section_cstart, $3  }
0xc0: {  	[dreg:$0x1] =	wrdreg $0xFFFFFFFF  }
0xc1: {  	_ =	task.clear_ibuf [dreg:s6], $0x2FFFF;
	_ =	strace $0x9FFFFFFF  }
0xc2: {  	(tm) =	ssettm $0x7FFFFFFF  }
0xc3: {  	_ =	shalt  }
tec
execute0_lowered:
.L_overlay_start_1:
0x0: {  	(tag) =	ssettag $0x1  }
0x1: {  	s0 =	rddreg [dreg:$0x0]  }
0x2: {  	s1 =	rddreg [dreg:$0x1]  }
0x3: {  	s2 =	srdreg.scid;
	s11 =	stileid.u32  }
0x4: {  	s3 =	simm.s32 $0x0;
	s28 =	simm.s32 $0x1F;
	s25 =	smul.u32 $0x50000, s11  }
0x5: {  	s30 =	simm.s32 $0x17;
	s2 =	sand.u32 $0x1, s2;
	s9 =	smul.u32 $0x2800, s11  }
0x6: {  	[smem:$0x7FF] =	sst s3;
	s12 =	sadd.s32 $0x2A00, s0;
	s10 =	smul.u32 $0x2710, s11  }
0x7: {  	s4 =	sshll.u32 s2, $0x4;
	_ =	strace $0x8000004A;
	s5 =	smul.u32 $0x28000, s2  }
0x8: {  	s7 =	ssub.s32 $0x2, s2;
	s2 =	smul.u32 $0x27100, s2;
	[dreg:$0x3] =	wrdreg s12  }
0x9: {  	s6 =	sor.u32 s11, s4;
	s4 =	sadd.s32 $0x16400, s0;
	s20 =	sshrl.u32 s7, $0x1  }
0xa: {  	s6 =	smul.u32 $0x2710, s6;
	s0 =	sadd.s32 s5, s0;
	s31 =	sadd.s32 s4, s9  }
0xb: {  	s5 =	ssub.s32 s7, s20;
	s2 =	sadd.s32 s10, s2;
	[dreg:$0xa] =	wrdreg s31  }
0xc: {  	s10 =	sadd.s32 $0x4E430, s2;
	s0 =	sadd.s32 $0x3E400, s0;
	s5 =	smax.u32 s5, $0x1  }
0xd: {  	s15 =	sadd.s32 $0x208, s2;
	s16 =	sadd.s32 $0x4E408, s2;
	s17 =	sadd.s32 $0x1E0, s2  }
0xe: {  	s20 =	sadd.s32 $0x4E3E0, s2;
	s31 =	sadd.s32 $0x4E368, s2;
	s21 =	sshrl.u32 s6, $0x3  }
0xf: {  	s8 =	sadd.s32 $0x28, s6;
	s23 =	sadd.s32 $0x4E228, s6;
	s26 =	sadd.s32 $0x78, s6  }
0x10: {  	s6 =	sadd.s32 $0x4E278, s6;
	[dreg:$0xc] =	wrdreg s5;
	s5 =	sshrl.u32 s15, $0x3  }
0x11: {  	s0 =	sadd.s32 s9, s0;
	s9 =	sadd.s32 $0x118, s2;
	s15 =	sadd.s32 $0xF0, s2  }
0x12: {  	s13 =	sadd.s32 s12, s21;
	s22 =	sshrl.u32 s8, $0x3;
	s24 =	sshrl.u32 s23, $0x3  }
0x13: {  	s6 =	sshrl.u32 s6, $0x3;
	s5 =	sadd.s32 s5, s12;
	[dreg:$0x15] =	wrdreg s0  }
0x14: {  	s8 =	sshrl.u32 s25, $0x2;
	s21 =	sadd.s32 $0x1B8, s2;
	[dreg:$0xf] =	wrdreg s5  }
0x15: {  	s7 =	sadd.s32 s12, s22;
	s6 =	sadd.s32 s12, s6;
	[dreg:$0x4] =	wrdreg s13  }
0x16: {  	s29 =	sadd.s32 s8, s1;
	s8 =	sadd.s32 $0x230, s2;
	[dreg:$0x5] =	wrdreg s7  }
0x17: {  	s22 =	sadd.s32 $0x4E3B8, s2;
	s5 =	sshrl.u32 s20, $0x3;
	[dreg:$0x8] =	wrdreg s6  }
0x18: {  	s20 =	sadd.s32 $0xC8, s2;
	s7 =	sadd.s32 s12, s24;
	[dreg:$0x9] =	wrdreg s29  }
0x19: {  	s6 =	sshrl.u32 s8, $0x3;
	s5 =	sadd.s32 s5, s12;
	s29 =	sadd.s32 $0x168, s2  }
0x1a: {  	s8 =	sadd.s32 $0x4E340, s2;
	[dreg:$0x6] =	wrdreg s7;
	s7 =	sshrl.u32 s26, $0x3  }
0x1b: {  	[dreg:$0x12] =	wrdreg s5;
	s26 =	sadd.s32 $0x4E390, s2;
	s5 =	sshrl.u32 s29, $0x3  }
0x1c: {  	s29 =	sadd.s32 $0x14, s13;
	s7 =	sadd.s32 s12, s7;
	s0 =	sshrl.u32 s26, $0x3  }
0x1d: {  	s5 =	sadd.s32 s5, s12;
	s26 =	sadd.s32 $0x9C4A, s13;
	[smem:$0x7FC] =	sst s29  }
0x1e: {  	[dreg:$0x7] =	wrdreg s7;
	s7 =	sshll.u32 s11, $0x6;
	s11 =	sadd.s32 s6, s12  }
0x1f: {  	s6 =	sshrl.u32 s16, $0x3;
	s0 =	sadd.s32 s0, s12;
	[dreg:$0x17] =	wrdreg s5  }
0x20: {  	s5 =	sshrl.u32 s8, $0x3;
	s16 =	sadd.s32 $0x4E2F0, s2;
	[smem:$0x7FB] =	sst s26  }
0x21: {  	s8 =	simm.s32 $0x14200;
	s26 =	simm.s32 $0x1D;
	s24 =	sor.u32 $0x1C1F, s7  }
0x22: {  	s7 =	sshrl.u32 s10, $0x3;
	[dreg:$0xd] =	wrdreg s11;
	s18 =	sadd.s32 s6, s12  }
0x23: {  	s6 =	sshrl.u32 s21, $0x3;
	[dreg:$0x16] =	wrdreg s0;
	s10 =	sadd.s32 s5, s12  }
0x24: {  	s11 =	sshrl.u32 s9, $0x3;
	s5 =	sshrl.u32 s15, $0x3;
	s21 =	sshrl.u32 s20, $0x3  }
0x25: {  	s15 =	simm.s32 $0x15;
	s20 =	simm.s32 $0x12;
	s9 =	simm.s32 $0x18600  }
0x26: {  	s14 =	sadd.s32 s7, s12;
	s7 =	sshrl.u32 s17, $0x3;
	[dreg:$0x10] =	wrdreg s18  }
0x27: {  	s23 =	sadd.s32 s6, s12;
	s6 =	sshrl.u32 s31, $0x3;
	[dreg:$0x1a] =	wrdreg s10  }
0x28: {  	s17 =	sadd.s32 s5, s12;
	s18 =	sshrl.u32 s16, $0x3;
	[dreg:$0xb] =	wrdreg s24  }
0x29: {  	s31 =	sadd.s32 $0x9C54, s13;
	s5 =	simm.s32 $0x17200;
	[dreg:$0xe] =	wrdreg s14  }
0x2a: {  	s16 =	simm.s32 $0x1E;
	s10 =	simm.s32 $0x14780;
	[dreg:$0x13] =	wrdreg s23  }
0x2b: {  	s19 =	sadd.s32 s7, s12;
	s7 =	sshrl.u32 s22, $0x3;
	[dreg:$0x1d] =	wrdreg s17  }
0x2c: {  	s0 =	sadd.s32 s6, s12;
	s14 =	sadd.s32 $0x4E318, s2;
	[smem:$0x7FD] =	sst s31  }
0x2d: {  	s23 =	sadd.s32 $0x9C40, s13;
	s17 =	simm.s32 $0x19A00;
	[dreg:$0x11] =	wrdreg s19  }
0x2e: {  	s25 =	sadd.s32 s7, s12;
	[dreg:$0x18] =	wrdreg s0;
	s7 =	sadd.s32 $0x140, s2  }
0x2f: {  	s19 =	sadd.s32 $0x190, s2;
	s2 =	sadd.s32 $0x4E2C8, s2;
	[smem:$0x7F9] =	sst s23  }
0x30: {  	s23 =	simm.s32 $0x14700;
	[dreg:$0x14] =	wrdreg s25;
	s0 =	sshrl.u32 s7, $0x3  }
0x31: {  	[dreg:$0x1e] =	wrdreg s19;
	s2 =	sshrl.u32 s2, $0x3;
	s25 =	sadd.s32 $0xA, s13  }
0x32: {  	s19 =	simm.s32 $0x14A00;
	s0 =	sadd.s32 s0, s12;
	[smem:$0x7FA] =	sst s25  }
0x33: {  	s13 =	simm.s32 $0x14400;
	s22 =	sadd.s32 s2, s12;
	[dreg:$0x19] =	wrdreg s0  }
0x34: {  	s2 =	simm.s32 $0x19;
	s0 =	sadd.s32 s11, s12;
	[smem:$0x7F8] =	sst s22  }
.Ltmp0:
0x35: {  	[dreg:$0x1b] =	wrdreg s0;
	s0 =	sshrl.u32 s14, $0x3;
	(pc) =	sbr.rel .LBB2_1-.Ltmp0, $4  }
0x36: {  	s22 =	simm.s32 $0x16;
	s11 =	simm.s32 $0x1C;
	s0 =	sadd.s32 s0, s12  }
0x37: {  	s14 =	simm.s32 $0x28;
	[dreg:$0x1c] =	wrdreg s0;
	s0 =	sadd.s32 s18, s12  }
0x38: {  	s18 =	simm.s32 $0x14800;
	[dreg:$0x1f] =	wrdreg s0;
	s0 =	sadd.s32 s21, s12  }
0x39: {  	s12 =	simm.s32 $0x15E00;
	[smem:$0x7F7] =	sst s0;
	s0 =	simm.s32 $0x0  }
.LBB2_4:
0x3a: {  	s0 =	simm.s32 $0x18  }
0x3b: {  	_ =	swait.ge [sflag:s0], $0x1400  }
0x3c: {  	[sflag:s0] =	ssyncset.done $0x0  }
0x3d: {  	s25 =	simm.s32 $0x13;
	[sflag:s0] =	ssyncadd.s32 $0xFFFFEC00  }
0x3e: {  	_ =	swait.ge [sflag:s25], $0x28  }
0x3f: {  	[sflag:s25] =	ssyncset.done $0x0  }
0x40: {  	s29 =	simm.s32 $0x14900;
	[sflag:s25] =	ssyncadd.s32 $0xFFFFFFD8  }
0x41: {  	[spmem:s1] =	stream.indirect.scatter.add.f32 [tilespmem:s6], [sflag:$0x1D], $0x80, s29, s14, $0xb8;
	[tilespmem:$0x1AE00] =	vst v63  }
0x42: {  	_ =	swait.ge [sflag:s2], $0x1400  }
0x43: {  	[sflag:s2] =	ssyncset.done $0x0  }
0x44: {  	s31 =	simm.s32 $0x14;
	[sflag:s2] =	ssyncadd.s32 $0xFFFFEC00  }
0x45: {  	_ =	swait.ge [sflag:s31], $0x28  }
0x46: {  	[sflag:s31] =	ssyncset.done $0x0  }
0x47: {  	s21 =	simm.s32 $0x1A;
	s6 =	simm.s32 $0x14980;
	[sflag:s31] =	ssyncadd.s32 $0xFFFFFFD8  }
0x48: {  	[spmem:s1] =	stream.indirect.scatter.add.f32 [tilespmem:s7], [sflag:$0x1E], $0x80, s6, s14, $0xb8;
	[tilespmem:$0x1AE00] =	vst v63  }
0x49: {  	_ =	swait.ge [sflag:s21], $0x1400  }
0x4a: {  	[sflag:s21] =	ssyncset.done $0x0  }
0x4b: {  	s24 =	simm.s32 $0x1B;
	[sflag:s21] =	ssyncadd.s32 $0xFFFFEC00  }
0x4c: {  	_ =	swait.ge [sflag:s24], $0x1400  }
0x4d: {  	[sflag:s24] =	ssyncset.done $0x0  }
0x4e: {  	[sflag:s24] =	ssyncadd.s32 $0xFFFFEC00  }
0x4f: {  	_ =	swait.ge [sflag:s11], $0x1400  }
0x50: {  	[sflag:s11] =	ssyncset.done $0x0  }
0x51: {  	[sflag:s11] =	ssyncadd.s32 $0xFFFFEC00  }
0x52: {  	_ =	swait.ge [sflag:s26], $0x1400  }
0x53: {  	[sflag:s26] =	ssyncset.done $0x0  }
0x54: {  	[sflag:s26] =	ssyncadd.s32 $0xFFFFEC00  }
0x55: {  	_ =	swait.ge [sflag:s16], $0x1400  }
0x56: {  	[sflag:s16] =	ssyncset.done $0x0  }
0x57: {  	[sflag:s16] =	ssyncadd.s32 $0xFFFFEC00  }
0x58: {  	[bflag:$0x0] =	sbarrier.arrive $0xFFFF  }
0x59: {  	s25 =	sld [smem:$0x7F6]  }
0x5a: {  	s24 =	rddreg [dreg:$0xb]  }
0x5b: {  	s28 =	simm.s32 $0x1F;
	s21 =	rddreg [dreg:$0x15]  }
0x5c: {  	[hbm:s21], [sflag:s24] =	dma.local [spmem:s25], $0x2800  }
0x5d: {  	_ =	swait.ge [sflag:s28], $0x2800  }
0x5e: {  	s29 =	sld [smem:$0x7F5];
	_ =	sdelay $0x2  }
0x5f: {  	s31 =	rddreg [dreg:$0xc];
	s0 =	sadd.s32 $0x1, s29  }
0x60: {  	p0 =	sne.s32 s0, s31  }
.Ltmp1:
0x61: {  	_ = 	snop;
	(pc) =	sbr.rel @!p0 .LBB2_5-.Ltmp1, $3  }
0x62: {  	_ =	sdelay $0x1  }
0x63: {  	[sflag:s28] =	ssyncset.done $0x0  }
0x64: {  	[sflag:s28] =	ssyncadd.s32 $0xFFFFD800  }
.LBB2_1:
0x65: {  	[smem:$0x7F5] =	sst s0  }
0x66: {  	s21 =	rddreg [dreg:$0x4]  }
0x67: {  	s25 =	simm.s32 $0x14000;
	s31 =	sld [smem:$0x7F9]  }
0x68: {  	[tilespmem:s25], [sflag:$0x1] =	stream.linear.gather [hbm4b:s21+s3], $0x28, $0x38;
	[tilespmem:$0x1AE00] =	vst v63  }
0x69: {  	s0 =	simm.s32 $0x14500;
	s6 =	rddreg [dreg:$0x5]  }
0x6a: {  	[tilespmem:s0], [sflag:$0xB] =	stream.linear.gather [hbm4b:s31+s3], $0x28, $0x38;
	[tilespmem:$0x1AE00] =	vst v63  }
0x6b: {  	s7 =	simm.s32 $0x14080;
	s25 =	rddreg [dreg:$0x6]  }
0x6c: {  	[tilespmem:s7], [sflag:$0x2] =	stream.linear.gather [hbm4b:s6+s3], $0x28, $0x38;
	[tilespmem:$0x1AE00] =	vst v63  }
0x6d: {  	s29 =	simm.s32 $0x14580;
	s31 =	sld [smem:$0x7FA]  }
0x6e: {  	[tilespmem:s29], [sflag:$0xC] =	stream.linear.gather [hbm4b:s25+s3], $0x28, $0x38;
	[tilespmem:$0x1AE00] =	vst v63  }
0x6f: {  	s0 =	simm.s32 $0x14100;
	s6 =	sld [smem:$0x7FB]  }
0x70: {  	[tilespmem:s0], [sflag:$0x3] =	stream.linear.gather [hbm4b:s31+s3], $0x28, $0x38;
	[tilespmem:$0x1AE00] =	vst v63  }
0x71: {  	s7 =	simm.s32 $0x14600;
	s29 =	rddreg [dreg:$0x7]  }
0x72: {  	[tilespmem:s7], [sflag:$0xD] =	stream.linear.gather [hbm4b:s6+s3], $0x28, $0x38;
	[tilespmem:$0x1AE00] =	vst v63  }
0x73: {  	s31 =	simm.s32 $0x14180;
	s0 =	rddreg [dreg:$0x8]  }
0x74: {  	[tilespmem:s31], [sflag:$0x4] =	stream.linear.gather [hbm4b:s29+s3], $0x28, $0x38;
	[tilespmem:$0x1AE00] =	vst v63  }
0x75: {  	s6 =	simm.s32 $0x14680;
	s7 =	sld [smem:$0x7FC]  }
0x76: {  	[tilespmem:s6], [sflag:$0xE] =	stream.linear.gather [hbm4b:s0+s3], $0x28, $0x38;
	[tilespmem:$0x1AE00] =	vst v63  }
0x77: {  	s25 =	rddreg [dreg:$0x9]  }
0x78: {  	[tilespmem:s8], [sflag:$0x5] =	stream.linear.gather [hbm4b:s7+s3], $0x28, $0x38;
	[tilespmem:$0x1AE00] =	vst v63  }
0x79: {  	s8 =	sld [smem:$0x7FD]  }
0x7a: {  	s29 =	sshrl.u32 s25, $0x3;
	s31 =	rddreg [dreg:$0xa]  }
0x7b: {  	[smem:$0x7F6] =	sst s29  }
0x7c: {  	[tilespmem:s23], [sflag:$0xF] =	stream.linear.gather [hbm4b:s8+s3], $0x28, $0x38;
	[tilespmem:$0x1AE00] =	vst v63  }
0x7d: {  	[spmem:s29], [sflag:s24] =	dma.local [hbm:s31], $0x2800  }
0x7e: {  	_ =	swait.ge [sflag:s28], $0x2800  }
0x7f: {  	[sflag:s28] =	ssyncset.done $0x0  }
0x80: {  	[sflag:s28] =	ssyncadd.s32 $0xFFFFD800  }
0x81: {  	s25 =	simm.s32 $0x0;
	[bflag:$0x0] =	sbarrier.arrive $0xFFFF  }
0x82: {  	s8 =	simm.s32 $0x14200;
	s23 =	simm.s32 $0x14700;
	s24 =	rddreg [dreg:$0x1e]  }
.LBB2_2:
0x83: {  	p0 =	seq.s32 s25, $0x0  }
0x84: {  	s21 =	simm.s32 @p0 $0x1  }
0x85: {  	_ =	swait.ge @p0 [sflag:s21], $0x28  }
0x86: {  	s28 =	simm.s32 @p0 $0x14000;
	[sflag:s21] =	ssyncset.done @p0 $0x0  }
0x87: {  	s31 =	simm.s32 @p0 $0x14A00;
	[sflag:s21] =	ssyncadd.s32 @p0 $0xFFFFFFD8;
	s21 =	simm.s32 @p0 $0x28  }
0x88: {  	[tilespmem:s31], [sflag:$0x15] =	stream.indirect.gather @p0 [hbm4b:s4+s21], $0x80, s28, s21, $0xb8;
	[tilespmem:$0x1AE00] =	vst v63  }
0x89: {  	s28 =	simm.s32 @!p0 $0x1A  }
0x8a: {  	_ =	swait.ge @!p0 [sflag:s28], $0x1400  }
0x8b: {  	[sflag:s28] =	ssyncset.done @!p0 $0x0  }
0x8c: {  	[sflag:s28] =	ssyncadd.s32 @!p0 $0xFFFFEC00;
	s28 =	simm.s32 @!p0 $0x1  }
0x8d: {  	_ =	swait.ge @!p0 [sflag:s28], $0x28  }
0x8e: {  	s29 =	simm.s32 @!p0 $0x14A00;
	[sflag:s28] =	ssyncset.done @!p0 $0x0  }
0x8f: {  	s31 =	simm.s32 @!p0 $0x14000;
	[sflag:s28] =	ssyncadd.s32 @!p0 $0xFFFFFFD8;
	s28 =	simm.s32 @!p0 $0x28  }
0x90: {  	[tilespmem:s29], [sflag:$0x15] =	stream.indirect.gather @!p0 [hbm4b:s4+s28], $0x80, s31, s28, $0xb8;
	[tilespmem:$0x1AE00] =	vst v63  }
0x91: {  	s29 =	simm.s32 @!p0 $0x18  }
0x92: {  	_ =	swait.ge @!p0 [sflag:s29], $0x1400  }
0x93: {  	[sflag:s29] =	ssyncset.done @!p0 $0x0  }
0x94: {  	[sflag:s29] =	ssyncadd.s32 @!p0 $0xFFFFEC00;
	s29 =	simm.s32 @!p0 $0x13  }
0x95: {  	_ =	swait.ge @!p0 [sflag:s29], $0x28  }
0x96: {  	s31 =	simm.s32 @!p0 $0x18600;
	[sflag:s29] =	ssyncset.done @!p0 $0x0;
	s6 =	sld [smem:$0x7F7]  }
0x97: {  	s7 =	sld [smem:$0x7F8];
	[sflag:s29] =	ssyncadd.s32 @!p0 $0xFFFFFFD8;
	s29 =	simm.s32 @!p0 $0x14900  }
0x98: {  	[spmem:s1] =	stream.indirect.scatter.add.f32 @!p0 [tilespmem:s31], [sflag:$0x1D], $0x80, s29, s28, $0xb8;
	[tilespmem:$0x1AE00] =	vst v63  }
0x99: {  	s29 =	sadd.s32 s25, s6;
	s6 =	simm.s32 $0x14280  }
0x9a: {  	[tilespmem:s6], [sflag:$0x6] =	stream.linear.gather [hbm4b:s29+s3], $0x28, $0x38;
	[tilespmem:$0x1AE00] =	vst v63  }
0x9b: {  	s29 =	sadd.s32 s25, s7  }
0x9c: {  	[tilespmem:s10], [sflag:$0x10] =	stream.linear.gather [hbm4b:s29+s3], $0x28, $0x38;
	[tilespmem:$0x1AE00] =	vst v63  }
0x9d: {  	s29 =	simm.s32 @p0 $0x2  }
0x9e: {  	_ =	swait.ge @p0 [sflag:s29], $0x28  }
0x9f: {  	[sflag:s29] =	ssyncset.done @p0 $0x0  }
0xa0: {  	s31 =	simm.s32 @p0 $0x15E00;
	[sflag:s29] =	ssyncadd.s32 @p0 $0xFFFFFFD8;
	s29 =	simm.s32 @p0 $0x14080  }
0xa1: {  	[tilespmem:s31], [sflag:$0x16] =	stream.indirect.gather @p0 [hbm4b:s4+s21], $0x80, s29, s21, $0xb8;
	[tilespmem:$0x1AE00] =	vst v63  }
0xa2: {  	s21 =	simm.s32 @!p0 $0x1B  }
0xa3: {  	_ =	swait.ge @!p0 [sflag:s21], $0x1400  }
0xa4: {  	[sflag:s21] =	ssyncset.done @!p0 $0x0  }
0xa5: {  	[sflag:s21] =	ssyncadd.s32 @!p0 $0xFFFFEC00;
	s21 =	simm.s32 @!p0 $0x2  }
0xa6: {  	_ =	swait.ge @!p0 [sflag:s21], $0x28  }
0xa7: {  	[sflag:s21] =	ssyncset.done @!p0 $0x0  }
0xa8: {  	s29 =	simm.s32 @!p0 $0x15E00;
	[sflag:s21] =	ssyncadd.s32 @!p0 $0xFFFFFFD8;
	s21 =	simm.s32 @!p0 $0x14080  }
0xa9: {  	[tilespmem:s29], [sflag:$0x16] =	stream.indirect.gather @!p0 [hbm4b:s4+s28], $0x80, s21, s28, $0xb8;
	[tilespmem:$0x1AE00] =	vst v63  }
0xaa: {  	s21 =	simm.s32 @!p0 $0x19  }
0xab: {  	_ =	swait.ge @!p0 [sflag:s21], $0x1400  }
0xac: {  	[sflag:s21] =	ssyncset.done @!p0 $0x0  }
0xad: {  	[sflag:s21] =	ssyncadd.s32 @!p0 $0xFFFFEC00;
	s21 =	simm.s32 @!p0 $0x14  }
0xae: {  	_ =	swait.ge @!p0 [sflag:s21], $0x28  }
0xaf: {  	s29 =	simm.s32 @!p0 $0x19A00;
	[sflag:s21] =	ssyncset.done @!p0 $0x0  }
0xb0: {  	s31 =	rddreg [dreg:$0x1d];
	[sflag:s21] =	ssyncadd.s32 @!p0 $0xFFFFFFD8;
	s21 =	simm.s32 @!p0 $0x14980  }
0xb1: {  	[spmem:s1] =	stream.indirect.scatter.add.f32 @!p0 [tilespmem:s29], [sflag:$0x1E], $0x80, s21, s28, $0xb8;
	[tilespmem:$0x1AE00] =	vst v63  }
0xb2: {  	s0 =	rddreg [dreg:$0x1f];
	s21 =	sadd.s32 s25, s31;
	s31 =	simm.s32 $0x14300  }
0xb3: {  	[tilespmem:s31], [sflag:$0x7] =	stream.linear.gather [hbm4b:s21+s3], $0x28, $0x38;
	[tilespmem:$0x1AE00] =	vst v63  }
0xb4: {  	s21 =	sadd.s32 s25, s0  }
0xb5: {  	[tilespmem:s18], [sflag:$0x11] =	stream.linear.gather [hbm4b:s21+s3], $0x28, $0x38;
	[tilespmem:$0x1AE00] =	vst v63  }
0xb6: {  	s21 =	simm.s32 @!p0 $0x1C  }
0xb7: {  	_ =	swait.ge @!p0 [sflag:s21], $0x1400  }
0xb8: {  	[sflag:s21] =	ssyncset.done @!p0 $0x0  }
0xb9: {  	s7 =	simm.s32 $0x3;
	[sflag:s21] =	ssyncadd.s32 @!p0 $0xFFFFEC00  }
0xba: {  	_ =	swait.ge [sflag:s7], $0x28  }
0xbb: {  	[sflag:s7] =	ssyncset.done $0x0  }
0xbc: {  	s28 =	simm.s32 $0x14100;
	[sflag:s7] =	ssyncadd.s32 $0xFFFFFFD8  }
0xbd: {  	[tilespmem:s5], [sflag:$0x17] =	stream.indirect.gather [hbm4b:s4+s14], $0x80, s28, s14, $0xb8;
	[tilespmem:$0x1AE00] =	vst v63  }
0xbe: {  	_ =	swait.ge [sflag:s15], $0x1400  }
0xbf: {  	[sflag:s15] =	ssyncset.done $0x0  }
0xc0: {  	s29 =	simm.s32 $0xB;
	[sflag:s15] =	ssyncadd.s32 $0xFFFFEC00  }
0xc1: {  	_ =	swait.ge [sflag:s29], $0x28  }
0xc2: {  	[sflag:s29] =	ssyncset.done $0x0  }
0xc3: {  	s0 =	simm.s32 $0x14500;
	s7 =	rddreg [dreg:$0x1b];
	[sflag:s29] =	ssyncadd.s32 $0xFFFFFFD8  }
0xc4: {  	[spmem:s1] =	stream.indirect.scatter.add.f32 [tilespmem:s19], [sflag:$0x1A], $0x80, s0, s14, $0xb8;
	[tilespmem:$0x1AE00] =	vst v63  }
0xc5: {  	s28 =	rddreg [dreg:$0x1c];
	s21 =	sadd.s32 s25, s7;
	s7 =	simm.s32 $0x14380  }
0xc6: {  	[tilespmem:s7], [sflag:$0x8] =	stream.linear.gather [hbm4b:s21+s3], $0x28, $0x38;
	[tilespmem:$0x1AE00] =	vst v63  }
0xc7: {  	s0 =	simm.s32 $0x14880;
	s21 =	sadd.s32 s25, s28  }
0xc8: {  	[tilespmem:s0], [sflag:$0x12] =	stream.linear.gather [hbm4b:s21+s3], $0x28, $0x38;
	[tilespmem:$0x1AE00] =	vst v63  }
0xc9: {  	s21 =	simm.s32 @!p0 $0x1D  }
0xca: {  	_ =	swait.ge @!p0 [sflag:s21], $0x1400  }
0xcb: {  	[sflag:s21] =	ssyncset.done @!p0 $0x0  }
0xcc: {  	s29 =	simm.s32 $0x4;
	[sflag:s21] =	ssyncadd.s32 @!p0 $0xFFFFEC00  }
0xcd: {  	_ =	swait.ge [sflag:s29], $0x28  }
0xce: {  	[sflag:s29] =	ssyncset.done $0x0  }
0xcf: {  	s28 =	simm.s32 $0x14180;
	[sflag:s29] =	ssyncadd.s32 $0xFFFFFFD8  }
0xd0: {  	[tilespmem:s9], [sflag:$0x18] =	stream.indirect.gather [hbm4b:s4+s14], $0x80, s28, s14, $0xb8;
	[tilespmem:$0x1AE00] =	vst v63  }
0xd1: {  	_ =	swait.ge [sflag:s22], $0x1400  }
0xd2: {  	[sflag:s22] =	ssyncset.done $0x0  }
0xd3: {  	s29 =	simm.s32 $0xC;
	[sflag:s22] =	ssyncadd.s32 $0xFFFFEC00  }
0xd4: {  	_ =	swait.ge [sflag:s29], $0x28  }
0xd5: {  	[sflag:s29] =	ssyncset.done $0x0  }
0xd6: {  	s28 =	simm.s32 $0x14580;
	[sflag:s29] =	ssyncadd.s32 $0xFFFFFFD8;
	s29 =	rddreg [dreg:$0x19]  }
0xd7: {  	[spmem:s1] =	stream.indirect.scatter.add.f32 [tilespmem:s12], [sflag:$0x1B], $0x80, s28, s14, $0xb8;
	[tilespmem:$0x1AE00] =	vst v63  }
0xd8: {  	s21 =	sadd.s32 s25, s29;
	s28 =	rddreg [dreg:$0x1a]  }
0xd9: {  	[tilespmem:s13], [sflag:$0x9] =	stream.linear.gather [hbm4b:s21+s3], $0x28, $0x38;
	[tilespmem:$0x1AE00] =	vst v63  }
0xda: {  	s29 =	simm.s32 $0x14900;
	s21 =	sadd.s32 s25, s28  }
0xdb: {  	[tilespmem:s29], [sflag:$0x13] =	stream.linear.gather [hbm4b:s21+s3], $0x28, $0x38;
	[tilespmem:$0x1AE00] =	vst v63  }
0xdc: {  	s21 =	simm.s32 @!p0 $0x1E  }
0xdd: {  	_ =	swait.ge @!p0 [sflag:s21], $0x1400  }
0xde: {  	[sflag:s21] =	ssyncset.done @!p0 $0x0  }
0xdf: {  	s29 =	simm.s32 $0x5;
	[sflag:s21] =	ssyncadd.s32 @!p0 $0xFFFFEC00  }
0xe0: {  	_ =	swait.ge [sflag:s29], $0x28  }
0xe1: {  	[sflag:s29] =	ssyncset.done $0x0  }
0xe2: {  	[sflag:s29] =	ssyncadd.s32 $0xFFFFFFD8  }
0xe3: {  	[tilespmem:s17], [sflag:$0x19] =	stream.indirect.gather [hbm4b:s4+s14], $0x80, s8, s14, $0xb8;
	[tilespmem:$0x1AE00] =	vst v63  }
0xe4: {  	_ =	swait.ge [sflag:s30], $0x1400  }
0xe5: {  	[sflag:s30] =	ssyncset.done $0x0  }
0xe6: {  	s28 =	simm.s32 $0xD;
	[sflag:s30] =	ssyncadd.s32 $0xFFFFEC00  }
0xe7: {  	_ =	swait.ge [sflag:s28], $0x28  }
0xe8: {  	[sflag:s28] =	ssyncset.done $0x0  }
0xe9: {  	s29 =	simm.s32 $0x14600;
	s8 =	rddreg [dreg:$0x17];
	[sflag:s28] =	ssyncadd.s32 $0xFFFFFFD8  }
0xea: {  	[spmem:s1] =	stream.indirect.scatter.add.f32 [tilespmem:s5], [sflag:$0x1C], $0x80, s29, s14, $0xb8;
	[tilespmem:$0x1AE00] =	vst v63  }
0xeb: {  	s21 =	sadd.s32 s25, s8;
	s8 =	simm.s32 $0x14480;
	s28 =	rddreg [dreg:$0x18]  }
0xec: {  	[tilespmem:s8], [sflag:$0xA] =	stream.linear.gather [hbm4b:s21+s3], $0x28, $0x38;
	[tilespmem:$0x1AE00] =	vst v63  }
0xed: {  	s29 =	simm.s32 $0x14980;
	s21 =	sadd.s32 s25, s28  }
0xee: {  	[tilespmem:s29], [sflag:$0x14] =	stream.linear.gather [hbm4b:s21+s3], $0x28, $0x38;
	[tilespmem:$0x1AE00] =	vst v63  }
0xef: {  	s29 =	simm.s32 $0x1A  }
0xf0: {  	_ =	swait.ge [sflag:s29], $0x1400  }
0xf1: {  	[sflag:s29] =	ssyncset.done $0x0  }
0xf2: {  	s28 =	simm.s32 $0x6;
	[sflag:s29] =	ssyncadd.s32 $0xFFFFEC00  }
0xf3: {  	_ =	swait.ge [sflag:s28], $0x28  }
0xf4: {  	[sflag:s28] =	ssyncset.done $0x0  }
0xf5: {  	s29 =	simm.s32 $0x18;
	[sflag:s28] =	ssyncadd.s32 $0xFFFFFFD8  }
0xf6: {  	[tilespmem:s19], [sflag:$0x15] =	stream.indirect.gather [hbm4b:s4+s14], $0x80, s6, s14, $0xb8;
	[tilespmem:$0x1AE00] =	vst v63  }
0xf7: {  	_ =	swait.ge [sflag:s29], $0x1400  }
0xf8: {  	[sflag:s29] =	ssyncset.done $0x0  }
0xf9: {  	s21 =	simm.s32 $0xE;
	[sflag:s29] =	ssyncadd.s32 $0xFFFFEC00  }
0xfa: {  	_ =	swait.ge [sflag:s21], $0x28  }
0xfb: {  	[sflag:s21] =	ssyncset.done $0x0  }
0xfc: {  	p0 =	seq.s32 s25, $0x4B0;
	s28 =	simm.s32 $0x14680;
	[sflag:s21] =	ssyncadd.s32 $0xFFFFFFD8  }
0xfd: {  	[spmem:s1] =	stream.indirect.scatter.add.f32 [tilespmem:s9], [sflag:$0x1D], $0x80, s28, s14, $0xb8;
	[tilespmem:$0x1AE00] =	vst v63  }
0xfe: {  	s21 =	sshrl.u32 @!p0 s24, $0x3;
	s28 =	rddreg [dreg:$0x3]  }
0xff: {  	s29 =	simm.s32 @!p0 $0x14000;
	s28 =	sadd.s32 @!p0 s28, s21;
	s21 =	simm.s32 @!p0 $0x0  }
0x100: {  	[tilespmem:s29], [sflag:$0x1] =	stream.linear.gather @!p0 [hbm4b:s28+s21], $0x28, $0x38;
	[tilespmem:$0x1AE00] =	vst v63  }
0x101: {  	s28 =	rddreg [dreg:$0x16]  }
0x102: {  	s29 =	simm.s32 @!p0 $0x14500;
	s28 =	sadd.s32 @!p0 s25, s28  }
0x103: {  	[tilespmem:s29], [sflag:$0xB] =	stream.linear.gather @!p0 [hbm4b:s28+s21], $0x28, $0x38;
	[tilespmem:$0x1AE00] =	vst v63  }
0x104: {  	s29 =	simm.s32 $0x1B  }
0x105: {  	_ =	swait.ge [sflag:s29], $0x1400  }
0x106: {  	[sflag:s29] =	ssyncset.done $0x0  }
0x107: {  	s28 =	simm.s32 $0x7;
	[sflag:s29] =	ssyncadd.s32 $0xFFFFEC00  }
0x108: {  	_ =	swait.ge [sflag:s28], $0x28  }
0x109: {  	[sflag:s28] =	ssyncset.done $0x0  }
0x10a: {  	[sflag:s28] =	ssyncadd.s32 $0xFFFFFFD8  }
0x10b: {  	[tilespmem:s12], [sflag:$0x16] =	stream.indirect.gather [hbm4b:s4+s14], $0x80, s31, s14, $0xb8;
	[tilespmem:$0x1AE00] =	vst v63  }
0x10c: {  	_ =	swait.ge [sflag:s2], $0x1400  }
0x10d: {  	[sflag:s2] =	ssyncset.done $0x0  }
0x10e: {  	s29 =	simm.s32 $0xF;
	[sflag:s2] =	ssyncadd.s32 $0xFFFFEC00  }
0x10f: {  	_ =	swait.ge [sflag:s29], $0x28  }
0x110: {  	[sflag:s29] =	ssyncset.done $0x0  }
0x111: {  	s28 =	rddreg [dreg:$0x13];
	[sflag:s29] =	ssyncadd.s32 $0xFFFFFFD8  }
0x112: {  	[spmem:s1] =	stream.indirect.scatter.add.f32 [tilespmem:s17], [sflag:$0x1E], $0x80, s23, s14, $0xb8;
	[tilespmem:$0x1AE00] =	vst v63  }
0x113: {  	s28 =	sadd.s32 @!p0 s25, s28;
	s29 =	simm.s32 @!p0 $0x14080  }
0x114: {  	[tilespmem:s29], [sflag:$0x2] =	stream.linear.gather @!p0 [hbm4b:s28+s21], $0x28, $0x38;
	[tilespmem:$0x1AE00] =	vst v63  }
0x115: {  	s28 =	rddreg [dreg:$0x14]  }
0x116: {  	s29 =	simm.s32 @!p0 $0x14580;
	s28 =	sadd.s32 @!p0 s25, s28  }
0x117: {  	[tilespmem:s29], [sflag:$0xC] =	stream.linear.gather @!p0 [hbm4b:s28+s21], $0x28, $0x38;
	[tilespmem:$0x1AE00] =	vst v63  }
0x118: {  	_ =	swait.ge [sflag:s11], $0x1400  }
0x119: {  	[sflag:s11] =	ssyncset.done $0x0  }
0x11a: {  	s31 =	simm.s32 $0x8;
	[sflag:s11] =	ssyncadd.s32 $0xFFFFEC00  }
0x11b: {  	_ =	swait.ge [sflag:s31], $0x28  }
0x11c: {  	[sflag:s31] =	ssyncset.done $0x0  }
0x11d: {  	[sflag:s31] =	ssyncadd.s32 $0xFFFFFFD8  }
0x11e: {  	[tilespmem:s5], [sflag:$0x17] =	stream.indirect.gather [hbm4b:s4+s14], $0x80, s7, s14, $0xb8;
	[tilespmem:$0x1AE00] =	vst v63  }
0x11f: {  	_ =	swait.ge [sflag:s15], $0x1400  }
0x120: {  	[sflag:s15] =	ssyncset.done $0x0  }
0x121: {  	s23 =	simm.s32 $0x10;
	[sflag:s15] =	ssyncadd.s32 $0xFFFFEC00  }
0x122: {  	_ =	swait.ge [sflag:s23], $0x28  }
0x123: {  	[sflag:s23] =	ssyncset.done $0x0  }
0x124: {  	s28 =	rddreg [dreg:$0x11];
	[sflag:s23] =	ssyncadd.s32 $0xFFFFFFD8  }
0x125: {  	[spmem:s1] =	stream.indirect.scatter.add.f32 [tilespmem:s19], [sflag:$0x1A], $0x80, s10, s14, $0xb8;
	[tilespmem:$0x1AE00] =	vst v63  }
0x126: {  	s29 =	simm.s32 @!p0 $0x14100;
	s28 =	sadd.s32 @!p0 s25, s28  }
0x127: {  	[tilespmem:s29], [sflag:$0x3] =	stream.linear.gather @!p0 [hbm4b:s28+s21], $0x28, $0x38;
	[tilespmem:$0x1AE00] =	vst v63  }
0x128: {  	s28 =	rddreg [dreg:$0x12]  }
0x129: {  	s29 =	simm.s32 @!p0 $0x14600;
	s28 =	sadd.s32 @!p0 s25, s28  }
0x12a: {  	[tilespmem:s29], [sflag:$0xD] =	stream.linear.gather @!p0 [hbm4b:s28+s21], $0x28, $0x38;
	[tilespmem:$0x1AE00] =	vst v63  }
0x12b: {  	_ =	swait.ge [sflag:s26], $0x1400  }
0x12c: {  	[sflag:s26] =	ssyncset.done $0x0  }
0x12d: {  	s28 =	simm.s32 $0x9;
	[sflag:s26] =	ssyncadd.s32 $0xFFFFEC00  }
0x12e: {  	_ =	swait.ge [sflag:s28], $0x28  }
0x12f: {  	[sflag:s28] =	ssyncset.done $0x0  }
0x130: {  	[sflag:s28] =	ssyncadd.s32 $0xFFFFFFD8  }
0x131: {  	[tilespmem:s9], [sflag:$0x18] =	stream.indirect.gather [hbm4b:s4+s14], $0x80, s13, s14, $0xb8;
	[tilespmem:$0x1AE00] =	vst v63  }
0x132: {  	_ =	swait.ge [sflag:s22], $0x1400  }
0x133: {  	[sflag:s22] =	ssyncset.done $0x0  }
0x134: {  	s29 =	simm.s32 $0x11;
	[sflag:s22] =	ssyncadd.s32 $0xFFFFEC00  }
0x135: {  	_ =	swait.ge [sflag:s29], $0x28  }
0x136: {  	[sflag:s29] =	ssyncset.done $0x0  }
0x137: {  	s28 =	rddreg [dreg:$0xf];
	[sflag:s29] =	ssyncadd.s32 $0xFFFFFFD8  }
0x138: {  	[spmem:s1] =	stream.indirect.scatter.add.f32 [tilespmem:s12], [sflag:$0x1B], $0x80, s18, s14, $0xb8;
	[tilespmem:$0x1AE00] =	vst v63  }
0x139: {  	s28 =	sadd.s32 @!p0 s25, s28;
	s29 =	simm.s32 @!p0 $0x14180  }
0x13a: {  	[tilespmem:s29], [sflag:$0x4] =	stream.linear.gather @!p0 [hbm4b:s28+s21], $0x28, $0x38;
	[tilespmem:$0x1AE00] =	vst v63  }
0x13b: {  	s28 =	rddreg [dreg:$0x10]  }
0x13c: {  	s29 =	simm.s32 @!p0 $0x14680;
	s28 =	sadd.s32 @!p0 s25, s28  }
0x13d: {  	[tilespmem:s29], [sflag:$0xE] =	stream.linear.gather @!p0 [hbm4b:s28+s21], $0x28, $0x38;
	[tilespmem:$0x1AE00] =	vst v63  }
0x13e: {  	_ =	swait.ge [sflag:s16], $0x1400  }
0x13f: {  	[sflag:s16] =	ssyncset.done $0x0  }
0x140: {  	s31 =	simm.s32 $0xA;
	[sflag:s16] =	ssyncadd.s32 $0xFFFFEC00  }
0x141: {  	_ =	swait.ge [sflag:s31], $0x28  }
0x142: {  	[sflag:s31] =	ssyncset.done $0x0  }
0x143: {  	[sflag:s31] =	ssyncadd.s32 $0xFFFFFFD8  }
0x144: {  	[tilespmem:s17], [sflag:$0x19] =	stream.indirect.gather [hbm4b:s4+s14], $0x80, s8, s14, $0xb8;
	[tilespmem:$0x1AE00] =	vst v63  }
0x145: {  	_ =	swait.ge [sflag:s30], $0x1400  }
0x146: {  	[sflag:s30] =	ssyncset.done $0x0  }
.Ltmp2:
0x147: {  	[sflag:s30] =	ssyncadd.s32 $0xFFFFEC00;
	(pc) =	sbr.rel @p0 .LBB2_4-.Ltmp2, $4  }
0x148: {  	_ =	swait.ge [sflag:s20], $0x28  }
0x149: {  	s6 =	simm.s32 $0x18600;
	s7 =	simm.s32 $0x19A00;
	[sflag:s20] =	ssyncset.done $0x0  }
0x14a: {  	s23 =	simm.s32 $0x14700;
	s8 =	simm.s32 $0x14200;
	[sflag:s20] =	ssyncadd.s32 $0xFFFFFFD8  }
0x14b: {  	[spmem:s1] =	stream.indirect.scatter.add.f32 [tilespmem:s5], [sflag:$0x1C], $0x80, s0, s14, $0xb8;
	[tilespmem:$0x1AE00] =	vst v63  }
0x14c: {  	s21 =	rddreg [dreg:$0xd]  }
.Ltmp3:
0x14d: {  	s31 =	rddreg [dreg:$0xe];
	s21 =	sadd.s32 s25, s21;
	(pc) =	sbr.rel .LBB2_2-.Ltmp3, $4  }
0x14e: {  	[tilespmem:s8], [sflag:$0x5] =	stream.linear.gather [hbm4b:s21+s3], $0x28, $0x38;
	[tilespmem:$0x1AE00] =	vst v63  }
0x14f: {  	s24 =	sadd.s32 $0x190, s24;
	s21 =	sadd.s32 s25, s31  }
0x150: {  	[tilespmem:s23], [sflag:$0xF] =	stream.linear.gather [hbm4b:s21+s3], $0x28, $0x38;
	[tilespmem:$0x1AE00] =	vst v63  }
0x151: {  	s25 =	sadd.s32 $0x32, s25;
	s8 =	simm.s32 $0x14200;
	s23 =	simm.s32 $0x14700  }
.LBB2_5:
0x152: {  	_ =	sfence.sel $0x180000  }
0x153: {  	[bflag:$0x0] =	sbarrier.arrive $0xFFFF  }
0x154: {  	_ =	strace $0x9000004A  }
0x155: {  	s0 =	stileid.u32;
	[bflag:$0x2] =	sbarrier.arrive $0xFFFF  }
0x156: {  	p0 =	sne.s32 s0, $0x0;
	s0 =	rddreg [dreg:$0x2]  }
0x157: {  	s0 =	sadd.s32 @!p0 $0x100000, s0  }
0x158: {  	[sflag:s0] =	ssyncadd.tile.s32 @!p0 $0x1;
	_ =	shalt  }
.Lfunc_end2:
_tile_overlayer_lowered:
.L_overlay_start_2:
0x159: {  	(tag) =	ssettag $0x2  }
0x15a: {  	s0 =	rddreg [dreg:$0x0];
	s2 =	stileid.u32  }
0x15b: {  	s1 =	rddreg [dreg:$0x1];
	p0 =	sne.s32 s2, $0x0  }
0x15c: {  	s3 =	rddreg [dreg:$0x2];
	[bflag:$0x3] =	sbarrier.arrive $0xFFFF;
	s2 =	simm.s32 @!p0 $0x1C1F  }
0x15d: {  	[timem:s3], [sflag:s2] =	dma.local @!p0 [hbm:s0], s1  }
0x15e: {  	s0 =	simm.s32 @!p0 $0x1F  }
0x15f: {  	_ =	swait.ge @!p0 [sflag:s0], s1  }
0x160: {  	s1 =	ssub.s32 @!p0 $0x0, s1;
	[sflag:s0] =	ssyncset.done @!p0 $0x0  }
0x161: {  	[sflag:s0] =	ssyncadd.s32 @!p0 s1  }
0x162: {  	[bflag:$0x3] =	sbarrier.arrive $0xFFFF  }
0x163: {  	_ =	shalt  }

// kernel: kernel.15.cloned.1.call-start
scs
__scs_entry_jumppad:
0x0: {  	(pc) =	sbr.rel $0x88, $3  }
0x1: {  	(tag) =	ssettag $0x0;
	lr =	simm.s32 $0x1  }
0x2: {  	[smem:$0x3F99] =	sst lr;
	_ =	strace $0xD0000000  }
0x3: {  	_ = 	snop  }
0x4: {  	_ = 	snop  }
0x5: {  	_ = 	snop  }
0x6: {  	_ = 	snop  }
0x7: {  	_ = 	snop  }
__scs_overlays_trampoline_lowered:
0x8: {  	[smem:$0x3FA8] =	sst s0  }
0x9: {  	[smem:$0x3FA9] =	sst s1  }
0xa: {  	[smem:$0x3FAA] =	sst s2  }
0xb: {  	[smem:$0x3FAB] =	sst s3  }
0xc: {  	[smem:$0x3FAC] =	sst s4  }
0xd: {  	[smem:$0x3FAD] =	sst s5  }
0xe: {  	[smem:$0x3FAE] =	sst s6  }
0xf: {  	[smem:$0x3FAF] =	sst s7  }
0x10: {  	[smem:$0x3FB0] =	sst s8  }
0x11: {  	[smem:$0x3FB1] =	sst s9;
	s0 =	simm.s32 @!p0 $0x0  }
0x12: {  	s1 =	sld [smem:$0x3F97];
	s0 =	simm.s32 @p0 $0x1  }
0x13: {  	[smem:$0x3FB2] =	sst s0;
	s0 =	simm.s32 @!p1 $0x0  }
0x14: {  	s2 =	sld [smem:$0x3F96];
	s0 =	simm.s32 @p1 $0x1  }
0x15: {  	[smem:$0x3FB3] =	sst s0;
	s0 =	simm.s32 @!p2 $0x0  }
0x16: {  	s3 =	sld [smem:$0x3FDB];
	s0 =	simm.s32 @p2 $0x1  }
0x17: {  	s4 =	simm.s32 $0x1BF5;
	[smem:$0x3FB5] =	sst s0  }
0x18: {  	s0 =	sld [smem:$0x3F98];
	_ =	swait.ge [sflag:s4], $0x0  }
0x19: {  	s7 =	sld [smem:$0x3F99]  }
0x1a: {  	s8 =	sadd.s32 $0xFFFFE003, lr  }
0x1b: {  	s9 =	sadd.s32 $0xFFFFFEF7, lr;
	s5 =	simm.s32 $0xFFFFFFFF;
	p2 =	slt.u32 s8, $0xFFFFF086  }
0x1c: {  	p1 =	slt.u32 s9, $0xF7A;
	s5 =	simm.s32 @!p2 $0x0  }
0x1d: {  	s5 =	simm.s32 @p1 $0x1;
	p0 =	seq.s32 s7, s2  }
0x1e: {  	s7 =	smul.u32 @!p0 $0xF7A, s2;
	p2 =	seq.s32 @!p0 s5, $0x0  }
0x1f: {  	s9 =	smul.u32 $0xF7A, s1;
	s8 =	simm.s32 @!p0 $0x1BF5;
	p2 =	por !p2, p0  }
0x20: {  	[sflag:s8] =	ssyncset.s32 @!p0 $0xFFFFF086;
	s6 =	sadd.s32 @!p0 s3, s7;
	s7 =	simm.s32 @!p0 $0x108  }
0x21: {  	s3 =	sadd.s32 s3, s9;
	s6 =	sadd.s32 @!p0 $0x88, s6;
	s7 =	simm.s32 @p2 $0x1082  }
0x22: {  	[simem:s7], [sflag:s8] =	dma.local @!p0 [hbm:s6], $0xF7A  }
0x23: {  	s9 =	sor.u32 $0xD0000000, s2;
	s6 =	simm.s32 $0x108;
	_ =	swait.ge @!p0 [sflag:s8], $0x0  }
0x24: {  	s3 =	sadd.s32 $0x88, s3;
	s6 =	simm.s32 @!p1 $0x1082;
	[sflag:s4] =	ssyncset.s32 $0xFFFFF086  }
0x25: {  	[simem:s6], [sflag:s4] =	dma.local [hbm:s3], $0xF7A  }
0x26: {  	[smem:$0x3F99] =	sst s1;
	(tag) =	ssettag s2;
	_ =	strace s9  }
0x27: {  	s1 =	sld [smem:$0x3FA9]  }
0x28: {  	s2 =	sld [smem:$0x3FAA]  }
0x29: {  	s4 =	sld [smem:$0x3FAC]  }
0x2a: {  	p0 =	seq.s32 s5, $0x0;
	s5 =	sld [smem:$0x3FAD]  }
0x2b: {  	s6 =	sld [smem:$0x3FAE]  }
0x2c: {  	s7 =	sld [smem:$0x3FAF]  }
0x2d: {  	s3 =	simm.s32 $0x108;
	s8 =	sld [smem:$0x3FB0]  }
0x2e: {  	s3 =	simm.s32 @!p0 $0x1082;
	s9 =	sld [smem:$0x3FB1]  }
0x2f: {  	lr =	sadd.s32 s0, s3;
	s0 =	sld [smem:$0x3FA8]  }
0x30: {  	s3 =	sld [smem:$0x3FAB]  }
0x31: {  	[smem:$0x3FB4] =	sst s10  }
0x32: {  	s10 =	sld [smem:$0x3FB2];
	_ =	sdelay $0x3  }
0x33: {  	p0 =	seq.s32 s10, $0x1;
	s10 =	sld [smem:$0x3FB4];
	_ =	sdelay $0x3  }
0x34: {  	[smem:$0x3FB4] =	sst s10  }
0x35: {  	s10 =	sld [smem:$0x3FB3];
	_ =	sdelay $0x3  }
0x36: {  	p1 =	seq.s32 s10, $0x1;
	s10 =	sld [smem:$0x3FB4];
	_ =	sdelay $0x3  }
0x37: {  	[smem:$0x3FB4] =	sst s10  }
0x38: {  	s10 =	sld [smem:$0x3FB5]  }
0x39: {  	_ = 	snop;
	(pc) =	sbr.ind lr, $3  }
0x3a: {  	_ = 	snop  }
0x3b: {  	_ = 	snop  }
0x3c: {  	p2 =	seq.s32 s10, $0x1;
	s10 =	sld [smem:$0x3FB4]  }
0x3d: {  	_ =	shalt  }
0x3e: {  	_ =	shalt  }
0x3f: {  	_ =	shalt  }
0x40: {  	_ =	shalt  }
0x41: {  	_ =	shalt  }
0x42: {  	_ =	shalt  }
0x43: {  	_ =	shalt  }
0x44: {  	_ =	shalt  }
0x45: {  	_ =	shalt  }
0x46: {  	_ =	shalt  }
0x47: {  	_ =	shalt  }
0x48: {  	_ =	shalt  }
0x49: {  	_ =	shalt  }
0x4a: {  	_ =	shalt  }
0x4b: {  	_ =	shalt  }
0x4c: {  	_ =	shalt  }
0x4d: {  	_ =	shalt  }
0x4e: {  	_ =	shalt  }
0x4f: {  	_ =	shalt  }
0x50: {  	_ =	shalt  }
0x51: {  	_ =	shalt  }
0x52: {  	_ =	shalt  }
0x53: {  	_ =	shalt  }
0x54: {  	_ =	shalt  }
0x55: {  	_ =	shalt  }
0x56: {  	_ =	shalt  }
0x57: {  	_ =	shalt  }
0x58: {  	_ =	shalt  }
0x59: {  	_ =	shalt  }
0x5a: {  	_ =	shalt  }
0x5b: {  	_ =	shalt  }
0x5c: {  	_ =	shalt  }
0x5d: {  	_ =	shalt  }
0x5e: {  	_ =	shalt  }
0x5f: {  	_ =	shalt  }
0x60: {  	_ =	shalt  }
0x61: {  	_ =	shalt  }
0x62: {  	_ =	shalt  }
0x63: {  	_ =	shalt  }
0x64: {  	_ =	shalt  }
0x65: {  	_ =	shalt  }
0x66: {  	_ =	shalt  }
0x67: {  	_ =	shalt  }
0x68: {  	_ =	shalt  }
0x69: {  	_ =	shalt  }
0x6a: {  	_ =	shalt  }
0x6b: {  	_ =	shalt  }
0x6c: {  	_ =	shalt  }
0x6d: {  	_ =	shalt  }
0x6e: {  	_ =	shalt  }
0x6f: {  	_ =	shalt  }
0x70: {  	_ =	shalt  }
0x71: {  	_ =	shalt  }
0x72: {  	_ =	shalt  }
0x73: {  	_ =	shalt  }
0x74: {  	_ =	shalt  }
0x75: {  	_ =	shalt  }
0x76: {  	_ =	shalt  }
0x77: {  	_ =	shalt  }
0x78: {  	_ =	shalt  }
0x79: {  	_ =	shalt  }
0x7a: {  	_ =	shalt  }
0x7b: {  	_ =	shalt  }
0x7c: {  	_ =	shalt  }
0x7d: {  	_ =	shalt  }
0x7e: {  	_ =	shalt  }
0x7f: {  	_ =	shalt  }
0x80: {  	_ =	shalt  }
0x81: {  	_ =	shalt  }
0x82: {  	_ =	shalt  }
0x83: {  	_ =	shalt  }
0x84: {  	_ =	shalt  }
0x85: {  	_ =	shalt  }
0x86: {  	_ =	shalt  }
0x87: {  	_ =	shalt  }
.Lfunc_end0:
.L_simem_size_0:
called_computation.2_lowered:
.L_overlay_start_0:
0x88: {  	s2 =	sld [smem:$0x3FD9]  }
0x89: {  	s3 =	sld [smem:$0x3FFE];
	_ =	sdelay $0x1  }
0x8a: {  	s1 =	srdreg.scid  }
0x8b: {  	s0 =	sand.u32 $0x1, s1  }
0x8c: {  	s17 =	sshll.u32 s0, $0xA;
	s2 =	sadd.s32 s3, s2  }
0x8d: {  	s2 =	sadd.s32 s2, s17  }
0x8e: {  	[smem:$0x3FC0] =	sst s2  }
0x8f: {  	_ = 	snop  }
0x90: {  	s2 =	sld [smem:$0x3FD0];
	(tm) =	ssettm $0x1  }
0x91: {  	s18 =	sld [smem:$0x3FFB];
	_ =	sdelay $0x3  }
0x92: {  	_ =	strace s18  }
0x93: {  	s3 =	sld [smem:$0x3FFC];
	_ =	sdelay $0x3  }
0x94: {  	_ =	strace s3  }
0x95: {  	s3 =	sld [smem:$0x3FFD];
	_ =	sdelay $0x3  }
0x96: {  	_ =	strace s3  }
0x97: {  	_ =	strace $0x8FFFFFFF  }
0x98: {  	s19 =	sld [smem:$0x3FDB];
	_ =	sdelay $0x1  }
0x99: {  	s4 =	simm.s32 $_scs_section_size  }
0x9a: {  	s5 =	simm.s32 $_size__tile_overlayer_lowered;
	s6 =	simm.s32 $_tile_overlayer_lowered  }
0x9b: {  	s22 =	simm.s32 $0x1BFF;
	s21 =	sshll.u32 s6, $0x1;
	s3 =	sadd.s32 s4, s19  }
0x9c: {  	s7 =	simm.s32 $0x0;
	s20 =	sshll.u32 s5, $0x1;
	s5 =	sadd.s32 s21, s3  }
0x9d: {  	[timem:s7], [sflag:s22] =	dma.local [hbm:s5], s20  }
0x9e: {  	_ =	swait.ge [sflag:s22], s20  }
0x9f: {  	s4 =	ssub.s32 $0x0, s20;
	[sflag:s22] =	ssyncset.done $0x0  }
0xa0: {  	[sflag:s22] =	ssyncadd.s32 s4;
	_ =	sdelay $0x1  }
0xa1: {  	s23 =	simm.s32 $0x1B8B  }
0xa2: {  	_ =	swait.ge [sflag:s23], $0x1  }
0xa3: {  	[sflag:s23] =	ssyncset.done $0x0  }
0xa4: {  	s25 =	simm.s32 $0x1B8E;
	s24 =	sld [smem:$0x3FFE];
	[sflag:s23] =	ssyncadd.s32 $0xFFFFFFFF  }
0xa5: {  	s26 =	simm.s32 $execute0_lowered;
	[smem:$0x3FD2] =	sst s25  }
0xa6: {  	s5 =	sshll.u32 s26, $0x1;
	_ =	strace $0x8000004C;
	[dreg:$0x1] =	wrdreg $0xFFFFFFFF  }
0xa7: {  	s28 =	simm.s32 $_size_execute0_lowered;
	s3 =	sadd.s32 s3, s5;
	[dreg:$0x0] =	wrdreg $0x0  }
0xa8: {  	s5 =	sshll.u32 s28, $0x1;
	[dreg:$0x2] =	wrdreg s3  }
0xa9: {  	[dreg:$0x3] =	wrdreg s5  }
0xaa: {  	[dreg:$0x4] =	wrdreg $0xC0  }
0xab: {  	_ =	task [dreg:s7], $0x5FFFF  }
0xac: {  	[dreg:$0x1] =	wrdreg $0xFFFFFFFF  }
0xad: {  	[dreg:$0x0] =	wrdreg $0x60  }
0xae: {  	[dreg:$0x2] =	wrdreg s2  }
0xaf: {  	[dreg:$0x3] =	wrdreg s24  }
0xb0: {  	[dreg:$0x4] =	wrdreg $0x0  }
0xb1: {  	[dreg:$0x5] =	wrdreg $0x9  }
0xb2: {  	_ =	task.clear_ibuf [dreg:s7], $0x6FFFF;
	_ =	strace $0x9000004C  }
0xb3: {  	s29 =	simm.s32 $0x9;
	_ =	strace $0x8000004E  }
0xb4: {  	_ =	swait.ge [sflag:s29], $0x1  }
0xb5: {  	[sflag:s29] =	ssyncadd.s32 $0xFFFFFFFF  }
0xb6: {  	_ =	strace $0x9000004E  }
0xb7: {  	_ =	sfence  }
0xb8: {  	s30 =	sld [smem:$0x0];
	_ =	sdelay $0x2  }
0xb9: {  	s31 =	sshll.u32 s1, $0xD;
	s1 =	sshrl.u32 s1, $0x2  }
0xba: {  	s3 =	sand.u32 $0x4000, s31;
	s1 =	sadd.s32 s1, s30  }
0xbb: {  	s0 =	sor.u32 s3, s0;
	s1 =	sshll.u32 s1, $0x11  }
0xbc: {  	s0 =	sor.u32 s1, s0  }
0xbd: {  	s0 =	sadd.s32 $0x8F2B, s0  }
0xbe: {  	[sflag:s0] =	ssyncadd.remote.s32 $0x1  }
0xbf: {  	_ =	sfence.sel $0xFFFF  }
0xc0: {  	[dreg:$0x0] =	wrdreg $0xFFFFFFFF;
	(pc) =	sbr.abs _section_cstart, $3  }
0xc1: {  	[dreg:$0x1] =	wrdreg $0xFFFFFFFF  }
0xc2: {  	_ =	task.clear_ibuf [dreg:s7], $0x2FFFF;
	_ =	strace $0x9FFFFFFF  }
0xc3: {  	(tm) =	ssettm $0x7FFFFFFF  }
tec
execute0_lowered:
.L_overlay_start_1:
0x0: {  	(tag) =	ssettag $0x1  }
0x1: {  	s1 =	rddreg [dreg:$0x0]  }
0x2: {  	s0 =	rddreg [dreg:$0x1];
	s2 =	srdreg.scid  }
0x3: {  	s3 =	rddreg [dreg:$0x2];
	s10 =	stileid.u32;
	s4 =	simm.s32 $0x0  }
0x4: {  	s28 =	simm.s32 $0x1F;
	s30 =	simm.s32 $0x17;
	s25 =	smul.u32 $0xA000, s10  }
0x5: {  	s2 =	sand.u32 $0x1, s2;
	[smem:$0x7FF] =	sst s4;
	s26 =	smul.u32 $0x2710, s10  }
0x6: {  	s11 =	sadd.s32 $0x2A00, s0;
	s5 =	sshll.u32 s2, $0x4;
	s6 =	smul.u32 $0x14000, s2  }
0x7: {  	s7 =	ssub.s32 $0x2, s2;
	_ =	strace $0x8000004D;
	s2 =	smul.u32 $0x27100, s2  }
0x8: {  	[dreg:$0x4] =	wrdreg s11;
	s5 =	sor.u32 s10, s5;
	s8 =	sshrl.u32 s7, $0x1  }
0x9: {  	s29 =	sadd.s32 s25, s3;
	s31 =	sshrl.u32 s25, $0x3;
	s5 =	smul.u32 $0x2710, s5  }
0xa: {  	s20 =	ssub.s32 s7, s8;
	[dreg:$0xa] =	wrdreg s29;
	s8 =	sadd.s32 s1, s31  }
0xb: {  	s0 =	sadd.s32 s6, s0;
	s2 =	sadd.s32 s26, s2;
	[dreg:$0xb] =	wrdreg s8  }
0xc: {  	s0 =	sadd.s32 $0x16400, s0;
	s6 =	smax.u32 s20, $0x1;
	s15 =	sadd.s32 $0x208, s2  }
0xd: {  	s16 =	sadd.s32 $0x4E408, s2;
	s17 =	sadd.s32 $0x1E0, s2;
	s20 =	sadd.s32 $0x4E3E0, s2  }
0xe: {  	s26 =	sadd.s32 $0x4E390, s2;
	s29 =	sadd.s32 $0x168, s2;
	s21 =	sadd.s32 $0x28, s5  }
0xf: {  	s22 =	sshrl.u32 s5, $0x3;
	s9 =	sadd.s32 $0x4E228, s5;
	s24 =	sadd.s32 $0x78, s5  }
0x10: {  	s5 =	sadd.s32 $0x4E278, s5;
	[dreg:$0xd] =	wrdreg s6;
	s6 =	sshrl.u32 s15, $0x3  }
0x11: {  	s0 =	sadd.s32 s31, s0;
	s31 =	sadd.s32 $0x4E368, s2;
	s15 =	sadd.s32 $0xF0, s2  }
0x12: {  	s7 =	sshrl.u32 s21, $0x3;
	s12 =	sadd.s32 s11, s22;
	s23 =	sshrl.u32 s9, $0x3  }
0x13: {  	s5 =	sshrl.u32 s5, $0x3;
	s6 =	sadd.s32 s6, s11;
	[dreg:$0x16] =	wrdreg s0  }
0x14: {  	s9 =	sshll.u32 s10, $0x6;
	s10 =	sadd.s32 $0x4E430, s2;
	[dreg:$0x10] =	wrdreg s6  }
0x15: {  	s21 =	sadd.s32 $0x1B8, s2;
	s7 =	sadd.s32 s11, s7;
	[dreg:$0x5] =	wrdreg s12  }
0x16: {  	s0 =	sshrl.u32 s26, $0x3;
	s5 =	sadd.s32 s11, s5;
	[dreg:$0x6] =	wrdreg s7  }
0x17: {  	s22 =	sadd.s32 $0x4E3B8, s2;
	s0 =	sadd.s32 s0, s11;
	[dreg:$0x9] =	wrdreg s5  }
0x18: {  	s8 =	sshrl.u32 s10, $0x3;
	s26 =	sadd.s32 $0x9C4A, s12;
	[dreg:$0x17] =	wrdreg s0  }
0x19: {  	s6 =	sshrl.u32 s20, $0x3;
	s7 =	sadd.s32 s11, s23;
	[smem:$0x7FB] =	sst s26  }
0x1a: {  	s20 =	sadd.s32 $0xC8, s2;
	s14 =	sadd.s32 s8, s11;
	[dreg:$0x7] =	wrdreg s7  }
0x1b: {  	s8 =	sshrl.u32 s17, $0x3;
	s6 =	sadd.s32 s6, s11;
	[dreg:$0xf] =	wrdreg s14  }
0x1c: {  	s5 =	sshrl.u32 s29, $0x3;
	s29 =	sadd.s32 $0x14, s12;
	[dreg:$0x13] =	wrdreg s6  }
0x1d: {  	s26 =	simm.s32 $0x1D;
	s19 =	sadd.s32 s8, s11;
	[smem:$0x7FC] =	sst s29  }
0x1e: {  	s7 =	sshrl.u32 s24, $0x3;
	s5 =	sadd.s32 s5, s11;
	[dreg:$0x12] =	wrdreg s19  }
0x1f: {  	s6 =	sshrl.u32 s31, $0x3;
	s31 =	sadd.s32 $0x9C54, s12;
	[dreg:$0x18] =	wrdreg s5  }
0x20: {  	s24 =	sor.u32 $0x1C1F, s9;
	s8 =	sshrl.u32 s22, $0x3;
	[smem:$0x7FD] =	sst s31  }
0x21: {  	s9 =	sadd.s32 $0x118, s2;
	s7 =	sadd.s32 s11, s7;
	[dreg:$0xc] =	wrdreg s24  }
0x22: {  	s14 =	sadd.s32 $0x4E318, s2;
	s25 =	sadd.s32 s8, s11;
	[dreg:$0x8] =	wrdreg s7  }
0x23: {  	s0 =	sadd.s32 s6, s11;
	s8 =	sadd.s32 $0x4E340, s2;
	[dreg:$0x15] =	wrdreg s25  }
0x24: {  	s19 =	sadd.s32 $0x190, s2;
	s7 =	sadd.s32 $0x230, s2;
	[dreg:$0x19] =	wrdreg s0  }
0x25: {  	s5 =	sshrl.u32 s8, $0x3;
	[dreg:$0x1f] =	wrdreg s19;
	s25 =	sadd.s32 $0xA, s12  }
0x26: {  	s8 =	simm.s32 $0xA0A0;
	s19 =	simm.s32 $0xA320;
	s7 =	sshrl.u32 s7, $0x3  }
0x27: {  	s10 =	sadd.s32 s5, s11;
	s5 =	sshrl.u32 s15, $0x3;
	[smem:$0x7FA] =	sst s25  }
0x28: {  	s15 =	simm.s32 $0x15;
	s13 =	sadd.s32 s7, s11;
	s7 =	sshrl.u32 s16, $0x3  }
0x29: {  	[dreg:$0x1b] =	wrdreg s10;
	s16 =	sadd.s32 $0x4E2F0, s2;
	s17 =	sadd.s32 s5, s11  }
0x2a: {  	s5 =	simm.s32 $0xB720;
	s10 =	simm.s32 $0xA258;
	[dreg:$0xe] =	wrdreg s13  }
0x2b: {  	s18 =	sadd.s32 s7, s11;
	s7 =	sshrl.u32 s21, $0x3;
	s13 =	sshrl.u32 s9, $0x3  }
0x2c: {  	[dreg:$0x1e] =	wrdreg s17;
	s21 =	sshrl.u32 s20, $0x3;
	s20 =	simm.s32 $0x12  }
0x2d: {  	s9 =	simm.s32 $0xC120;
	s17 =	simm.s32 $0xCB20;
	[dreg:$0x11] =	wrdreg s18  }
0x2e: {  	s23 =	sadd.s32 s7, s11;
	s7 =	sadd.s32 $0x140, s2;
	s18 =	sshrl.u32 s16, $0x3  }
0x2f: {  	s2 =	sadd.s32 $0x4E2C8, s2;
	s16 =	simm.s32 $0x1E;
	[dreg:$0x14] =	wrdreg s23  }
0x30: {  	s0 =	sshrl.u32 s7, $0x3;
	s2 =	sshrl.u32 s2, $0x3;
	s23 =	sadd.s32 $0x9C40, s12  }
0x31: {  	s12 =	simm.s32 $0xAD20;
	s0 =	sadd.s32 s0, s11;
	[smem:$0x7F9] =	sst s23  }
0x32: {  	s22 =	sadd.s32 s2, s11;
	s23 =	simm.s32 $0xA230;
	[dreg:$0x1a] =	wrdreg s0  }
0x33: {  	s2 =	simm.s32 $0x19;
	s0 =	sadd.s32 s13, s11;
	[smem:$0x7F8] =	sst s22  }
.Ltmp0:
0x34: {  	[dreg:$0x1c] =	wrdreg s0;
	s0 =	sshrl.u32 s14, $0x3;
	(pc) =	sbr.rel .LBB2_1-.Ltmp0, $4  }
0x35: {  	s22 =	simm.s32 $0x16;
	s13 =	simm.s32 $0xA140;
	s0 =	sadd.s32 s0, s11  }
0x36: {  	s14 =	simm.s32 $0x28;
	[dreg:$0x1d] =	wrdreg s0;
	s0 =	sadd.s32 s18, s11  }
0x37: {  	s18 =	simm.s32 $0xA280;
	[smem:$0x7F6] =	sst s0;
	s0 =	sadd.s32 s21, s11  }
0x38: {  	s11 =	simm.s32 $0x1C;
	[smem:$0x7F7] =	sst s0;
	s0 =	simm.s32 $0x0  }
.LBB2_4:
0x39: {  	s0 =	simm.s32 $0x18  }
0x3a: {  	_ =	swait.ge [sflag:s0], $0xA00  }
0x3b: {  	[sflag:s0] =	ssyncset.done $0x0  }
0x3c: {  	s25 =	simm.s32 $0x13;
	[sflag:s0] =	ssyncadd.s32 $0xFFFFF600  }
0x3d: {  	_ =	swait.ge [sflag:s25], $0x28  }
0x3e: {  	[sflag:s25] =	ssyncset.done $0x0  }
0x3f: {  	s29 =	simm.s32 $0xA2D0;
	[sflag:s25] =	ssyncadd.s32 $0xFFFFFFD8  }
0x40: {  	[spmem:s3] =	stream.indirect.scatter.add.f32 [tilespmem:s6], [sflag:$0x1D], $0x40, s29, s14, $0xb8;
	[tilespmem:$0xD520] =	vst v63  }
0x41: {  	_ =	swait.ge [sflag:s2], $0xA00  }
0x42: {  	[sflag:s2] =	ssyncset.done $0x0  }
0x43: {  	s31 =	simm.s32 $0x14;
	[sflag:s2] =	ssyncadd.s32 $0xFFFFF600  }
0x44: {  	_ =	swait.ge [sflag:s31], $0x28  }
0x45: {  	[sflag:s31] =	ssyncset.done $0x0  }
0x46: {  	s21 =	simm.s32 $0x1A;
	s6 =	simm.s32 $0xA2F8;
	[sflag:s31] =	ssyncadd.s32 $0xFFFFFFD8  }
0x47: {  	[spmem:s3] =	stream.indirect.scatter.add.f32 [tilespmem:s7], [sflag:$0x1E], $0x40, s6, s14, $0xb8;
	[tilespmem:$0xD520] =	vst v63  }
0x48: {  	_ =	swait.ge [sflag:s21], $0xA00  }
0x49: {  	[sflag:s21] =	ssyncset.done $0x0  }
0x4a: {  	s24 =	simm.s32 $0x1B;
	[sflag:s21] =	ssyncadd.s32 $0xFFFFF600  }
0x4b: {  	_ =	swait.ge [sflag:s24], $0xA00  }
0x4c: {  	[sflag:s24] =	ssyncset.done $0x0  }
0x4d: {  	[sflag:s24] =	ssyncadd.s32 $0xFFFFF600  }
0x4e: {  	_ =	swait.ge [sflag:s11], $0xA00  }
0x4f: {  	[sflag:s11] =	ssyncset.done $0x0  }
0x50: {  	[sflag:s11] =	ssyncadd.s32 $0xFFFFF600  }
0x51: {  	_ =	swait.ge [sflag:s26], $0xA00  }
0x52: {  	[sflag:s26] =	ssyncset.done $0x0  }
0x53: {  	[sflag:s26] =	ssyncadd.s32 $0xFFFFF600  }
0x54: {  	_ =	swait.ge [sflag:s16], $0xA00  }
0x55: {  	[sflag:s16] =	ssyncset.done $0x0  }
0x56: {  	[sflag:s16] =	ssyncadd.s32 $0xFFFFF600  }
0x57: {  	[bflag:$0x0] =	sbarrier.arrive $0xFFFF  }
0x58: {  	s25 =	sld [smem:$0x7F5]  }
0x59: {  	s24 =	rddreg [dreg:$0xc]  }
0x5a: {  	s28 =	simm.s32 $0x1F;
	s21 =	rddreg [dreg:$0x16]  }
0x5b: {  	[hbm:s21], [sflag:s24] =	dma.local [spmem:s25], $0x1400  }
0x5c: {  	_ =	swait.ge [sflag:s28], $0x1400  }
0x5d: {  	s29 =	sld [smem:$0x7F4];
	_ =	sdelay $0x2  }
0x5e: {  	s31 =	rddreg [dreg:$0xd];
	s0 =	sadd.s32 $0x1, s29  }
0x5f: {  	p0 =	sne.s32 s0, s31  }
.Ltmp1:
0x60: {  	_ = 	snop;
	(pc) =	sbr.rel @!p0 .LBB2_5-.Ltmp1, $3  }
0x61: {  	_ =	sdelay $0x1  }
0x62: {  	[sflag:s28] =	ssyncset.done $0x0  }
0x63: {  	[sflag:s28] =	ssyncadd.s32 $0xFFFFEC00  }
.LBB2_1:
0x64: {  	[smem:$0x7F4] =	sst s0  }
0x65: {  	s21 =	rddreg [dreg:$0x5]  }
0x66: {  	s25 =	simm.s32 $0xA000;
	s31 =	sld [smem:$0x7F9]  }
0x67: {  	[tilespmem:s25], [sflag:$0x1] =	stream.linear.gather [hbm4b:s21+s4], $0x28, $0x38;
	[tilespmem:$0xD520] =	vst v63  }
0x68: {  	s0 =	simm.s32 $0xA190;
	s6 =	rddreg [dreg:$0x6]  }
0x69: {  	[tilespmem:s0], [sflag:$0xB] =	stream.linear.gather [hbm4b:s31+s4], $0x28, $0x38;
	[tilespmem:$0xD520] =	vst v63  }
0x6a: {  	s7 =	simm.s32 $0xA028;
	s25 =	rddreg [dreg:$0x7]  }
0x6b: {  	[tilespmem:s7], [sflag:$0x2] =	stream.linear.gather [hbm4b:s6+s4], $0x28, $0x38;
	[tilespmem:$0xD520] =	vst v63  }
0x6c: {  	s29 =	simm.s32 $0xA1B8;
	s31 =	sld [smem:$0x7FA]  }
0x6d: {  	[tilespmem:s29], [sflag:$0xC] =	stream.linear.gather [hbm4b:s25+s4], $0x28, $0x38;
	[tilespmem:$0xD520] =	vst v63  }
0x6e: {  	s0 =	simm.s32 $0xA050;
	s6 =	sld [smem:$0x7FB]  }
0x6f: {  	[tilespmem:s0], [sflag:$0x3] =	stream.linear.gather [hbm4b:s31+s4], $0x28, $0x38;
	[tilespmem:$0xD520] =	vst v63  }
0x70: {  	s7 =	simm.s32 $0xA1E0;
	s29 =	rddreg [dreg:$0x8]  }
0x71: {  	[tilespmem:s7], [sflag:$0xD] =	stream.linear.gather [hbm4b:s6+s4], $0x28, $0x38;
	[tilespmem:$0xD520] =	vst v63  }
0x72: {  	s31 =	simm.s32 $0xA078;
	s0 =	rddreg [dreg:$0x9]  }
0x73: {  	[tilespmem:s31], [sflag:$0x4] =	stream.linear.gather [hbm4b:s29+s4], $0x28, $0x38;
	[tilespmem:$0xD520] =	vst v63  }
0x74: {  	s6 =	simm.s32 $0xA208;
	s7 =	sld [smem:$0x7FC]  }
0x75: {  	[tilespmem:s6], [sflag:$0xE] =	stream.linear.gather [hbm4b:s0+s4], $0x28, $0x38;
	[tilespmem:$0xD520] =	vst v63  }
0x76: {  	s25 =	rddreg [dreg:$0xa]  }
0x77: {  	[tilespmem:s8], [sflag:$0x5] =	stream.linear.gather [hbm4b:s7+s4], $0x28, $0x38;
	[tilespmem:$0xD520] =	vst v63  }
0x78: {  	s8 =	sld [smem:$0x7FD]  }
0x79: {  	s29 =	sshrl.u32 s25, $0x3;
	s31 =	rddreg [dreg:$0xb]  }
0x7a: {  	[smem:$0x7F5] =	sst s29  }
0x7b: {  	[tilespmem:s23], [sflag:$0xF] =	stream.linear.gather [hbm4b:s8+s4], $0x28, $0x38;
	[tilespmem:$0xD520] =	vst v63  }
0x7c: {  	[spmem:s29], [sflag:s24] =	dma.local [hbm:s31], $0x1400  }
0x7d: {  	_ =	swait.ge [sflag:s28], $0x1400  }
0x7e: {  	[sflag:s28] =	ssyncset.done $0x0  }
0x7f: {  	[sflag:s28] =	ssyncadd.s32 $0xFFFFEC00  }
0x80: {  	s25 =	simm.s32 $0x0;
	[bflag:$0x0] =	sbarrier.arrive $0xFFFF  }
0x81: {  	s8 =	simm.s32 $0xA0A0;
	s23 =	simm.s32 $0xA230;
	s24 =	rddreg [dreg:$0x1f]  }
.LBB2_2:
0x82: {  	p0 =	seq.s32 s25, $0x0  }
0x83: {  	s21 =	simm.s32 @p0 $0x1  }
0x84: {  	_ =	swait.ge @p0 [sflag:s21], $0x28  }
0x85: {  	s28 =	simm.s32 @p0 $0xA000;
	[sflag:s21] =	ssyncset.done @p0 $0x0  }
0x86: {  	s31 =	simm.s32 @p0 $0xA320;
	[sflag:s21] =	ssyncadd.s32 @p0 $0xFFFFFFD8;
	s21 =	simm.s32 @p0 $0x28  }
0x87: {  	[tilespmem:s31], [sflag:$0x15] =	stream.indirect.gather @p0 [hbm4b:s1+s21], $0x40, s28, s21, $0xb8;
	[tilespmem:$0xD520] =	vst v63  }
0x88: {  	s28 =	simm.s32 @!p0 $0x1A  }
0x89: {  	_ =	swait.ge @!p0 [sflag:s28], $0xA00  }
0x8a: {  	[sflag:s28] =	ssyncset.done @!p0 $0x0  }
0x8b: {  	[sflag:s28] =	ssyncadd.s32 @!p0 $0xFFFFF600;
	s28 =	simm.s32 @!p0 $0x1  }
0x8c: {  	_ =	swait.ge @!p0 [sflag:s28], $0x28  }
0x8d: {  	s29 =	simm.s32 @!p0 $0xA320;
	[sflag:s28] =	ssyncset.done @!p0 $0x0  }
0x8e: {  	s31 =	simm.s32 @!p0 $0xA000;
	[sflag:s28] =	ssyncadd.s32 @!p0 $0xFFFFFFD8;
	s28 =	simm.s32 @!p0 $0x28  }
0x8f: {  	[tilespmem:s29], [sflag:$0x15] =	stream.indirect.gather @!p0 [hbm4b:s1+s28], $0x40, s31, s28, $0xb8;
	[tilespmem:$0xD520] =	vst v63  }
0x90: {  	s29 =	simm.s32 @!p0 $0x18  }
0x91: {  	_ =	swait.ge @!p0 [sflag:s29], $0xA00  }
0x92: {  	[sflag:s29] =	ssyncset.done @!p0 $0x0  }
0x93: {  	[sflag:s29] =	ssyncadd.s32 @!p0 $0xFFFFF600;
	s29 =	simm.s32 @!p0 $0x13  }
0x94: {  	_ =	swait.ge @!p0 [sflag:s29], $0x28  }
0x95: {  	s31 =	simm.s32 @!p0 $0xC120;
	[sflag:s29] =	ssyncset.done @!p0 $0x0;
	s6 =	sld [smem:$0x7F7]  }
0x96: {  	s7 =	sld [smem:$0x7F8];
	[sflag:s29] =	ssyncadd.s32 @!p0 $0xFFFFFFD8;
	s29 =	simm.s32 @!p0 $0xA2D0  }
0x97: {  	[spmem:s3] =	stream.indirect.scatter.add.f32 @!p0 [tilespmem:s31], [sflag:$0x1D], $0x40, s29, s28, $0xb8;
	[tilespmem:$0xD520] =	vst v63  }
0x98: {  	s29 =	sadd.s32 s25, s6;
	s6 =	simm.s32 $0xA0C8  }
0x99: {  	[tilespmem:s6], [sflag:$0x6] =	stream.linear.gather [hbm4b:s29+s4], $0x28, $0x38;
	[tilespmem:$0xD520] =	vst v63  }
0x9a: {  	s29 =	sadd.s32 s25, s7  }
0x9b: {  	[tilespmem:s10], [sflag:$0x10] =	stream.linear.gather [hbm4b:s29+s4], $0x28, $0x38;
	[tilespmem:$0xD520] =	vst v63  }
0x9c: {  	s29 =	simm.s32 @p0 $0x2  }
0x9d: {  	_ =	swait.ge @p0 [sflag:s29], $0x28  }
0x9e: {  	[sflag:s29] =	ssyncset.done @p0 $0x0  }
0x9f: {  	s31 =	simm.s32 @p0 $0xAD20;
	[sflag:s29] =	ssyncadd.s32 @p0 $0xFFFFFFD8;
	s29 =	simm.s32 @p0 $0xA028  }
0xa0: {  	[tilespmem:s31], [sflag:$0x16] =	stream.indirect.gather @p0 [hbm4b:s1+s21], $0x40, s29, s21, $0xb8;
	[tilespmem:$0xD520] =	vst v63  }
0xa1: {  	s21 =	simm.s32 @!p0 $0x1B  }
0xa2: {  	_ =	swait.ge @!p0 [sflag:s21], $0xA00  }
0xa3: {  	[sflag:s21] =	ssyncset.done @!p0 $0x0  }
0xa4: {  	[sflag:s21] =	ssyncadd.s32 @!p0 $0xFFFFF600;
	s21 =	simm.s32 @!p0 $0x2  }
0xa5: {  	_ =	swait.ge @!p0 [sflag:s21], $0x28  }
0xa6: {  	[sflag:s21] =	ssyncset.done @!p0 $0x0  }
0xa7: {  	s29 =	simm.s32 @!p0 $0xAD20;
	[sflag:s21] =	ssyncadd.s32 @!p0 $0xFFFFFFD8;
	s21 =	simm.s32 @!p0 $0xA028  }
0xa8: {  	[tilespmem:s29], [sflag:$0x16] =	stream.indirect.gather @!p0 [hbm4b:s1+s28], $0x40, s21, s28, $0xb8;
	[tilespmem:$0xD520] =	vst v63  }
0xa9: {  	s21 =	simm.s32 @!p0 $0x19  }
0xaa: {  	_ =	swait.ge @!p0 [sflag:s21], $0xA00  }
0xab: {  	[sflag:s21] =	ssyncset.done @!p0 $0x0  }
0xac: {  	[sflag:s21] =	ssyncadd.s32 @!p0 $0xFFFFF600;
	s21 =	simm.s32 @!p0 $0x14  }
0xad: {  	_ =	swait.ge @!p0 [sflag:s21], $0x28  }
0xae: {  	s29 =	simm.s32 @!p0 $0xCB20;
	[sflag:s21] =	ssyncset.done @!p0 $0x0;
	s31 =	rddreg [dreg:$0x1e]  }
0xaf: {  	s0 =	sld [smem:$0x7F6];
	[sflag:s21] =	ssyncadd.s32 @!p0 $0xFFFFFFD8;
	s21 =	simm.s32 @!p0 $0xA2F8  }
0xb0: {  	[spmem:s3] =	stream.indirect.scatter.add.f32 @!p0 [tilespmem:s29], [sflag:$0x1E], $0x40, s21, s28, $0xb8;
	[tilespmem:$0xD520] =	vst v63  }
0xb1: {  	s21 =	sadd.s32 s25, s31;
	s31 =	simm.s32 $0xA0F0  }
0xb2: {  	[tilespmem:s31], [sflag:$0x7] =	stream.linear.gather [hbm4b:s21+s4], $0x28, $0x38;
	[tilespmem:$0xD520] =	vst v63  }
0xb3: {  	s21 =	sadd.s32 s25, s0  }
0xb4: {  	[tilespmem:s18], [sflag:$0x11] =	stream.linear.gather [hbm4b:s21+s4], $0x28, $0x38;
	[tilespmem:$0xD520] =	vst v63  }
0xb5: {  	s21 =	simm.s32 @!p0 $0x1C  }
0xb6: {  	_ =	swait.ge @!p0 [sflag:s21], $0xA00  }
0xb7: {  	[sflag:s21] =	ssyncset.done @!p0 $0x0  }
0xb8: {  	s7 =	simm.s32 $0x3;
	[sflag:s21] =	ssyncadd.s32 @!p0 $0xFFFFF600  }
0xb9: {  	_ =	swait.ge [sflag:s7], $0x28  }
0xba: {  	[sflag:s7] =	ssyncset.done $0x0  }
0xbb: {  	s28 =	simm.s32 $0xA050;
	[sflag:s7] =	ssyncadd.s32 $0xFFFFFFD8  }
0xbc: {  	[tilespmem:s5], [sflag:$0x17] =	stream.indirect.gather [hbm4b:s1+s14], $0x40, s28, s14, $0xb8;
	[tilespmem:$0xD520] =	vst v63  }
0xbd: {  	_ =	swait.ge [sflag:s15], $0xA00  }
0xbe: {  	[sflag:s15] =	ssyncset.done $0x0  }
0xbf: {  	s29 =	simm.s32 $0xB;
	[sflag:s15] =	ssyncadd.s32 $0xFFFFF600  }
0xc0: {  	_ =	swait.ge [sflag:s29], $0x28  }
0xc1: {  	[sflag:s29] =	ssyncset.done $0x0  }
0xc2: {  	s0 =	simm.s32 $0xA190;
	s7 =	rddreg [dreg:$0x1c];
	[sflag:s29] =	ssyncadd.s32 $0xFFFFFFD8  }
0xc3: {  	[spmem:s3] =	stream.indirect.scatter.add.f32 [tilespmem:s19], [sflag:$0x1A], $0x40, s0, s14, $0xb8;
	[tilespmem:$0xD520] =	vst v63  }
0xc4: {  	s28 =	rddreg [dreg:$0x1d];
	s21 =	sadd.s32 s25, s7;
	s7 =	simm.s32 $0xA118  }
0xc5: {  	[tilespmem:s7], [sflag:$0x8] =	stream.linear.gather [hbm4b:s21+s4], $0x28, $0x38;
	[tilespmem:$0xD520] =	vst v63  }
0xc6: {  	s0 =	simm.s32 $0xA2A8;
	s21 =	sadd.s32 s25, s28  }
0xc7: {  	[tilespmem:s0], [sflag:$0x12] =	stream.linear.gather [hbm4b:s21+s4], $0x28, $0x38;
	[tilespmem:$0xD520] =	vst v63  }
0xc8: {  	s21 =	simm.s32 @!p0 $0x1D  }
0xc9: {  	_ =	swait.ge @!p0 [sflag:s21], $0xA00  }
0xca: {  	[sflag:s21] =	ssyncset.done @!p0 $0x0  }
0xcb: {  	s29 =	simm.s32 $0x4;
	[sflag:s21] =	ssyncadd.s32 @!p0 $0xFFFFF600  }
0xcc: {  	_ =	swait.ge [sflag:s29], $0x28  }
0xcd: {  	[sflag:s29] =	ssyncset.done $0x0  }
0xce: {  	s28 =	simm.s32 $0xA078;
	[sflag:s29] =	ssyncadd.s32 $0xFFFFFFD8  }
0xcf: {  	[tilespmem:s9], [sflag:$0x18] =	stream.indirect.gather [hbm4b:s1+s14], $0x40, s28, s14, $0xb8;
	[tilespmem:$0xD520] =	vst v63  }
0xd0: {  	_ =	swait.ge [sflag:s22], $0xA00  }
0xd1: {  	[sflag:s22] =	ssyncset.done $0x0  }
0xd2: {  	s29 =	simm.s32 $0xC;
	[sflag:s22] =	ssyncadd.s32 $0xFFFFF600  }
0xd3: {  	_ =	swait.ge [sflag:s29], $0x28  }
0xd4: {  	[sflag:s29] =	ssyncset.done $0x0  }
0xd5: {  	s28 =	simm.s32 $0xA1B8;
	[sflag:s29] =	ssyncadd.s32 $0xFFFFFFD8;
	s29 =	rddreg [dreg:$0x1a]  }
0xd6: {  	[spmem:s3] =	stream.indirect.scatter.add.f32 [tilespmem:s12], [sflag:$0x1B], $0x40, s28, s14, $0xb8;
	[tilespmem:$0xD520] =	vst v63  }
0xd7: {  	s21 =	sadd.s32 s25, s29;
	s28 =	rddreg [dreg:$0x1b]  }
0xd8: {  	[tilespmem:s13], [sflag:$0x9] =	stream.linear.gather [hbm4b:s21+s4], $0x28, $0x38;
	[tilespmem:$0xD520] =	vst v63  }
0xd9: {  	s29 =	simm.s32 $0xA2D0;
	s21 =	sadd.s32 s25, s28  }
0xda: {  	[tilespmem:s29], [sflag:$0x13] =	stream.linear.gather [hbm4b:s21+s4], $0x28, $0x38;
	[tilespmem:$0xD520] =	vst v63  }
0xdb: {  	s21 =	simm.s32 @!p0 $0x1E  }
0xdc: {  	_ =	swait.ge @!p0 [sflag:s21], $0xA00  }
0xdd: {  	[sflag:s21] =	ssyncset.done @!p0 $0x0  }
0xde: {  	s29 =	simm.s32 $0x5;
	[sflag:s21] =	ssyncadd.s32 @!p0 $0xFFFFF600  }
0xdf: {  	_ =	swait.ge [sflag:s29], $0x28  }
0xe0: {  	[sflag:s29] =	ssyncset.done $0x0  }
0xe1: {  	[sflag:s29] =	ssyncadd.s32 $0xFFFFFFD8  }
0xe2: {  	[tilespmem:s17], [sflag:$0x19] =	stream.indirect.gather [hbm4b:s1+s14], $0x40, s8, s14, $0xb8;
	[tilespmem:$0xD520] =	vst v63  }
0xe3: {  	_ =	swait.ge [sflag:s30], $0xA00  }
0xe4: {  	[sflag:s30] =	ssyncset.done $0x0  }
0xe5: {  	s28 =	simm.s32 $0xD;
	[sflag:s30] =	ssyncadd.s32 $0xFFFFF600  }
0xe6: {  	_ =	swait.ge [sflag:s28], $0x28  }
0xe7: {  	[sflag:s28] =	ssyncset.done $0x0  }
0xe8: {  	s29 =	simm.s32 $0xA1E0;
	s8 =	rddreg [dreg:$0x18];
	[sflag:s28] =	ssyncadd.s32 $0xFFFFFFD8  }
0xe9: {  	[spmem:s3] =	stream.indirect.scatter.add.f32 [tilespmem:s5], [sflag:$0x1C], $0x40, s29, s14, $0xb8;
	[tilespmem:$0xD520] =	vst v63  }
0xea: {  	s21 =	sadd.s32 s25, s8;
	s8 =	simm.s32 $0xA168;
	s28 =	rddreg [dreg:$0x19]  }
0xeb: {  	[tilespmem:s8], [sflag:$0xA] =	stream.linear.gather [hbm4b:s21+s4], $0x28, $0x38;
	[tilespmem:$0xD520] =	vst v63  }
0xec: {  	s29 =	simm.s32 $0xA2F8;
	s21 =	sadd.s32 s25, s28  }
0xed: {  	[tilespmem:s29], [sflag:$0x14] =	stream.linear.gather [hbm4b:s21+s4], $0x28, $0x38;
	[tilespmem:$0xD520] =	vst v63  }
0xee: {  	s29 =	simm.s32 $0x1A  }
0xef: {  	_ =	swait.ge [sflag:s29], $0xA00  }
0xf0: {  	[sflag:s29] =	ssyncset.done $0x0  }
0xf1: {  	s28 =	simm.s32 $0x6;
	[sflag:s29] =	ssyncadd.s32 $0xFFFFF600  }
0xf2: {  	_ =	swait.ge [sflag:s28], $0x28  }
0xf3: {  	[sflag:s28] =	ssyncset.done $0x0  }
0xf4: {  	s29 =	simm.s32 $0x18;
	[sflag:s28] =	ssyncadd.s32 $0xFFFFFFD8  }
0xf5: {  	[tilespmem:s19], [sflag:$0x15] =	stream.indirect.gather [hbm4b:s1+s14], $0x40, s6, s14, $0xb8;
	[tilespmem:$0xD520] =	vst v63  }
0xf6: {  	_ =	swait.ge [sflag:s29], $0xA00  }
0xf7: {  	[sflag:s29] =	ssyncset.done $0x0  }
0xf8: {  	s21 =	simm.s32 $0xE;
	[sflag:s29] =	ssyncadd.s32 $0xFFFFF600  }
0xf9: {  	_ =	swait.ge [sflag:s21], $0x28  }
0xfa: {  	[sflag:s21] =	ssyncset.done $0x0  }
0xfb: {  	p0 =	seq.s32 s25, $0x4B0;
	s28 =	simm.s32 $0xA208;
	[sflag:s21] =	ssyncadd.s32 $0xFFFFFFD8  }
0xfc: {  	[spmem:s3] =	stream.indirect.scatter.add.f32 [tilespmem:s9], [sflag:$0x1D], $0x40, s28, s14, $0xb8;
	[tilespmem:$0xD520] =	vst v63  }
0xfd: {  	s21 =	sshrl.u32 @!p0 s24, $0x3;
	s28 =	rddreg [dreg:$0x4]  }
0xfe: {  	s29 =	simm.s32 @!p0 $0xA000;
	s28 =	sadd.s32 @!p0 s28, s21;
	s21 =	simm.s32 @!p0 $0x0  }
0xff: {  	[tilespmem:s29], [sflag:$0x1] =	stream.linear.gather @!p0 [hbm4b:s28+s21], $0x28, $0x38;
	[tilespmem:$0xD520] =	vst v63  }
0x100: {  	s28 =	rddreg [dreg:$0x17]  }
0x101: {  	s29 =	simm.s32 @!p0 $0xA190;
	s28 =	sadd.s32 @!p0 s25, s28  }
0x102: {  	[tilespmem:s29], [sflag:$0xB] =	stream.linear.gather @!p0 [hbm4b:s28+s21], $0x28, $0x38;
	[tilespmem:$0xD520] =	vst v63  }
0x103: {  	s29 =	simm.s32 $0x1B  }
0x104: {  	_ =	swait.ge [sflag:s29], $0xA00  }
0x105: {  	[sflag:s29] =	ssyncset.done $0x0  }
0x106: {  	s28 =	simm.s32 $0x7;
	[sflag:s29] =	ssyncadd.s32 $0xFFFFF600  }
0x107: {  	_ =	swait.ge [sflag:s28], $0x28  }
0x108: {  	[sflag:s28] =	ssyncset.done $0x0  }
0x109: {  	[sflag:s28] =	ssyncadd.s32 $0xFFFFFFD8  }
0x10a: {  	[tilespmem:s12], [sflag:$0x16] =	stream.indirect.gather [hbm4b:s1+s14], $0x40, s31, s14, $0xb8;
	[tilespmem:$0xD520] =	vst v63  }
0x10b: {  	_ =	swait.ge [sflag:s2], $0xA00  }
0x10c: {  	[sflag:s2] =	ssyncset.done $0x0  }
0x10d: {  	s29 =	simm.s32 $0xF;
	[sflag:s2] =	ssyncadd.s32 $0xFFFFF600  }
0x10e: {  	_ =	swait.ge [sflag:s29], $0x28  }
0x10f: {  	[sflag:s29] =	ssyncset.done $0x0  }
0x110: {  	s28 =	rddreg [dreg:$0x14];
	[sflag:s29] =	ssyncadd.s32 $0xFFFFFFD8  }
0x111: {  	[spmem:s3] =	stream.indirect.scatter.add.f32 [tilespmem:s17], [sflag:$0x1E], $0x40, s23, s14, $0xb8;
	[tilespmem:$0xD520] =	vst v63  }
0x112: {  	s28 =	sadd.s32 @!p0 s25, s28;
	s29 =	simm.s32 @!p0 $0xA028  }
0x113: {  	[tilespmem:s29], [sflag:$0x2] =	stream.linear.gather @!p0 [hbm4b:s28+s21], $0x28, $0x38;
	[tilespmem:$0xD520] =	vst v63  }
0x114: {  	s28 =	rddreg [dreg:$0x15]  }
0x115: {  	s29 =	simm.s32 @!p0 $0xA1B8;
	s28 =	sadd.s32 @!p0 s25, s28  }
0x116: {  	[tilespmem:s29], [sflag:$0xC] =	stream.linear.gather @!p0 [hbm4b:s28+s21], $0x28, $0x38;
	[tilespmem:$0xD520] =	vst v63  }
0x117: {  	_ =	swait.ge [sflag:s11], $0xA00  }
0x118: {  	[sflag:s11] =	ssyncset.done $0x0  }
0x119: {  	s31 =	simm.s32 $0x8;
	[sflag:s11] =	ssyncadd.s32 $0xFFFFF600  }
0x11a: {  	_ =	swait.ge [sflag:s31], $0x28  }
0x11b: {  	[sflag:s31] =	ssyncset.done $0x0  }
0x11c: {  	[sflag:s31] =	ssyncadd.s32 $0xFFFFFFD8  }
0x11d: {  	[tilespmem:s5], [sflag:$0x17] =	stream.indirect.gather [hbm4b:s1+s14], $0x40, s7, s14, $0xb8;
	[tilespmem:$0xD520] =	vst v63  }
0x11e: {  	_ =	swait.ge [sflag:s15], $0xA00  }
0x11f: {  	[sflag:s15] =	ssyncset.done $0x0  }
0x120: {  	s23 =	simm.s32 $0x10;
	[sflag:s15] =	ssyncadd.s32 $0xFFFFF600  }
0x121: {  	_ =	swait.ge [sflag:s23], $0x28  }
0x122: {  	[sflag:s23] =	ssyncset.done $0x0  }
0x123: {  	s28 =	rddreg [dreg:$0x12];
	[sflag:s23] =	ssyncadd.s32 $0xFFFFFFD8  }
0x124: {  	[spmem:s3] =	stream.indirect.scatter.add.f32 [tilespmem:s19], [sflag:$0x1A], $0x40, s10, s14, $0xb8;
	[tilespmem:$0xD520] =	vst v63  }
0x125: {  	s29 =	simm.s32 @!p0 $0xA050;
	s28 =	sadd.s32 @!p0 s25, s28  }
0x126: {  	[tilespmem:s29], [sflag:$0x3] =	stream.linear.gather @!p0 [hbm4b:s28+s21], $0x28, $0x38;
	[tilespmem:$0xD520] =	vst v63  }
0x127: {  	s28 =	rddreg [dreg:$0x13]  }
0x128: {  	s29 =	simm.s32 @!p0 $0xA1E0;
	s28 =	sadd.s32 @!p0 s25, s28  }
0x129: {  	[tilespmem:s29], [sflag:$0xD] =	stream.linear.gather @!p0 [hbm4b:s28+s21], $0x28, $0x38;
	[tilespmem:$0xD520] =	vst v63  }
0x12a: {  	_ =	swait.ge [sflag:s26], $0xA00  }
0x12b: {  	[sflag:s26] =	ssyncset.done $0x0  }
0x12c: {  	s28 =	simm.s32 $0x9;
	[sflag:s26] =	ssyncadd.s32 $0xFFFFF600  }
0x12d: {  	_ =	swait.ge [sflag:s28], $0x28  }
0x12e: {  	[sflag:s28] =	ssyncset.done $0x0  }
0x12f: {  	[sflag:s28] =	ssyncadd.s32 $0xFFFFFFD8  }
0x130: {  	[tilespmem:s9], [sflag:$0x18] =	stream.indirect.gather [hbm4b:s1+s14], $0x40, s13, s14, $0xb8;
	[tilespmem:$0xD520] =	vst v63  }
0x131: {  	_ =	swait.ge [sflag:s22], $0xA00  }
0x132: {  	[sflag:s22] =	ssyncset.done $0x0  }
0x133: {  	s29 =	simm.s32 $0x11;
	[sflag:s22] =	ssyncadd.s32 $0xFFFFF600  }
0x134: {  	_ =	swait.ge [sflag:s29], $0x28  }
0x135: {  	[sflag:s29] =	ssyncset.done $0x0  }
0x136: {  	s28 =	rddreg [dreg:$0x10];
	[sflag:s29] =	ssyncadd.s32 $0xFFFFFFD8  }
0x137: {  	[spmem:s3] =	stream.indirect.scatter.add.f32 [tilespmem:s12], [sflag:$0x1B], $0x40, s18, s14, $0xb8;
	[tilespmem:$0xD520] =	vst v63  }
0x138: {  	s28 =	sadd.s32 @!p0 s25, s28;
	s29 =	simm.s32 @!p0 $0xA078  }
0x139: {  	[tilespmem:s29], [sflag:$0x4] =	stream.linear.gather @!p0 [hbm4b:s28+s21], $0x28, $0x38;
	[tilespmem:$0xD520] =	vst v63  }
0x13a: {  	s28 =	rddreg [dreg:$0x11]  }
0x13b: {  	s29 =	simm.s32 @!p0 $0xA208;
	s28 =	sadd.s32 @!p0 s25, s28  }
0x13c: {  	[tilespmem:s29], [sflag:$0xE] =	stream.linear.gather @!p0 [hbm4b:s28+s21], $0x28, $0x38;
	[tilespmem:$0xD520] =	vst v63  }
0x13d: {  	_ =	swait.ge [sflag:s16], $0xA00  }
0x13e: {  	[sflag:s16] =	ssyncset.done $0x0  }
0x13f: {  	s31 =	simm.s32 $0xA;
	[sflag:s16] =	ssyncadd.s32 $0xFFFFF600  }
0x140: {  	_ =	swait.ge [sflag:s31], $0x28  }
0x141: {  	[sflag:s31] =	ssyncset.done $0x0  }
0x142: {  	[sflag:s31] =	ssyncadd.s32 $0xFFFFFFD8  }
0x143: {  	[tilespmem:s17], [sflag:$0x19] =	stream.indirect.gather [hbm4b:s1+s14], $0x40, s8, s14, $0xb8;
	[tilespmem:$0xD520] =	vst v63  }
0x144: {  	_ =	swait.ge [sflag:s30], $0xA00  }
0x145: {  	[sflag:s30] =	ssyncset.done $0x0  }
.Ltmp2:
0x146: {  	[sflag:s30] =	ssyncadd.s32 $0xFFFFF600;
	(pc) =	sbr.rel @p0 .LBB2_4-.Ltmp2, $4  }
0x147: {  	_ =	swait.ge [sflag:s20], $0x28  }
0x148: {  	s6 =	simm.s32 $0xC120;
	s7 =	simm.s32 $0xCB20;
	[sflag:s20] =	ssyncset.done $0x0  }
0x149: {  	s23 =	simm.s32 $0xA230;
	s8 =	simm.s32 $0xA0A0;
	[sflag:s20] =	ssyncadd.s32 $0xFFFFFFD8  }
0x14a: {  	[spmem:s3] =	stream.indirect.scatter.add.f32 [tilespmem:s5], [sflag:$0x1C], $0x40, s0, s14, $0xb8;
	[tilespmem:$0xD520] =	vst v63  }
0x14b: {  	s21 =	rddreg [dreg:$0xe]  }
.Ltmp3:
0x14c: {  	s31 =	rddreg [dreg:$0xf];
	s21 =	sadd.s32 s25, s21;
	(pc) =	sbr.rel .LBB2_2-.Ltmp3, $4  }
0x14d: {  	[tilespmem:s8], [sflag:$0x5] =	stream.linear.gather [hbm4b:s21+s4], $0x28, $0x38;
	[tilespmem:$0xD520] =	vst v63  }
0x14e: {  	s24 =	sadd.s32 $0x190, s24;
	s21 =	sadd.s32 s25, s31  }
0x14f: {  	[tilespmem:s23], [sflag:$0xF] =	stream.linear.gather [hbm4b:s21+s4], $0x28, $0x38;
	[tilespmem:$0xD520] =	vst v63  }
0x150: {  	s25 =	sadd.s32 $0x32, s25;
	s8 =	simm.s32 $0xA0A0;
	s23 =	simm.s32 $0xA230  }
.LBB2_5:
0x151: {  	_ =	sfence.sel $0x180000  }
0x152: {  	[bflag:$0x0] =	sbarrier.arrive $0xFFFF  }
0x153: {  	_ =	strace $0x9000004D  }
0x154: {  	s0 =	stileid.u32;
	[bflag:$0x2] =	sbarrier.arrive $0xFFFF  }
0x155: {  	p0 =	sne.s32 s0, $0x0;
	s0 =	rddreg [dreg:$0x3]  }
0x156: {  	s0 =	sadd.s32 @!p0 $0x100000, s0  }
0x157: {  	[sflag:s0] =	ssyncadd.tile.s32 @!p0 $0x1;
	_ =	shalt  }
.Lfunc_end2:
_tile_overlayer_lowered:
.L_overlay_start_2:
0x158: {  	(tag) =	ssettag $0x2  }
0x159: {  	s0 =	rddreg [dreg:$0x0];
	s2 =	stileid.u32  }
0x15a: {  	s1 =	rddreg [dreg:$0x1];
	p0 =	sne.s32 s2, $0x0  }
0x15b: {  	s3 =	rddreg [dreg:$0x2];
	[bflag:$0x3] =	sbarrier.arrive $0xFFFF;
	s2 =	simm.s32 @!p0 $0x1C1F  }
0x15c: {  	[timem:s3], [sflag:s2] =	dma.local @!p0 [hbm:s0], s1  }
0x15d: {  	s0 =	simm.s32 @!p0 $0x1F  }
0x15e: {  	_ =	swait.ge @!p0 [sflag:s0], s1  }
0x15f: {  	s1 =	ssub.s32 @!p0 $0x0, s1;
	[sflag:s0] =	ssyncset.done @!p0 $0x0  }
0x160: {  	[sflag:s0] =	ssyncadd.s32 @!p0 s1  }
0x161: {  	[bflag:$0x3] =	sbarrier.arrive $0xFFFF  }
0x162: {  	_ =	shalt  }

// kernel: kernel.9.cloned.1.call-start
scs
__scs_entry_jumppad:
0x0: {  	(pc) =	sbr.rel $0x88, $3  }
0x1: {  	(tag) =	ssettag $0x0;
	lr =	simm.s32 $0x1  }
0x2: {  	[smem:$0x3F99] =	sst lr;
	_ =	strace $0xD0000000  }
0x3: {  	_ = 	snop  }
0x4: {  	_ = 	snop  }
0x5: {  	_ = 	snop  }
0x6: {  	_ = 	snop  }
0x7: {  	_ = 	snop  }
__scs_overlays_trampoline_lowered:
0x8: {  	[smem:$0x3FA8] =	sst s0  }
0x9: {  	[smem:$0x3FA9] =	sst s1  }
0xa: {  	[smem:$0x3FAA] =	sst s2  }
0xb: {  	[smem:$0x3FAB] =	sst s3  }
0xc: {  	[smem:$0x3FAC] =	sst s4  }
0xd: {  	[smem:$0x3FAD] =	sst s5  }
0xe: {  	[smem:$0x3FAE] =	sst s6  }
0xf: {  	[smem:$0x3FAF] =	sst s7  }
0x10: {  	[smem:$0x3FB0] =	sst s8  }
0x11: {  	[smem:$0x3FB1] =	sst s9;
	s0 =	simm.s32 @!p0 $0x0  }
0x12: {  	s1 =	sld [smem:$0x3F97];
	s0 =	simm.s32 @p0 $0x1  }
0x13: {  	[smem:$0x3FB2] =	sst s0;
	s0 =	simm.s32 @!p1 $0x0  }
0x14: {  	s2 =	sld [smem:$0x3F96];
	s0 =	simm.s32 @p1 $0x1  }
0x15: {  	[smem:$0x3FB3] =	sst s0;
	s0 =	simm.s32 @!p2 $0x0  }
0x16: {  	s3 =	sld [smem:$0x3FDB];
	s0 =	simm.s32 @p2 $0x1  }
0x17: {  	s4 =	simm.s32 $0x1BF5;
	[smem:$0x3FB5] =	sst s0  }
0x18: {  	s0 =	sld [smem:$0x3F98];
	_ =	swait.ge [sflag:s4], $0x0  }
0x19: {  	s7 =	sld [smem:$0x3F99]  }
0x1a: {  	s8 =	sadd.s32 $0xFFFFE003, lr  }
0x1b: {  	s9 =	sadd.s32 $0xFFFFFEF7, lr;
	s5 =	simm.s32 $0xFFFFFFFF;
	p2 =	slt.u32 s8, $0xFFFFF086  }
0x1c: {  	p1 =	slt.u32 s9, $0xF7A;
	s5 =	simm.s32 @!p2 $0x0  }
0x1d: {  	s5 =	simm.s32 @p1 $0x1;
	p0 =	seq.s32 s7, s2  }
0x1e: {  	s7 =	smul.u32 @!p0 $0xF7A, s2;
	p2 =	seq.s32 @!p0 s5, $0x0  }
0x1f: {  	s9 =	smul.u32 $0xF7A, s1;
	s8 =	simm.s32 @!p0 $0x1BF5;
	p2 =	por !p2, p0  }
0x20: {  	[sflag:s8] =	ssyncset.s32 @!p0 $0xFFFFF086;
	s6 =	sadd.s32 @!p0 s3, s7;
	s7 =	simm.s32 @!p0 $0x108  }
0x21: {  	s3 =	sadd.s32 s3, s9;
	s6 =	sadd.s32 @!p0 $0x88, s6;
	s7 =	simm.s32 @p2 $0x1082  }
0x22: {  	[simem:s7], [sflag:s8] =	dma.local @!p0 [hbm:s6], $0xF7A  }
0x23: {  	s9 =	sor.u32 $0xD0000000, s2;
	s6 =	simm.s32 $0x108;
	_ =	swait.ge @!p0 [sflag:s8], $0x0  }
0x24: {  	s3 =	sadd.s32 $0x88, s3;
	s6 =	simm.s32 @!p1 $0x1082;
	[sflag:s4] =	ssyncset.s32 $0xFFFFF086  }
0x25: {  	[simem:s6], [sflag:s4] =	dma.local [hbm:s3], $0xF7A  }
0x26: {  	[smem:$0x3F99] =	sst s1;
	(tag) =	ssettag s2;
	_ =	strace s9  }
0x27: {  	s1 =	sld [smem:$0x3FA9]  }
0x28: {  	s2 =	sld [smem:$0x3FAA]  }
0x29: {  	s4 =	sld [smem:$0x3FAC]  }
0x2a: {  	p0 =	seq.s32 s5, $0x0;
	s5 =	sld [smem:$0x3FAD]  }
0x2b: {  	s6 =	sld [smem:$0x3FAE]  }
0x2c: {  	s7 =	sld [smem:$0x3FAF]  }
0x2d: {  	s3 =	simm.s32 $0x108;
	s8 =	sld [smem:$0x3FB0]  }
0x2e: {  	s3 =	simm.s32 @!p0 $0x1082;
	s9 =	sld [smem:$0x3FB1]  }
0x2f: {  	lr =	sadd.s32 s0, s3;
	s0 =	sld [smem:$0x3FA8]  }
0x30: {  	s3 =	sld [smem:$0x3FAB]  }
0x31: {  	[smem:$0x3FB4] =	sst s10  }
0x32: {  	s10 =	sld [smem:$0x3FB2];
	_ =	sdelay $0x3  }
0x33: {  	p0 =	seq.s32 s10, $0x1;
	s10 =	sld [smem:$0x3FB4];
	_ =	sdelay $0x3  }
0x34: {  	[smem:$0x3FB4] =	sst s10  }
0x35: {  	s10 =	sld [smem:$0x3FB3];
	_ =	sdelay $0x3  }
0x36: {  	p1 =	seq.s32 s10, $0x1;
	s10 =	sld [smem:$0x3FB4];
	_ =	sdelay $0x3  }
0x37: {  	[smem:$0x3FB4] =	sst s10  }
0x38: {  	s10 =	sld [smem:$0x3FB5]  }
0x39: {  	_ = 	snop;
	(pc) =	sbr.ind lr, $3  }
0x3a: {  	_ = 	snop  }
0x3b: {  	_ = 	snop  }
0x3c: {  	p2 =	seq.s32 s10, $0x1;
	s10 =	sld [smem:$0x3FB4]  }
0x3d: {  	_ =	shalt  }
0x3e: {  	_ =	shalt  }
0x3f: {  	_ =	shalt  }
0x40: {  	_ =	shalt  }
0x41: {  	_ =	shalt  }
0x42: {  	_ =	shalt  }
0x43: {  	_ =	shalt  }
0x44: {  	_ =	shalt  }
0x45: {  	_ =	shalt  }
0x46: {  	_ =	shalt  }
0x47: {  	_ =	shalt  }
0x48: {  	_ =	shalt  }
0x49: {  	_ =	shalt  }
0x4a: {  	_ =	shalt  }
0x4b: {  	_ =	shalt  }
0x4c: {  	_ =	shalt  }
0x4d: {  	_ =	shalt  }
0x4e: {  	_ =	shalt  }
0x4f: {  	_ =	shalt  }
0x50: {  	_ =	shalt  }
0x51: {  	_ =	shalt  }
0x52: {  	_ =	shalt  }
0x53: {  	_ =	shalt  }
0x54: {  	_ =	shalt  }
0x55: {  	_ =	shalt  }
0x56: {  	_ =	shalt  }
0x57: {  	_ =	shalt  }
0x58: {  	_ =	shalt  }
0x59: {  	_ =	shalt  }
0x5a: {  	_ =	shalt  }
0x5b: {  	_ =	shalt  }
0x5c: {  	_ =	shalt  }
0x5d: {  	_ =	shalt  }
0x5e: {  	_ =	shalt  }
0x5f: {  	_ =	shalt  }
0x60: {  	_ =	shalt  }
0x61: {  	_ =	shalt  }
0x62: {  	_ =	shalt  }
0x63: {  	_ =	shalt  }
0x64: {  	_ =	shalt  }
0x65: {  	_ =	shalt  }
0x66: {  	_ =	shalt  }
0x67: {  	_ =	shalt  }
0x68: {  	_ =	shalt  }
0x69: {  	_ =	shalt  }
0x6a: {  	_ =	shalt  }
0x6b: {  	_ =	shalt  }
0x6c: {  	_ =	shalt  }
0x6d: {  	_ =	shalt  }
0x6e: {  	_ =	shalt  }
0x6f: {  	_ =	shalt  }
0x70: {  	_ =	shalt  }
0x71: {  	_ =	shalt  }
0x72: {  	_ =	shalt  }
0x73: {  	_ =	shalt  }
0x74: {  	_ =	shalt  }
0x75: {  	_ =	shalt  }
0x76: {  	_ =	shalt  }
0x77: {  	_ =	shalt  }
0x78: {  	_ =	shalt  }
0x79: {  	_ =	shalt  }
0x7a: {  	_ =	shalt  }
0x7b: {  	_ =	shalt  }
0x7c: {  	_ =	shalt  }
0x7d: {  	_ =	shalt  }
0x7e: {  	_ =	shalt  }
0x7f: {  	_ =	shalt  }
0x80: {  	_ =	shalt  }
0x81: {  	_ =	shalt  }
0x82: {  	_ =	shalt  }
0x83: {  	_ =	shalt  }
0x84: {  	_ =	shalt  }
0x85: {  	_ =	shalt  }
0x86: {  	_ =	shalt  }
0x87: {  	_ =	shalt  }
.Lfunc_end0:
.L_simem_size_0:
called_computation_lowered:
.L_overlay_start_0:
0x88: {  	s2 =	sld [smem:$0x3FD9]  }
0x89: {  	s3 =	sld [smem:$0x3FFE];
	_ =	sdelay $0x1  }
0x8a: {  	s1 =	srdreg.scid  }
0x8b: {  	s0 =	sand.u32 $0x1, s1  }
0x8c: {  	s17 =	sshll.u32 s0, $0xA;
	s2 =	sadd.s32 s3, s2  }
0x8d: {  	s2 =	sadd.s32 s2, s17  }
0x8e: {  	[smem:$0x3FC0] =	sst s2  }
0x8f: {  	_ = 	snop  }
0x90: {  	s2 =	sld [smem:$0x3FD0];
	(tm) =	ssettm $0x1  }
0x91: {  	s18 =	sld [smem:$0x3FFB];
	_ =	sdelay $0x3  }
0x92: {  	_ =	strace s18  }
0x93: {  	s3 =	sld [smem:$0x3FFC];
	_ =	sdelay $0x3  }
0x94: {  	_ =	strace s3  }
0x95: {  	s3 =	sld [smem:$0x3FFD];
	_ =	sdelay $0x3  }
0x96: {  	_ =	strace s3  }
0x97: {  	_ =	strace $0x8FFFFFFF  }
0x98: {  	s19 =	sld [smem:$0x3FDB];
	_ =	sdelay $0x1  }
0x99: {  	s4 =	simm.s32 $_scs_section_size  }
0x9a: {  	s5 =	simm.s32 $_size__tile_overlayer_lowered;
	s6 =	simm.s32 $_tile_overlayer_lowered  }
0x9b: {  	s22 =	simm.s32 $0x1BFF;
	s21 =	sshll.u32 s6, $0x1;
	s3 =	sadd.s32 s4, s19  }
0x9c: {  	s7 =	simm.s32 $0x0;
	s20 =	sshll.u32 s5, $0x1;
	s5 =	sadd.s32 s21, s3  }
0x9d: {  	[timem:s7], [sflag:s22] =	dma.local [hbm:s5], s20  }
0x9e: {  	_ =	swait.ge [sflag:s22], s20  }
0x9f: {  	s4 =	ssub.s32 $0x0, s20;
	[sflag:s22] =	ssyncset.done $0x0  }
0xa0: {  	[sflag:s22] =	ssyncadd.s32 s4;
	_ =	sdelay $0x1  }
0xa1: {  	s23 =	simm.s32 $0x1B8B  }
0xa2: {  	_ =	swait.ge [sflag:s23], $0x1  }
0xa3: {  	[sflag:s23] =	ssyncset.done $0x0  }
0xa4: {  	s25 =	simm.s32 $0x1B8E;
	s24 =	sld [smem:$0x3FFE];
	[sflag:s23] =	ssyncadd.s32 $0xFFFFFFFF  }
0xa5: {  	s26 =	simm.s32 $execute0_lowered;
	[smem:$0x3FD2] =	sst s25  }
0xa6: {  	s5 =	sshll.u32 s26, $0x1;
	_ =	strace $0x80000046;
	[dreg:$0x1] =	wrdreg $0xFFFFFFFF  }
0xa7: {  	s28 =	simm.s32 $_size_execute0_lowered;
	s3 =	sadd.s32 s3, s5;
	[dreg:$0x0] =	wrdreg $0x0  }
0xa8: {  	s5 =	sshll.u32 s28, $0x1;
	[dreg:$0x2] =	wrdreg s3  }
0xa9: {  	[dreg:$0x3] =	wrdreg s5  }
0xaa: {  	[dreg:$0x4] =	wrdreg $0xC0  }
0xab: {  	_ =	task [dreg:s7], $0x5FFFF  }
0xac: {  	[dreg:$0x1] =	wrdreg $0xFFFFFFFF  }
0xad: {  	[dreg:$0x0] =	wrdreg $0x60  }
0xae: {  	[dreg:$0x2] =	wrdreg s24  }
0xaf: {  	[dreg:$0x3] =	wrdreg s2  }
0xb0: {  	[dreg:$0x4] =	wrdreg $0x3000  }
0xb1: {  	[dreg:$0x5] =	wrdreg $0x9  }
0xb2: {  	_ =	task.clear_ibuf [dreg:s7], $0x6FFFF;
	_ =	strace $0x90000046  }
0xb3: {  	s29 =	simm.s32 $0x9;
	_ =	strace $0x80000048  }
0xb4: {  	_ =	swait.ge [sflag:s29], $0x1  }
0xb5: {  	[sflag:s29] =	ssyncadd.s32 $0xFFFFFFFF  }
0xb6: {  	_ =	strace $0x90000048  }
0xb7: {  	_ =	sfence  }
0xb8: {  	s30 =	sld [smem:$0x0];
	_ =	sdelay $0x2  }
0xb9: {  	s31 =	sshll.u32 s1, $0xD;
	s1 =	sshrl.u32 s1, $0x2  }
0xba: {  	s3 =	sand.u32 $0x4000, s31;
	s1 =	sadd.s32 s1, s30  }
0xbb: {  	s0 =	sor.u32 s3, s0;
	s1 =	sshll.u32 s1, $0x11  }
0xbc: {  	s0 =	sor.u32 s1, s0  }
0xbd: {  	s0 =	sadd.s32 $0x8F2B, s0  }
0xbe: {  	[sflag:s0] =	ssyncadd.remote.s32 $0x1  }
0xbf: {  	_ =	sfence.sel $0xFFFF  }
0xc0: {  	[dreg:$0x0] =	wrdreg $0xFFFFFFFF;
	(pc) =	sbr.abs _section_cstart, $3  }
0xc1: {  	[dreg:$0x1] =	wrdreg $0xFFFFFFFF  }
0xc2: {  	_ =	task.clear_ibuf [dreg:s7], $0x2FFFF;
	_ =	strace $0x9FFFFFFF  }
0xc3: {  	(tm) =	ssettm $0x7FFFFFFF  }
tec
execute0_lowered:
.L_overlay_start_1:
0x0: {  	(tag) =	ssettag $0x1  }
0x1: {  	s0 =	rddreg [dreg:$0x0]  }
0x2: {  	s1 =	srdreg.scid;
	s5 =	rddreg [dreg:$0x1]  }
0x3: {  	s2 =	rddreg [dreg:$0x2];
	s11 =	stileid.u32;
	s3 =	simm.s32 $0x0  }
0x4: {  	s17 =	simm.s32 $0xB;
	s18 =	simm.s32 $0x580;
	s19 =	simm.s32 $0x600  }
0x5: {  	s20 =	simm.s32 $0x680;
	s21 =	simm.s32 $0x700;
	s22 =	simm.s32 $0x780  }
0x6: {  	s28 =	simm.s32 $0x3;
	s29 =	simm.s32 $0x4;
	s1 =	sand.u32 $0x1, s1  }
0x7: {  	s30 =	simm.s32 $0x5;
	s31 =	simm.s32 $0x6;
	s6 =	sshll.u32 s1, $0x4  }
0x8: {  	[smem:$0x7FF] =	sst s3;
	s9 =	smul.u32 $0xA00, s11;
	s4 =	sor.u32 s11, s6  }
0x9: {  	s0 =	sadd.s32 $0x2A00, s0;
	s7 =	ssub.s32 $0x2, s1;
	s4 =	smul.u32 $0x2710, s4  }
0xa: {  	s16 =	smul.u32 $0xA0, s11;
	_ =	strace $0x80000047;
	s8 =	sshrl.u32 s7, $0x1  }
0xb: {  	s1 =	smul.u32 $0x27100, s1;
	s7 =	ssub.s32 s7, s8;
	s4 =	sshrl.u32 s4, $0x3  }
0xc: {  	s25 =	sshrl.u32 s9, $0x2;
	s7 =	smax.u32 s7, $0x1;
	s26 =	sadd.s32 s0, s4  }
0xd: {  	s5 =	sadd.s32 s5, s6;
	[dreg:$0x9] =	wrdreg s7;
	s10 =	sadd.s32 $0x9C40, s26  }
0xe: {  	s6 =	simm.s32 $0x0;
	s12 =	sadd.s32 $0x9C4A, s26;
	[dreg:$0x4] =	wrdreg s10  }
0xf: {  	s9 =	simm.s32 $0x20;
	s13 =	sadd.s32 $0x9C54, s26;
	[dreg:$0x5] =	wrdreg s12  }
0x10: {  	s14 =	sadd.s32 $0x9C5E, s26;
	s10 =	smul.u32 $0x2710, s11;
	[dreg:$0x6] =	wrdreg s13  }
0x11: {  	s4 =	sadd.s32 s25, s2;
	s15 =	sadd.s32 $0x9C68, s26;
	[dreg:$0x7] =	wrdreg s14  }
0x12: {  	[dreg:$0x8] =	wrdreg s15;
	s1 =	sadd.s32 s10, s1;
	s10 =	simm.s32 $0x10  }
0x13: {  	s23 =	sadd.s32 $0x4E4D0, s1;
	s12 =	sadd.s32 $0x4E430, s1;
	s25 =	sadd.s32 $0x4E480, s1  }
0x14: {  	s14 =	sadd.s32 $0x4E3E0, s1;
	s1 =	sadd.s32 $0x4E390, s1;
	s24 =	sshrl.u32 s23, $0x3  }
0x15: {  	s12 =	sshrl.u32 s12, $0x3;
	s7 =	sshrl.u32 s25, $0x3;
	s26 =	sshrl.u32 s14, $0x3  }
.Ltmp0:
0x16: {  	s1 =	sshrl.u32 s1, $0x3;
	s23 =	simm.s32 $0x1;
	(pc) =	sbr.rel .LBB2_1-.Ltmp0, $4  }
0x17: {  	s25 =	simm.s32 $0x50;
	s11 =	sadd.s32 s24, s0;
	s12 =	sadd.s32 s12, s0  }
0x18: {  	s13 =	sadd.s32 s7, s0;
	s14 =	sadd.s32 s26, s0;
	s15 =	sadd.s32 s1, s0  }
0x19: {  	s24 =	sadd.s32 s16, s5;
	s26 =	simm.s32 $0x2;
	s0 =	simm.s32 $0x7  }
0x1a: {  	v0 =	vimm.f32 $1.000000000e+00;
	v1 =	vimm.f32 $0.0e+00;
	s1 =	simm.s32 $0x8;
	s16 =	simm.s32 $0x9;
	s5 =	simm.s32 $0xA  }
.LBB2_4:
0x1b: {  	_ =	swait.ge [sflag:s0], $0x50  }
0x1c: {  	[sflag:s0] =	ssyncset.done $0x0  }
0x1d: {  	[sflag:s0] =	ssyncadd.s32 $0xFFFFFFB0  }
0x1e: {  	_ =	swait.ge [sflag:s1], $0x50  }
0x1f: {  	[sflag:s1] =	ssyncset.done $0x0  }
0x20: {  	[sflag:s1] =	ssyncadd.s32 $0xFFFFFFB0  }
0x21: {  	_ =	swait.ge [sflag:s16], $0x50  }
0x22: {  	[sflag:s16] =	ssyncset.done $0x0  }
0x23: {  	[sflag:s16] =	ssyncadd.s32 $0xFFFFFFB0  }
0x24: {  	_ =	swait.ge [sflag:s5], $0x50  }
0x25: {  	s7 =	stileid.u32;
	[sflag:s5] =	ssyncset.done $0x0  }
0x26: {  	s7 =	sshll.u32 s7, $0x6;
	[sflag:s5] =	ssyncadd.s32 $0xFFFFFFB0  }
0x27: {  	s8 =	sshrl.u32 s4, $0x3;
	s7 =	sor.u32 $0x1C0B, s7;
	[bflag:$0x0] =	sbarrier.arrive $0xFFFF  }
0x28: {  	[hbm:s24@s9], [sflag:s7] =	dma.strided [spmem:s8@s10], $0x50, s23, $0x10   }
0x29: {  	_ =	swait.ge [sflag:s17], $0x50  }
0x2a: {  	s6 =	sadd.s32 $0x1, s6;
	s8 =	rddreg [dreg:$0x9]  }
0x2b: {  	p0 =	sne.s32 s6, s8  }
.Ltmp1:
0x2c: {  	_ = 	snop;
	(pc) =	sbr.rel @!p0 .LBB2_5-.Ltmp1, $3  }
0x2d: {  	_ =	sdelay $0x1  }
0x2e: {  	[sflag:s17] =	ssyncset.done $0x0  }
0x2f: {  	[sflag:s17] =	ssyncadd.s32 $0xFFFFFFB0  }
.LBB2_1:
0x30: {  	[tilespmem:$0x0] =	vst v0  }
0x31: {  	[tilespmem:$0x10] =	vst v0  }
0x32: {  	[tilespmem:$0x20] =	vst v0  }
0x33: {  	[tilespmem:$0x30] =	vst v0  }
0x34: {  	[tilespmem:$0x40] =	vst v0  }
0x35: {  	[tilespmem:$0x80] =	vst v1  }
0x36: {  	[tilespmem:$0x90] =	vst v1  }
0x37: {  	[tilespmem:$0xA0] =	vst v1  }
0x38: {  	[tilespmem:$0xB0] =	vst v1  }
0x39: {  	[tilespmem:$0xC0] =	vst v1  }
0x3a: {  	[tilespmem:$0xD0] =	vst v1  }
0x3b: {  	[tilespmem:$0xE0] =	vst v1  }
0x3c: {  	[tilespmem:$0xF0] =	vst v1  }
0x3d: {  	[tilespmem:$0x100] =	vst v1  }
0x3e: {  	[tilespmem:$0x110] =	vst v1  }
0x3f: {  	[tilespmem:$0x120] =	vst v1  }
0x40: {  	[tilespmem:$0x130] =	vst v1  }
0x41: {  	[tilespmem:$0x140] =	vst v1  }
0x42: {  	[tilespmem:$0x150] =	vst v1  }
0x43: {  	[tilespmem:$0x160] =	vst v1  }
0x44: {  	[tilespmem:$0x170] =	vst v1  }
0x45: {  	[tilespmem:$0x180] =	vst v1  }
0x46: {  	[tilespmem:$0x190] =	vst v1  }
0x47: {  	[tilespmem:$0x1A0] =	vst v1  }
0x48: {  	[tilespmem:$0x1B0] =	vst v1  }
0x49: {  	[tilespmem:$0x1C0] =	vst v1  }
0x4a: {  	[tilespmem:$0x1D0] =	vst v1  }
0x4b: {  	[tilespmem:$0x1E0] =	vst v1  }
0x4c: {  	[tilespmem:$0x1F0] =	vst v1  }
0x4d: {  	[tilespmem:$0x200] =	vst v1  }
0x4e: {  	[tilespmem:$0x210] =	vst v1  }
0x4f: {  	[tilespmem:$0x220] =	vst v1  }
0x50: {  	[tilespmem:$0x230] =	vst v1  }
0x51: {  	[tilespmem:$0x240] =	vst v1  }
0x52: {  	[tilespmem:$0x250] =	vst v1  }
0x53: {  	[tilespmem:$0x260] =	vst v1  }
0x54: {  	[tilespmem:$0x270] =	vst v1  }
0x55: {  	[tilespmem:$0x280] =	vst v1  }
0x56: {  	[tilespmem:$0x290] =	vst v1  }
0x57: {  	[tilespmem:$0x2A0] =	vst v1  }
0x58: {  	[tilespmem:$0x2B0] =	vst v1  }
0x59: {  	[tilespmem:$0x2C0] =	vst v1  }
0x5a: {  	[tilespmem:$0x2D0] =	vst v1  }
0x5b: {  	[tilespmem:$0x2E0] =	vst v1  }
0x5c: {  	[tilespmem:$0x2F0] =	vst v1;
	s7 =	simm.s32 $0x80  }
0x5d: {  	[spmem:s4] =	stream.linear.scatter [tilespmem:s7], [sflag:$0xB], $0x280, $0x38;
	[tilespmem:$0x800] =	vst v63  }
0x5e: {  	_ =	swait.ge [sflag:s17], $0x280  }
0x5f: {  	[sflag:s17] =	ssyncset.done $0x0  }
0x60: {  	[sflag:s17] =	ssyncadd.s32 $0xFFFFFD80  }
0x61: {  	[bflag:$0x0] =	sbarrier.arrive $0xFFFF  }
0x62: {  	s8 =	rddreg [dreg:$0x4]  }
0x63: {  	[tilespmem:s18], [sflag:$0x1] =	stream.linear.gather [hbm4b:s8+s3], $0x50, $0x38;
	[tilespmem:$0x800] =	vst v63  }
0x64: {  	s8 =	rddreg [dreg:$0x5]  }
0x65: {  	[tilespmem:s19], [sflag:$0x2] =	stream.linear.gather [hbm4b:s8+s3], $0x50, $0x38;
	[tilespmem:$0x800] =	vst v63  }
0x66: {  	s8 =	rddreg [dreg:$0x6]  }
0x67: {  	[tilespmem:s20], [sflag:$0x3] =	stream.linear.gather [hbm4b:s8+s3], $0x50, $0x38;
	[tilespmem:$0x800] =	vst v63  }
0x68: {  	s8 =	rddreg [dreg:$0x7]  }
0x69: {  	[tilespmem:s21], [sflag:$0x4] =	stream.linear.gather [hbm4b:s8+s3], $0x50, $0x38;
	[tilespmem:$0x800] =	vst v63  }
0x6a: {  	s7 =	simm.s32 $0x0;
	s8 =	rddreg [dreg:$0x8]  }
0x6b: {  	[tilespmem:s22], [sflag:$0x5] =	stream.linear.gather [hbm4b:s8+s3], $0x50, $0x38;
	[tilespmem:$0x800] =	vst v63  }
.LBB2_2:
0x6c: {  	_ =	swait.ge [sflag:s23], $0x50  }
0x6d: {  	[sflag:s23] =	ssyncset.done $0x0  }
0x6e: {  	[sflag:s23] =	ssyncadd.s32 $0xFFFFFFB0  }
0x6f: {  	[spmem:s2] =	stream.indirect.scatter.add.f32 [tilespmem:s3], [sflag:$0x6], $0x1, s18, s25, $0xb8;
	[tilespmem:$0x800] =	vst v63  }
0x70: {  	_ =	swait.ge [sflag:s26], $0x50  }
0x71: {  	[sflag:s26] =	ssyncset.done $0x0  }
0x72: {  	[sflag:s26] =	ssyncadd.s32 $0xFFFFFFB0  }
0x73: {  	[spmem:s2] =	stream.indirect.scatter.add.f32 [tilespmem:s3], [sflag:$0x7], $0x1, s19, s25, $0xb8;
	[tilespmem:$0x800] =	vst v63  }
0x74: {  	_ =	swait.ge [sflag:s28], $0x50  }
0x75: {  	[sflag:s28] =	ssyncset.done $0x0  }
0x76: {  	[sflag:s28] =	ssyncadd.s32 $0xFFFFFFB0  }
0x77: {  	[spmem:s2] =	stream.indirect.scatter.add.f32 [tilespmem:s3], [sflag:$0x8], $0x1, s20, s25, $0xb8;
	[tilespmem:$0x800] =	vst v63  }
0x78: {  	_ =	swait.ge [sflag:s29], $0x50  }
0x79: {  	[sflag:s29] =	ssyncset.done $0x0  }
0x7a: {  	[sflag:s29] =	ssyncadd.s32 $0xFFFFFFB0  }
0x7b: {  	[spmem:s2] =	stream.indirect.scatter.add.f32 [tilespmem:s3], [sflag:$0x9], $0x1, s21, s25, $0xb8;
	[tilespmem:$0x800] =	vst v63  }
0x7c: {  	_ =	swait.ge [sflag:s30], $0x50  }
0x7d: {  	p0 =	seq.s32 s7, $0x4B0;
	[sflag:s30] =	ssyncset.done $0x0  }
.Ltmp2:
0x7e: {  	[sflag:s30] =	ssyncadd.s32 $0xFFFFFFB0;
	(pc) =	sbr.rel @p0 .LBB2_4-.Ltmp2, $4  }
0x7f: {  	[spmem:s2] =	stream.indirect.scatter.add.f32 [tilespmem:s3], [sflag:$0xA], $0x1, s22, s25, $0xb8;
	[tilespmem:$0x800] =	vst v63  }
0x80: {  	_ =	swait.ge [sflag:s31], $0x50  }
0x81: {  	[sflag:s31] =	ssyncset.done $0x0  }
0x82: {  	[sflag:s31] =	ssyncadd.s32 $0xFFFFFFB0  }
0x83: {  	s8 =	sadd.s32 s7, s15  }
0x84: {  	[tilespmem:s18], [sflag:$0x1] =	stream.linear.gather [hbm4b:s8+s3], $0x50, $0x38;
	[tilespmem:$0x800] =	vst v63  }
0x85: {  	_ =	swait.ge [sflag:s0], $0x50  }
0x86: {  	[sflag:s0] =	ssyncset.done $0x0  }
0x87: {  	s8 =	sadd.s32 s7, s14;
	[sflag:s0] =	ssyncadd.s32 $0xFFFFFFB0  }
0x88: {  	[tilespmem:s19], [sflag:$0x2] =	stream.linear.gather [hbm4b:s8+s3], $0x50, $0x38;
	[tilespmem:$0x800] =	vst v63  }
0x89: {  	_ =	swait.ge [sflag:s1], $0x50  }
0x8a: {  	[sflag:s1] =	ssyncset.done $0x0  }
0x8b: {  	s8 =	sadd.s32 s7, s12;
	[sflag:s1] =	ssyncadd.s32 $0xFFFFFFB0  }
0x8c: {  	[tilespmem:s20], [sflag:$0x3] =	stream.linear.gather [hbm4b:s8+s3], $0x50, $0x38;
	[tilespmem:$0x800] =	vst v63  }
0x8d: {  	_ =	swait.ge [sflag:s16], $0x50  }
0x8e: {  	[sflag:s16] =	ssyncset.done $0x0  }
0x8f: {  	s8 =	sadd.s32 s7, s13;
	[sflag:s16] =	ssyncadd.s32 $0xFFFFFFB0  }
0x90: {  	[tilespmem:s21], [sflag:$0x4] =	stream.linear.gather [hbm4b:s8+s3], $0x50, $0x38;
	[tilespmem:$0x800] =	vst v63  }
.Ltmp3:
0x91: {  	_ = 	snop;
	(pc) =	sbr.rel .LBB2_2-.Ltmp3, $4  }
0x92: {  	_ =	swait.ge [sflag:s5], $0x50  }
0x93: {  	[sflag:s5] =	ssyncset.done $0x0  }
0x94: {  	s8 =	sadd.s32 s7, s11;
	s7 =	sadd.s32 $0x32, s7;
	[sflag:s5] =	ssyncadd.s32 $0xFFFFFFB0  }
0x95: {  	[tilespmem:s22], [sflag:$0x5] =	stream.linear.gather [hbm4b:s8+s3], $0x50, $0x38;
	[tilespmem:$0x800] =	vst v63  }
.LBB2_5:
0x96: {  	_ =	sfence.sel $0x180000  }
0x97: {  	[bflag:$0x0] =	sbarrier.arrive $0xFFFF  }
0x98: {  	_ =	strace $0x90000047  }
0x99: {  	s0 =	stileid.u32;
	[bflag:$0x2] =	sbarrier.arrive $0xFFFF  }
0x9a: {  	p0 =	sne.s32 s0, $0x0;
	s0 =	rddreg [dreg:$0x3]  }
0x9b: {  	s0 =	sadd.s32 @!p0 $0x100000, s0  }
0x9c: {  	[sflag:s0] =	ssyncadd.tile.s32 @!p0 $0x1;
	_ =	shalt  }
.Lfunc_end2:
_tile_overlayer_lowered:
.L_overlay_start_2:
0x9d: {  	(tag) =	ssettag $0x2  }
0x9e: {  	s0 =	rddreg [dreg:$0x0];
	s2 =	stileid.u32  }
0x9f: {  	s1 =	rddreg [dreg:$0x1];
	p0 =	sne.s32 s2, $0x0  }
0xa0: {  	s3 =	rddreg [dreg:$0x2];
	[bflag:$0x3] =	sbarrier.arrive $0xFFFF;
	s2 =	simm.s32 @!p0 $0x1C0B  }
0xa1: {  	[timem:s3], [sflag:s2] =	dma.local @!p0 [hbm:s0], s1  }
0xa2: {  	s0 =	simm.s32 @!p0 $0xB  }
0xa3: {  	_ =	swait.ge @!p0 [sflag:s0], s1  }
0xa4: {  	s1 =	ssub.s32 @!p0 $0x0, s1;
	[sflag:s0] =	ssyncset.done @!p0 $0x0  }
0xa5: {  	[sflag:s0] =	ssyncadd.s32 @!p0 s1  }
0xa6: {  	[bflag:$0x3] =	sbarrier.arrive $0xFFFF  }
0xa7: {  	_ =	shalt  }

</sc_bundles>
